<compile_context>
chip_gen: v7x
topology: tpu7x:2x2x1
jax: 0.10.2.dev20260603
libtpu: 0.0.44.dev20260713+nightly
codegen_flags: <defaults>
</compile_context>

<pallas_src>
import functools

import jax
import jax.numpy as jnp
from jax import lax
from jax.experimental import pallas as pl
from jax.experimental.pallas import tpu as pltpu
from jax.experimental.pallas import tpu_sc as plsc

B = 8
L = 2048
D = 512
TOTAL = B * L // 2
NROWS = B * L

NC = 2
NS = 16
NW = NC * NS
LANES = 16

TPW = TOTAL // NW
CH = 64
NCH = TPW // CH

_mesh = plsc.VectorSubcoreMesh(core_axis_name="c", subcore_axis_name="s")


@functools.partial(
    pl.kernel,
    out_type=jax.ShapeDtypeStruct((NROWS, D), jnp.float32),
    mesh=_mesh,
    scratch_types=[
        pltpu.VMEM((16,), jnp.int32),
        pltpu.VMEM((NCH, CH), jnp.int32),
        pltpu.VMEM((NCH, CH), jnp.int32),
        pltpu.VMEM((2, CH, D), jnp.float32),
        pltpu.VMEM((CH, D), jnp.float32),
        pltpu.SemaphoreType.DMA,
        pltpu.SemaphoreType.DMA,
        pltpu.SemaphoreType.DMA,
        pltpu.SemaphoreType.DMA,
        pltpu.SemaphoreType.DMA,
        pltpu.SemaphoreType.DMA,
    ],
    compiler_params=pltpu.CompilerParams(needs_layout_passes=False),
)
def _to_dense(flat_hbm, cu_hbm, out_hbm,
              cu_v, didx, pidx, dbuf, zbuf,
              sem_cu, sem_in0, sem_in1, sem_sc0, sem_sc1, sem_p):
    wid = lax.axis_index("s") * NC + lax.axis_index("c")
    base = pl.multiple_of(wid * TPW, TPW)
    sem_in = (sem_in0, sem_in1)
    sem_sc = (sem_sc0, sem_sc1)

    def load(c):
        return pltpu.async_copy(
            flat_hbm.at[pl.ds(base + c * CH, CH)], dbuf.at[c % 2],
            sem_in[c % 2])

    cp_cu = pltpu.async_copy(cu_hbm, cu_v.at[pl.ds(0, B + 1)], sem_cu)
    lds = {0: load(0), 1: load(1)}
    cp_cu.wait()

    iota = lax.iota(jnp.int32, LANES)
    cuvec = cu_v[...]
    cus = [None] + [jnp.max(jnp.where(iota == k, cuvec, 0))
                    for k in range(1, B + 1)]
    cub = [plsc.load_gather(cu_v, [jnp.full((LANES,), k, jnp.int32)])
           for k in range(1, B + 1)]

    def sel(idx, vals):
        acc = jnp.int32(0)
        for k in range(1, len(vals)):
            acc = jnp.where(idx == k, vals[k], acc)
        return acc

    def write_data(c):
        t0 = base + c * CH
        r0 = jnp.int32(0)
        r1 = jnp.int32(0)
        for k in range(1, B + 1):
            r0 = r0 + (t0 >= cus[k]).astype(jnp.int32)
            r1 = r1 + (t0 + (CH - 1) >= cus[k]).astype(jnp.int32)
        d0 = r0 * L + t0 - sel(r0, [None] + cus[1:])
        contig = jnp.logical_and(r0 == r1, d0 % 8 == 0)

        @pl.when(contig)
        def _():
            d0a = pl.multiple_of(d0, 8)
            pltpu.async_copy(dbuf.at[c % 2], out_hbm.at[pl.ds(d0a, CH)],
                             sem_sc[c % 2])

        @pl.when(jnp.logical_not(contig))
        def _():
            for j in range(CH // LANES):
                ivj = (t0 + j * LANES) + iota
                r = jnp.zeros((LANES,), jnp.int32)
                for k in range(B):
                    r = r + (ivj >= cub[k]).astype(jnp.int32)
                didx[c, pl.ds(j * LANES, LANES)] = (
                    r * L + ivj - plsc.load_gather(cu_v, [r]))
            pltpu.async_copy(dbuf.at[c % 2], out_hbm.at[didx.at[c]],
                             sem_sc[c % 2])

    def wait_write(c):
        pltpu.make_async_copy(dbuf.at[c % 2], out_hbm.at[pl.ds(0, CH)],
                              sem_sc[c % 2]).wait()

    def write_pad(c):
        q0 = base + c * CH
        b0 = jnp.int32(0)
        b1 = jnp.int32(0)
        for k in range(1, B + 1):
            pcu_k = k * L - cus[k]
            b0 = b0 + (q0 >= pcu_k).astype(jnp.int32)
            b1 = b1 + (q0 + (CH - 1) >= pcu_k).astype(jnp.int32)
        p0 = q0 + sel(b0 + 1, [None] + cus[1:] + [cus[B]])
        contig = jnp.logical_and(b0 == b1, p0 % 8 == 0)

        @pl.when(contig)
        def _():
            p0a = pl.multiple_of(p0, 8)
            pltpu.async_copy(zbuf, out_hbm.at[pl.ds(p0a, CH)], sem_p)

        @pl.when(jnp.logical_not(contig))
        def _():
            for j in range(CH // LANES):
                qvj = (q0 + j * LANES) + iota
                b = jnp.zeros((LANES,), jnp.int32)
                for k in range(B):
                    b = b + (qvj >= ((k + 1) * L - cub[k])).astype(jnp.int32)
                pidx[c, pl.ds(j * LANES, LANES)] = (
                    plsc.load_gather(cu_v, [b + 1]) + qvj)
            pltpu.async_copy(zbuf, out_hbm.at[pidx.at[c]], sem_p)

    lds[0].wait()
    write_data(0)
    lds[1].wait()
    write_data(1)

    zvec = jnp.zeros((LANES,), jnp.float32)

    def _zfill(zr, carry):
        for zj in range(D // LANES):
            zbuf[zr, pl.ds(zj * LANES, LANES)] = zvec
        return carry

    lax.fori_loop(0, CH, _zfill, 0)
    for c in range(NCH):
        write_pad(c)

    wait_write(0)
    lds[2] = load(2)
    wait_write(1)
    lds[3] = load(3)
    lds[2].wait()
    write_data(2)
    lds[3].wait()
    write_data(3)
    wait_write(2)
    wait_write(3)
    for _ in range(NCH):
        pltpu.make_async_copy(zbuf, out_hbm.at[pl.ds(0, CH)], sem_p).wait()


def kernel(flat, cu_seqlens):
    return _to_dense(flat, cu_seqlens.astype(jnp.int32)).reshape(B, L, D)

# --- scband reference (transcript-rebuilt; emitter-appended) ---
"""Pipeline reference for scband-to-dense-64965675319741 (READ-ONLY COPY).

The authoritative reference and input builder live on the scoring server;
editing this copy changes nothing except your own understanding.
"""

import jax, jax.numpy as jnp
import numpy as np

B = 8
L = 2048
D = 512
TOTAL = B * L // 2
PAD_VALUE = 0.0


def setup_inputs(seed: int = 0) -> dict:
    key = jax.random.key(seed)
    k1, _ = jax.random.split(key)
    flat = jax.random.normal(k1, (TOTAL, D), dtype=jnp.float32)
    # cu_seqlens: cumulative sequence lengths for B ragged rows summing to TOTAL tokens.
    # Use uniform lengths (TOTAL // B each) so cu_seqlens = [0, 1024, ..., 8192].
    cu_seqlens = (jnp.arange(B + 1, dtype=jnp.int32) * (TOTAL // B)).astype(jnp.int32)
    return {"flat": flat, "cu_seqlens": cu_seqlens}


def reference(flat, cu_seqlens):
    # Equivalent of tf.RaggedTensor(flat_values=flat, row_splits=cu_seqlens).to_tensor(default_value=pad_value)
    token_ids = jnp.arange(TOTAL, dtype=jnp.int32)
    # Which ragged row each flat token belongs to
    row = jnp.searchsorted(cu_seqlens, token_ids, side='right') - 1
    row = jnp.clip(row, 0, B - 1)
    # Position within the row (right-padded dense layout)
    pos = token_ids - jnp.take(cu_seqlens, row)
    dense = jnp.full((B, L, D), PAD_VALUE, dtype=flat.dtype)
    dense = dense.at[row, pos].set(flat)
    return dense

if __name__ == "__main__":
    import jax
    _d = setup_inputs()
    print(jax.jit(kernel)(*tuple(_d.values())))

</pallas_src>

<mosaic_0001>
#map = affine_map<(d0, d1) -> (0, 0)>
#map1 = affine_map<(d0, d1) -> (0)>
module attributes {stable_mosaic.version = 14 : i64} {
  func.func @_to_dense(%arg0: i32, %arg1: i32, %arg2: memref<8192x512xf32, #tpu.memory_space<hbm>>, %arg3: memref<9xi32, #tpu.memory_space<hbm>>, %arg4: memref<16384x512xf32, #tpu.memory_space<hbm>>, %arg5: memref<16xi32, #tpu.memory_space<vmem>>, %arg6: memref<4x64xi32, #tpu.memory_space<vmem>>, %arg7: memref<4x64xi32, #tpu.memory_space<vmem>>, %arg8: memref<2x64x512xf32, #tpu.memory_space<vmem>>, %arg9: memref<64x512xf32, #tpu.memory_space<vmem>>, %arg10: memref<!tpu.dma_semaphore, #tpu.memory_space<semaphore_mem>>, %arg11: memref<!tpu.dma_semaphore, #tpu.memory_space<semaphore_mem>>, %arg12: memref<!tpu.dma_semaphore, #tpu.memory_space<semaphore_mem>>, %arg13: memref<!tpu.dma_semaphore, #tpu.memory_space<semaphore_mem>>, %arg14: memref<!tpu.dma_semaphore, #tpu.memory_space<semaphore_mem>>, %arg15: memref<!tpu.dma_semaphore, #tpu.memory_space<semaphore_mem>>) attributes {dimension_semantics = [#tpu.dimension_semantics<core_parallel>, #tpu.dimension_semantics<subcore_parallel>], iteration_bounds = array<i64: 2, 16>, scalar_prefetch = 0 : i64, scratch_operands = 11 : i64, tpu.core_type = #tpu.core_type<sc_vector_subcore>, window_params = [{transform_indices = #map}, {transform_indices = #map1}, {transform_indices = #map}]} {
    %mul3A = arith.constant 2 : i32
    %mul3A_0 = arith.muli %arg1, %mul3A : i32
    %add3A = arith.addi %mul3A_0, %arg0 : i32
    %mul3A_1 = arith.constant 256 : i32
    %mul3A_2 = arith.muli %add3A, %mul3A_1 : i32
    %multiple_of3A = tpu.assume_multiple %mul3A_2, 256 : i32
    %dma_start3A = arith.constant 0 : i32
    %dma_start3A_3 = tpu.memref_slice %arg5[%dma_start3A] : memref<16xi32, #tpu.memory_space<vmem>> -> memref<9xi32, #tpu.memory_space<vmem>>
    %dma_start3A_4 = arith.constant 0 : i32
    %dma_start3A_5 = tpu.memref_slice %arg5[%dma_start3A_4] : memref<16xi32, #tpu.memory_space<vmem>> -> memref<9xi32, #tpu.memory_space<vmem>>
    tpu.enqueue_dma source(%arg3 : memref<9xi32, #tpu.memory_space<hbm>>) target(%dma_start3A_5 : memref<9xi32, #tpu.memory_space<vmem>>) target_semaphore(%arg10 : memref<!tpu.dma_semaphore, #tpu.memory_space<semaphore_mem>>)
    %add3A_6 = arith.constant 0 : i32
    %add3A_7 = arith.addi %multiple_of3A, %add3A_6 : i32
    %dma_start3A_8 = arith.constant 0 : i32
    %dma_start3A_9 = arith.constant 0 : i32
    %dma_start3A_10 = arith.constant 0 : i32
    %dma_start3A_11 = tpu.memref_slice %arg8[%dma_start3A_8, %dma_start3A_9, %dma_start3A_10] : memref<2x64x512xf32, #tpu.memory_space<vmem>> -> memref<1x64x512xf32, #tpu.memory_space<vmem>>
    %dma_start3A_12 = tpu.memref_squeeze %dma_start3A_11 : memref<1x64x512xf32, #tpu.memory_space<vmem>> -> memref<64x512xf32, #tpu.memory_space<vmem>>
    %dma_start3A_13 = arith.constant 0 : i32
    %dma_start3A_14 = tpu.memref_slice %arg2[%add3A_7, %dma_start3A_13] : memref<8192x512xf32, #tpu.memory_space<hbm>> -> memref<64x512xf32, #tpu.memory_space<hbm>>
    %dma_start3A_15 = arith.constant 0 : i32
    %dma_start3A_16 = arith.constant 0 : i32
    %dma_start3A_17 = tpu.memref_slice %arg8[%dma_start3A_8, %dma_start3A_15, %dma_start3A_16] : memref<2x64x512xf32, #tpu.memory_space<vmem>> -> memref<1x64x512xf32, #tpu.memory_space<vmem>>
    %dma_start3A_18 = tpu.memref_squeeze %dma_start3A_17 : memref<1x64x512xf32, #tpu.memory_space<vmem>> -> memref<64x512xf32, #tpu.memory_space<vmem>>
    %dma_start3A_19 = arith.constant 0 : i32
    %dma_start3A_20 = tpu.memref_slice %arg2[%add3A_7, %dma_start3A_19] : memref<8192x512xf32, #tpu.memory_space<hbm>> -> memref<64x512xf32, #tpu.memory_space<hbm>>
    tpu.enqueue_dma source(%dma_start3A_20 : memref<64x512xf32, #tpu.memory_space<hbm>>) target(%dma_start3A_18 : memref<64x512xf32, #tpu.memory_space<vmem>>) target_semaphore(%arg11 : memref<!tpu.dma_semaphore, #tpu.memory_space<semaphore_mem>>)
    %add3A_21 = arith.constant 64 : i32
    %add3A_22 = arith.addi %multiple_of3A, %add3A_21 : i32
    %dma_start3A_23 = arith.constant 1 : i32
    %dma_start3A_24 = arith.constant 0 : i32
    %dma_start3A_25 = arith.constant 0 : i32
    %dma_start3A_26 = tpu.memref_slice %arg8[%dma_start3A_23, %dma_start3A_24, %dma_start3A_25] : memref<2x64x512xf32, #tpu.memory_space<vmem>> -> memref<1x64x512xf32, #tpu.memory_space<vmem>>
    %dma_start3A_27 = tpu.memref_squeeze %dma_start3A_26 : memref<1x64x512xf32, #tpu.memory_space<vmem>> -> memref<64x512xf32, #tpu.memory_space<vmem>>
    %dma_start3A_28 = arith.constant 0 : i32
    %dma_start3A_29 = tpu.memref_slice %arg2[%add3A_22, %dma_start3A_28] : memref<8192x512xf32, #tpu.memory_space<hbm>> -> memref<64x512xf32, #tpu.memory_space<hbm>>
    %dma_start3A_30 = arith.constant 0 : i32
    %dma_start3A_31 = arith.constant 0 : i32
    %dma_start3A_32 = tpu.memref_slice %arg8[%dma_start3A_23, %dma_start3A_30, %dma_start3A_31] : memref<2x64x512xf32, #tpu.memory_space<vmem>> -> memref<1x64x512xf32, #tpu.memory_space<vmem>>
    %dma_start3A_33 = tpu.memref_squeeze %dma_start3A_32 : memref<1x64x512xf32, #tpu.memory_space<vmem>> -> memref<64x512xf32, #tpu.memory_space<vmem>>
    %dma_start3A_34 = arith.constant 0 : i32
    %dma_start3A_35 = tpu.memref_slice %arg2[%add3A_22, %dma_start3A_34] : memref<8192x512xf32, #tpu.memory_space<hbm>> -> memref<64x512xf32, #tpu.memory_space<hbm>>
    tpu.enqueue_dma source(%dma_start3A_35 : memref<64x512xf32, #tpu.memory_space<hbm>>) target(%dma_start3A_33 : memref<64x512xf32, #tpu.memory_space<vmem>>) target_semaphore(%arg12 : memref<!tpu.dma_semaphore, #tpu.memory_space<semaphore_mem>>)
    %dma_wait3A = arith.constant 0 : i32
    %dma_wait3A_36 = tpu.memref_slice %arg5[%dma_wait3A] : memref<16xi32, #tpu.memory_space<vmem>> -> memref<9xi32, #tpu.memory_space<vmem>>
    %dma_wait3A_37 = arith.constant 0 : i32
    %dma_wait3A_38 = tpu.memref_slice %arg5[%dma_wait3A_37] : memref<16xi32, #tpu.memory_space<vmem>> -> memref<9xi32, #tpu.memory_space<vmem>>
    tpu.wait_dma2 semaphore(%arg10 : memref<!tpu.dma_semaphore, #tpu.memory_space<semaphore_mem>>) src(%arg3 : memref<9xi32, #tpu.memory_space<hbm>>) dst(%dma_wait3A_38 : memref<9xi32, #tpu.memory_space<vmem>>)
    %iota3A = tpu.iota {dimensions = array<i32: 0>} : vector<16xi32>
    %get3A = arith.constant 0 : index
    %get3A_39 = tpu.vector_load %arg5[%get3A] {strides = array<i32>} : memref<16xi32, #tpu.memory_space<vmem>>, vector<16xi32>,
    %eq3A = arith.constant 1 : i32
    %eq3A_40 = vector.broadcast %eq3A : i32 to vector<16xi32>
    %eq3A_41 = arith.cmpi eq, %iota3A, %eq3A_40 : vector<16xi32>
    %jit3A = arith.constant 0 : i32
    %broadcast_in_dim3A = vector.broadcast %jit3A : i32 to vector<16xi32>
    %select_n3A = arith.select %eq3A_41, %get3A_39, %broadcast_in_dim3A : vector<16xi1>, vector<16xi32>
    %reduce_max3A = arith.constant true
    %reduce_max3A_42 = vector.broadcast %reduce_max3A : i1 to vector<16xi1>
    %reduce_max3A_43 = arith.constant -2147483648 : i32
    %reduce_max3A_44 = vector.broadcast %reduce_max3A_43 : i32 to vector<16xi32>
    %reduce_max3A_45 = arith.xori %select_n3A, %reduce_max3A_44 : vector<16xi32>
    %reduce_max3A_46 = tpu.scan <max>, %reduce_max3A_45 masked %reduce_max3A_42 : vector<16xi32>, vector<16xi1> -> vector<16xi32>
    %reduce_max3A_47 = arith.xori %reduce_max3A_46, %reduce_max3A_44 : vector<16xi32>
    %reduce_max3A_48 = vector.extract %reduce_max3A_47[15] : i32 from vector<16xi32>
    %eq3A_49 = arith.constant 2 : i32
    %eq3A_50 = vector.broadcast %eq3A_49 : i32 to vector<16xi32>
    %eq3A_51 = arith.cmpi eq, %iota3A, %eq3A_50 : vector<16xi32>
    %jit3A_52 = arith.constant 0 : i32
    %broadcast_in_dim3A_53 = vector.broadcast %jit3A_52 : i32 to vector<16xi32>
    %select_n3A_54 = arith.select %eq3A_51, %get3A_39, %broadcast_in_dim3A_53 : vector<16xi1>, vector<16xi32>
    %reduce_max3A_55 = arith.constant true
    %reduce_max3A_56 = vector.broadcast %reduce_max3A_55 : i1 to vector<16xi1>
    %reduce_max3A_57 = arith.constant -2147483648 : i32
    %reduce_max3A_58 = vector.broadcast %reduce_max3A_57 : i32 to vector<16xi32>
    %reduce_max3A_59 = arith.xori %select_n3A_54, %reduce_max3A_58 : vector<16xi32>
    %reduce_max3A_60 = tpu.scan <max>, %reduce_max3A_59 masked %reduce_max3A_56 : vector<16xi32>, vector<16xi1> -> vector<16xi32>
    %reduce_max3A_61 = arith.xori %reduce_max3A_60, %reduce_max3A_58 : vector<16xi32>
    %reduce_max3A_62 = vector.extract %reduce_max3A_61[15] : i32 from vector<16xi32>
    %eq3A_63 = arith.constant 3 : i32
    %eq3A_64 = vector.broadcast %eq3A_63 : i32 to vector<16xi32>
    %eq3A_65 = arith.cmpi eq, %iota3A, %eq3A_64 : vector<16xi32>
    %jit3A_66 = arith.constant 0 : i32
    %broadcast_in_dim3A_67 = vector.broadcast %jit3A_66 : i32 to vector<16xi32>
    %select_n3A_68 = arith.select %eq3A_65, %get3A_39, %broadcast_in_dim3A_67 : vector<16xi1>, vector<16xi32>
    %reduce_max3A_69 = arith.constant true
    %reduce_max3A_70 = vector.broadcast %reduce_max3A_69 : i1 to vector<16xi1>
    %reduce_max3A_71 = arith.constant -2147483648 : i32
    %reduce_max3A_72 = vector.broadcast %reduce_max3A_71 : i32 to vector<16xi32>
    %reduce_max3A_73 = arith.xori %select_n3A_68, %reduce_max3A_72 : vector<16xi32>
    %reduce_max3A_74 = tpu.scan <max>, %reduce_max3A_73 masked %reduce_max3A_70 : vector<16xi32>, vector<16xi1> -> vector<16xi32>
    %reduce_max3A_75 = arith.xori %reduce_max3A_74, %reduce_max3A_72 : vector<16xi32>
    %reduce_max3A_76 = vector.extract %reduce_max3A_75[15] : i32 from vector<16xi32>
    %eq3A_77 = arith.constant 4 : i32
    %eq3A_78 = vector.broadcast %eq3A_77 : i32 to vector<16xi32>
    %eq3A_79 = arith.cmpi eq, %iota3A, %eq3A_78 : vector<16xi32>
    %jit3A_80 = arith.constant 0 : i32
    %broadcast_in_dim3A_81 = vector.broadcast %jit3A_80 : i32 to vector<16xi32>
    %select_n3A_82 = arith.select %eq3A_79, %get3A_39, %broadcast_in_dim3A_81 : vector<16xi1>, vector<16xi32>
    %reduce_max3A_83 = arith.constant true
    %reduce_max3A_84 = vector.broadcast %reduce_max3A_83 : i1 to vector<16xi1>
    %reduce_max3A_85 = arith.constant -2147483648 : i32
    %reduce_max3A_86 = vector.broadcast %reduce_max3A_85 : i32 to vector<16xi32>
    %reduce_max3A_87 = arith.xori %select_n3A_82, %reduce_max3A_86 : vector<16xi32>
    %reduce_max3A_88 = tpu.scan <max>, %reduce_max3A_87 masked %reduce_max3A_84 : vector<16xi32>, vector<16xi1> -> vector<16xi32>
    %reduce_max3A_89 = arith.xori %reduce_max3A_88, %reduce_max3A_86 : vector<16xi32>
    %reduce_max3A_90 = vector.extract %reduce_max3A_89[15] : i32 from vector<16xi32>
    %eq3A_91 = arith.constant 5 : i32
    %eq3A_92 = vector.broadcast %eq3A_91 : i32 to vector<16xi32>
    %eq3A_93 = arith.cmpi eq, %iota3A, %eq3A_92 : vector<16xi32>
    %jit3A_94 = arith.constant 0 : i32
    %broadcast_in_dim3A_95 = vector.broadcast %jit3A_94 : i32 to vector<16xi32>
    %select_n3A_96 = arith.select %eq3A_93, %get3A_39, %broadcast_in_dim3A_95 : vector<16xi1>, vector<16xi32>
    %reduce_max3A_97 = arith.constant true
    %reduce_max3A_98 = vector.broadcast %reduce_max3A_97 : i1 to vector<16xi1>
    %reduce_max3A_99 = arith.constant -2147483648 : i32
    %reduce_max3A_100 = vector.broadcast %reduce_max3A_99 : i32 to vector<16xi32>
    %reduce_max3A_101 = arith.xori %select_n3A_96, %reduce_max3A_100 : vector<16xi32>
    %reduce_max3A_102 = tpu.scan <max>, %reduce_max3A_101 masked %reduce_max3A_98 : vector<16xi32>, vector<16xi1> -> vector<16xi32>
    %reduce_max3A_103 = arith.xori %reduce_max3A_102, %reduce_max3A_100 : vector<16xi32>
    %reduce_max3A_104 = vector.extract %reduce_max3A_103[15] : i32 from vector<16xi32>
    %eq3A_105 = arith.constant 6 : i32
    %eq3A_106 = vector.broadcast %eq3A_105 : i32 to vector<16xi32>
    %eq3A_107 = arith.cmpi eq, %iota3A, %eq3A_106 : vector<16xi32>
    %jit3A_108 = arith.constant 0 : i32
    %broadcast_in_dim3A_109 = vector.broadcast %jit3A_108 : i32 to vector<16xi32>
    %select_n3A_110 = arith.select %eq3A_107, %get3A_39, %broadcast_in_dim3A_109 : vector<16xi1>, vector<16xi32>
    %reduce_max3A_111 = arith.constant true
    %reduce_max3A_112 = vector.broadcast %reduce_max3A_111 : i1 to vector<16xi1>
    %reduce_max3A_113 = arith.constant -2147483648 : i32
    %reduce_max3A_114 = vector.broadcast %reduce_max3A_113 : i32 to vector<16xi32>
    %reduce_max3A_115 = arith.xori %select_n3A_110, %reduce_max3A_114 : vector<16xi32>
    %reduce_max3A_116 = tpu.scan <max>, %reduce_max3A_115 masked %reduce_max3A_112 : vector<16xi32>, vector<16xi1> -> vector<16xi32>
    %reduce_max3A_117 = arith.xori %reduce_max3A_116, %reduce_max3A_114 : vector<16xi32>
    %reduce_max3A_118 = vector.extract %reduce_max3A_117[15] : i32 from vector<16xi32>
    %eq3A_119 = arith.constant 7 : i32
    %eq3A_120 = vector.broadcast %eq3A_119 : i32 to vector<16xi32>
    %eq3A_121 = arith.cmpi eq, %iota3A, %eq3A_120 : vector<16xi32>
    %jit3A_122 = arith.constant 0 : i32
    %broadcast_in_dim3A_123 = vector.broadcast %jit3A_122 : i32 to vector<16xi32>
    %select_n3A_124 = arith.select %eq3A_121, %get3A_39, %broadcast_in_dim3A_123 : vector<16xi1>, vector<16xi32>
    %reduce_max3A_125 = arith.constant true
    %reduce_max3A_126 = vector.broadcast %reduce_max3A_125 : i1 to vector<16xi1>
    %reduce_max3A_127 = arith.constant -2147483648 : i32
    %reduce_max3A_128 = vector.broadcast %reduce_max3A_127 : i32 to vector<16xi32>
    %reduce_max3A_129 = arith.xori %select_n3A_124, %reduce_max3A_128 : vector<16xi32>
    %reduce_max3A_130 = tpu.scan <max>, %reduce_max3A_129 masked %reduce_max3A_126 : vector<16xi32>, vector<16xi1> -> vector<16xi32>
    %reduce_max3A_131 = arith.xori %reduce_max3A_130, %reduce_max3A_128 : vector<16xi32>
    %reduce_max3A_132 = vector.extract %reduce_max3A_131[15] : i32 from vector<16xi32>
    %eq3A_133 = arith.constant 8 : i32
    %eq3A_134 = vector.broadcast %eq3A_133 : i32 to vector<16xi32>
    %eq3A_135 = arith.cmpi eq, %iota3A, %eq3A_134 : vector<16xi32>
    %jit3A_136 = arith.constant 0 : i32
    %broadcast_in_dim3A_137 = vector.broadcast %jit3A_136 : i32 to vector<16xi32>
    %select_n3A_138 = arith.select %eq3A_135, %get3A_39, %broadcast_in_dim3A_137 : vector<16xi1>, vector<16xi32>
    %reduce_max3A_139 = arith.constant true
    %reduce_max3A_140 = vector.broadcast %reduce_max3A_139 : i1 to vector<16xi1>
    %reduce_max3A_141 = arith.constant -2147483648 : i32
    %reduce_max3A_142 = vector.broadcast %reduce_max3A_141 : i32 to vector<16xi32>
    %reduce_max3A_143 = arith.xori %select_n3A_138, %reduce_max3A_142 : vector<16xi32>
    %reduce_max3A_144 = tpu.scan <max>, %reduce_max3A_143 masked %reduce_max3A_140 : vector<16xi32>, vector<16xi1> -> vector<16xi32>
    %reduce_max3A_145 = arith.xori %reduce_max3A_144, %reduce_max3A_142 : vector<16xi32>
    %reduce_max3A_146 = vector.extract %reduce_max3A_145[15] : i32 from vector<16xi32>
    %broadcast_in_dim3A_147 = arith.constant 1 : i32
    %broadcast_in_dim3A_148 = vector.broadcast %broadcast_in_dim3A_147 : i32 to vector<16xi32>
    %gather3A = tpu.vector_load_idx %arg5[%broadcast_in_dim3A_148] : memref<16xi32, #tpu.memory_space<vmem>>[vector<16xi32>], vector<16xi32>,
    %broadcast_in_dim3A_149 = arith.constant 2 : i32
    %broadcast_in_dim3A_150 = vector.broadcast %broadcast_in_dim3A_149 : i32 to vector<16xi32>
    %gather3A_151 = tpu.vector_load_idx %arg5[%broadcast_in_dim3A_150] : memref<16xi32, #tpu.memory_space<vmem>>[vector<16xi32>], vector<16xi32>,
    %broadcast_in_dim3A_152 = arith.constant 3 : i32
    %broadcast_in_dim3A_153 = vector.broadcast %broadcast_in_dim3A_152 : i32 to vector<16xi32>
    %gather3A_154 = tpu.vector_load_idx %arg5[%broadcast_in_dim3A_153] : memref<16xi32, #tpu.memory_space<vmem>>[vector<16xi32>], vector<16xi32>,
    %broadcast_in_dim3A_155 = arith.constant 4 : i32
    %broadcast_in_dim3A_156 = vector.broadcast %broadcast_in_dim3A_155 : i32 to vector<16xi32>
    %gather3A_157 = tpu.vector_load_idx %arg5[%broadcast_in_dim3A_156] : memref<16xi32, #tpu.memory_space<vmem>>[vector<16xi32>], vector<16xi32>,
    %broadcast_in_dim3A_158 = arith.constant 5 : i32
    %broadcast_in_dim3A_159 = vector.broadcast %broadcast_in_dim3A_158 : i32 to vector<16xi32>
    %gather3A_160 = tpu.vector_load_idx %arg5[%broadcast_in_dim3A_159] : memref<16xi32, #tpu.memory_space<vmem>>[vector<16xi32>], vector<16xi32>,
    %broadcast_in_dim3A_161 = arith.constant 6 : i32
    %broadcast_in_dim3A_162 = vector.broadcast %broadcast_in_dim3A_161 : i32 to vector<16xi32>
    %gather3A_163 = tpu.vector_load_idx %arg5[%broadcast_in_dim3A_162] : memref<16xi32, #tpu.memory_space<vmem>>[vector<16xi32>], vector<16xi32>,
    %broadcast_in_dim3A_164 = arith.constant 7 : i32
    %broadcast_in_dim3A_165 = vector.broadcast %broadcast_in_dim3A_164 : i32 to vector<16xi32>
    %gather3A_166 = tpu.vector_load_idx %arg5[%broadcast_in_dim3A_165] : memref<16xi32, #tpu.memory_space<vmem>>[vector<16xi32>], vector<16xi32>,
    %broadcast_in_dim3A_167 = arith.constant 8 : i32
    %broadcast_in_dim3A_168 = vector.broadcast %broadcast_in_dim3A_167 : i32 to vector<16xi32>
    %gather3A_169 = tpu.vector_load_idx %arg5[%broadcast_in_dim3A_168] : memref<16xi32, #tpu.memory_space<vmem>>[vector<16xi32>], vector<16xi32>,
    %dma_wait3A_170 = arith.constant 0 : i32
    %dma_wait3A_171 = arith.constant 0 : i32
    %dma_wait3A_172 = arith.constant 0 : i32
    %dma_wait3A_173 = tpu.memref_slice %arg8[%dma_wait3A_170, %dma_wait3A_171, %dma_wait3A_172] : memref<2x64x512xf32, #tpu.memory_space<vmem>> -> memref<1x64x512xf32, #tpu.memory_space<vmem>>
    %dma_wait3A_174 = tpu.memref_squeeze %dma_wait3A_173 : memref<1x64x512xf32, #tpu.memory_space<vmem>> -> memref<64x512xf32, #tpu.memory_space<vmem>>
    %dma_wait3A_175 = arith.constant 0 : i32
    %dma_wait3A_176 = tpu.memref_slice %arg2[%add3A_7, %dma_wait3A_175] : memref<8192x512xf32, #tpu.memory_space<hbm>> -> memref<64x512xf32, #tpu.memory_space<hbm>>
    %dma_wait3A_177 = arith.constant 0 : i32
    %dma_wait3A_178 = arith.constant 0 : i32
    %dma_wait3A_179 = tpu.memref_slice %arg8[%dma_wait3A_170, %dma_wait3A_177, %dma_wait3A_178] : memref<2x64x512xf32, #tpu.memory_space<vmem>> -> memref<1x64x512xf32, #tpu.memory_space<vmem>>
    %dma_wait3A_180 = tpu.memref_squeeze %dma_wait3A_179 : memref<1x64x512xf32, #tpu.memory_space<vmem>> -> memref<64x512xf32, #tpu.memory_space<vmem>>
    %dma_wait3A_181 = arith.constant 0 : i32
    %dma_wait3A_182 = tpu.memref_slice %arg2[%add3A_7, %dma_wait3A_181] : memref<8192x512xf32, #tpu.memory_space<hbm>> -> memref<64x512xf32, #tpu.memory_space<hbm>>
    tpu.wait_dma2 semaphore(%arg11 : memref<!tpu.dma_semaphore, #tpu.memory_space<semaphore_mem>>) src(%dma_wait3A_182 : memref<64x512xf32, #tpu.memory_space<hbm>>) dst(%dma_wait3A_180 : memref<64x512xf32, #tpu.memory_space<vmem>>)
    %add3A_183 = arith.constant 0 : i32
    %add3A_184 = arith.addi %multiple_of3A, %add3A_183 : i32
    %ge3A = arith.cmpi sge, %add3A_184, %reduce_max3A_48 : i32
    %convert_element_type3A = arith.extui %ge3A : i1 to i32
    %add3A_185 = arith.constant 0 : i32
    %add3A_186 = arith.addi %add3A_185, %convert_element_type3A : i32
    %add3A_187 = arith.constant 63 : i32
    %add3A_188 = arith.addi %add3A_184, %add3A_187 : i32
    %ge3A_189 = arith.cmpi sge, %add3A_188, %reduce_max3A_48 : i32
    %convert_element_type3A_190 = arith.extui %ge3A_189 : i1 to i32
    %add3A_191 = arith.constant 0 : i32
    %add3A_192 = arith.addi %add3A_191, %convert_element_type3A_190 : i32
    %ge3A_193 = arith.cmpi sge, %add3A_184, %reduce_max3A_62 : i32
    %convert_element_type3A_194 = arith.extui %ge3A_193 : i1 to i32
    %add3A_195 = arith.addi %add3A_186, %convert_element_type3A_194 : i32
    %add3A_196 = arith.constant 63 : i32
    %add3A_197 = arith.addi %add3A_184, %add3A_196 : i32
    %ge3A_198 = arith.cmpi sge, %add3A_197, %reduce_max3A_62 : i32
    %convert_element_type3A_199 = arith.extui %ge3A_198 : i1 to i32
    %add3A_200 = arith.addi %add3A_192, %convert_element_type3A_199 : i32
    %ge3A_201 = arith.cmpi sge, %add3A_184, %reduce_max3A_76 : i32
    %convert_element_type3A_202 = arith.extui %ge3A_201 : i1 to i32
    %add3A_203 = arith.addi %add3A_195, %convert_element_type3A_202 : i32
    %add3A_204 = arith.constant 63 : i32
    %add3A_205 = arith.addi %add3A_184, %add3A_204 : i32
    %ge3A_206 = arith.cmpi sge, %add3A_205, %reduce_max3A_76 : i32
    %convert_element_type3A_207 = arith.extui %ge3A_206 : i1 to i32
    %add3A_208 = arith.addi %add3A_200, %convert_element_type3A_207 : i32
    %ge3A_209 = arith.cmpi sge, %add3A_184, %reduce_max3A_90 : i32
    %convert_element_type3A_210 = arith.extui %ge3A_209 : i1 to i32
    %add3A_211 = arith.addi %add3A_203, %convert_element_type3A_210 : i32
    %add3A_212 = arith.constant 63 : i32
    %add3A_213 = arith.addi %add3A_184, %add3A_212 : i32
    %ge3A_214 = arith.cmpi sge, %add3A_213, %reduce_max3A_90 : i32
    %convert_element_type3A_215 = arith.extui %ge3A_214 : i1 to i32
    %add3A_216 = arith.addi %add3A_208, %convert_element_type3A_215 : i32
    %ge3A_217 = arith.cmpi sge, %add3A_184, %reduce_max3A_104 : i32
    %convert_element_type3A_218 = arith.extui %ge3A_217 : i1 to i32
    %add3A_219 = arith.addi %add3A_211, %convert_element_type3A_218 : i32
    %add3A_220 = arith.constant 63 : i32
    %add3A_221 = arith.addi %add3A_184, %add3A_220 : i32
    %ge3A_222 = arith.cmpi sge, %add3A_221, %reduce_max3A_104 : i32
    %convert_element_type3A_223 = arith.extui %ge3A_222 : i1 to i32
    %add3A_224 = arith.addi %add3A_216, %convert_element_type3A_223 : i32
    %ge3A_225 = arith.cmpi sge, %add3A_184, %reduce_max3A_118 : i32
    %convert_element_type3A_226 = arith.extui %ge3A_225 : i1 to i32
    %add3A_227 = arith.addi %add3A_219, %convert_element_type3A_226 : i32
    %add3A_228 = arith.constant 63 : i32
    %add3A_229 = arith.addi %add3A_184, %add3A_228 : i32
    %ge3A_230 = arith.cmpi sge, %add3A_229, %reduce_max3A_118 : i32
    %convert_element_type3A_231 = arith.extui %ge3A_230 : i1 to i32
    %add3A_232 = arith.addi %add3A_224, %convert_element_type3A_231 : i32
    %ge3A_233 = arith.cmpi sge, %add3A_184, %reduce_max3A_132 : i32
    %convert_element_type3A_234 = arith.extui %ge3A_233 : i1 to i32
    %add3A_235 = arith.addi %add3A_227, %convert_element_type3A_234 : i32
    %add3A_236 = arith.constant 63 : i32
    %add3A_237 = arith.addi %add3A_184, %add3A_236 : i32
    %ge3A_238 = arith.cmpi sge, %add3A_237, %reduce_max3A_132 : i32
    %convert_element_type3A_239 = arith.extui %ge3A_238 : i1 to i32
    %add3A_240 = arith.addi %add3A_232, %convert_element_type3A_239 : i32
    %ge3A_241 = arith.cmpi sge, %add3A_184, %reduce_max3A_146 : i32
    %convert_element_type3A_242 = arith.extui %ge3A_241 : i1 to i32
    %add3A_243 = arith.addi %add3A_235, %convert_element_type3A_242 : i32
    %add3A_244 = arith.constant 63 : i32
    %add3A_245 = arith.addi %add3A_184, %add3A_244 : i32
    %ge3A_246 = arith.cmpi sge, %add3A_245, %reduce_max3A_146 : i32
    %convert_element_type3A_247 = arith.extui %ge3A_246 : i1 to i32
    %add3A_248 = arith.addi %add3A_240, %convert_element_type3A_247 : i32
    %mul3A_249 = arith.constant 2048 : i32
    %mul3A_250 = arith.muli %add3A_243, %mul3A_249 : i32
    %add3A_251 = arith.addi %mul3A_250, %add3A_184 : i32
    %eq3A_252 = arith.constant 1 : i32
    %eq3A_253 = arith.cmpi eq, %add3A_243, %eq3A_252 : i32
    %jit3A_254 = arith.constant 0 : i32
    %select_n3A_255 = arith.select %eq3A_253, %reduce_max3A_48, %jit3A_254 : i32
    %eq3A_256 = arith.constant 2 : i32
    %eq3A_257 = arith.cmpi eq, %add3A_243, %eq3A_256 : i32
    %select_n3A_258 = arith.select %eq3A_257, %reduce_max3A_62, %select_n3A_255 : i32
    %eq3A_259 = arith.constant 3 : i32
    %eq3A_260 = arith.cmpi eq, %add3A_243, %eq3A_259 : i32
    %select_n3A_261 = arith.select %eq3A_260, %reduce_max3A_76, %select_n3A_258 : i32
    %eq3A_262 = arith.constant 4 : i32
    %eq3A_263 = arith.cmpi eq, %add3A_243, %eq3A_262 : i32
    %select_n3A_264 = arith.select %eq3A_263, %reduce_max3A_90, %select_n3A_261 : i32
    %eq3A_265 = arith.constant 5 : i32
    %eq3A_266 = arith.cmpi eq, %add3A_243, %eq3A_265 : i32
    %select_n3A_267 = arith.select %eq3A_266, %reduce_max3A_104, %select_n3A_264 : i32
    %eq3A_268 = arith.constant 6 : i32
    %eq3A_269 = arith.cmpi eq, %add3A_243, %eq3A_268 : i32
    %select_n3A_270 = arith.select %eq3A_269, %reduce_max3A_118, %select_n3A_267 : i32
    %eq3A_271 = arith.constant 7 : i32
    %eq3A_272 = arith.cmpi eq, %add3A_243, %eq3A_271 : i32
    %select_n3A_273 = arith.select %eq3A_272, %reduce_max3A_132, %select_n3A_270 : i32
    %eq3A_274 = arith.constant 8 : i32
    %eq3A_275 = arith.cmpi eq, %add3A_243, %eq3A_274 : i32
    %select_n3A_276 = arith.select %eq3A_275, %reduce_max3A_146, %select_n3A_273 : i32
    %sub3A = arith.subi %add3A_251, %select_n3A_276 : i32
    %eq3A_277 = arith.cmpi eq, %add3A_243, %add3A_248 : i32
    %jit3A_278 = arith.constant 8 : i32
    %eq3A_279 = arith.constant 0 : i32
    %eq3A_280 = arith.cmpi eq, %jit3A_278, %eq3A_279 : i32
    %jit3A_281 = arith.constant 1 : i32
    %select_n3A_282 = arith.select %eq3A_280, %jit3A_281, %jit3A_278 : i32
    %rem3A = arith.remsi %sub3A, %select_n3A_282 : i32
    %ne3A = arith.constant 0 : i32
    %ne3A_283 = arith.cmpi ne, %rem3A, %ne3A : i32
    %lt3A = arith.constant 0 : i32
    %lt3A_284 = arith.cmpi slt, %rem3A, %lt3A : i32
    %lt3A_285 = arith.constant 0 : i32
    %lt3A_286 = arith.cmpi slt, %select_n3A_282, %lt3A_285 : i32
    %ne3A_287 = arith.xori %lt3A_284, %lt3A_286 : i1
    %and3A = arith.andi %ne3A_287, %ne3A_283 : i1
    %add3A_288 = arith.addi %rem3A, %select_n3A_282 : i32
    %select_n3A_289 = arith.select %and3A, %add3A_288, %rem3A : i32
    %eq3A_290 = arith.constant 0 : i32
    %eq3A_291 = arith.cmpi eq, %select_n3A_289, %eq3A_290 : i32
    %and3A_292 = arith.andi %eq3A_277, %eq3A_291 : i1
    %convert_element_type3A_293 = arith.extui %and3A_292 : i1 to i32
    %cond3A = arith.constant 0 : i32
    %cond3A_294 = arith.cmpi ne, %convert_element_type3A_293, %cond3A : i32
    scf.if %cond3A_294 {
      %multiple_of3A_1406 = tpu.assume_multiple %sub3A, 8 : i32
      %dma_start3A_1407 = arith.constant 0 : i32
      %dma_start3A_1408 = arith.constant 0 : i32
      %dma_start3A_1409 = arith.constant 0 : i32
      %dma_start3A_1410 = tpu.memref_slice %arg8[%dma_start3A_1407, %dma_start3A_1408, %dma_start3A_1409] : memref<2x64x512xf32, #tpu.memory_space<vmem>> -> memref<1x64x512xf32, #tpu.memory_space<vmem>>
      %dma_start3A_1411 = tpu.memref_squeeze %dma_start3A_1410 : memref<1x64x512xf32, #tpu.memory_space<vmem>> -> memref<64x512xf32, #tpu.memory_space<vmem>>
      %dma_start3A_1412 = arith.constant 0 : i32
      %dma_start3A_1413 = tpu.memref_slice %arg4[%multiple_of3A_1406, %dma_start3A_1412] : memref<16384x512xf32, #tpu.memory_space<hbm>> -> memref<64x512xf32, #tpu.memory_space<hbm>>
      %dma_start3A_1414 = arith.constant 0 : i32
      %dma_start3A_1415 = tpu.memref_slice %arg4[%multiple_of3A_1406, %dma_start3A_1414] : memref<16384x512xf32, #tpu.memory_space<hbm>> -> memref<64x512xf32, #tpu.memory_space<hbm>>
      %dma_start3A_1416 = arith.constant 0 : i32
      %dma_start3A_1417 = arith.constant 0 : i32
      %dma_start3A_1418 = tpu.memref_slice %arg8[%dma_start3A_1407, %dma_start3A_1416, %dma_start3A_1417] : memref<2x64x512xf32, #tpu.memory_space<vmem>> -> memref<1x64x512xf32, #tpu.memory_space<vmem>>
      %dma_start3A_1419 = tpu.memref_squeeze %dma_start3A_1418 : memref<1x64x512xf32, #tpu.memory_space<vmem>> -> memref<64x512xf32, #tpu.memory_space<vmem>>
      tpu.enqueue_dma source(%dma_start3A_1419 : memref<64x512xf32, #tpu.memory_space<vmem>>) target(%dma_start3A_1415 : memref<64x512xf32, #tpu.memory_space<hbm>>) target_semaphore(%arg13 : memref<!tpu.dma_semaphore, #tpu.memory_space<semaphore_mem>>)
    } else {
    }
    %not3A = arith.constant true
    %not3A_295 = arith.xori %and3A_292, %not3A : i1
    %convert_element_type3A_296 = arith.extui %not3A_295 : i1 to i32
    %cond3A_297 = arith.constant 0 : i32
    %cond3A_298 = arith.cmpi ne, %convert_element_type3A_296, %cond3A_297 : i32
    scf.if %cond3A_298 {
      %add3A_1406 = arith.constant 0 : i32
      %add3A_1407 = arith.addi %add3A_184, %add3A_1406 : i32
      %add3A_1408 = vector.broadcast %add3A_1407 : i32 to vector<16xi32>
      %add3A_1409 = arith.addi %add3A_1408, %iota3A : vector<16xi32>
      %broadcast_in_dim3A_1410 = arith.constant 0 : i32
      %broadcast_in_dim3A_1411 = vector.broadcast %broadcast_in_dim3A_1410 : i32 to vector<16xi32>
      %ge3A_1412 = arith.cmpi sge, %add3A_1409, %gather3A : vector<16xi32>
      %convert_element_type3A_1413 = arith.extui %ge3A_1412 : vector<16xi1> to vector<16xi32>
      %add3A_1414 = arith.addi %broadcast_in_dim3A_1411, %convert_element_type3A_1413 : vector<16xi32>
      %ge3A_1415 = arith.cmpi sge, %add3A_1409, %gather3A_151 : vector<16xi32>
      %convert_element_type3A_1416 = arith.extui %ge3A_1415 : vector<16xi1> to vector<16xi32>
      %add3A_1417 = arith.addi %add3A_1414, %convert_element_type3A_1416 : vector<16xi32>
      %ge3A_1418 = arith.cmpi sge, %add3A_1409, %gather3A_154 : vector<16xi32>
      %convert_element_type3A_1419 = arith.extui %ge3A_1418 : vector<16xi1> to vector<16xi32>
      %add3A_1420 = arith.addi %add3A_1417, %convert_element_type3A_1419 : vector<16xi32>
      %ge3A_1421 = arith.cmpi sge, %add3A_1409, %gather3A_157 : vector<16xi32>
      %convert_element_type3A_1422 = arith.extui %ge3A_1421 : vector<16xi1> to vector<16xi32>
      %add3A_1423 = arith.addi %add3A_1420, %convert_element_type3A_1422 : vector<16xi32>
      %ge3A_1424 = arith.cmpi sge, %add3A_1409, %gather3A_160 : vector<16xi32>
      %convert_element_type3A_1425 = arith.extui %ge3A_1424 : vector<16xi1> to vector<16xi32>
      %add3A_1426 = arith.addi %add3A_1423, %convert_element_type3A_1425 : vector<16xi32>
      %ge3A_1427 = arith.cmpi sge, %add3A_1409, %gather3A_163 : vector<16xi32>
      %convert_element_type3A_1428 = arith.extui %ge3A_1427 : vector<16xi1> to vector<16xi32>
      %add3A_1429 = arith.addi %add3A_1426, %convert_element_type3A_1428 : vector<16xi32>
      %ge3A_1430 = arith.cmpi sge, %add3A_1409, %gather3A_166 : vector<16xi32>
      %convert_element_type3A_1431 = arith.extui %ge3A_1430 : vector<16xi1> to vector<16xi32>
      %add3A_1432 = arith.addi %add3A_1429, %convert_element_type3A_1431 : vector<16xi32>
      %ge3A_1433 = arith.cmpi sge, %add3A_1409, %gather3A_169 : vector<16xi32>
      %convert_element_type3A_1434 = arith.extui %ge3A_1433 : vector<16xi1> to vector<16xi32>
      %add3A_1435 = arith.addi %add3A_1432, %convert_element_type3A_1434 : vector<16xi32>
      %mul3A_1436 = arith.constant 2048 : i32
      %mul3A_1437 = vector.broadcast %mul3A_1436 : i32 to vector<16xi32>
      %mul3A_1438 = arith.muli %add3A_1435, %mul3A_1437 : vector<16xi32>
      %add3A_1439 = arith.addi %mul3A_1438, %add3A_1409 : vector<16xi32>
      %gather3A_1440 = tpu.vector_load_idx %arg5[%add3A_1435] : memref<16xi32, #tpu.memory_space<vmem>>[vector<16xi32>], vector<16xi32>,
      %sub3A_1441 = arith.subi %add3A_1439, %gather3A_1440 : vector<16xi32>
      %swap3A = arith.constant 0 : i32
      %swap3A_1442 = arith.index_cast %swap3A : i32 to index
      %swap3A_1443 = arith.constant 0 : index
      %swap3A_1444 = tpu.vector_load %arg6[%swap3A_1442, %swap3A_1443] {strides = array<i32>} : memref<4x64xi32, #tpu.memory_space<vmem>>, vector<16xi32>,
      tpu.vector_store %arg6[%swap3A_1442, %swap3A_1443], %sub3A_1441 {strides = array<i32>} : memref<4x64xi32, #tpu.memory_space<vmem>>, vector<16xi32>,
      %add3A_1445 = arith.constant 16 : i32
      %add3A_1446 = arith.addi %add3A_184, %add3A_1445 : i32
      %add3A_1447 = vector.broadcast %add3A_1446 : i32 to vector<16xi32>
      %add3A_1448 = arith.addi %add3A_1447, %iota3A : vector<16xi32>
      %broadcast_in_dim3A_1449 = arith.constant 0 : i32
      %broadcast_in_dim3A_1450 = vector.broadcast %broadcast_in_dim3A_1449 : i32 to vector<16xi32>
      %ge3A_1451 = arith.cmpi sge, %add3A_1448, %gather3A : vector<16xi32>
      %convert_element_type3A_1452 = arith.extui %ge3A_1451 : vector<16xi1> to vector<16xi32>
      %add3A_1453 = arith.addi %broadcast_in_dim3A_1450, %convert_element_type3A_1452 : vector<16xi32>
      %ge3A_1454 = arith.cmpi sge, %add3A_1448, %gather3A_151 : vector<16xi32>
      %convert_element_type3A_1455 = arith.extui %ge3A_1454 : vector<16xi1> to vector<16xi32>
      %add3A_1456 = arith.addi %add3A_1453, %convert_element_type3A_1455 : vector<16xi32>
      %ge3A_1457 = arith.cmpi sge, %add3A_1448, %gather3A_154 : vector<16xi32>
      %convert_element_type3A_1458 = arith.extui %ge3A_1457 : vector<16xi1> to vector<16xi32>
      %add3A_1459 = arith.addi %add3A_1456, %convert_element_type3A_1458 : vector<16xi32>
      %ge3A_1460 = arith.cmpi sge, %add3A_1448, %gather3A_157 : vector<16xi32>
      %convert_element_type3A_1461 = arith.extui %ge3A_1460 : vector<16xi1> to vector<16xi32>
      %add3A_1462 = arith.addi %add3A_1459, %convert_element_type3A_1461 : vector<16xi32>
      %ge3A_1463 = arith.cmpi sge, %add3A_1448, %gather3A_160 : vector<16xi32>
      %convert_element_type3A_1464 = arith.extui %ge3A_1463 : vector<16xi1> to vector<16xi32>
      %add3A_1465 = arith.addi %add3A_1462, %convert_element_type3A_1464 : vector<16xi32>
      %ge3A_1466 = arith.cmpi sge, %add3A_1448, %gather3A_163 : vector<16xi32>
      %convert_element_type3A_1467 = arith.extui %ge3A_1466 : vector<16xi1> to vector<16xi32>
      %add3A_1468 = arith.addi %add3A_1465, %convert_element_type3A_1467 : vector<16xi32>
      %ge3A_1469 = arith.cmpi sge, %add3A_1448, %gather3A_166 : vector<16xi32>
      %convert_element_type3A_1470 = arith.extui %ge3A_1469 : vector<16xi1> to vector<16xi32>
      %add3A_1471 = arith.addi %add3A_1468, %convert_element_type3A_1470 : vector<16xi32>
      %ge3A_1472 = arith.cmpi sge, %add3A_1448, %gather3A_169 : vector<16xi32>
      %convert_element_type3A_1473 = arith.extui %ge3A_1472 : vector<16xi1> to vector<16xi32>
      %add3A_1474 = arith.addi %add3A_1471, %convert_element_type3A_1473 : vector<16xi32>
      %mul3A_1475 = arith.constant 2048 : i32
      %mul3A_1476 = vector.broadcast %mul3A_1475 : i32 to vector<16xi32>
      %mul3A_1477 = arith.muli %add3A_1474, %mul3A_1476 : vector<16xi32>
      %add3A_1478 = arith.addi %mul3A_1477, %add3A_1448 : vector<16xi32>
      %gather3A_1479 = tpu.vector_load_idx %arg5[%add3A_1474] : memref<16xi32, #tpu.memory_space<vmem>>[vector<16xi32>], vector<16xi32>,
      %sub3A_1480 = arith.subi %add3A_1478, %gather3A_1479 : vector<16xi32>
      %swap3A_1481 = arith.constant 0 : i32
      %swap3A_1482 = arith.index_cast %swap3A_1481 : i32 to index
      %swap3A_1483 = arith.constant 16 : index
      %swap3A_1484 = tpu.vector_load %arg6[%swap3A_1482, %swap3A_1483] {strides = array<i32>} : memref<4x64xi32, #tpu.memory_space<vmem>>, vector<16xi32>,
      tpu.vector_store %arg6[%swap3A_1482, %swap3A_1483], %sub3A_1480 {strides = array<i32>} : memref<4x64xi32, #tpu.memory_space<vmem>>, vector<16xi32>,
      %add3A_1485 = arith.constant 32 : i32
      %add3A_1486 = arith.addi %add3A_184, %add3A_1485 : i32
      %add3A_1487 = vector.broadcast %add3A_1486 : i32 to vector<16xi32>
      %add3A_1488 = arith.addi %add3A_1487, %iota3A : vector<16xi32>
      %broadcast_in_dim3A_1489 = arith.constant 0 : i32
      %broadcast_in_dim3A_1490 = vector.broadcast %broadcast_in_dim3A_1489 : i32 to vector<16xi32>
      %ge3A_1491 = arith.cmpi sge, %add3A_1488, %gather3A : vector<16xi32>
      %convert_element_type3A_1492 = arith.extui %ge3A_1491 : vector<16xi1> to vector<16xi32>
      %add3A_1493 = arith.addi %broadcast_in_dim3A_1490, %convert_element_type3A_1492 : vector<16xi32>
      %ge3A_1494 = arith.cmpi sge, %add3A_1488, %gather3A_151 : vector<16xi32>
      %convert_element_type3A_1495 = arith.extui %ge3A_1494 : vector<16xi1> to vector<16xi32>
      %add3A_1496 = arith.addi %add3A_1493, %convert_element_type3A_1495 : vector<16xi32>
      %ge3A_1497 = arith.cmpi sge, %add3A_1488, %gather3A_154 : vector<16xi32>
      %convert_element_type3A_1498 = arith.extui %ge3A_1497 : vector<16xi1> to vector<16xi32>
      %add3A_1499 = arith.addi %add3A_1496, %convert_element_type3A_1498 : vector<16xi32>
      %ge3A_1500 = arith.cmpi sge, %add3A_1488, %gather3A_157 : vector<16xi32>
      %convert_element_type3A_1501 = arith.extui %ge3A_1500 : vector<16xi1> to vector<16xi32>
      %add3A_1502 = arith.addi %add3A_1499, %convert_element_type3A_1501 : vector<16xi32>
      %ge3A_1503 = arith.cmpi sge, %add3A_1488, %gather3A_160 : vector<16xi32>
      %convert_element_type3A_1504 = arith.extui %ge3A_1503 : vector<16xi1> to vector<16xi32>
      %add3A_1505 = arith.addi %add3A_1502, %convert_element_type3A_1504 : vector<16xi32>
      %ge3A_1506 = arith.cmpi sge, %add3A_1488, %gather3A_163 : vector<16xi32>
      %convert_element_type3A_1507 = arith.extui %ge3A_1506 : vector<16xi1> to vector<16xi32>
      %add3A_1508 = arith.addi %add3A_1505, %convert_element_type3A_1507 : vector<16xi32>
      %ge3A_1509 = arith.cmpi sge, %add3A_1488, %gather3A_166 : vector<16xi32>
      %convert_element_type3A_1510 = arith.extui %ge3A_1509 : vector<16xi1> to vector<16xi32>
      %add3A_1511 = arith.addi %add3A_1508, %convert_element_type3A_1510 : vector<16xi32>
      %ge3A_1512 = arith.cmpi sge, %add3A_1488, %gather3A_169 : vector<16xi32>
      %convert_element_type3A_1513 = arith.extui %ge3A_1512 : vector<16xi1> to vector<16xi32>
      %add3A_1514 = arith.addi %add3A_1511, %convert_element_type3A_1513 : vector<16xi32>
      %mul3A_1515 = arith.constant 2048 : i32
      %mul3A_1516 = vector.broadcast %mul3A_1515 : i32 to vector<16xi32>
      %mul3A_1517 = arith.muli %add3A_1514, %mul3A_1516 : vector<16xi32>
      %add3A_1518 = arith.addi %mul3A_1517, %add3A_1488 : vector<16xi32>
      %gather3A_1519 = tpu.vector_load_idx %arg5[%add3A_1514] : memref<16xi32, #tpu.memory_space<vmem>>[vector<16xi32>], vector<16xi32>,
      %sub3A_1520 = arith.subi %add3A_1518, %gather3A_1519 : vector<16xi32>
      %swap3A_1521 = arith.constant 0 : i32
      %swap3A_1522 = arith.index_cast %swap3A_1521 : i32 to index
      %swap3A_1523 = arith.constant 32 : index
      %swap3A_1524 = tpu.vector_load %arg6[%swap3A_1522, %swap3A_1523] {strides = array<i32>} : memref<4x64xi32, #tpu.memory_space<vmem>>, vector<16xi32>,
      tpu.vector_store %arg6[%swap3A_1522, %swap3A_1523], %sub3A_1520 {strides = array<i32>} : memref<4x64xi32, #tpu.memory_space<vmem>>, vector<16xi32>,
      %add3A_1525 = arith.constant 48 : i32
      %add3A_1526 = arith.addi %add3A_184, %add3A_1525 : i32
      %add3A_1527 = vector.broadcast %add3A_1526 : i32 to vector<16xi32>
      %add3A_1528 = arith.addi %add3A_1527, %iota3A : vector<16xi32>
      %broadcast_in_dim3A_1529 = arith.constant 0 : i32
      %broadcast_in_dim3A_1530 = vector.broadcast %broadcast_in_dim3A_1529 : i32 to vector<16xi32>
      %ge3A_1531 = arith.cmpi sge, %add3A_1528, %gather3A : vector<16xi32>
      %convert_element_type3A_1532 = arith.extui %ge3A_1531 : vector<16xi1> to vector<16xi32>
      %add3A_1533 = arith.addi %broadcast_in_dim3A_1530, %convert_element_type3A_1532 : vector<16xi32>
      %ge3A_1534 = arith.cmpi sge, %add3A_1528, %gather3A_151 : vector<16xi32>
      %convert_element_type3A_1535 = arith.extui %ge3A_1534 : vector<16xi1> to vector<16xi32>
      %add3A_1536 = arith.addi %add3A_1533, %convert_element_type3A_1535 : vector<16xi32>
      %ge3A_1537 = arith.cmpi sge, %add3A_1528, %gather3A_154 : vector<16xi32>
      %convert_element_type3A_1538 = arith.extui %ge3A_1537 : vector<16xi1> to vector<16xi32>
      %add3A_1539 = arith.addi %add3A_1536, %convert_element_type3A_1538 : vector<16xi32>
      %ge3A_1540 = arith.cmpi sge, %add3A_1528, %gather3A_157 : vector<16xi32>
      %convert_element_type3A_1541 = arith.extui %ge3A_1540 : vector<16xi1> to vector<16xi32>
      %add3A_1542 = arith.addi %add3A_1539, %convert_element_type3A_1541 : vector<16xi32>
      %ge3A_1543 = arith.cmpi sge, %add3A_1528, %gather3A_160 : vector<16xi32>
      %convert_element_type3A_1544 = arith.extui %ge3A_1543 : vector<16xi1> to vector<16xi32>
      %add3A_1545 = arith.addi %add3A_1542, %convert_element_type3A_1544 : vector<16xi32>
      %ge3A_1546 = arith.cmpi sge, %add3A_1528, %gather3A_163 : vector<16xi32>
      %convert_element_type3A_1547 = arith.extui %ge3A_1546 : vector<16xi1> to vector<16xi32>
      %add3A_1548 = arith.addi %add3A_1545, %convert_element_type3A_1547 : vector<16xi32>
      %ge3A_1549 = arith.cmpi sge, %add3A_1528, %gather3A_166 : vector<16xi32>
      %convert_element_type3A_1550 = arith.extui %ge3A_1549 : vector<16xi1> to vector<16xi32>
      %add3A_1551 = arith.addi %add3A_1548, %convert_element_type3A_1550 : vector<16xi32>
      %ge3A_1552 = arith.cmpi sge, %add3A_1528, %gather3A_169 : vector<16xi32>
      %convert_element_type3A_1553 = arith.extui %ge3A_1552 : vector<16xi1> to vector<16xi32>
      %add3A_1554 = arith.addi %add3A_1551, %convert_element_type3A_1553 : vector<16xi32>
      %mul3A_1555 = arith.constant 2048 : i32
      %mul3A_1556 = vector.broadcast %mul3A_1555 : i32 to vector<16xi32>
      %mul3A_1557 = arith.muli %add3A_1554, %mul3A_1556 : vector<16xi32>
      %add3A_1558 = arith.addi %mul3A_1557, %add3A_1528 : vector<16xi32>
      %gather3A_1559 = tpu.vector_load_idx %arg5[%add3A_1554] : memref<16xi32, #tpu.memory_space<vmem>>[vector<16xi32>], vector<16xi32>,
      %sub3A_1560 = arith.subi %add3A_1558, %gather3A_1559 : vector<16xi32>
      %swap3A_1561 = arith.constant 0 : i32
      %swap3A_1562 = arith.index_cast %swap3A_1561 : i32 to index
      %swap3A_1563 = arith.constant 48 : index
      %swap3A_1564 = tpu.vector_load %arg6[%swap3A_1562, %swap3A_1563] {strides = array<i32>} : memref<4x64xi32, #tpu.memory_space<vmem>>, vector<16xi32>,
      tpu.vector_store %arg6[%swap3A_1562, %swap3A_1563], %sub3A_1560 {strides = array<i32>} : memref<4x64xi32, #tpu.memory_space<vmem>>, vector<16xi32>,
      %dma_start3A_1565 = arith.constant 0 : i32
      %dma_start3A_1566 = arith.constant 0 : i32
      %dma_start3A_1567 = arith.constant 0 : i32
      %dma_start3A_1568 = arith.constant 0 : i32
      %dma_start3A_1569 = tpu.memref_slice %arg8[%dma_start3A_1565, %dma_start3A_1567, %dma_start3A_1568] : memref<2x64x512xf32, #tpu.memory_space<vmem>> -> memref<1x64x512xf32, #tpu.memory_space<vmem>>
      %dma_start3A_1570 = tpu.memref_squeeze %dma_start3A_1569 : memref<1x64x512xf32, #tpu.memory_space<vmem>> -> memref<64x512xf32, #tpu.memory_space<vmem>>
      %dma_start3A_1571 = arith.constant 0 : i32
      %dma_start3A_1572 = tpu.memref_slice %arg6[%dma_start3A_1566, %dma_start3A_1571] : memref<4x64xi32, #tpu.memory_space<vmem>> -> memref<1x64xi32, #tpu.memory_space<vmem>>
      %dma_start3A_1573 = tpu.memref_squeeze %dma_start3A_1572 : memref<1x64xi32, #tpu.memory_space<vmem>> -> memref<64xi32, #tpu.memory_space<vmem>>
      %dma_start3A_1574 = arith.constant 0 : i32
      %dma_start3A_1575 = arith.constant 0 : i32
      %dma_start3A_1576 = tpu.memref_slice %arg4[%dma_start3A_1574, %dma_start3A_1575] : memref<16384x512xf32, #tpu.memory_space<hbm>> -> memref<16384x512xf32, #tpu.memory_space<hbm>>
      tpu.enqueue_indirect_dma source(%dma_start3A_1570 : memref<64x512xf32, #tpu.memory_space<vmem>>) target(%dma_start3A_1576 : memref<16384x512xf32, #tpu.memory_space<hbm>>) offsets(%dma_start3A_1573 : memref<64xi32, #tpu.memory_space<vmem>>) semaphore(%arg13 : memref<!tpu.dma_semaphore, #tpu.memory_space<semaphore_mem>>)
    } else {
    }
    %dma_wait3A_299 = arith.constant 1 : i32
    %dma_wait3A_300 = arith.constant 0 : i32
    %dma_wait3A_301 = arith.constant 0 : i32
    %dma_wait3A_302 = tpu.memref_slice %arg8[%dma_wait3A_299, %dma_wait3A_300, %dma_wait3A_301] : memref<2x64x512xf32, #tpu.memory_space<vmem>> -> memref<1x64x512xf32, #tpu.memory_space<vmem>>
    %dma_wait3A_303 = tpu.memref_squeeze %dma_wait3A_302 : memref<1x64x512xf32, #tpu.memory_space<vmem>> -> memref<64x512xf32, #tpu.memory_space<vmem>>
    %dma_wait3A_304 = arith.constant 0 : i32
    %dma_wait3A_305 = tpu.memref_slice %arg2[%add3A_22, %dma_wait3A_304] : memref<8192x512xf32, #tpu.memory_space<hbm>> -> memref<64x512xf32, #tpu.memory_space<hbm>>
    %dma_wait3A_306 = arith.constant 0 : i32
    %dma_wait3A_307 = arith.constant 0 : i32
    %dma_wait3A_308 = tpu.memref_slice %arg8[%dma_wait3A_299, %dma_wait3A_306, %dma_wait3A_307] : memref<2x64x512xf32, #tpu.memory_space<vmem>> -> memref<1x64x512xf32, #tpu.memory_space<vmem>>
    %dma_wait3A_309 = tpu.memref_squeeze %dma_wait3A_308 : memref<1x64x512xf32, #tpu.memory_space<vmem>> -> memref<64x512xf32, #tpu.memory_space<vmem>>
    %dma_wait3A_310 = arith.constant 0 : i32
    %dma_wait3A_311 = tpu.memref_slice %arg2[%add3A_22, %dma_wait3A_310] : memref<8192x512xf32, #tpu.memory_space<hbm>> -> memref<64x512xf32, #tpu.memory_space<hbm>>
    tpu.wait_dma2 semaphore(%arg12 : memref<!tpu.dma_semaphore, #tpu.memory_space<semaphore_mem>>) src(%dma_wait3A_311 : memref<64x512xf32, #tpu.memory_space<hbm>>) dst(%dma_wait3A_309 : memref<64x512xf32, #tpu.memory_space<vmem>>)
    %add3A_312 = arith.constant 64 : i32
    %add3A_313 = arith.addi %multiple_of3A, %add3A_312 : i32
    %ge3A_314 = arith.cmpi sge, %add3A_313, %reduce_max3A_48 : i32
    %convert_element_type3A_315 = arith.extui %ge3A_314 : i1 to i32
    %add3A_316 = arith.constant 0 : i32
    %add3A_317 = arith.addi %add3A_316, %convert_element_type3A_315 : i32
    %add3A_318 = arith.constant 63 : i32
    %add3A_319 = arith.addi %add3A_313, %add3A_318 : i32
    %ge3A_320 = arith.cmpi sge, %add3A_319, %reduce_max3A_48 : i32
    %convert_element_type3A_321 = arith.extui %ge3A_320 : i1 to i32
    %add3A_322 = arith.constant 0 : i32
    %add3A_323 = arith.addi %add3A_322, %convert_element_type3A_321 : i32
    %ge3A_324 = arith.cmpi sge, %add3A_313, %reduce_max3A_62 : i32
    %convert_element_type3A_325 = arith.extui %ge3A_324 : i1 to i32
    %add3A_326 = arith.addi %add3A_317, %convert_element_type3A_325 : i32
    %add3A_327 = arith.constant 63 : i32
    %add3A_328 = arith.addi %add3A_313, %add3A_327 : i32
    %ge3A_329 = arith.cmpi sge, %add3A_328, %reduce_max3A_62 : i32
    %convert_element_type3A_330 = arith.extui %ge3A_329 : i1 to i32
    %add3A_331 = arith.addi %add3A_323, %convert_element_type3A_330 : i32
    %ge3A_332 = arith.cmpi sge, %add3A_313, %reduce_max3A_76 : i32
    %convert_element_type3A_333 = arith.extui %ge3A_332 : i1 to i32
    %add3A_334 = arith.addi %add3A_326, %convert_element_type3A_333 : i32
    %add3A_335 = arith.constant 63 : i32
    %add3A_336 = arith.addi %add3A_313, %add3A_335 : i32
    %ge3A_337 = arith.cmpi sge, %add3A_336, %reduce_max3A_76 : i32
    %convert_element_type3A_338 = arith.extui %ge3A_337 : i1 to i32
    %add3A_339 = arith.addi %add3A_331, %convert_element_type3A_338 : i32
    %ge3A_340 = arith.cmpi sge, %add3A_313, %reduce_max3A_90 : i32
    %convert_element_type3A_341 = arith.extui %ge3A_340 : i1 to i32
    %add3A_342 = arith.addi %add3A_334, %convert_element_type3A_341 : i32
    %add3A_343 = arith.constant 63 : i32
    %add3A_344 = arith.addi %add3A_313, %add3A_343 : i32
    %ge3A_345 = arith.cmpi sge, %add3A_344, %reduce_max3A_90 : i32
    %convert_element_type3A_346 = arith.extui %ge3A_345 : i1 to i32
    %add3A_347 = arith.addi %add3A_339, %convert_element_type3A_346 : i32
    %ge3A_348 = arith.cmpi sge, %add3A_313, %reduce_max3A_104 : i32
    %convert_element_type3A_349 = arith.extui %ge3A_348 : i1 to i32
    %add3A_350 = arith.addi %add3A_342, %convert_element_type3A_349 : i32
    %add3A_351 = arith.constant 63 : i32
    %add3A_352 = arith.addi %add3A_313, %add3A_351 : i32
    %ge3A_353 = arith.cmpi sge, %add3A_352, %reduce_max3A_104 : i32
    %convert_element_type3A_354 = arith.extui %ge3A_353 : i1 to i32
    %add3A_355 = arith.addi %add3A_347, %convert_element_type3A_354 : i32
    %ge3A_356 = arith.cmpi sge, %add3A_313, %reduce_max3A_118 : i32
    %convert_element_type3A_357 = arith.extui %ge3A_356 : i1 to i32
    %add3A_358 = arith.addi %add3A_350, %convert_element_type3A_357 : i32
    %add3A_359 = arith.constant 63 : i32
    %add3A_360 = arith.addi %add3A_313, %add3A_359 : i32
    %ge3A_361 = arith.cmpi sge, %add3A_360, %reduce_max3A_118 : i32
    %convert_element_type3A_362 = arith.extui %ge3A_361 : i1 to i32
    %add3A_363 = arith.addi %add3A_355, %convert_element_type3A_362 : i32
    %ge3A_364 = arith.cmpi sge, %add3A_313, %reduce_max3A_132 : i32
    %convert_element_type3A_365 = arith.extui %ge3A_364 : i1 to i32
    %add3A_366 = arith.addi %add3A_358, %convert_element_type3A_365 : i32
    %add3A_367 = arith.constant 63 : i32
    %add3A_368 = arith.addi %add3A_313, %add3A_367 : i32
    %ge3A_369 = arith.cmpi sge, %add3A_368, %reduce_max3A_132 : i32
    %convert_element_type3A_370 = arith.extui %ge3A_369 : i1 to i32
    %add3A_371 = arith.addi %add3A_363, %convert_element_type3A_370 : i32
    %ge3A_372 = arith.cmpi sge, %add3A_313, %reduce_max3A_146 : i32
    %convert_element_type3A_373 = arith.extui %ge3A_372 : i1 to i32
    %add3A_374 = arith.addi %add3A_366, %convert_element_type3A_373 : i32
    %add3A_375 = arith.constant 63 : i32
    %add3A_376 = arith.addi %add3A_313, %add3A_375 : i32
    %ge3A_377 = arith.cmpi sge, %add3A_376, %reduce_max3A_146 : i32
    %convert_element_type3A_378 = arith.extui %ge3A_377 : i1 to i32
    %add3A_379 = arith.addi %add3A_371, %convert_element_type3A_378 : i32
    %mul3A_380 = arith.constant 2048 : i32
    %mul3A_381 = arith.muli %add3A_374, %mul3A_380 : i32
    %add3A_382 = arith.addi %mul3A_381, %add3A_313 : i32
    %eq3A_383 = arith.constant 1 : i32
    %eq3A_384 = arith.cmpi eq, %add3A_374, %eq3A_383 : i32
    %jit3A_385 = arith.constant 0 : i32
    %select_n3A_386 = arith.select %eq3A_384, %reduce_max3A_48, %jit3A_385 : i32
    %eq3A_387 = arith.constant 2 : i32
    %eq3A_388 = arith.cmpi eq, %add3A_374, %eq3A_387 : i32
    %select_n3A_389 = arith.select %eq3A_388, %reduce_max3A_62, %select_n3A_386 : i32
    %eq3A_390 = arith.constant 3 : i32
    %eq3A_391 = arith.cmpi eq, %add3A_374, %eq3A_390 : i32
    %select_n3A_392 = arith.select %eq3A_391, %reduce_max3A_76, %select_n3A_389 : i32
    %eq3A_393 = arith.constant 4 : i32
    %eq3A_394 = arith.cmpi eq, %add3A_374, %eq3A_393 : i32
    %select_n3A_395 = arith.select %eq3A_394, %reduce_max3A_90, %select_n3A_392 : i32
    %eq3A_396 = arith.constant 5 : i32
    %eq3A_397 = arith.cmpi eq, %add3A_374, %eq3A_396 : i32
    %select_n3A_398 = arith.select %eq3A_397, %reduce_max3A_104, %select_n3A_395 : i32
    %eq3A_399 = arith.constant 6 : i32
    %eq3A_400 = arith.cmpi eq, %add3A_374, %eq3A_399 : i32
    %select_n3A_401 = arith.select %eq3A_400, %reduce_max3A_118, %select_n3A_398 : i32
    %eq3A_402 = arith.constant 7 : i32
    %eq3A_403 = arith.cmpi eq, %add3A_374, %eq3A_402 : i32
    %select_n3A_404 = arith.select %eq3A_403, %reduce_max3A_132, %select_n3A_401 : i32
    %eq3A_405 = arith.constant 8 : i32
    %eq3A_406 = arith.cmpi eq, %add3A_374, %eq3A_405 : i32
    %select_n3A_407 = arith.select %eq3A_406, %reduce_max3A_146, %select_n3A_404 : i32
    %sub3A_408 = arith.subi %add3A_382, %select_n3A_407 : i32
    %eq3A_409 = arith.cmpi eq, %add3A_374, %add3A_379 : i32
    %jit3A_410 = arith.constant 8 : i32
    %eq3A_411 = arith.constant 0 : i32
    %eq3A_412 = arith.cmpi eq, %jit3A_410, %eq3A_411 : i32
    %jit3A_413 = arith.constant 1 : i32
    %select_n3A_414 = arith.select %eq3A_412, %jit3A_413, %jit3A_410 : i32
    %rem3A_415 = arith.remsi %sub3A_408, %select_n3A_414 : i32
    %ne3A_416 = arith.constant 0 : i32
    %ne3A_417 = arith.cmpi ne, %rem3A_415, %ne3A_416 : i32
    %lt3A_418 = arith.constant 0 : i32
    %lt3A_419 = arith.cmpi slt, %rem3A_415, %lt3A_418 : i32
    %lt3A_420 = arith.constant 0 : i32
    %lt3A_421 = arith.cmpi slt, %select_n3A_414, %lt3A_420 : i32
    %ne3A_422 = arith.xori %lt3A_419, %lt3A_421 : i1
    %and3A_423 = arith.andi %ne3A_422, %ne3A_417 : i1
    %add3A_424 = arith.addi %rem3A_415, %select_n3A_414 : i32
    %select_n3A_425 = arith.select %and3A_423, %add3A_424, %rem3A_415 : i32
    %eq3A_426 = arith.constant 0 : i32
    %eq3A_427 = arith.cmpi eq, %select_n3A_425, %eq3A_426 : i32
    %and3A_428 = arith.andi %eq3A_409, %eq3A_427 : i1
    %convert_element_type3A_429 = arith.extui %and3A_428 : i1 to i32
    %cond3A_430 = arith.constant 0 : i32
    %cond3A_431 = arith.cmpi ne, %convert_element_type3A_429, %cond3A_430 : i32
    scf.if %cond3A_431 {
      %multiple_of3A_1406 = tpu.assume_multiple %sub3A_408, 8 : i32
      %dma_start3A_1407 = arith.constant 1 : i32
      %dma_start3A_1408 = arith.constant 0 : i32
      %dma_start3A_1409 = arith.constant 0 : i32
      %dma_start3A_1410 = tpu.memref_slice %arg8[%dma_start3A_1407, %dma_start3A_1408, %dma_start3A_1409] : memref<2x64x512xf32, #tpu.memory_space<vmem>> -> memref<1x64x512xf32, #tpu.memory_space<vmem>>
      %dma_start3A_1411 = tpu.memref_squeeze %dma_start3A_1410 : memref<1x64x512xf32, #tpu.memory_space<vmem>> -> memref<64x512xf32, #tpu.memory_space<vmem>>
      %dma_start3A_1412 = arith.constant 0 : i32
      %dma_start3A_1413 = tpu.memref_slice %arg4[%multiple_of3A_1406, %dma_start3A_1412] : memref<16384x512xf32, #tpu.memory_space<hbm>> -> memref<64x512xf32, #tpu.memory_space<hbm>>
      %dma_start3A_1414 = arith.constant 0 : i32
      %dma_start3A_1415 = tpu.memref_slice %arg4[%multiple_of3A_1406, %dma_start3A_1414] : memref<16384x512xf32, #tpu.memory_space<hbm>> -> memref<64x512xf32, #tpu.memory_space<hbm>>
      %dma_start3A_1416 = arith.constant 0 : i32
      %dma_start3A_1417 = arith.constant 0 : i32
      %dma_start3A_1418 = tpu.memref_slice %arg8[%dma_start3A_1407, %dma_start3A_1416, %dma_start3A_1417] : memref<2x64x512xf32, #tpu.memory_space<vmem>> -> memref<1x64x512xf32, #tpu.memory_space<vmem>>
      %dma_start3A_1419 = tpu.memref_squeeze %dma_start3A_1418 : memref<1x64x512xf32, #tpu.memory_space<vmem>> -> memref<64x512xf32, #tpu.memory_space<vmem>>
      tpu.enqueue_dma source(%dma_start3A_1419 : memref<64x512xf32, #tpu.memory_space<vmem>>) target(%dma_start3A_1415 : memref<64x512xf32, #tpu.memory_space<hbm>>) target_semaphore(%arg14 : memref<!tpu.dma_semaphore, #tpu.memory_space<semaphore_mem>>)
    } else {
    }
    %not3A_432 = arith.constant true
    %not3A_433 = arith.xori %and3A_428, %not3A_432 : i1
    %convert_element_type3A_434 = arith.extui %not3A_433 : i1 to i32
    %cond3A_435 = arith.constant 0 : i32
    %cond3A_436 = arith.cmpi ne, %convert_element_type3A_434, %cond3A_435 : i32
    scf.if %cond3A_436 {
      %add3A_1406 = arith.constant 0 : i32
      %add3A_1407 = arith.addi %add3A_313, %add3A_1406 : i32
      %add3A_1408 = vector.broadcast %add3A_1407 : i32 to vector<16xi32>
      %add3A_1409 = arith.addi %add3A_1408, %iota3A : vector<16xi32>
      %broadcast_in_dim3A_1410 = arith.constant 0 : i32
      %broadcast_in_dim3A_1411 = vector.broadcast %broadcast_in_dim3A_1410 : i32 to vector<16xi32>
      %ge3A_1412 = arith.cmpi sge, %add3A_1409, %gather3A : vector<16xi32>
      %convert_element_type3A_1413 = arith.extui %ge3A_1412 : vector<16xi1> to vector<16xi32>
      %add3A_1414 = arith.addi %broadcast_in_dim3A_1411, %convert_element_type3A_1413 : vector<16xi32>
      %ge3A_1415 = arith.cmpi sge, %add3A_1409, %gather3A_151 : vector<16xi32>
      %convert_element_type3A_1416 = arith.extui %ge3A_1415 : vector<16xi1> to vector<16xi32>
      %add3A_1417 = arith.addi %add3A_1414, %convert_element_type3A_1416 : vector<16xi32>
      %ge3A_1418 = arith.cmpi sge, %add3A_1409, %gather3A_154 : vector<16xi32>
      %convert_element_type3A_1419 = arith.extui %ge3A_1418 : vector<16xi1> to vector<16xi32>
      %add3A_1420 = arith.addi %add3A_1417, %convert_element_type3A_1419 : vector<16xi32>
      %ge3A_1421 = arith.cmpi sge, %add3A_1409, %gather3A_157 : vector<16xi32>
      %convert_element_type3A_1422 = arith.extui %ge3A_1421 : vector<16xi1> to vector<16xi32>
      %add3A_1423 = arith.addi %add3A_1420, %convert_element_type3A_1422 : vector<16xi32>
      %ge3A_1424 = arith.cmpi sge, %add3A_1409, %gather3A_160 : vector<16xi32>
      %convert_element_type3A_1425 = arith.extui %ge3A_1424 : vector<16xi1> to vector<16xi32>
      %add3A_1426 = arith.addi %add3A_1423, %convert_element_type3A_1425 : vector<16xi32>
      %ge3A_1427 = arith.cmpi sge, %add3A_1409, %gather3A_163 : vector<16xi32>
      %convert_element_type3A_1428 = arith.extui %ge3A_1427 : vector<16xi1> to vector<16xi32>
      %add3A_1429 = arith.addi %add3A_1426, %convert_element_type3A_1428 : vector<16xi32>
      %ge3A_1430 = arith.cmpi sge, %add3A_1409, %gather3A_166 : vector<16xi32>
      %convert_element_type3A_1431 = arith.extui %ge3A_1430 : vector<16xi1> to vector<16xi32>
      %add3A_1432 = arith.addi %add3A_1429, %convert_element_type3A_1431 : vector<16xi32>
      %ge3A_1433 = arith.cmpi sge, %add3A_1409, %gather3A_169 : vector<16xi32>
      %convert_element_type3A_1434 = arith.extui %ge3A_1433 : vector<16xi1> to vector<16xi32>
      %add3A_1435 = arith.addi %add3A_1432, %convert_element_type3A_1434 : vector<16xi32>
      %mul3A_1436 = arith.constant 2048 : i32
      %mul3A_1437 = vector.broadcast %mul3A_1436 : i32 to vector<16xi32>
      %mul3A_1438 = arith.muli %add3A_1435, %mul3A_1437 : vector<16xi32>
      %add3A_1439 = arith.addi %mul3A_1438, %add3A_1409 : vector<16xi32>
      %gather3A_1440 = tpu.vector_load_idx %arg5[%add3A_1435] : memref<16xi32, #tpu.memory_space<vmem>>[vector<16xi32>], vector<16xi32>,
      %sub3A_1441 = arith.subi %add3A_1439, %gather3A_1440 : vector<16xi32>
      %swap3A = arith.constant 1 : i32
      %swap3A_1442 = arith.index_cast %swap3A : i32 to index
      %swap3A_1443 = arith.constant 0 : index
      %swap3A_1444 = tpu.vector_load %arg6[%swap3A_1442, %swap3A_1443] {strides = array<i32>} : memref<4x64xi32, #tpu.memory_space<vmem>>, vector<16xi32>,
      tpu.vector_store %arg6[%swap3A_1442, %swap3A_1443], %sub3A_1441 {strides = array<i32>} : memref<4x64xi32, #tpu.memory_space<vmem>>, vector<16xi32>,
      %add3A_1445 = arith.constant 16 : i32
      %add3A_1446 = arith.addi %add3A_313, %add3A_1445 : i32
      %add3A_1447 = vector.broadcast %add3A_1446 : i32 to vector<16xi32>
      %add3A_1448 = arith.addi %add3A_1447, %iota3A : vector<16xi32>
      %broadcast_in_dim3A_1449 = arith.constant 0 : i32
      %broadcast_in_dim3A_1450 = vector.broadcast %broadcast_in_dim3A_1449 : i32 to vector<16xi32>
      %ge3A_1451 = arith.cmpi sge, %add3A_1448, %gather3A : vector<16xi32>
      %convert_element_type3A_1452 = arith.extui %ge3A_1451 : vector<16xi1> to vector<16xi32>
      %add3A_1453 = arith.addi %broadcast_in_dim3A_1450, %convert_element_type3A_1452 : vector<16xi32>
      %ge3A_1454 = arith.cmpi sge, %add3A_1448, %gather3A_151 : vector<16xi32>
      %convert_element_type3A_1455 = arith.extui %ge3A_1454 : vector<16xi1> to vector<16xi32>
      %add3A_1456 = arith.addi %add3A_1453, %convert_element_type3A_1455 : vector<16xi32>
      %ge3A_1457 = arith.cmpi sge, %add3A_1448, %gather3A_154 : vector<16xi32>
      %convert_element_type3A_1458 = arith.extui %ge3A_1457 : vector<16xi1> to vector<16xi32>
      %add3A_1459 = arith.addi %add3A_1456, %convert_element_type3A_1458 : vector<16xi32>
      %ge3A_1460 = arith.cmpi sge, %add3A_1448, %gather3A_157 : vector<16xi32>
      %convert_element_type3A_1461 = arith.extui %ge3A_1460 : vector<16xi1> to vector<16xi32>
      %add3A_1462 = arith.addi %add3A_1459, %convert_element_type3A_1461 : vector<16xi32>
      %ge3A_1463 = arith.cmpi sge, %add3A_1448, %gather3A_160 : vector<16xi32>
      %convert_element_type3A_1464 = arith.extui %ge3A_1463 : vector<16xi1> to vector<16xi32>
      %add3A_1465 = arith.addi %add3A_1462, %convert_element_type3A_1464 : vector<16xi32>
      %ge3A_1466 = arith.cmpi sge, %add3A_1448, %gather3A_163 : vector<16xi32>
      %convert_element_type3A_1467 = arith.extui %ge3A_1466 : vector<16xi1> to vector<16xi32>
      %add3A_1468 = arith.addi %add3A_1465, %convert_element_type3A_1467 : vector<16xi32>
      %ge3A_1469 = arith.cmpi sge, %add3A_1448, %gather3A_166 : vector<16xi32>
      %convert_element_type3A_1470 = arith.extui %ge3A_1469 : vector<16xi1> to vector<16xi32>
      %add3A_1471 = arith.addi %add3A_1468, %convert_element_type3A_1470 : vector<16xi32>
      %ge3A_1472 = arith.cmpi sge, %add3A_1448, %gather3A_169 : vector<16xi32>
      %convert_element_type3A_1473 = arith.extui %ge3A_1472 : vector<16xi1> to vector<16xi32>
      %add3A_1474 = arith.addi %add3A_1471, %convert_element_type3A_1473 : vector<16xi32>
      %mul3A_1475 = arith.constant 2048 : i32
      %mul3A_1476 = vector.broadcast %mul3A_1475 : i32 to vector<16xi32>
      %mul3A_1477 = arith.muli %add3A_1474, %mul3A_1476 : vector<16xi32>
      %add3A_1478 = arith.addi %mul3A_1477, %add3A_1448 : vector<16xi32>
      %gather3A_1479 = tpu.vector_load_idx %arg5[%add3A_1474] : memref<16xi32, #tpu.memory_space<vmem>>[vector<16xi32>], vector<16xi32>,
      %sub3A_1480 = arith.subi %add3A_1478, %gather3A_1479 : vector<16xi32>
      %swap3A_1481 = arith.constant 1 : i32
      %swap3A_1482 = arith.index_cast %swap3A_1481 : i32 to index
      %swap3A_1483 = arith.constant 16 : index
      %swap3A_1484 = tpu.vector_load %arg6[%swap3A_1482, %swap3A_1483] {strides = array<i32>} : memref<4x64xi32, #tpu.memory_space<vmem>>, vector<16xi32>,
      tpu.vector_store %arg6[%swap3A_1482, %swap3A_1483], %sub3A_1480 {strides = array<i32>} : memref<4x64xi32, #tpu.memory_space<vmem>>, vector<16xi32>,
      %add3A_1485 = arith.constant 32 : i32
      %add3A_1486 = arith.addi %add3A_313, %add3A_1485 : i32
      %add3A_1487 = vector.broadcast %add3A_1486 : i32 to vector<16xi32>
      %add3A_1488 = arith.addi %add3A_1487, %iota3A : vector<16xi32>
      %broadcast_in_dim3A_1489 = arith.constant 0 : i32
      %broadcast_in_dim3A_1490 = vector.broadcast %broadcast_in_dim3A_1489 : i32 to vector<16xi32>
      %ge3A_1491 = arith.cmpi sge, %add3A_1488, %gather3A : vector<16xi32>
      %convert_element_type3A_1492 = arith.extui %ge3A_1491 : vector<16xi1> to vector<16xi32>
      %add3A_1493 = arith.addi %broadcast_in_dim3A_1490, %convert_element_type3A_1492 : vector<16xi32>
      %ge3A_1494 = arith.cmpi sge, %add3A_1488, %gather3A_151 : vector<16xi32>
      %convert_element_type3A_1495 = arith.extui %ge3A_1494 : vector<16xi1> to vector<16xi32>
      %add3A_1496 = arith.addi %add3A_1493, %convert_element_type3A_1495 : vector<16xi32>
      %ge3A_1497 = arith.cmpi sge, %add3A_1488, %gather3A_154 : vector<16xi32>
      %convert_element_type3A_1498 = arith.extui %ge3A_1497 : vector<16xi1> to vector<16xi32>
      %add3A_1499 = arith.addi %add3A_1496, %convert_element_type3A_1498 : vector<16xi32>
      %ge3A_1500 = arith.cmpi sge, %add3A_1488, %gather3A_157 : vector<16xi32>
      %convert_element_type3A_1501 = arith.extui %ge3A_1500 : vector<16xi1> to vector<16xi32>
      %add3A_1502 = arith.addi %add3A_1499, %convert_element_type3A_1501 : vector<16xi32>
      %ge3A_1503 = arith.cmpi sge, %add3A_1488, %gather3A_160 : vector<16xi32>
      %convert_element_type3A_1504 = arith.extui %ge3A_1503 : vector<16xi1> to vector<16xi32>
      %add3A_1505 = arith.addi %add3A_1502, %convert_element_type3A_1504 : vector<16xi32>
      %ge3A_1506 = arith.cmpi sge, %add3A_1488, %gather3A_163 : vector<16xi32>
      %convert_element_type3A_1507 = arith.extui %ge3A_1506 : vector<16xi1> to vector<16xi32>
      %add3A_1508 = arith.addi %add3A_1505, %convert_element_type3A_1507 : vector<16xi32>
      %ge3A_1509 = arith.cmpi sge, %add3A_1488, %gather3A_166 : vector<16xi32>
      %convert_element_type3A_1510 = arith.extui %ge3A_1509 : vector<16xi1> to vector<16xi32>
      %add3A_1511 = arith.addi %add3A_1508, %convert_element_type3A_1510 : vector<16xi32>
      %ge3A_1512 = arith.cmpi sge, %add3A_1488, %gather3A_169 : vector<16xi32>
      %convert_element_type3A_1513 = arith.extui %ge3A_1512 : vector<16xi1> to vector<16xi32>
      %add3A_1514 = arith.addi %add3A_1511, %convert_element_type3A_1513 : vector<16xi32>
      %mul3A_1515 = arith.constant 2048 : i32
      %mul3A_1516 = vector.broadcast %mul3A_1515 : i32 to vector<16xi32>
      %mul3A_1517 = arith.muli %add3A_1514, %mul3A_1516 : vector<16xi32>
      %add3A_1518 = arith.addi %mul3A_1517, %add3A_1488 : vector<16xi32>
      %gather3A_1519 = tpu.vector_load_idx %arg5[%add3A_1514] : memref<16xi32, #tpu.memory_space<vmem>>[vector<16xi32>], vector<16xi32>,
      %sub3A_1520 = arith.subi %add3A_1518, %gather3A_1519 : vector<16xi32>
      %swap3A_1521 = arith.constant 1 : i32
      %swap3A_1522 = arith.index_cast %swap3A_1521 : i32 to index
      %swap3A_1523 = arith.constant 32 : index
      %swap3A_1524 = tpu.vector_load %arg6[%swap3A_1522, %swap3A_1523] {strides = array<i32>} : memref<4x64xi32, #tpu.memory_space<vmem>>, vector<16xi32>,
      tpu.vector_store %arg6[%swap3A_1522, %swap3A_1523], %sub3A_1520 {strides = array<i32>} : memref<4x64xi32, #tpu.memory_space<vmem>>, vector<16xi32>,
      %add3A_1525 = arith.constant 48 : i32
      %add3A_1526 = arith.addi %add3A_313, %add3A_1525 : i32
      %add3A_1527 = vector.broadcast %add3A_1526 : i32 to vector<16xi32>
      %add3A_1528 = arith.addi %add3A_1527, %iota3A : vector<16xi32>
      %broadcast_in_dim3A_1529 = arith.constant 0 : i32
      %broadcast_in_dim3A_1530 = vector.broadcast %broadcast_in_dim3A_1529 : i32 to vector<16xi32>
      %ge3A_1531 = arith.cmpi sge, %add3A_1528, %gather3A : vector<16xi32>
      %convert_element_type3A_1532 = arith.extui %ge3A_1531 : vector<16xi1> to vector<16xi32>
      %add3A_1533 = arith.addi %broadcast_in_dim3A_1530, %convert_element_type3A_1532 : vector<16xi32>
      %ge3A_1534 = arith.cmpi sge, %add3A_1528, %gather3A_151 : vector<16xi32>
      %convert_element_type3A_1535 = arith.extui %ge3A_1534 : vector<16xi1> to vector<16xi32>
      %add3A_1536 = arith.addi %add3A_1533, %convert_element_type3A_1535 : vector<16xi32>
      %ge3A_1537 = arith.cmpi sge, %add3A_1528, %gather3A_154 : vector<16xi32>
      %convert_element_type3A_1538 = arith.extui %ge3A_1537 : vector<16xi1> to vector<16xi32>
      %add3A_1539 = arith.addi %add3A_1536, %convert_element_type3A_1538 : vector<16xi32>
      %ge3A_1540 = arith.cmpi sge, %add3A_1528, %gather3A_157 : vector<16xi32>
      %convert_element_type3A_1541 = arith.extui %ge3A_1540 : vector<16xi1> to vector<16xi32>
      %add3A_1542 = arith.addi %add3A_1539, %convert_element_type3A_1541 : vector<16xi32>
      %ge3A_1543 = arith.cmpi sge, %add3A_1528, %gather3A_160 : vector<16xi32>
      %convert_element_type3A_1544 = arith.extui %ge3A_1543 : vector<16xi1> to vector<16xi32>
      %add3A_1545 = arith.addi %add3A_1542, %convert_element_type3A_1544 : vector<16xi32>
      %ge3A_1546 = arith.cmpi sge, %add3A_1528, %gather3A_163 : vector<16xi32>
      %convert_element_type3A_1547 = arith.extui %ge3A_1546 : vector<16xi1> to vector<16xi32>
      %add3A_1548 = arith.addi %add3A_1545, %convert_element_type3A_1547 : vector<16xi32>
      %ge3A_1549 = arith.cmpi sge, %add3A_1528, %gather3A_166 : vector<16xi32>
      %convert_element_type3A_1550 = arith.extui %ge3A_1549 : vector<16xi1> to vector<16xi32>
      %add3A_1551 = arith.addi %add3A_1548, %convert_element_type3A_1550 : vector<16xi32>
      %ge3A_1552 = arith.cmpi sge, %add3A_1528, %gather3A_169 : vector<16xi32>
      %convert_element_type3A_1553 = arith.extui %ge3A_1552 : vector<16xi1> to vector<16xi32>
      %add3A_1554 = arith.addi %add3A_1551, %convert_element_type3A_1553 : vector<16xi32>
      %mul3A_1555 = arith.constant 2048 : i32
      %mul3A_1556 = vector.broadcast %mul3A_1555 : i32 to vector<16xi32>
      %mul3A_1557 = arith.muli %add3A_1554, %mul3A_1556 : vector<16xi32>
      %add3A_1558 = arith.addi %mul3A_1557, %add3A_1528 : vector<16xi32>
      %gather3A_1559 = tpu.vector_load_idx %arg5[%add3A_1554] : memref<16xi32, #tpu.memory_space<vmem>>[vector<16xi32>], vector<16xi32>,
      %sub3A_1560 = arith.subi %add3A_1558, %gather3A_1559 : vector<16xi32>
      %swap3A_1561 = arith.constant 1 : i32
      %swap3A_1562 = arith.index_cast %swap3A_1561 : i32 to index
      %swap3A_1563 = arith.constant 48 : index
      %swap3A_1564 = tpu.vector_load %arg6[%swap3A_1562, %swap3A_1563] {strides = array<i32>} : memref<4x64xi32, #tpu.memory_space<vmem>>, vector<16xi32>,
      tpu.vector_store %arg6[%swap3A_1562, %swap3A_1563], %sub3A_1560 {strides = array<i32>} : memref<4x64xi32, #tpu.memory_space<vmem>>, vector<16xi32>,
      %dma_start3A_1565 = arith.constant 1 : i32
      %dma_start3A_1566 = arith.constant 1 : i32
      %dma_start3A_1567 = arith.constant 0 : i32
      %dma_start3A_1568 = arith.constant 0 : i32
      %dma_start3A_1569 = tpu.memref_slice %arg8[%dma_start3A_1565, %dma_start3A_1567, %dma_start3A_1568] : memref<2x64x512xf32, #tpu.memory_space<vmem>> -> memref<1x64x512xf32, #tpu.memory_space<vmem>>
      %dma_start3A_1570 = tpu.memref_squeeze %dma_start3A_1569 : memref<1x64x512xf32, #tpu.memory_space<vmem>> -> memref<64x512xf32, #tpu.memory_space<vmem>>
      %dma_start3A_1571 = arith.constant 0 : i32
      %dma_start3A_1572 = tpu.memref_slice %arg6[%dma_start3A_1566, %dma_start3A_1571] : memref<4x64xi32, #tpu.memory_space<vmem>> -> memref<1x64xi32, #tpu.memory_space<vmem>>
      %dma_start3A_1573 = tpu.memref_squeeze %dma_start3A_1572 : memref<1x64xi32, #tpu.memory_space<vmem>> -> memref<64xi32, #tpu.memory_space<vmem>>
      %dma_start3A_1574 = arith.constant 0 : i32
      %dma_start3A_1575 = arith.constant 0 : i32
      %dma_start3A_1576 = tpu.memref_slice %arg4[%dma_start3A_1574, %dma_start3A_1575] : memref<16384x512xf32, #tpu.memory_space<hbm>> -> memref<16384x512xf32, #tpu.memory_space<hbm>>
      tpu.enqueue_indirect_dma source(%dma_start3A_1570 : memref<64x512xf32, #tpu.memory_space<vmem>>) target(%dma_start3A_1576 : memref<16384x512xf32, #tpu.memory_space<hbm>>) offsets(%dma_start3A_1573 : memref<64xi32, #tpu.memory_space<vmem>>) semaphore(%arg14 : memref<!tpu.dma_semaphore, #tpu.memory_space<semaphore_mem>>)
    } else {
    }
    %broadcast_in_dim3A_437 = arith.constant 0.000000e+00 : f32
    %broadcast_in_dim3A_438 = vector.broadcast %broadcast_in_dim3A_437 : f32 to vector<16xf32>
    %scan3A = arith.constant 0 : i32
    %scan3A_439 = arith.constant 0 : i32
    %scan3A_440 = arith.constant 64 : i32
    %scan3A_441 = arith.addi %scan3A_439, %scan3A_440 : i32
    %scan3A_442 = arith.constant 1 : i32
    scf.for %scan3A_1406 = %scan3A_439 to %scan3A_441 step %scan3A_442  : i32 {
      %swap3A = arith.index_cast %scan3A_1406 : i32 to index
      %swap3A_1407 = arith.constant 0 : index
      %swap3A_1408 = tpu.vector_load %arg9[%swap3A, %swap3A_1407] {strides = array<i32>} : memref<64x512xf32, #tpu.memory_space<vmem>>, vector<16xf32>,
      tpu.vector_store %arg9[%swap3A, %swap3A_1407], %broadcast_in_dim3A_438 {strides = array<i32>} : memref<64x512xf32, #tpu.memory_space<vmem>>, vector<16xf32>,
      %swap3A_1409 = arith.index_cast %scan3A_1406 : i32 to index
      %swap3A_1410 = arith.constant 16 : index
      %swap3A_1411 = tpu.vector_load %arg9[%swap3A_1409, %swap3A_1410] {strides = array<i32>} : memref<64x512xf32, #tpu.memory_space<vmem>>, vector<16xf32>,
      tpu.vector_store %arg9[%swap3A_1409, %swap3A_1410], %broadcast_in_dim3A_438 {strides = array<i32>} : memref<64x512xf32, #tpu.memory_space<vmem>>, vector<16xf32>,
      %swap3A_1412 = arith.index_cast %scan3A_1406 : i32 to index
      %swap3A_1413 = arith.constant 32 : index
      %swap3A_1414 = tpu.vector_load %arg9[%swap3A_1412, %swap3A_1413] {strides = array<i32>} : memref<64x512xf32, #tpu.memory_space<vmem>>, vector<16xf32>,
      tpu.vector_store %arg9[%swap3A_1412, %swap3A_1413], %broadcast_in_dim3A_438 {strides = array<i32>} : memref<64x512xf32, #tpu.memory_space<vmem>>, vector<16xf32>,
      %swap3A_1415 = arith.index_cast %scan3A_1406 : i32 to index
      %swap3A_1416 = arith.constant 48 : index
      %swap3A_1417 = tpu.vector_load %arg9[%swap3A_1415, %swap3A_1416] {strides = array<i32>} : memref<64x512xf32, #tpu.memory_space<vmem>>, vector<16xf32>,
      tpu.vector_store %arg9[%swap3A_1415, %swap3A_1416], %broadcast_in_dim3A_438 {strides = array<i32>} : memref<64x512xf32, #tpu.memory_space<vmem>>, vector<16xf32>,
      %swap3A_1418 = arith.index_cast %scan3A_1406 : i32 to index
      %swap3A_1419 = arith.constant 64 : index
      %swap3A_1420 = tpu.vector_load %arg9[%swap3A_1418, %swap3A_1419] {strides = array<i32>} : memref<64x512xf32, #tpu.memory_space<vmem>>, vector<16xf32>,
      tpu.vector_store %arg9[%swap3A_1418, %swap3A_1419], %broadcast_in_dim3A_438 {strides = array<i32>} : memref<64x512xf32, #tpu.memory_space<vmem>>, vector<16xf32>,
      %swap3A_1421 = arith.index_cast %scan3A_1406 : i32 to index
      %swap3A_1422 = arith.constant 80 : index
      %swap3A_1423 = tpu.vector_load %arg9[%swap3A_1421, %swap3A_1422] {strides = array<i32>} : memref<64x512xf32, #tpu.memory_space<vmem>>, vector<16xf32>,
      tpu.vector_store %arg9[%swap3A_1421, %swap3A_1422], %broadcast_in_dim3A_438 {strides = array<i32>} : memref<64x512xf32, #tpu.memory_space<vmem>>, vector<16xf32>,
      %swap3A_1424 = arith.index_cast %scan3A_1406 : i32 to index
      %swap3A_1425 = arith.constant 96 : index
      %swap3A_1426 = tpu.vector_load %arg9[%swap3A_1424, %swap3A_1425] {strides = array<i32>} : memref<64x512xf32, #tpu.memory_space<vmem>>, vector<16xf32>,
      tpu.vector_store %arg9[%swap3A_1424, %swap3A_1425], %broadcast_in_dim3A_438 {strides = array<i32>} : memref<64x512xf32, #tpu.memory_space<vmem>>, vector<16xf32>,
      %swap3A_1427 = arith.index_cast %scan3A_1406 : i32 to index
      %swap3A_1428 = arith.constant 112 : index
      %swap3A_1429 = tpu.vector_load %arg9[%swap3A_1427, %swap3A_1428] {strides = array<i32>} : memref<64x512xf32, #tpu.memory_space<vmem>>, vector<16xf32>,
      tpu.vector_store %arg9[%swap3A_1427, %swap3A_1428], %broadcast_in_dim3A_438 {strides = array<i32>} : memref<64x512xf32, #tpu.memory_space<vmem>>, vector<16xf32>,
      %swap3A_1430 = arith.index_cast %scan3A_1406 : i32 to index
      %swap3A_1431 = arith.constant 128 : index
      %swap3A_1432 = tpu.vector_load %arg9[%swap3A_1430, %swap3A_1431] {strides = array<i32>} : memref<64x512xf32, #tpu.memory_space<vmem>>, vector<16xf32>,
      tpu.vector_store %arg9[%swap3A_1430, %swap3A_1431], %broadcast_in_dim3A_438 {strides = array<i32>} : memref<64x512xf32, #tpu.memory_space<vmem>>, vector<16xf32>,
      %swap3A_1433 = arith.index_cast %scan3A_1406 : i32 to index
      %swap3A_1434 = arith.constant 144 : index
      %swap3A_1435 = tpu.vector_load %arg9[%swap3A_1433, %swap3A_1434] {strides = array<i32>} : memref<64x512xf32, #tpu.memory_space<vmem>>, vector<16xf32>,
      tpu.vector_store %arg9[%swap3A_1433, %swap3A_1434], %broadcast_in_dim3A_438 {strides = array<i32>} : memref<64x512xf32, #tpu.memory_space<vmem>>, vector<16xf32>,
      %swap3A_1436 = arith.index_cast %scan3A_1406 : i32 to index
      %swap3A_1437 = arith.constant 160 : index
      %swap3A_1438 = tpu.vector_load %arg9[%swap3A_1436, %swap3A_1437] {strides = array<i32>} : memref<64x512xf32, #tpu.memory_space<vmem>>, vector<16xf32>,
      tpu.vector_store %arg9[%swap3A_1436, %swap3A_1437], %broadcast_in_dim3A_438 {strides = array<i32>} : memref<64x512xf32, #tpu.memory_space<vmem>>, vector<16xf32>,
      %swap3A_1439 = arith.index_cast %scan3A_1406 : i32 to index
      %swap3A_1440 = arith.constant 176 : index
      %swap3A_1441 = tpu.vector_load %arg9[%swap3A_1439, %swap3A_1440] {strides = array<i32>} : memref<64x512xf32, #tpu.memory_space<vmem>>, vector<16xf32>,
      tpu.vector_store %arg9[%swap3A_1439, %swap3A_1440], %broadcast_in_dim3A_438 {strides = array<i32>} : memref<64x512xf32, #tpu.memory_space<vmem>>, vector<16xf32>,
      %swap3A_1442 = arith.index_cast %scan3A_1406 : i32 to index
      %swap3A_1443 = arith.constant 192 : index
      %swap3A_1444 = tpu.vector_load %arg9[%swap3A_1442, %swap3A_1443] {strides = array<i32>} : memref<64x512xf32, #tpu.memory_space<vmem>>, vector<16xf32>,
      tpu.vector_store %arg9[%swap3A_1442, %swap3A_1443], %broadcast_in_dim3A_438 {strides = array<i32>} : memref<64x512xf32, #tpu.memory_space<vmem>>, vector<16xf32>,
      %swap3A_1445 = arith.index_cast %scan3A_1406 : i32 to index
      %swap3A_1446 = arith.constant 208 : index
      %swap3A_1447 = tpu.vector_load %arg9[%swap3A_1445, %swap3A_1446] {strides = array<i32>} : memref<64x512xf32, #tpu.memory_space<vmem>>, vector<16xf32>,
      tpu.vector_store %arg9[%swap3A_1445, %swap3A_1446], %broadcast_in_dim3A_438 {strides = array<i32>} : memref<64x512xf32, #tpu.memory_space<vmem>>, vector<16xf32>,
      %swap3A_1448 = arith.index_cast %scan3A_1406 : i32 to index
      %swap3A_1449 = arith.constant 224 : index
      %swap3A_1450 = tpu.vector_load %arg9[%swap3A_1448, %swap3A_1449] {strides = array<i32>} : memref<64x512xf32, #tpu.memory_space<vmem>>, vector<16xf32>,
      tpu.vector_store %arg9[%swap3A_1448, %swap3A_1449], %broadcast_in_dim3A_438 {strides = array<i32>} : memref<64x512xf32, #tpu.memory_space<vmem>>, vector<16xf32>,
      %swap3A_1451 = arith.index_cast %scan3A_1406 : i32 to index
      %swap3A_1452 = arith.constant 240 : index
      %swap3A_1453 = tpu.vector_load %arg9[%swap3A_1451, %swap3A_1452] {strides = array<i32>} : memref<64x512xf32, #tpu.memory_space<vmem>>, vector<16xf32>,
      tpu.vector_store %arg9[%swap3A_1451, %swap3A_1452], %broadcast_in_dim3A_438 {strides = array<i32>} : memref<64x512xf32, #tpu.memory_space<vmem>>, vector<16xf32>,
      %swap3A_1454 = arith.index_cast %scan3A_1406 : i32 to index
      %swap3A_1455 = arith.constant 256 : index
      %swap3A_1456 = tpu.vector_load %arg9[%swap3A_1454, %swap3A_1455] {strides = array<i32>} : memref<64x512xf32, #tpu.memory_space<vmem>>, vector<16xf32>,
      tpu.vector_store %arg9[%swap3A_1454, %swap3A_1455], %broadcast_in_dim3A_438 {strides = array<i32>} : memref<64x512xf32, #tpu.memory_space<vmem>>, vector<16xf32>,
      %swap3A_1457 = arith.index_cast %scan3A_1406 : i32 to index
      %swap3A_1458 = arith.constant 272 : index
      %swap3A_1459 = tpu.vector_load %arg9[%swap3A_1457, %swap3A_1458] {strides = array<i32>} : memref<64x512xf32, #tpu.memory_space<vmem>>, vector<16xf32>,
      tpu.vector_store %arg9[%swap3A_1457, %swap3A_1458], %broadcast_in_dim3A_438 {strides = array<i32>} : memref<64x512xf32, #tpu.memory_space<vmem>>, vector<16xf32>,
      %swap3A_1460 = arith.index_cast %scan3A_1406 : i32 to index
      %swap3A_1461 = arith.constant 288 : index
      %swap3A_1462 = tpu.vector_load %arg9[%swap3A_1460, %swap3A_1461] {strides = array<i32>} : memref<64x512xf32, #tpu.memory_space<vmem>>, vector<16xf32>,
      tpu.vector_store %arg9[%swap3A_1460, %swap3A_1461], %broadcast_in_dim3A_438 {strides = array<i32>} : memref<64x512xf32, #tpu.memory_space<vmem>>, vector<16xf32>,
      %swap3A_1463 = arith.index_cast %scan3A_1406 : i32 to index
      %swap3A_1464 = arith.constant 304 : index
      %swap3A_1465 = tpu.vector_load %arg9[%swap3A_1463, %swap3A_1464] {strides = array<i32>} : memref<64x512xf32, #tpu.memory_space<vmem>>, vector<16xf32>,
      tpu.vector_store %arg9[%swap3A_1463, %swap3A_1464], %broadcast_in_dim3A_438 {strides = array<i32>} : memref<64x512xf32, #tpu.memory_space<vmem>>, vector<16xf32>,
      %swap3A_1466 = arith.index_cast %scan3A_1406 : i32 to index
      %swap3A_1467 = arith.constant 320 : index
      %swap3A_1468 = tpu.vector_load %arg9[%swap3A_1466, %swap3A_1467] {strides = array<i32>} : memref<64x512xf32, #tpu.memory_space<vmem>>, vector<16xf32>,
      tpu.vector_store %arg9[%swap3A_1466, %swap3A_1467], %broadcast_in_dim3A_438 {strides = array<i32>} : memref<64x512xf32, #tpu.memory_space<vmem>>, vector<16xf32>,
      %swap3A_1469 = arith.index_cast %scan3A_1406 : i32 to index
      %swap3A_1470 = arith.constant 336 : index
      %swap3A_1471 = tpu.vector_load %arg9[%swap3A_1469, %swap3A_1470] {strides = array<i32>} : memref<64x512xf32, #tpu.memory_space<vmem>>, vector<16xf32>,
      tpu.vector_store %arg9[%swap3A_1469, %swap3A_1470], %broadcast_in_dim3A_438 {strides = array<i32>} : memref<64x512xf32, #tpu.memory_space<vmem>>, vector<16xf32>,
      %swap3A_1472 = arith.index_cast %scan3A_1406 : i32 to index
      %swap3A_1473 = arith.constant 352 : index
      %swap3A_1474 = tpu.vector_load %arg9[%swap3A_1472, %swap3A_1473] {strides = array<i32>} : memref<64x512xf32, #tpu.memory_space<vmem>>, vector<16xf32>,
      tpu.vector_store %arg9[%swap3A_1472, %swap3A_1473], %broadcast_in_dim3A_438 {strides = array<i32>} : memref<64x512xf32, #tpu.memory_space<vmem>>, vector<16xf32>,
      %swap3A_1475 = arith.index_cast %scan3A_1406 : i32 to index
      %swap3A_1476 = arith.constant 368 : index
      %swap3A_1477 = tpu.vector_load %arg9[%swap3A_1475, %swap3A_1476] {strides = array<i32>} : memref<64x512xf32, #tpu.memory_space<vmem>>, vector<16xf32>,
      tpu.vector_store %arg9[%swap3A_1475, %swap3A_1476], %broadcast_in_dim3A_438 {strides = array<i32>} : memref<64x512xf32, #tpu.memory_space<vmem>>, vector<16xf32>,
      %swap3A_1478 = arith.index_cast %scan3A_1406 : i32 to index
      %swap3A_1479 = arith.constant 384 : index
      %swap3A_1480 = tpu.vector_load %arg9[%swap3A_1478, %swap3A_1479] {strides = array<i32>} : memref<64x512xf32, #tpu.memory_space<vmem>>, vector<16xf32>,
      tpu.vector_store %arg9[%swap3A_1478, %swap3A_1479], %broadcast_in_dim3A_438 {strides = array<i32>} : memref<64x512xf32, #tpu.memory_space<vmem>>, vector<16xf32>,
      %swap3A_1481 = arith.index_cast %scan3A_1406 : i32 to index
      %swap3A_1482 = arith.constant 400 : index
      %swap3A_1483 = tpu.vector_load %arg9[%swap3A_1481, %swap3A_1482] {strides = array<i32>} : memref<64x512xf32, #tpu.memory_space<vmem>>, vector<16xf32>,
      tpu.vector_store %arg9[%swap3A_1481, %swap3A_1482], %broadcast_in_dim3A_438 {strides = array<i32>} : memref<64x512xf32, #tpu.memory_space<vmem>>, vector<16xf32>,
      %swap3A_1484 = arith.index_cast %scan3A_1406 : i32 to index
      %swap3A_1485 = arith.constant 416 : index
      %swap3A_1486 = tpu.vector_load %arg9[%swap3A_1484, %swap3A_1485] {strides = array<i32>} : memref<64x512xf32, #tpu.memory_space<vmem>>, vector<16xf32>,
      tpu.vector_store %arg9[%swap3A_1484, %swap3A_1485], %broadcast_in_dim3A_438 {strides = array<i32>} : memref<64x512xf32, #tpu.memory_space<vmem>>, vector<16xf32>,
      %swap3A_1487 = arith.index_cast %scan3A_1406 : i32 to index
      %swap3A_1488 = arith.constant 432 : index
      %swap3A_1489 = tpu.vector_load %arg9[%swap3A_1487, %swap3A_1488] {strides = array<i32>} : memref<64x512xf32, #tpu.memory_space<vmem>>, vector<16xf32>,
      tpu.vector_store %arg9[%swap3A_1487, %swap3A_1488], %broadcast_in_dim3A_438 {strides = array<i32>} : memref<64x512xf32, #tpu.memory_space<vmem>>, vector<16xf32>,
      %swap3A_1490 = arith.index_cast %scan3A_1406 : i32 to index
      %swap3A_1491 = arith.constant 448 : index
      %swap3A_1492 = tpu.vector_load %arg9[%swap3A_1490, %swap3A_1491] {strides = array<i32>} : memref<64x512xf32, #tpu.memory_space<vmem>>, vector<16xf32>,
      tpu.vector_store %arg9[%swap3A_1490, %swap3A_1491], %broadcast_in_dim3A_438 {strides = array<i32>} : memref<64x512xf32, #tpu.memory_space<vmem>>, vector<16xf32>,
      %swap3A_1493 = arith.index_cast %scan3A_1406 : i32 to index
      %swap3A_1494 = arith.constant 464 : index
      %swap3A_1495 = tpu.vector_load %arg9[%swap3A_1493, %swap3A_1494] {strides = array<i32>} : memref<64x512xf32, #tpu.memory_space<vmem>>, vector<16xf32>,
      tpu.vector_store %arg9[%swap3A_1493, %swap3A_1494], %broadcast_in_dim3A_438 {strides = array<i32>} : memref<64x512xf32, #tpu.memory_space<vmem>>, vector<16xf32>,
      %swap3A_1496 = arith.index_cast %scan3A_1406 : i32 to index
      %swap3A_1497 = arith.constant 480 : index
      %swap3A_1498 = tpu.vector_load %arg9[%swap3A_1496, %swap3A_1497] {strides = array<i32>} : memref<64x512xf32, #tpu.memory_space<vmem>>, vector<16xf32>,
      tpu.vector_store %arg9[%swap3A_1496, %swap3A_1497], %broadcast_in_dim3A_438 {strides = array<i32>} : memref<64x512xf32, #tpu.memory_space<vmem>>, vector<16xf32>,
      %swap3A_1499 = arith.index_cast %scan3A_1406 : i32 to index
      %swap3A_1500 = arith.constant 496 : index
      %swap3A_1501 = tpu.vector_load %arg9[%swap3A_1499, %swap3A_1500] {strides = array<i32>} : memref<64x512xf32, #tpu.memory_space<vmem>>, vector<16xf32>,
      tpu.vector_store %arg9[%swap3A_1499, %swap3A_1500], %broadcast_in_dim3A_438 {strides = array<i32>} : memref<64x512xf32, #tpu.memory_space<vmem>>, vector<16xf32>,
    }
    %scan3A_443 = arith.constant 64 : i32
    %add3A_444 = arith.constant 0 : i32
    %add3A_445 = arith.addi %multiple_of3A, %add3A_444 : i32
    %sub3A_446 = arith.constant 2048 : i32
    %sub3A_447 = arith.subi %sub3A_446, %reduce_max3A_48 : i32
    %ge3A_448 = arith.cmpi sge, %add3A_445, %sub3A_447 : i32
    %convert_element_type3A_449 = arith.extui %ge3A_448 : i1 to i32
    %add3A_450 = arith.constant 0 : i32
    %add3A_451 = arith.addi %add3A_450, %convert_element_type3A_449 : i32
    %add3A_452 = arith.constant 63 : i32
    %add3A_453 = arith.addi %add3A_445, %add3A_452 : i32
    %ge3A_454 = arith.cmpi sge, %add3A_453, %sub3A_447 : i32
    %convert_element_type3A_455 = arith.extui %ge3A_454 : i1 to i32
    %add3A_456 = arith.constant 0 : i32
    %add3A_457 = arith.addi %add3A_456, %convert_element_type3A_455 : i32
    %sub3A_458 = arith.constant 4096 : i32
    %sub3A_459 = arith.subi %sub3A_458, %reduce_max3A_62 : i32
    %ge3A_460 = arith.cmpi sge, %add3A_445, %sub3A_459 : i32
    %convert_element_type3A_461 = arith.extui %ge3A_460 : i1 to i32
    %add3A_462 = arith.addi %add3A_451, %convert_element_type3A_461 : i32
    %add3A_463 = arith.constant 63 : i32
    %add3A_464 = arith.addi %add3A_445, %add3A_463 : i32
    %ge3A_465 = arith.cmpi sge, %add3A_464, %sub3A_459 : i32
    %convert_element_type3A_466 = arith.extui %ge3A_465 : i1 to i32
    %add3A_467 = arith.addi %add3A_457, %convert_element_type3A_466 : i32
    %sub3A_468 = arith.constant 6144 : i32
    %sub3A_469 = arith.subi %sub3A_468, %reduce_max3A_76 : i32
    %ge3A_470 = arith.cmpi sge, %add3A_445, %sub3A_469 : i32
    %convert_element_type3A_471 = arith.extui %ge3A_470 : i1 to i32
    %add3A_472 = arith.addi %add3A_462, %convert_element_type3A_471 : i32
    %add3A_473 = arith.constant 63 : i32
    %add3A_474 = arith.addi %add3A_445, %add3A_473 : i32
    %ge3A_475 = arith.cmpi sge, %add3A_474, %sub3A_469 : i32
    %convert_element_type3A_476 = arith.extui %ge3A_475 : i1 to i32
    %add3A_477 = arith.addi %add3A_467, %convert_element_type3A_476 : i32
    %sub3A_478 = arith.constant 8192 : i32
    %sub3A_479 = arith.subi %sub3A_478, %reduce_max3A_90 : i32
    %ge3A_480 = arith.cmpi sge, %add3A_445, %sub3A_479 : i32
    %convert_element_type3A_481 = arith.extui %ge3A_480 : i1 to i32
    %add3A_482 = arith.addi %add3A_472, %convert_element_type3A_481 : i32
    %add3A_483 = arith.constant 63 : i32
    %add3A_484 = arith.addi %add3A_445, %add3A_483 : i32
    %ge3A_485 = arith.cmpi sge, %add3A_484, %sub3A_479 : i32
    %convert_element_type3A_486 = arith.extui %ge3A_485 : i1 to i32
    %add3A_487 = arith.addi %add3A_477, %convert_element_type3A_486 : i32
    %sub3A_488 = arith.constant 10240 : i32
    %sub3A_489 = arith.subi %sub3A_488, %reduce_max3A_104 : i32
    %ge3A_490 = arith.cmpi sge, %add3A_445, %sub3A_489 : i32
    %convert_element_type3A_491 = arith.extui %ge3A_490 : i1 to i32
    %add3A_492 = arith.addi %add3A_482, %convert_element_type3A_491 : i32
    %add3A_493 = arith.constant 63 : i32
    %add3A_494 = arith.addi %add3A_445, %add3A_493 : i32
    %ge3A_495 = arith.cmpi sge, %add3A_494, %sub3A_489 : i32
    %convert_element_type3A_496 = arith.extui %ge3A_495 : i1 to i32
    %add3A_497 = arith.addi %add3A_487, %convert_element_type3A_496 : i32
    %sub3A_498 = arith.constant 12288 : i32
    %sub3A_499 = arith.subi %sub3A_498, %reduce_max3A_118 : i32
    %ge3A_500 = arith.cmpi sge, %add3A_445, %sub3A_499 : i32
    %convert_element_type3A_501 = arith.extui %ge3A_500 : i1 to i32
    %add3A_502 = arith.addi %add3A_492, %convert_element_type3A_501 : i32
    %add3A_503 = arith.constant 63 : i32
    %add3A_504 = arith.addi %add3A_445, %add3A_503 : i32
    %ge3A_505 = arith.cmpi sge, %add3A_504, %sub3A_499 : i32
    %convert_element_type3A_506 = arith.extui %ge3A_505 : i1 to i32
    %add3A_507 = arith.addi %add3A_497, %convert_element_type3A_506 : i32
    %sub3A_508 = arith.constant 14336 : i32
    %sub3A_509 = arith.subi %sub3A_508, %reduce_max3A_132 : i32
    %ge3A_510 = arith.cmpi sge, %add3A_445, %sub3A_509 : i32
    %convert_element_type3A_511 = arith.extui %ge3A_510 : i1 to i32
    %add3A_512 = arith.addi %add3A_502, %convert_element_type3A_511 : i32
    %add3A_513 = arith.constant 63 : i32
    %add3A_514 = arith.addi %add3A_445, %add3A_513 : i32
    %ge3A_515 = arith.cmpi sge, %add3A_514, %sub3A_509 : i32
    %convert_element_type3A_516 = arith.extui %ge3A_515 : i1 to i32
    %add3A_517 = arith.addi %add3A_507, %convert_element_type3A_516 : i32
    %sub3A_518 = arith.constant 16384 : i32
    %sub3A_519 = arith.subi %sub3A_518, %reduce_max3A_146 : i32
    %ge3A_520 = arith.cmpi sge, %add3A_445, %sub3A_519 : i32
    %convert_element_type3A_521 = arith.extui %ge3A_520 : i1 to i32
    %add3A_522 = arith.addi %add3A_512, %convert_element_type3A_521 : i32
    %add3A_523 = arith.constant 63 : i32
    %add3A_524 = arith.addi %add3A_445, %add3A_523 : i32
    %ge3A_525 = arith.cmpi sge, %add3A_524, %sub3A_519 : i32
    %convert_element_type3A_526 = arith.extui %ge3A_525 : i1 to i32
    %add3A_527 = arith.addi %add3A_517, %convert_element_type3A_526 : i32
    %add3A_528 = arith.constant 1 : i32
    %add3A_529 = arith.addi %add3A_522, %add3A_528 : i32
    %eq3A_530 = arith.constant 1 : i32
    %eq3A_531 = arith.cmpi eq, %add3A_529, %eq3A_530 : i32
    %jit3A_532 = arith.constant 0 : i32
    %select_n3A_533 = arith.select %eq3A_531, %reduce_max3A_48, %jit3A_532 : i32
    %eq3A_534 = arith.constant 2 : i32
    %eq3A_535 = arith.cmpi eq, %add3A_529, %eq3A_534 : i32
    %select_n3A_536 = arith.select %eq3A_535, %reduce_max3A_62, %select_n3A_533 : i32
    %eq3A_537 = arith.constant 3 : i32
    %eq3A_538 = arith.cmpi eq, %add3A_529, %eq3A_537 : i32
    %select_n3A_539 = arith.select %eq3A_538, %reduce_max3A_76, %select_n3A_536 : i32
    %eq3A_540 = arith.constant 4 : i32
    %eq3A_541 = arith.cmpi eq, %add3A_529, %eq3A_540 : i32
    %select_n3A_542 = arith.select %eq3A_541, %reduce_max3A_90, %select_n3A_539 : i32
    %eq3A_543 = arith.constant 5 : i32
    %eq3A_544 = arith.cmpi eq, %add3A_529, %eq3A_543 : i32
    %select_n3A_545 = arith.select %eq3A_544, %reduce_max3A_104, %select_n3A_542 : i32
    %eq3A_546 = arith.constant 6 : i32
    %eq3A_547 = arith.cmpi eq, %add3A_529, %eq3A_546 : i32
    %select_n3A_548 = arith.select %eq3A_547, %reduce_max3A_118, %select_n3A_545 : i32
    %eq3A_549 = arith.constant 7 : i32
    %eq3A_550 = arith.cmpi eq, %add3A_529, %eq3A_549 : i32
    %select_n3A_551 = arith.select %eq3A_550, %reduce_max3A_132, %select_n3A_548 : i32
    %eq3A_552 = arith.constant 8 : i32
    %eq3A_553 = arith.cmpi eq, %add3A_529, %eq3A_552 : i32
    %select_n3A_554 = arith.select %eq3A_553, %reduce_max3A_146, %select_n3A_551 : i32
    %eq3A_555 = arith.constant 9 : i32
    %eq3A_556 = arith.cmpi eq, %add3A_529, %eq3A_555 : i32
    %select_n3A_557 = arith.select %eq3A_556, %reduce_max3A_146, %select_n3A_554 : i32
    %add3A_558 = arith.addi %add3A_445, %select_n3A_557 : i32
    %eq3A_559 = arith.cmpi eq, %add3A_522, %add3A_527 : i32
    %jit3A_560 = arith.constant 8 : i32
    %eq3A_561 = arith.constant 0 : i32
    %eq3A_562 = arith.cmpi eq, %jit3A_560, %eq3A_561 : i32
    %jit3A_563 = arith.constant 1 : i32
    %select_n3A_564 = arith.select %eq3A_562, %jit3A_563, %jit3A_560 : i32
    %rem3A_565 = arith.remsi %add3A_558, %select_n3A_564 : i32
    %ne3A_566 = arith.constant 0 : i32
    %ne3A_567 = arith.cmpi ne, %rem3A_565, %ne3A_566 : i32
    %lt3A_568 = arith.constant 0 : i32
    %lt3A_569 = arith.cmpi slt, %rem3A_565, %lt3A_568 : i32
    %lt3A_570 = arith.constant 0 : i32
    %lt3A_571 = arith.cmpi slt, %select_n3A_564, %lt3A_570 : i32
    %ne3A_572 = arith.xori %lt3A_569, %lt3A_571 : i1
    %and3A_573 = arith.andi %ne3A_572, %ne3A_567 : i1
    %add3A_574 = arith.addi %rem3A_565, %select_n3A_564 : i32
    %select_n3A_575 = arith.select %and3A_573, %add3A_574, %rem3A_565 : i32
    %eq3A_576 = arith.constant 0 : i32
    %eq3A_577 = arith.cmpi eq, %select_n3A_575, %eq3A_576 : i32
    %and3A_578 = arith.andi %eq3A_559, %eq3A_577 : i1
    %convert_element_type3A_579 = arith.extui %and3A_578 : i1 to i32
    %cond3A_580 = arith.constant 0 : i32
    %cond3A_581 = arith.cmpi ne, %convert_element_type3A_579, %cond3A_580 : i32
    scf.if %cond3A_581 {
      %multiple_of3A_1406 = tpu.assume_multiple %add3A_558, 8 : i32
      %dma_start3A_1407 = arith.constant 0 : i32
      %dma_start3A_1408 = tpu.memref_slice %arg4[%multiple_of3A_1406, %dma_start3A_1407] : memref<16384x512xf32, #tpu.memory_space<hbm>> -> memref<64x512xf32, #tpu.memory_space<hbm>>
      %dma_start3A_1409 = arith.constant 0 : i32
      %dma_start3A_1410 = tpu.memref_slice %arg4[%multiple_of3A_1406, %dma_start3A_1409] : memref<16384x512xf32, #tpu.memory_space<hbm>> -> memref<64x512xf32, #tpu.memory_space<hbm>>
      tpu.enqueue_dma source(%arg9 : memref<64x512xf32, #tpu.memory_space<vmem>>) target(%dma_start3A_1410 : memref<64x512xf32, #tpu.memory_space<hbm>>) target_semaphore(%arg15 : memref<!tpu.dma_semaphore, #tpu.memory_space<semaphore_mem>>)
    } else {
    }
    %not3A_582 = arith.constant true
    %not3A_583 = arith.xori %and3A_578, %not3A_582 : i1
    %convert_element_type3A_584 = arith.extui %not3A_583 : i1 to i32
    %cond3A_585 = arith.constant 0 : i32
    %cond3A_586 = arith.cmpi ne, %convert_element_type3A_584, %cond3A_585 : i32
    scf.if %cond3A_586 {
      %add3A_1406 = arith.constant 0 : i32
      %add3A_1407 = arith.addi %add3A_445, %add3A_1406 : i32
      %add3A_1408 = vector.broadcast %add3A_1407 : i32 to vector<16xi32>
      %add3A_1409 = arith.addi %add3A_1408, %iota3A : vector<16xi32>
      %broadcast_in_dim3A_1410 = arith.constant 0 : i32
      %broadcast_in_dim3A_1411 = vector.broadcast %broadcast_in_dim3A_1410 : i32 to vector<16xi32>
      %sub3A_1412 = arith.constant 2048 : i32
      %sub3A_1413 = vector.broadcast %sub3A_1412 : i32 to vector<16xi32>
      %sub3A_1414 = arith.subi %sub3A_1413, %gather3A : vector<16xi32>
      %ge3A_1415 = arith.cmpi sge, %add3A_1409, %sub3A_1414 : vector<16xi32>
      %convert_element_type3A_1416 = arith.extui %ge3A_1415 : vector<16xi1> to vector<16xi32>
      %add3A_1417 = arith.addi %broadcast_in_dim3A_1411, %convert_element_type3A_1416 : vector<16xi32>
      %sub3A_1418 = arith.constant 4096 : i32
      %sub3A_1419 = vector.broadcast %sub3A_1418 : i32 to vector<16xi32>
      %sub3A_1420 = arith.subi %sub3A_1419, %gather3A_151 : vector<16xi32>
      %ge3A_1421 = arith.cmpi sge, %add3A_1409, %sub3A_1420 : vector<16xi32>
      %convert_element_type3A_1422 = arith.extui %ge3A_1421 : vector<16xi1> to vector<16xi32>
      %add3A_1423 = arith.addi %add3A_1417, %convert_element_type3A_1422 : vector<16xi32>
      %sub3A_1424 = arith.constant 6144 : i32
      %sub3A_1425 = vector.broadcast %sub3A_1424 : i32 to vector<16xi32>
      %sub3A_1426 = arith.subi %sub3A_1425, %gather3A_154 : vector<16xi32>
      %ge3A_1427 = arith.cmpi sge, %add3A_1409, %sub3A_1426 : vector<16xi32>
      %convert_element_type3A_1428 = arith.extui %ge3A_1427 : vector<16xi1> to vector<16xi32>
      %add3A_1429 = arith.addi %add3A_1423, %convert_element_type3A_1428 : vector<16xi32>
      %sub3A_1430 = arith.constant 8192 : i32
      %sub3A_1431 = vector.broadcast %sub3A_1430 : i32 to vector<16xi32>
      %sub3A_1432 = arith.subi %sub3A_1431, %gather3A_157 : vector<16xi32>
      %ge3A_1433 = arith.cmpi sge, %add3A_1409, %sub3A_1432 : vector<16xi32>
      %convert_element_type3A_1434 = arith.extui %ge3A_1433 : vector<16xi1> to vector<16xi32>
      %add3A_1435 = arith.addi %add3A_1429, %convert_element_type3A_1434 : vector<16xi32>
      %sub3A_1436 = arith.constant 10240 : i32
      %sub3A_1437 = vector.broadcast %sub3A_1436 : i32 to vector<16xi32>
      %sub3A_1438 = arith.subi %sub3A_1437, %gather3A_160 : vector<16xi32>
      %ge3A_1439 = arith.cmpi sge, %add3A_1409, %sub3A_1438 : vector<16xi32>
      %convert_element_type3A_1440 = arith.extui %ge3A_1439 : vector<16xi1> to vector<16xi32>
      %add3A_1441 = arith.addi %add3A_1435, %convert_element_type3A_1440 : vector<16xi32>
      %sub3A_1442 = arith.constant 12288 : i32
      %sub3A_1443 = vector.broadcast %sub3A_1442 : i32 to vector<16xi32>
      %sub3A_1444 = arith.subi %sub3A_1443, %gather3A_163 : vector<16xi32>
      %ge3A_1445 = arith.cmpi sge, %add3A_1409, %sub3A_1444 : vector<16xi32>
      %convert_element_type3A_1446 = arith.extui %ge3A_1445 : vector<16xi1> to vector<16xi32>
      %add3A_1447 = arith.addi %add3A_1441, %convert_element_type3A_1446 : vector<16xi32>
      %sub3A_1448 = arith.constant 14336 : i32
      %sub3A_1449 = vector.broadcast %sub3A_1448 : i32 to vector<16xi32>
      %sub3A_1450 = arith.subi %sub3A_1449, %gather3A_166 : vector<16xi32>
      %ge3A_1451 = arith.cmpi sge, %add3A_1409, %sub3A_1450 : vector<16xi32>
      %convert_element_type3A_1452 = arith.extui %ge3A_1451 : vector<16xi1> to vector<16xi32>
      %add3A_1453 = arith.addi %add3A_1447, %convert_element_type3A_1452 : vector<16xi32>
      %sub3A_1454 = arith.constant 16384 : i32
      %sub3A_1455 = vector.broadcast %sub3A_1454 : i32 to vector<16xi32>
      %sub3A_1456 = arith.subi %sub3A_1455, %gather3A_169 : vector<16xi32>
      %ge3A_1457 = arith.cmpi sge, %add3A_1409, %sub3A_1456 : vector<16xi32>
      %convert_element_type3A_1458 = arith.extui %ge3A_1457 : vector<16xi1> to vector<16xi32>
      %add3A_1459 = arith.addi %add3A_1453, %convert_element_type3A_1458 : vector<16xi32>
      %add3A_1460 = arith.constant 1 : i32
      %add3A_1461 = vector.broadcast %add3A_1460 : i32 to vector<16xi32>
      %add3A_1462 = arith.addi %add3A_1459, %add3A_1461 : vector<16xi32>
      %gather3A_1463 = tpu.vector_load_idx %arg5[%add3A_1462] : memref<16xi32, #tpu.memory_space<vmem>>[vector<16xi32>], vector<16xi32>,
      %add3A_1464 = arith.addi %gather3A_1463, %add3A_1409 : vector<16xi32>
      %swap3A = arith.constant 0 : i32
      %swap3A_1465 = arith.index_cast %swap3A : i32 to index
      %swap3A_1466 = arith.constant 0 : index
      %swap3A_1467 = tpu.vector_load %arg7[%swap3A_1465, %swap3A_1466] {strides = array<i32>} : memref<4x64xi32, #tpu.memory_space<vmem>>, vector<16xi32>,
      tpu.vector_store %arg7[%swap3A_1465, %swap3A_1466], %add3A_1464 {strides = array<i32>} : memref<4x64xi32, #tpu.memory_space<vmem>>, vector<16xi32>,
      %add3A_1468 = arith.constant 16 : i32
      %add3A_1469 = arith.addi %add3A_445, %add3A_1468 : i32
      %add3A_1470 = vector.broadcast %add3A_1469 : i32 to vector<16xi32>
      %add3A_1471 = arith.addi %add3A_1470, %iota3A : vector<16xi32>
      %broadcast_in_dim3A_1472 = arith.constant 0 : i32
      %broadcast_in_dim3A_1473 = vector.broadcast %broadcast_in_dim3A_1472 : i32 to vector<16xi32>
      %sub3A_1474 = arith.constant 2048 : i32
      %sub3A_1475 = vector.broadcast %sub3A_1474 : i32 to vector<16xi32>
      %sub3A_1476 = arith.subi %sub3A_1475, %gather3A : vector<16xi32>
      %ge3A_1477 = arith.cmpi sge, %add3A_1471, %sub3A_1476 : vector<16xi32>
      %convert_element_type3A_1478 = arith.extui %ge3A_1477 : vector<16xi1> to vector<16xi32>
      %add3A_1479 = arith.addi %broadcast_in_dim3A_1473, %convert_element_type3A_1478 : vector<16xi32>
      %sub3A_1480 = arith.constant 4096 : i32
      %sub3A_1481 = vector.broadcast %sub3A_1480 : i32 to vector<16xi32>
      %sub3A_1482 = arith.subi %sub3A_1481, %gather3A_151 : vector<16xi32>
      %ge3A_1483 = arith.cmpi sge, %add3A_1471, %sub3A_1482 : vector<16xi32>
      %convert_element_type3A_1484 = arith.extui %ge3A_1483 : vector<16xi1> to vector<16xi32>
      %add3A_1485 = arith.addi %add3A_1479, %convert_element_type3A_1484 : vector<16xi32>
      %sub3A_1486 = arith.constant 6144 : i32
      %sub3A_1487 = vector.broadcast %sub3A_1486 : i32 to vector<16xi32>
      %sub3A_1488 = arith.subi %sub3A_1487, %gather3A_154 : vector<16xi32>
      %ge3A_1489 = arith.cmpi sge, %add3A_1471, %sub3A_1488 : vector<16xi32>
      %convert_element_type3A_1490 = arith.extui %ge3A_1489 : vector<16xi1> to vector<16xi32>
      %add3A_1491 = arith.addi %add3A_1485, %convert_element_type3A_1490 : vector<16xi32>
      %sub3A_1492 = arith.constant 8192 : i32
      %sub3A_1493 = vector.broadcast %sub3A_1492 : i32 to vector<16xi32>
      %sub3A_1494 = arith.subi %sub3A_1493, %gather3A_157 : vector<16xi32>
      %ge3A_1495 = arith.cmpi sge, %add3A_1471, %sub3A_1494 : vector<16xi32>
      %convert_element_type3A_1496 = arith.extui %ge3A_1495 : vector<16xi1> to vector<16xi32>
      %add3A_1497 = arith.addi %add3A_1491, %convert_element_type3A_1496 : vector<16xi32>
      %sub3A_1498 = arith.constant 10240 : i32
      %sub3A_1499 = vector.broadcast %sub3A_1498 : i32 to vector<16xi32>
      %sub3A_1500 = arith.subi %sub3A_1499, %gather3A_160 : vector<16xi32>
      %ge3A_1501 = arith.cmpi sge, %add3A_1471, %sub3A_1500 : vector<16xi32>
      %convert_element_type3A_1502 = arith.extui %ge3A_1501 : vector<16xi1> to vector<16xi32>
      %add3A_1503 = arith.addi %add3A_1497, %convert_element_type3A_1502 : vector<16xi32>
      %sub3A_1504 = arith.constant 12288 : i32
      %sub3A_1505 = vector.broadcast %sub3A_1504 : i32 to vector<16xi32>
      %sub3A_1506 = arith.subi %sub3A_1505, %gather3A_163 : vector<16xi32>
      %ge3A_1507 = arith.cmpi sge, %add3A_1471, %sub3A_1506 : vector<16xi32>
      %convert_element_type3A_1508 = arith.extui %ge3A_1507 : vector<16xi1> to vector<16xi32>
      %add3A_1509 = arith.addi %add3A_1503, %convert_element_type3A_1508 : vector<16xi32>
      %sub3A_1510 = arith.constant 14336 : i32
      %sub3A_1511 = vector.broadcast %sub3A_1510 : i32 to vector<16xi32>
      %sub3A_1512 = arith.subi %sub3A_1511, %gather3A_166 : vector<16xi32>
      %ge3A_1513 = arith.cmpi sge, %add3A_1471, %sub3A_1512 : vector<16xi32>
      %convert_element_type3A_1514 = arith.extui %ge3A_1513 : vector<16xi1> to vector<16xi32>
      %add3A_1515 = arith.addi %add3A_1509, %convert_element_type3A_1514 : vector<16xi32>
      %sub3A_1516 = arith.constant 16384 : i32
      %sub3A_1517 = vector.broadcast %sub3A_1516 : i32 to vector<16xi32>
      %sub3A_1518 = arith.subi %sub3A_1517, %gather3A_169 : vector<16xi32>
      %ge3A_1519 = arith.cmpi sge, %add3A_1471, %sub3A_1518 : vector<16xi32>
      %convert_element_type3A_1520 = arith.extui %ge3A_1519 : vector<16xi1> to vector<16xi32>
      %add3A_1521 = arith.addi %add3A_1515, %convert_element_type3A_1520 : vector<16xi32>
      %add3A_1522 = arith.constant 1 : i32
      %add3A_1523 = vector.broadcast %add3A_1522 : i32 to vector<16xi32>
      %add3A_1524 = arith.addi %add3A_1521, %add3A_1523 : vector<16xi32>
      %gather3A_1525 = tpu.vector_load_idx %arg5[%add3A_1524] : memref<16xi32, #tpu.memory_space<vmem>>[vector<16xi32>], vector<16xi32>,
      %add3A_1526 = arith.addi %gather3A_1525, %add3A_1471 : vector<16xi32>
      %swap3A_1527 = arith.constant 0 : i32
      %swap3A_1528 = arith.index_cast %swap3A_1527 : i32 to index
      %swap3A_1529 = arith.constant 16 : index
      %swap3A_1530 = tpu.vector_load %arg7[%swap3A_1528, %swap3A_1529] {strides = array<i32>} : memref<4x64xi32, #tpu.memory_space<vmem>>, vector<16xi32>,
      tpu.vector_store %arg7[%swap3A_1528, %swap3A_1529], %add3A_1526 {strides = array<i32>} : memref<4x64xi32, #tpu.memory_space<vmem>>, vector<16xi32>,
      %add3A_1531 = arith.constant 32 : i32
      %add3A_1532 = arith.addi %add3A_445, %add3A_1531 : i32
      %add3A_1533 = vector.broadcast %add3A_1532 : i32 to vector<16xi32>
      %add3A_1534 = arith.addi %add3A_1533, %iota3A : vector<16xi32>
      %broadcast_in_dim3A_1535 = arith.constant 0 : i32
      %broadcast_in_dim3A_1536 = vector.broadcast %broadcast_in_dim3A_1535 : i32 to vector<16xi32>
      %sub3A_1537 = arith.constant 2048 : i32
      %sub3A_1538 = vector.broadcast %sub3A_1537 : i32 to vector<16xi32>
      %sub3A_1539 = arith.subi %sub3A_1538, %gather3A : vector<16xi32>
      %ge3A_1540 = arith.cmpi sge, %add3A_1534, %sub3A_1539 : vector<16xi32>
      %convert_element_type3A_1541 = arith.extui %ge3A_1540 : vector<16xi1> to vector<16xi32>
      %add3A_1542 = arith.addi %broadcast_in_dim3A_1536, %convert_element_type3A_1541 : vector<16xi32>
      %sub3A_1543 = arith.constant 4096 : i32
      %sub3A_1544 = vector.broadcast %sub3A_1543 : i32 to vector<16xi32>
      %sub3A_1545 = arith.subi %sub3A_1544, %gather3A_151 : vector<16xi32>
      %ge3A_1546 = arith.cmpi sge, %add3A_1534, %sub3A_1545 : vector<16xi32>
      %convert_element_type3A_1547 = arith.extui %ge3A_1546 : vector<16xi1> to vector<16xi32>
      %add3A_1548 = arith.addi %add3A_1542, %convert_element_type3A_1547 : vector<16xi32>
      %sub3A_1549 = arith.constant 6144 : i32
      %sub3A_1550 = vector.broadcast %sub3A_1549 : i32 to vector<16xi32>
      %sub3A_1551 = arith.subi %sub3A_1550, %gather3A_154 : vector<16xi32>
      %ge3A_1552 = arith.cmpi sge, %add3A_1534, %sub3A_1551 : vector<16xi32>
      %convert_element_type3A_1553 = arith.extui %ge3A_1552 : vector<16xi1> to vector<16xi32>
      %add3A_1554 = arith.addi %add3A_1548, %convert_element_type3A_1553 : vector<16xi32>
      %sub3A_1555 = arith.constant 8192 : i32
      %sub3A_1556 = vector.broadcast %sub3A_1555 : i32 to vector<16xi32>
      %sub3A_1557 = arith.subi %sub3A_1556, %gather3A_157 : vector<16xi32>
      %ge3A_1558 = arith.cmpi sge, %add3A_1534, %sub3A_1557 : vector<16xi32>
      %convert_element_type3A_1559 = arith.extui %ge3A_1558 : vector<16xi1> to vector<16xi32>
      %add3A_1560 = arith.addi %add3A_1554, %convert_element_type3A_1559 : vector<16xi32>
      %sub3A_1561 = arith.constant 10240 : i32
      %sub3A_1562 = vector.broadcast %sub3A_1561 : i32 to vector<16xi32>
      %sub3A_1563 = arith.subi %sub3A_1562, %gather3A_160 : vector<16xi32>
      %ge3A_1564 = arith.cmpi sge, %add3A_1534, %sub3A_1563 : vector<16xi32>
      %convert_element_type3A_1565 = arith.extui %ge3A_1564 : vector<16xi1> to vector<16xi32>
      %add3A_1566 = arith.addi %add3A_1560, %convert_element_type3A_1565 : vector<16xi32>
      %sub3A_1567 = arith.constant 12288 : i32
      %sub3A_1568 = vector.broadcast %sub3A_1567 : i32 to vector<16xi32>
      %sub3A_1569 = arith.subi %sub3A_1568, %gather3A_163 : vector<16xi32>
      %ge3A_1570 = arith.cmpi sge, %add3A_1534, %sub3A_1569 : vector<16xi32>
      %convert_element_type3A_1571 = arith.extui %ge3A_1570 : vector<16xi1> to vector<16xi32>
      %add3A_1572 = arith.addi %add3A_1566, %convert_element_type3A_1571 : vector<16xi32>
      %sub3A_1573 = arith.constant 14336 : i32
      %sub3A_1574 = vector.broadcast %sub3A_1573 : i32 to vector<16xi32>
      %sub3A_1575 = arith.subi %sub3A_1574, %gather3A_166 : vector<16xi32>
      %ge3A_1576 = arith.cmpi sge, %add3A_1534, %sub3A_1575 : vector<16xi32>
      %convert_element_type3A_1577 = arith.extui %ge3A_1576 : vector<16xi1> to vector<16xi32>
      %add3A_1578 = arith.addi %add3A_1572, %convert_element_type3A_1577 : vector<16xi32>
      %sub3A_1579 = arith.constant 16384 : i32
      %sub3A_1580 = vector.broadcast %sub3A_1579 : i32 to vector<16xi32>
      %sub3A_1581 = arith.subi %sub3A_1580, %gather3A_169 : vector<16xi32>
      %ge3A_1582 = arith.cmpi sge, %add3A_1534, %sub3A_1581 : vector<16xi32>
      %convert_element_type3A_1583 = arith.extui %ge3A_1582 : vector<16xi1> to vector<16xi32>
      %add3A_1584 = arith.addi %add3A_1578, %convert_element_type3A_1583 : vector<16xi32>
      %add3A_1585 = arith.constant 1 : i32
      %add3A_1586 = vector.broadcast %add3A_1585 : i32 to vector<16xi32>
      %add3A_1587 = arith.addi %add3A_1584, %add3A_1586 : vector<16xi32>
      %gather3A_1588 = tpu.vector_load_idx %arg5[%add3A_1587] : memref<16xi32, #tpu.memory_space<vmem>>[vector<16xi32>], vector<16xi32>,
      %add3A_1589 = arith.addi %gather3A_1588, %add3A_1534 : vector<16xi32>
      %swap3A_1590 = arith.constant 0 : i32
      %swap3A_1591 = arith.index_cast %swap3A_1590 : i32 to index
      %swap3A_1592 = arith.constant 32 : index
      %swap3A_1593 = tpu.vector_load %arg7[%swap3A_1591, %swap3A_1592] {strides = array<i32>} : memref<4x64xi32, #tpu.memory_space<vmem>>, vector<16xi32>,
      tpu.vector_store %arg7[%swap3A_1591, %swap3A_1592], %add3A_1589 {strides = array<i32>} : memref<4x64xi32, #tpu.memory_space<vmem>>, vector<16xi32>,
      %add3A_1594 = arith.constant 48 : i32
      %add3A_1595 = arith.addi %add3A_445, %add3A_1594 : i32
      %add3A_1596 = vector.broadcast %add3A_1595 : i32 to vector<16xi32>
      %add3A_1597 = arith.addi %add3A_1596, %iota3A : vector<16xi32>
      %broadcast_in_dim3A_1598 = arith.constant 0 : i32
      %broadcast_in_dim3A_1599 = vector.broadcast %broadcast_in_dim3A_1598 : i32 to vector<16xi32>
      %sub3A_1600 = arith.constant 2048 : i32
      %sub3A_1601 = vector.broadcast %sub3A_1600 : i32 to vector<16xi32>
      %sub3A_1602 = arith.subi %sub3A_1601, %gather3A : vector<16xi32>
      %ge3A_1603 = arith.cmpi sge, %add3A_1597, %sub3A_1602 : vector<16xi32>
      %convert_element_type3A_1604 = arith.extui %ge3A_1603 : vector<16xi1> to vector<16xi32>
      %add3A_1605 = arith.addi %broadcast_in_dim3A_1599, %convert_element_type3A_1604 : vector<16xi32>
      %sub3A_1606 = arith.constant 4096 : i32
      %sub3A_1607 = vector.broadcast %sub3A_1606 : i32 to vector<16xi32>
      %sub3A_1608 = arith.subi %sub3A_1607, %gather3A_151 : vector<16xi32>
      %ge3A_1609 = arith.cmpi sge, %add3A_1597, %sub3A_1608 : vector<16xi32>
      %convert_element_type3A_1610 = arith.extui %ge3A_1609 : vector<16xi1> to vector<16xi32>
      %add3A_1611 = arith.addi %add3A_1605, %convert_element_type3A_1610 : vector<16xi32>
      %sub3A_1612 = arith.constant 6144 : i32
      %sub3A_1613 = vector.broadcast %sub3A_1612 : i32 to vector<16xi32>
      %sub3A_1614 = arith.subi %sub3A_1613, %gather3A_154 : vector<16xi32>
      %ge3A_1615 = arith.cmpi sge, %add3A_1597, %sub3A_1614 : vector<16xi32>
      %convert_element_type3A_1616 = arith.extui %ge3A_1615 : vector<16xi1> to vector<16xi32>
      %add3A_1617 = arith.addi %add3A_1611, %convert_element_type3A_1616 : vector<16xi32>
      %sub3A_1618 = arith.constant 8192 : i32
      %sub3A_1619 = vector.broadcast %sub3A_1618 : i32 to vector<16xi32>
      %sub3A_1620 = arith.subi %sub3A_1619, %gather3A_157 : vector<16xi32>
      %ge3A_1621 = arith.cmpi sge, %add3A_1597, %sub3A_1620 : vector<16xi32>
      %convert_element_type3A_1622 = arith.extui %ge3A_1621 : vector<16xi1> to vector<16xi32>
      %add3A_1623 = arith.addi %add3A_1617, %convert_element_type3A_1622 : vector<16xi32>
      %sub3A_1624 = arith.constant 10240 : i32
      %sub3A_1625 = vector.broadcast %sub3A_1624 : i32 to vector<16xi32>
      %sub3A_1626 = arith.subi %sub3A_1625, %gather3A_160 : vector<16xi32>
      %ge3A_1627 = arith.cmpi sge, %add3A_1597, %sub3A_1626 : vector<16xi32>
      %convert_element_type3A_1628 = arith.extui %ge3A_1627 : vector<16xi1> to vector<16xi32>
      %add3A_1629 = arith.addi %add3A_1623, %convert_element_type3A_1628 : vector<16xi32>
      %sub3A_1630 = arith.constant 12288 : i32
      %sub3A_1631 = vector.broadcast %sub3A_1630 : i32 to vector<16xi32>
      %sub3A_1632 = arith.subi %sub3A_1631, %gather3A_163 : vector<16xi32>
      %ge3A_1633 = arith.cmpi sge, %add3A_1597, %sub3A_1632 : vector<16xi32>
      %convert_element_type3A_1634 = arith.extui %ge3A_1633 : vector<16xi1> to vector<16xi32>
      %add3A_1635 = arith.addi %add3A_1629, %convert_element_type3A_1634 : vector<16xi32>
      %sub3A_1636 = arith.constant 14336 : i32
      %sub3A_1637 = vector.broadcast %sub3A_1636 : i32 to vector<16xi32>
      %sub3A_1638 = arith.subi %sub3A_1637, %gather3A_166 : vector<16xi32>
      %ge3A_1639 = arith.cmpi sge, %add3A_1597, %sub3A_1638 : vector<16xi32>
      %convert_element_type3A_1640 = arith.extui %ge3A_1639 : vector<16xi1> to vector<16xi32>
      %add3A_1641 = arith.addi %add3A_1635, %convert_element_type3A_1640 : vector<16xi32>
      %sub3A_1642 = arith.constant 16384 : i32
      %sub3A_1643 = vector.broadcast %sub3A_1642 : i32 to vector<16xi32>
      %sub3A_1644 = arith.subi %sub3A_1643, %gather3A_169 : vector<16xi32>
      %ge3A_1645 = arith.cmpi sge, %add3A_1597, %sub3A_1644 : vector<16xi32>
      %convert_element_type3A_1646 = arith.extui %ge3A_1645 : vector<16xi1> to vector<16xi32>
      %add3A_1647 = arith.addi %add3A_1641, %convert_element_type3A_1646 : vector<16xi32>
      %add3A_1648 = arith.constant 1 : i32
      %add3A_1649 = vector.broadcast %add3A_1648 : i32 to vector<16xi32>
      %add3A_1650 = arith.addi %add3A_1647, %add3A_1649 : vector<16xi32>
      %gather3A_1651 = tpu.vector_load_idx %arg5[%add3A_1650] : memref<16xi32, #tpu.memory_space<vmem>>[vector<16xi32>], vector<16xi32>,
      %add3A_1652 = arith.addi %gather3A_1651, %add3A_1597 : vector<16xi32>
      %swap3A_1653 = arith.constant 0 : i32
      %swap3A_1654 = arith.index_cast %swap3A_1653 : i32 to index
      %swap3A_1655 = arith.constant 48 : index
      %swap3A_1656 = tpu.vector_load %arg7[%swap3A_1654, %swap3A_1655] {strides = array<i32>} : memref<4x64xi32, #tpu.memory_space<vmem>>, vector<16xi32>,
      tpu.vector_store %arg7[%swap3A_1654, %swap3A_1655], %add3A_1652 {strides = array<i32>} : memref<4x64xi32, #tpu.memory_space<vmem>>, vector<16xi32>,
      %dma_start3A_1657 = arith.constant 0 : i32
      %dma_start3A_1658 = arith.constant 0 : i32
      %dma_start3A_1659 = tpu.memref_slice %arg7[%dma_start3A_1657, %dma_start3A_1658] : memref<4x64xi32, #tpu.memory_space<vmem>> -> memref<1x64xi32, #tpu.memory_space<vmem>>
      %dma_start3A_1660 = tpu.memref_squeeze %dma_start3A_1659 : memref<1x64xi32, #tpu.memory_space<vmem>> -> memref<64xi32, #tpu.memory_space<vmem>>
      %dma_start3A_1661 = arith.constant 0 : i32
      %dma_start3A_1662 = arith.constant 0 : i32
      %dma_start3A_1663 = tpu.memref_slice %arg4[%dma_start3A_1661, %dma_start3A_1662] : memref<16384x512xf32, #tpu.memory_space<hbm>> -> memref<16384x512xf32, #tpu.memory_space<hbm>>
      tpu.enqueue_indirect_dma source(%arg9 : memref<64x512xf32, #tpu.memory_space<vmem>>) target(%dma_start3A_1663 : memref<16384x512xf32, #tpu.memory_space<hbm>>) offsets(%dma_start3A_1660 : memref<64xi32, #tpu.memory_space<vmem>>) semaphore(%arg15 : memref<!tpu.dma_semaphore, #tpu.memory_space<semaphore_mem>>)
    } else {
    }
    %add3A_587 = arith.constant 64 : i32
    %add3A_588 = arith.addi %multiple_of3A, %add3A_587 : i32
    %sub3A_589 = arith.constant 2048 : i32
    %sub3A_590 = arith.subi %sub3A_589, %reduce_max3A_48 : i32
    %ge3A_591 = arith.cmpi sge, %add3A_588, %sub3A_590 : i32
    %convert_element_type3A_592 = arith.extui %ge3A_591 : i1 to i32
    %add3A_593 = arith.constant 0 : i32
    %add3A_594 = arith.addi %add3A_593, %convert_element_type3A_592 : i32
    %add3A_595 = arith.constant 63 : i32
    %add3A_596 = arith.addi %add3A_588, %add3A_595 : i32
    %ge3A_597 = arith.cmpi sge, %add3A_596, %sub3A_590 : i32
    %convert_element_type3A_598 = arith.extui %ge3A_597 : i1 to i32
    %add3A_599 = arith.constant 0 : i32
    %add3A_600 = arith.addi %add3A_599, %convert_element_type3A_598 : i32
    %sub3A_601 = arith.constant 4096 : i32
    %sub3A_602 = arith.subi %sub3A_601, %reduce_max3A_62 : i32
    %ge3A_603 = arith.cmpi sge, %add3A_588, %sub3A_602 : i32
    %convert_element_type3A_604 = arith.extui %ge3A_603 : i1 to i32
    %add3A_605 = arith.addi %add3A_594, %convert_element_type3A_604 : i32
    %add3A_606 = arith.constant 63 : i32
    %add3A_607 = arith.addi %add3A_588, %add3A_606 : i32
    %ge3A_608 = arith.cmpi sge, %add3A_607, %sub3A_602 : i32
    %convert_element_type3A_609 = arith.extui %ge3A_608 : i1 to i32
    %add3A_610 = arith.addi %add3A_600, %convert_element_type3A_609 : i32
    %sub3A_611 = arith.constant 6144 : i32
    %sub3A_612 = arith.subi %sub3A_611, %reduce_max3A_76 : i32
    %ge3A_613 = arith.cmpi sge, %add3A_588, %sub3A_612 : i32
    %convert_element_type3A_614 = arith.extui %ge3A_613 : i1 to i32
    %add3A_615 = arith.addi %add3A_605, %convert_element_type3A_614 : i32
    %add3A_616 = arith.constant 63 : i32
    %add3A_617 = arith.addi %add3A_588, %add3A_616 : i32
    %ge3A_618 = arith.cmpi sge, %add3A_617, %sub3A_612 : i32
    %convert_element_type3A_619 = arith.extui %ge3A_618 : i1 to i32
    %add3A_620 = arith.addi %add3A_610, %convert_element_type3A_619 : i32
    %sub3A_621 = arith.constant 8192 : i32
    %sub3A_622 = arith.subi %sub3A_621, %reduce_max3A_90 : i32
    %ge3A_623 = arith.cmpi sge, %add3A_588, %sub3A_622 : i32
    %convert_element_type3A_624 = arith.extui %ge3A_623 : i1 to i32
    %add3A_625 = arith.addi %add3A_615, %convert_element_type3A_624 : i32
    %add3A_626 = arith.constant 63 : i32
    %add3A_627 = arith.addi %add3A_588, %add3A_626 : i32
    %ge3A_628 = arith.cmpi sge, %add3A_627, %sub3A_622 : i32
    %convert_element_type3A_629 = arith.extui %ge3A_628 : i1 to i32
    %add3A_630 = arith.addi %add3A_620, %convert_element_type3A_629 : i32
    %sub3A_631 = arith.constant 10240 : i32
    %sub3A_632 = arith.subi %sub3A_631, %reduce_max3A_104 : i32
    %ge3A_633 = arith.cmpi sge, %add3A_588, %sub3A_632 : i32
    %convert_element_type3A_634 = arith.extui %ge3A_633 : i1 to i32
    %add3A_635 = arith.addi %add3A_625, %convert_element_type3A_634 : i32
    %add3A_636 = arith.constant 63 : i32
    %add3A_637 = arith.addi %add3A_588, %add3A_636 : i32
    %ge3A_638 = arith.cmpi sge, %add3A_637, %sub3A_632 : i32
    %convert_element_type3A_639 = arith.extui %ge3A_638 : i1 to i32
    %add3A_640 = arith.addi %add3A_630, %convert_element_type3A_639 : i32
    %sub3A_641 = arith.constant 12288 : i32
    %sub3A_642 = arith.subi %sub3A_641, %reduce_max3A_118 : i32
    %ge3A_643 = arith.cmpi sge, %add3A_588, %sub3A_642 : i32
    %convert_element_type3A_644 = arith.extui %ge3A_643 : i1 to i32
    %add3A_645 = arith.addi %add3A_635, %convert_element_type3A_644 : i32
    %add3A_646 = arith.constant 63 : i32
    %add3A_647 = arith.addi %add3A_588, %add3A_646 : i32
    %ge3A_648 = arith.cmpi sge, %add3A_647, %sub3A_642 : i32
    %convert_element_type3A_649 = arith.extui %ge3A_648 : i1 to i32
    %add3A_650 = arith.addi %add3A_640, %convert_element_type3A_649 : i32
    %sub3A_651 = arith.constant 14336 : i32
    %sub3A_652 = arith.subi %sub3A_651, %reduce_max3A_132 : i32
    %ge3A_653 = arith.cmpi sge, %add3A_588, %sub3A_652 : i32
    %convert_element_type3A_654 = arith.extui %ge3A_653 : i1 to i32
    %add3A_655 = arith.addi %add3A_645, %convert_element_type3A_654 : i32
    %add3A_656 = arith.constant 63 : i32
    %add3A_657 = arith.addi %add3A_588, %add3A_656 : i32
    %ge3A_658 = arith.cmpi sge, %add3A_657, %sub3A_652 : i32
    %convert_element_type3A_659 = arith.extui %ge3A_658 : i1 to i32
    %add3A_660 = arith.addi %add3A_650, %convert_element_type3A_659 : i32
    %sub3A_661 = arith.constant 16384 : i32
    %sub3A_662 = arith.subi %sub3A_661, %reduce_max3A_146 : i32
    %ge3A_663 = arith.cmpi sge, %add3A_588, %sub3A_662 : i32
    %convert_element_type3A_664 = arith.extui %ge3A_663 : i1 to i32
    %add3A_665 = arith.addi %add3A_655, %convert_element_type3A_664 : i32
    %add3A_666 = arith.constant 63 : i32
    %add3A_667 = arith.addi %add3A_588, %add3A_666 : i32
    %ge3A_668 = arith.cmpi sge, %add3A_667, %sub3A_662 : i32
    %convert_element_type3A_669 = arith.extui %ge3A_668 : i1 to i32
    %add3A_670 = arith.addi %add3A_660, %convert_element_type3A_669 : i32
    %add3A_671 = arith.constant 1 : i32
    %add3A_672 = arith.addi %add3A_665, %add3A_671 : i32
    %eq3A_673 = arith.constant 1 : i32
    %eq3A_674 = arith.cmpi eq, %add3A_672, %eq3A_673 : i32
    %jit3A_675 = arith.constant 0 : i32
    %select_n3A_676 = arith.select %eq3A_674, %reduce_max3A_48, %jit3A_675 : i32
    %eq3A_677 = arith.constant 2 : i32
    %eq3A_678 = arith.cmpi eq, %add3A_672, %eq3A_677 : i32
    %select_n3A_679 = arith.select %eq3A_678, %reduce_max3A_62, %select_n3A_676 : i32
    %eq3A_680 = arith.constant 3 : i32
    %eq3A_681 = arith.cmpi eq, %add3A_672, %eq3A_680 : i32
    %select_n3A_682 = arith.select %eq3A_681, %reduce_max3A_76, %select_n3A_679 : i32
    %eq3A_683 = arith.constant 4 : i32
    %eq3A_684 = arith.cmpi eq, %add3A_672, %eq3A_683 : i32
    %select_n3A_685 = arith.select %eq3A_684, %reduce_max3A_90, %select_n3A_682 : i32
    %eq3A_686 = arith.constant 5 : i32
    %eq3A_687 = arith.cmpi eq, %add3A_672, %eq3A_686 : i32
    %select_n3A_688 = arith.select %eq3A_687, %reduce_max3A_104, %select_n3A_685 : i32
    %eq3A_689 = arith.constant 6 : i32
    %eq3A_690 = arith.cmpi eq, %add3A_672, %eq3A_689 : i32
    %select_n3A_691 = arith.select %eq3A_690, %reduce_max3A_118, %select_n3A_688 : i32
    %eq3A_692 = arith.constant 7 : i32
    %eq3A_693 = arith.cmpi eq, %add3A_672, %eq3A_692 : i32
    %select_n3A_694 = arith.select %eq3A_693, %reduce_max3A_132, %select_n3A_691 : i32
    %eq3A_695 = arith.constant 8 : i32
    %eq3A_696 = arith.cmpi eq, %add3A_672, %eq3A_695 : i32
    %select_n3A_697 = arith.select %eq3A_696, %reduce_max3A_146, %select_n3A_694 : i32
    %eq3A_698 = arith.constant 9 : i32
    %eq3A_699 = arith.cmpi eq, %add3A_672, %eq3A_698 : i32
    %select_n3A_700 = arith.select %eq3A_699, %reduce_max3A_146, %select_n3A_697 : i32
    %add3A_701 = arith.addi %add3A_588, %select_n3A_700 : i32
    %eq3A_702 = arith.cmpi eq, %add3A_665, %add3A_670 : i32
    %jit3A_703 = arith.constant 8 : i32
    %eq3A_704 = arith.constant 0 : i32
    %eq3A_705 = arith.cmpi eq, %jit3A_703, %eq3A_704 : i32
    %jit3A_706 = arith.constant 1 : i32
    %select_n3A_707 = arith.select %eq3A_705, %jit3A_706, %jit3A_703 : i32
    %rem3A_708 = arith.remsi %add3A_701, %select_n3A_707 : i32
    %ne3A_709 = arith.constant 0 : i32
    %ne3A_710 = arith.cmpi ne, %rem3A_708, %ne3A_709 : i32
    %lt3A_711 = arith.constant 0 : i32
    %lt3A_712 = arith.cmpi slt, %rem3A_708, %lt3A_711 : i32
    %lt3A_713 = arith.constant 0 : i32
    %lt3A_714 = arith.cmpi slt, %select_n3A_707, %lt3A_713 : i32
    %ne3A_715 = arith.xori %lt3A_712, %lt3A_714 : i1
    %and3A_716 = arith.andi %ne3A_715, %ne3A_710 : i1
    %add3A_717 = arith.addi %rem3A_708, %select_n3A_707 : i32
    %select_n3A_718 = arith.select %and3A_716, %add3A_717, %rem3A_708 : i32
    %eq3A_719 = arith.constant 0 : i32
    %eq3A_720 = arith.cmpi eq, %select_n3A_718, %eq3A_719 : i32
    %and3A_721 = arith.andi %eq3A_702, %eq3A_720 : i1
    %convert_element_type3A_722 = arith.extui %and3A_721 : i1 to i32
    %cond3A_723 = arith.constant 0 : i32
    %cond3A_724 = arith.cmpi ne, %convert_element_type3A_722, %cond3A_723 : i32
    scf.if %cond3A_724 {
      %multiple_of3A_1406 = tpu.assume_multiple %add3A_701, 8 : i32
      %dma_start3A_1407 = arith.constant 0 : i32
      %dma_start3A_1408 = tpu.memref_slice %arg4[%multiple_of3A_1406, %dma_start3A_1407] : memref<16384x512xf32, #tpu.memory_space<hbm>> -> memref<64x512xf32, #tpu.memory_space<hbm>>
      %dma_start3A_1409 = arith.constant 0 : i32
      %dma_start3A_1410 = tpu.memref_slice %arg4[%multiple_of3A_1406, %dma_start3A_1409] : memref<16384x512xf32, #tpu.memory_space<hbm>> -> memref<64x512xf32, #tpu.memory_space<hbm>>
      tpu.enqueue_dma source(%arg9 : memref<64x512xf32, #tpu.memory_space<vmem>>) target(%dma_start3A_1410 : memref<64x512xf32, #tpu.memory_space<hbm>>) target_semaphore(%arg15 : memref<!tpu.dma_semaphore, #tpu.memory_space<semaphore_mem>>)
    } else {
    }
    %not3A_725 = arith.constant true
    %not3A_726 = arith.xori %and3A_721, %not3A_725 : i1
    %convert_element_type3A_727 = arith.extui %not3A_726 : i1 to i32
    %cond3A_728 = arith.constant 0 : i32
    %cond3A_729 = arith.cmpi ne, %convert_element_type3A_727, %cond3A_728 : i32
    scf.if %cond3A_729 {
      %add3A_1406 = arith.constant 0 : i32
      %add3A_1407 = arith.addi %add3A_588, %add3A_1406 : i32
      %add3A_1408 = vector.broadcast %add3A_1407 : i32 to vector<16xi32>
      %add3A_1409 = arith.addi %add3A_1408, %iota3A : vector<16xi32>
      %broadcast_in_dim3A_1410 = arith.constant 0 : i32
      %broadcast_in_dim3A_1411 = vector.broadcast %broadcast_in_dim3A_1410 : i32 to vector<16xi32>
      %sub3A_1412 = arith.constant 2048 : i32
      %sub3A_1413 = vector.broadcast %sub3A_1412 : i32 to vector<16xi32>
      %sub3A_1414 = arith.subi %sub3A_1413, %gather3A : vector<16xi32>
      %ge3A_1415 = arith.cmpi sge, %add3A_1409, %sub3A_1414 : vector<16xi32>
      %convert_element_type3A_1416 = arith.extui %ge3A_1415 : vector<16xi1> to vector<16xi32>
      %add3A_1417 = arith.addi %broadcast_in_dim3A_1411, %convert_element_type3A_1416 : vector<16xi32>
      %sub3A_1418 = arith.constant 4096 : i32
      %sub3A_1419 = vector.broadcast %sub3A_1418 : i32 to vector<16xi32>
      %sub3A_1420 = arith.subi %sub3A_1419, %gather3A_151 : vector<16xi32>
      %ge3A_1421 = arith.cmpi sge, %add3A_1409, %sub3A_1420 : vector<16xi32>
      %convert_element_type3A_1422 = arith.extui %ge3A_1421 : vector<16xi1> to vector<16xi32>
      %add3A_1423 = arith.addi %add3A_1417, %convert_element_type3A_1422 : vector<16xi32>
      %sub3A_1424 = arith.constant 6144 : i32
      %sub3A_1425 = vector.broadcast %sub3A_1424 : i32 to vector<16xi32>
      %sub3A_1426 = arith.subi %sub3A_1425, %gather3A_154 : vector<16xi32>
      %ge3A_1427 = arith.cmpi sge, %add3A_1409, %sub3A_1426 : vector<16xi32>
      %convert_element_type3A_1428 = arith.extui %ge3A_1427 : vector<16xi1> to vector<16xi32>
      %add3A_1429 = arith.addi %add3A_1423, %convert_element_type3A_1428 : vector<16xi32>
      %sub3A_1430 = arith.constant 8192 : i32
      %sub3A_1431 = vector.broadcast %sub3A_1430 : i32 to vector<16xi32>
      %sub3A_1432 = arith.subi %sub3A_1431, %gather3A_157 : vector<16xi32>
      %ge3A_1433 = arith.cmpi sge, %add3A_1409, %sub3A_1432 : vector<16xi32>
      %convert_element_type3A_1434 = arith.extui %ge3A_1433 : vector<16xi1> to vector<16xi32>
      %add3A_1435 = arith.addi %add3A_1429, %convert_element_type3A_1434 : vector<16xi32>
      %sub3A_1436 = arith.constant 10240 : i32
      %sub3A_1437 = vector.broadcast %sub3A_1436 : i32 to vector<16xi32>
      %sub3A_1438 = arith.subi %sub3A_1437, %gather3A_160 : vector<16xi32>
      %ge3A_1439 = arith.cmpi sge, %add3A_1409, %sub3A_1438 : vector<16xi32>
      %convert_element_type3A_1440 = arith.extui %ge3A_1439 : vector<16xi1> to vector<16xi32>
      %add3A_1441 = arith.addi %add3A_1435, %convert_element_type3A_1440 : vector<16xi32>
      %sub3A_1442 = arith.constant 12288 : i32
      %sub3A_1443 = vector.broadcast %sub3A_1442 : i32 to vector<16xi32>
      %sub3A_1444 = arith.subi %sub3A_1443, %gather3A_163 : vector<16xi32>
      %ge3A_1445 = arith.cmpi sge, %add3A_1409, %sub3A_1444 : vector<16xi32>
      %convert_element_type3A_1446 = arith.extui %ge3A_1445 : vector<16xi1> to vector<16xi32>
      %add3A_1447 = arith.addi %add3A_1441, %convert_element_type3A_1446 : vector<16xi32>
      %sub3A_1448 = arith.constant 14336 : i32
      %sub3A_1449 = vector.broadcast %sub3A_1448 : i32 to vector<16xi32>
      %sub3A_1450 = arith.subi %sub3A_1449, %gather3A_166 : vector<16xi32>
      %ge3A_1451 = arith.cmpi sge, %add3A_1409, %sub3A_1450 : vector<16xi32>
      %convert_element_type3A_1452 = arith.extui %ge3A_1451 : vector<16xi1> to vector<16xi32>
      %add3A_1453 = arith.addi %add3A_1447, %convert_element_type3A_1452 : vector<16xi32>
      %sub3A_1454 = arith.constant 16384 : i32
      %sub3A_1455 = vector.broadcast %sub3A_1454 : i32 to vector<16xi32>
      %sub3A_1456 = arith.subi %sub3A_1455, %gather3A_169 : vector<16xi32>
      %ge3A_1457 = arith.cmpi sge, %add3A_1409, %sub3A_1456 : vector<16xi32>
      %convert_element_type3A_1458 = arith.extui %ge3A_1457 : vector<16xi1> to vector<16xi32>
      %add3A_1459 = arith.addi %add3A_1453, %convert_element_type3A_1458 : vector<16xi32>
      %add3A_1460 = arith.constant 1 : i32
      %add3A_1461 = vector.broadcast %add3A_1460 : i32 to vector<16xi32>
      %add3A_1462 = arith.addi %add3A_1459, %add3A_1461 : vector<16xi32>
      %gather3A_1463 = tpu.vector_load_idx %arg5[%add3A_1462] : memref<16xi32, #tpu.memory_space<vmem>>[vector<16xi32>], vector<16xi32>,
      %add3A_1464 = arith.addi %gather3A_1463, %add3A_1409 : vector<16xi32>
      %swap3A = arith.constant 1 : i32
      %swap3A_1465 = arith.index_cast %swap3A : i32 to index
      %swap3A_1466 = arith.constant 0 : index
      %swap3A_1467 = tpu.vector_load %arg7[%swap3A_1465, %swap3A_1466] {strides = array<i32>} : memref<4x64xi32, #tpu.memory_space<vmem>>, vector<16xi32>,
      tpu.vector_store %arg7[%swap3A_1465, %swap3A_1466], %add3A_1464 {strides = array<i32>} : memref<4x64xi32, #tpu.memory_space<vmem>>, vector<16xi32>,
      %add3A_1468 = arith.constant 16 : i32
      %add3A_1469 = arith.addi %add3A_588, %add3A_1468 : i32
      %add3A_1470 = vector.broadcast %add3A_1469 : i32 to vector<16xi32>
      %add3A_1471 = arith.addi %add3A_1470, %iota3A : vector<16xi32>
      %broadcast_in_dim3A_1472 = arith.constant 0 : i32
      %broadcast_in_dim3A_1473 = vector.broadcast %broadcast_in_dim3A_1472 : i32 to vector<16xi32>
      %sub3A_1474 = arith.constant 2048 : i32
      %sub3A_1475 = vector.broadcast %sub3A_1474 : i32 to vector<16xi32>
      %sub3A_1476 = arith.subi %sub3A_1475, %gather3A : vector<16xi32>
      %ge3A_1477 = arith.cmpi sge, %add3A_1471, %sub3A_1476 : vector<16xi32>
      %convert_element_type3A_1478 = arith.extui %ge3A_1477 : vector<16xi1> to vector<16xi32>
      %add3A_1479 = arith.addi %broadcast_in_dim3A_1473, %convert_element_type3A_1478 : vector<16xi32>
      %sub3A_1480 = arith.constant 4096 : i32
      %sub3A_1481 = vector.broadcast %sub3A_1480 : i32 to vector<16xi32>
      %sub3A_1482 = arith.subi %sub3A_1481, %gather3A_151 : vector<16xi32>
      %ge3A_1483 = arith.cmpi sge, %add3A_1471, %sub3A_1482 : vector<16xi32>
      %convert_element_type3A_1484 = arith.extui %ge3A_1483 : vector<16xi1> to vector<16xi32>
      %add3A_1485 = arith.addi %add3A_1479, %convert_element_type3A_1484 : vector<16xi32>
      %sub3A_1486 = arith.constant 6144 : i32
      %sub3A_1487 = vector.broadcast %sub3A_1486 : i32 to vector<16xi32>
      %sub3A_1488 = arith.subi %sub3A_1487, %gather3A_154 : vector<16xi32>
      %ge3A_1489 = arith.cmpi sge, %add3A_1471, %sub3A_1488 : vector<16xi32>
      %convert_element_type3A_1490 = arith.extui %ge3A_1489 : vector<16xi1> to vector<16xi32>
      %add3A_1491 = arith.addi %add3A_1485, %convert_element_type3A_1490 : vector<16xi32>
      %sub3A_1492 = arith.constant 8192 : i32
      %sub3A_1493 = vector.broadcast %sub3A_1492 : i32 to vector<16xi32>
      %sub3A_1494 = arith.subi %sub3A_1493, %gather3A_157 : vector<16xi32>
      %ge3A_1495 = arith.cmpi sge, %add3A_1471, %sub3A_1494 : vector<16xi32>
      %convert_element_type3A_1496 = arith.extui %ge3A_1495 : vector<16xi1> to vector<16xi32>
      %add3A_1497 = arith.addi %add3A_1491, %convert_element_type3A_1496 : vector<16xi32>
      %sub3A_1498 = arith.constant 10240 : i32
      %sub3A_1499 = vector.broadcast %sub3A_1498 : i32 to vector<16xi32>
      %sub3A_1500 = arith.subi %sub3A_1499, %gather3A_160 : vector<16xi32>
      %ge3A_1501 = arith.cmpi sge, %add3A_1471, %sub3A_1500 : vector<16xi32>
      %convert_element_type3A_1502 = arith.extui %ge3A_1501 : vector<16xi1> to vector<16xi32>
      %add3A_1503 = arith.addi %add3A_1497, %convert_element_type3A_1502 : vector<16xi32>
      %sub3A_1504 = arith.constant 12288 : i32
      %sub3A_1505 = vector.broadcast %sub3A_1504 : i32 to vector<16xi32>
      %sub3A_1506 = arith.subi %sub3A_1505, %gather3A_163 : vector<16xi32>
      %ge3A_1507 = arith.cmpi sge, %add3A_1471, %sub3A_1506 : vector<16xi32>
      %convert_element_type3A_1508 = arith.extui %ge3A_1507 : vector<16xi1> to vector<16xi32>
      %add3A_1509 = arith.addi %add3A_1503, %convert_element_type3A_1508 : vector<16xi32>
      %sub3A_1510 = arith.constant 14336 : i32
      %sub3A_1511 = vector.broadcast %sub3A_1510 : i32 to vector<16xi32>
      %sub3A_1512 = arith.subi %sub3A_1511, %gather3A_166 : vector<16xi32>
      %ge3A_1513 = arith.cmpi sge, %add3A_1471, %sub3A_1512 : vector<16xi32>
      %convert_element_type3A_1514 = arith.extui %ge3A_1513 : vector<16xi1> to vector<16xi32>
      %add3A_1515 = arith.addi %add3A_1509, %convert_element_type3A_1514 : vector<16xi32>
      %sub3A_1516 = arith.constant 16384 : i32
      %sub3A_1517 = vector.broadcast %sub3A_1516 : i32 to vector<16xi32>
      %sub3A_1518 = arith.subi %sub3A_1517, %gather3A_169 : vector<16xi32>
      %ge3A_1519 = arith.cmpi sge, %add3A_1471, %sub3A_1518 : vector<16xi32>
      %convert_element_type3A_1520 = arith.extui %ge3A_1519 : vector<16xi1> to vector<16xi32>
      %add3A_1521 = arith.addi %add3A_1515, %convert_element_type3A_1520 : vector<16xi32>
      %add3A_1522 = arith.constant 1 : i32
      %add3A_1523 = vector.broadcast %add3A_1522 : i32 to vector<16xi32>
      %add3A_1524 = arith.addi %add3A_1521, %add3A_1523 : vector<16xi32>
      %gather3A_1525 = tpu.vector_load_idx %arg5[%add3A_1524] : memref<16xi32, #tpu.memory_space<vmem>>[vector<16xi32>], vector<16xi32>,
      %add3A_1526 = arith.addi %gather3A_1525, %add3A_1471 : vector<16xi32>
      %swap3A_1527 = arith.constant 1 : i32
      %swap3A_1528 = arith.index_cast %swap3A_1527 : i32 to index
      %swap3A_1529 = arith.constant 16 : index
      %swap3A_1530 = tpu.vector_load %arg7[%swap3A_1528, %swap3A_1529] {strides = array<i32>} : memref<4x64xi32, #tpu.memory_space<vmem>>, vector<16xi32>,
      tpu.vector_store %arg7[%swap3A_1528, %swap3A_1529], %add3A_1526 {strides = array<i32>} : memref<4x64xi32, #tpu.memory_space<vmem>>, vector<16xi32>,
      %add3A_1531 = arith.constant 32 : i32
      %add3A_1532 = arith.addi %add3A_588, %add3A_1531 : i32
      %add3A_1533 = vector.broadcast %add3A_1532 : i32 to vector<16xi32>
      %add3A_1534 = arith.addi %add3A_1533, %iota3A : vector<16xi32>
      %broadcast_in_dim3A_1535 = arith.constant 0 : i32
      %broadcast_in_dim3A_1536 = vector.broadcast %broadcast_in_dim3A_1535 : i32 to vector<16xi32>
      %sub3A_1537 = arith.constant 2048 : i32
      %sub3A_1538 = vector.broadcast %sub3A_1537 : i32 to vector<16xi32>
      %sub3A_1539 = arith.subi %sub3A_1538, %gather3A : vector<16xi32>
      %ge3A_1540 = arith.cmpi sge, %add3A_1534, %sub3A_1539 : vector<16xi32>
      %convert_element_type3A_1541 = arith.extui %ge3A_1540 : vector<16xi1> to vector<16xi32>
      %add3A_1542 = arith.addi %broadcast_in_dim3A_1536, %convert_element_type3A_1541 : vector<16xi32>
      %sub3A_1543 = arith.constant 4096 : i32
      %sub3A_1544 = vector.broadcast %sub3A_1543 : i32 to vector<16xi32>
      %sub3A_1545 = arith.subi %sub3A_1544, %gather3A_151 : vector<16xi32>
      %ge3A_1546 = arith.cmpi sge, %add3A_1534, %sub3A_1545 : vector<16xi32>
      %convert_element_type3A_1547 = arith.extui %ge3A_1546 : vector<16xi1> to vector<16xi32>
      %add3A_1548 = arith.addi %add3A_1542, %convert_element_type3A_1547 : vector<16xi32>
      %sub3A_1549 = arith.constant 6144 : i32
      %sub3A_1550 = vector.broadcast %sub3A_1549 : i32 to vector<16xi32>
      %sub3A_1551 = arith.subi %sub3A_1550, %gather3A_154 : vector<16xi32>
      %ge3A_1552 = arith.cmpi sge, %add3A_1534, %sub3A_1551 : vector<16xi32>
      %convert_element_type3A_1553 = arith.extui %ge3A_1552 : vector<16xi1> to vector<16xi32>
      %add3A_1554 = arith.addi %add3A_1548, %convert_element_type3A_1553 : vector<16xi32>
      %sub3A_1555 = arith.constant 8192 : i32
      %sub3A_1556 = vector.broadcast %sub3A_1555 : i32 to vector<16xi32>
      %sub3A_1557 = arith.subi %sub3A_1556, %gather3A_157 : vector<16xi32>
      %ge3A_1558 = arith.cmpi sge, %add3A_1534, %sub3A_1557 : vector<16xi32>
      %convert_element_type3A_1559 = arith.extui %ge3A_1558 : vector<16xi1> to vector<16xi32>
      %add3A_1560 = arith.addi %add3A_1554, %convert_element_type3A_1559 : vector<16xi32>
      %sub3A_1561 = arith.constant 10240 : i32
      %sub3A_1562 = vector.broadcast %sub3A_1561 : i32 to vector<16xi32>
      %sub3A_1563 = arith.subi %sub3A_1562, %gather3A_160 : vector<16xi32>
      %ge3A_1564 = arith.cmpi sge, %add3A_1534, %sub3A_1563 : vector<16xi32>
      %convert_element_type3A_1565 = arith.extui %ge3A_1564 : vector<16xi1> to vector<16xi32>
      %add3A_1566 = arith.addi %add3A_1560, %convert_element_type3A_1565 : vector<16xi32>
      %sub3A_1567 = arith.constant 12288 : i32
      %sub3A_1568 = vector.broadcast %sub3A_1567 : i32 to vector<16xi32>
      %sub3A_1569 = arith.subi %sub3A_1568, %gather3A_163 : vector<16xi32>
      %ge3A_1570 = arith.cmpi sge, %add3A_1534, %sub3A_1569 : vector<16xi32>
      %convert_element_type3A_1571 = arith.extui %ge3A_1570 : vector<16xi1> to vector<16xi32>
      %add3A_1572 = arith.addi %add3A_1566, %convert_element_type3A_1571 : vector<16xi32>
      %sub3A_1573 = arith.constant 14336 : i32
      %sub3A_1574 = vector.broadcast %sub3A_1573 : i32 to vector<16xi32>
      %sub3A_1575 = arith.subi %sub3A_1574, %gather3A_166 : vector<16xi32>
      %ge3A_1576 = arith.cmpi sge, %add3A_1534, %sub3A_1575 : vector<16xi32>
      %convert_element_type3A_1577 = arith.extui %ge3A_1576 : vector<16xi1> to vector<16xi32>
      %add3A_1578 = arith.addi %add3A_1572, %convert_element_type3A_1577 : vector<16xi32>
      %sub3A_1579 = arith.constant 16384 : i32
      %sub3A_1580 = vector.broadcast %sub3A_1579 : i32 to vector<16xi32>
      %sub3A_1581 = arith.subi %sub3A_1580, %gather3A_169 : vector<16xi32>
      %ge3A_1582 = arith.cmpi sge, %add3A_1534, %sub3A_1581 : vector<16xi32>
      %convert_element_type3A_1583 = arith.extui %ge3A_1582 : vector<16xi1> to vector<16xi32>
      %add3A_1584 = arith.addi %add3A_1578, %convert_element_type3A_1583 : vector<16xi32>
      %add3A_1585 = arith.constant 1 : i32
      %add3A_1586 = vector.broadcast %add3A_1585 : i32 to vector<16xi32>
      %add3A_1587 = arith.addi %add3A_1584, %add3A_1586 : vector<16xi32>
      %gather3A_1588 = tpu.vector_load_idx %arg5[%add3A_1587] : memref<16xi32, #tpu.memory_space<vmem>>[vector<16xi32>], vector<16xi32>,
      %add3A_1589 = arith.addi %gather3A_1588, %add3A_1534 : vector<16xi32>
      %swap3A_1590 = arith.constant 1 : i32
      %swap3A_1591 = arith.index_cast %swap3A_1590 : i32 to index
      %swap3A_1592 = arith.constant 32 : index
      %swap3A_1593 = tpu.vector_load %arg7[%swap3A_1591, %swap3A_1592] {strides = array<i32>} : memref<4x64xi32, #tpu.memory_space<vmem>>, vector<16xi32>,
      tpu.vector_store %arg7[%swap3A_1591, %swap3A_1592], %add3A_1589 {strides = array<i32>} : memref<4x64xi32, #tpu.memory_space<vmem>>, vector<16xi32>,
      %add3A_1594 = arith.constant 48 : i32
      %add3A_1595 = arith.addi %add3A_588, %add3A_1594 : i32
      %add3A_1596 = vector.broadcast %add3A_1595 : i32 to vector<16xi32>
      %add3A_1597 = arith.addi %add3A_1596, %iota3A : vector<16xi32>
      %broadcast_in_dim3A_1598 = arith.constant 0 : i32
      %broadcast_in_dim3A_1599 = vector.broadcast %broadcast_in_dim3A_1598 : i32 to vector<16xi32>
      %sub3A_1600 = arith.constant 2048 : i32
      %sub3A_1601 = vector.broadcast %sub3A_1600 : i32 to vector<16xi32>
      %sub3A_1602 = arith.subi %sub3A_1601, %gather3A : vector<16xi32>
      %ge3A_1603 = arith.cmpi sge, %add3A_1597, %sub3A_1602 : vector<16xi32>
      %convert_element_type3A_1604 = arith.extui %ge3A_1603 : vector<16xi1> to vector<16xi32>
      %add3A_1605 = arith.addi %broadcast_in_dim3A_1599, %convert_element_type3A_1604 : vector<16xi32>
      %sub3A_1606 = arith.constant 4096 : i32
      %sub3A_1607 = vector.broadcast %sub3A_1606 : i32 to vector<16xi32>
      %sub3A_1608 = arith.subi %sub3A_1607, %gather3A_151 : vector<16xi32>
      %ge3A_1609 = arith.cmpi sge, %add3A_1597, %sub3A_1608 : vector<16xi32>
      %convert_element_type3A_1610 = arith.extui %ge3A_1609 : vector<16xi1> to vector<16xi32>
      %add3A_1611 = arith.addi %add3A_1605, %convert_element_type3A_1610 : vector<16xi32>
      %sub3A_1612 = arith.constant 6144 : i32
      %sub3A_1613 = vector.broadcast %sub3A_1612 : i32 to vector<16xi32>
      %sub3A_1614 = arith.subi %sub3A_1613, %gather3A_154 : vector<16xi32>
      %ge3A_1615 = arith.cmpi sge, %add3A_1597, %sub3A_1614 : vector<16xi32>
      %convert_element_type3A_1616 = arith.extui %ge3A_1615 : vector<16xi1> to vector<16xi32>
      %add3A_1617 = arith.addi %add3A_1611, %convert_element_type3A_1616 : vector<16xi32>
      %sub3A_1618 = arith.constant 8192 : i32
      %sub3A_1619 = vector.broadcast %sub3A_1618 : i32 to vector<16xi32>
      %sub3A_1620 = arith.subi %sub3A_1619, %gather3A_157 : vector<16xi32>
      %ge3A_1621 = arith.cmpi sge, %add3A_1597, %sub3A_1620 : vector<16xi32>
      %convert_element_type3A_1622 = arith.extui %ge3A_1621 : vector<16xi1> to vector<16xi32>
      %add3A_1623 = arith.addi %add3A_1617, %convert_element_type3A_1622 : vector<16xi32>
      %sub3A_1624 = arith.constant 10240 : i32
      %sub3A_1625 = vector.broadcast %sub3A_1624 : i32 to vector<16xi32>
      %sub3A_1626 = arith.subi %sub3A_1625, %gather3A_160 : vector<16xi32>
      %ge3A_1627 = arith.cmpi sge, %add3A_1597, %sub3A_1626 : vector<16xi32>
      %convert_element_type3A_1628 = arith.extui %ge3A_1627 : vector<16xi1> to vector<16xi32>
      %add3A_1629 = arith.addi %add3A_1623, %convert_element_type3A_1628 : vector<16xi32>
      %sub3A_1630 = arith.constant 12288 : i32
      %sub3A_1631 = vector.broadcast %sub3A_1630 : i32 to vector<16xi32>
      %sub3A_1632 = arith.subi %sub3A_1631, %gather3A_163 : vector<16xi32>
      %ge3A_1633 = arith.cmpi sge, %add3A_1597, %sub3A_1632 : vector<16xi32>
      %convert_element_type3A_1634 = arith.extui %ge3A_1633 : vector<16xi1> to vector<16xi32>
      %add3A_1635 = arith.addi %add3A_1629, %convert_element_type3A_1634 : vector<16xi32>
      %sub3A_1636 = arith.constant 14336 : i32
      %sub3A_1637 = vector.broadcast %sub3A_1636 : i32 to vector<16xi32>
      %sub3A_1638 = arith.subi %sub3A_1637, %gather3A_166 : vector<16xi32>
      %ge3A_1639 = arith.cmpi sge, %add3A_1597, %sub3A_1638 : vector<16xi32>
      %convert_element_type3A_1640 = arith.extui %ge3A_1639 : vector<16xi1> to vector<16xi32>
      %add3A_1641 = arith.addi %add3A_1635, %convert_element_type3A_1640 : vector<16xi32>
      %sub3A_1642 = arith.constant 16384 : i32
      %sub3A_1643 = vector.broadcast %sub3A_1642 : i32 to vector<16xi32>
      %sub3A_1644 = arith.subi %sub3A_1643, %gather3A_169 : vector<16xi32>
      %ge3A_1645 = arith.cmpi sge, %add3A_1597, %sub3A_1644 : vector<16xi32>
      %convert_element_type3A_1646 = arith.extui %ge3A_1645 : vector<16xi1> to vector<16xi32>
      %add3A_1647 = arith.addi %add3A_1641, %convert_element_type3A_1646 : vector<16xi32>
      %add3A_1648 = arith.constant 1 : i32
      %add3A_1649 = vector.broadcast %add3A_1648 : i32 to vector<16xi32>
      %add3A_1650 = arith.addi %add3A_1647, %add3A_1649 : vector<16xi32>
      %gather3A_1651 = tpu.vector_load_idx %arg5[%add3A_1650] : memref<16xi32, #tpu.memory_space<vmem>>[vector<16xi32>], vector<16xi32>,
      %add3A_1652 = arith.addi %gather3A_1651, %add3A_1597 : vector<16xi32>
      %swap3A_1653 = arith.constant 1 : i32
      %swap3A_1654 = arith.index_cast %swap3A_1653 : i32 to index
      %swap3A_1655 = arith.constant 48 : index
      %swap3A_1656 = tpu.vector_load %arg7[%swap3A_1654, %swap3A_1655] {strides = array<i32>} : memref<4x64xi32, #tpu.memory_space<vmem>>, vector<16xi32>,
      tpu.vector_store %arg7[%swap3A_1654, %swap3A_1655], %add3A_1652 {strides = array<i32>} : memref<4x64xi32, #tpu.memory_space<vmem>>, vector<16xi32>,
      %dma_start3A_1657 = arith.constant 1 : i32
      %dma_start3A_1658 = arith.constant 0 : i32
      %dma_start3A_1659 = tpu.memref_slice %arg7[%dma_start3A_1657, %dma_start3A_1658] : memref<4x64xi32, #tpu.memory_space<vmem>> -> memref<1x64xi32, #tpu.memory_space<vmem>>
      %dma_start3A_1660 = tpu.memref_squeeze %dma_start3A_1659 : memref<1x64xi32, #tpu.memory_space<vmem>> -> memref<64xi32, #tpu.memory_space<vmem>>
      %dma_start3A_1661 = arith.constant 0 : i32
      %dma_start3A_1662 = arith.constant 0 : i32
      %dma_start3A_1663 = tpu.memref_slice %arg4[%dma_start3A_1661, %dma_start3A_1662] : memref<16384x512xf32, #tpu.memory_space<hbm>> -> memref<16384x512xf32, #tpu.memory_space<hbm>>
      tpu.enqueue_indirect_dma source(%arg9 : memref<64x512xf32, #tpu.memory_space<vmem>>) target(%dma_start3A_1663 : memref<16384x512xf32, #tpu.memory_space<hbm>>) offsets(%dma_start3A_1660 : memref<64xi32, #tpu.memory_space<vmem>>) semaphore(%arg15 : memref<!tpu.dma_semaphore, #tpu.memory_space<semaphore_mem>>)
    } else {
    }
    %add3A_730 = arith.constant 128 : i32
    %add3A_731 = arith.addi %multiple_of3A, %add3A_730 : i32
    %sub3A_732 = arith.constant 2048 : i32
    %sub3A_733 = arith.subi %sub3A_732, %reduce_max3A_48 : i32
    %ge3A_734 = arith.cmpi sge, %add3A_731, %sub3A_733 : i32
    %convert_element_type3A_735 = arith.extui %ge3A_734 : i1 to i32
    %add3A_736 = arith.constant 0 : i32
    %add3A_737 = arith.addi %add3A_736, %convert_element_type3A_735 : i32
    %add3A_738 = arith.constant 63 : i32
    %add3A_739 = arith.addi %add3A_731, %add3A_738 : i32
    %ge3A_740 = arith.cmpi sge, %add3A_739, %sub3A_733 : i32
    %convert_element_type3A_741 = arith.extui %ge3A_740 : i1 to i32
    %add3A_742 = arith.constant 0 : i32
    %add3A_743 = arith.addi %add3A_742, %convert_element_type3A_741 : i32
    %sub3A_744 = arith.constant 4096 : i32
    %sub3A_745 = arith.subi %sub3A_744, %reduce_max3A_62 : i32
    %ge3A_746 = arith.cmpi sge, %add3A_731, %sub3A_745 : i32
    %convert_element_type3A_747 = arith.extui %ge3A_746 : i1 to i32
    %add3A_748 = arith.addi %add3A_737, %convert_element_type3A_747 : i32
    %add3A_749 = arith.constant 63 : i32
    %add3A_750 = arith.addi %add3A_731, %add3A_749 : i32
    %ge3A_751 = arith.cmpi sge, %add3A_750, %sub3A_745 : i32
    %convert_element_type3A_752 = arith.extui %ge3A_751 : i1 to i32
    %add3A_753 = arith.addi %add3A_743, %convert_element_type3A_752 : i32
    %sub3A_754 = arith.constant 6144 : i32
    %sub3A_755 = arith.subi %sub3A_754, %reduce_max3A_76 : i32
    %ge3A_756 = arith.cmpi sge, %add3A_731, %sub3A_755 : i32
    %convert_element_type3A_757 = arith.extui %ge3A_756 : i1 to i32
    %add3A_758 = arith.addi %add3A_748, %convert_element_type3A_757 : i32
    %add3A_759 = arith.constant 63 : i32
    %add3A_760 = arith.addi %add3A_731, %add3A_759 : i32
    %ge3A_761 = arith.cmpi sge, %add3A_760, %sub3A_755 : i32
    %convert_element_type3A_762 = arith.extui %ge3A_761 : i1 to i32
    %add3A_763 = arith.addi %add3A_753, %convert_element_type3A_762 : i32
    %sub3A_764 = arith.constant 8192 : i32
    %sub3A_765 = arith.subi %sub3A_764, %reduce_max3A_90 : i32
    %ge3A_766 = arith.cmpi sge, %add3A_731, %sub3A_765 : i32
    %convert_element_type3A_767 = arith.extui %ge3A_766 : i1 to i32
    %add3A_768 = arith.addi %add3A_758, %convert_element_type3A_767 : i32
    %add3A_769 = arith.constant 63 : i32
    %add3A_770 = arith.addi %add3A_731, %add3A_769 : i32
    %ge3A_771 = arith.cmpi sge, %add3A_770, %sub3A_765 : i32
    %convert_element_type3A_772 = arith.extui %ge3A_771 : i1 to i32
    %add3A_773 = arith.addi %add3A_763, %convert_element_type3A_772 : i32
    %sub3A_774 = arith.constant 10240 : i32
    %sub3A_775 = arith.subi %sub3A_774, %reduce_max3A_104 : i32
    %ge3A_776 = arith.cmpi sge, %add3A_731, %sub3A_775 : i32
    %convert_element_type3A_777 = arith.extui %ge3A_776 : i1 to i32
    %add3A_778 = arith.addi %add3A_768, %convert_element_type3A_777 : i32
    %add3A_779 = arith.constant 63 : i32
    %add3A_780 = arith.addi %add3A_731, %add3A_779 : i32
    %ge3A_781 = arith.cmpi sge, %add3A_780, %sub3A_775 : i32
    %convert_element_type3A_782 = arith.extui %ge3A_781 : i1 to i32
    %add3A_783 = arith.addi %add3A_773, %convert_element_type3A_782 : i32
    %sub3A_784 = arith.constant 12288 : i32
    %sub3A_785 = arith.subi %sub3A_784, %reduce_max3A_118 : i32
    %ge3A_786 = arith.cmpi sge, %add3A_731, %sub3A_785 : i32
    %convert_element_type3A_787 = arith.extui %ge3A_786 : i1 to i32
    %add3A_788 = arith.addi %add3A_778, %convert_element_type3A_787 : i32
    %add3A_789 = arith.constant 63 : i32
    %add3A_790 = arith.addi %add3A_731, %add3A_789 : i32
    %ge3A_791 = arith.cmpi sge, %add3A_790, %sub3A_785 : i32
    %convert_element_type3A_792 = arith.extui %ge3A_791 : i1 to i32
    %add3A_793 = arith.addi %add3A_783, %convert_element_type3A_792 : i32
    %sub3A_794 = arith.constant 14336 : i32
    %sub3A_795 = arith.subi %sub3A_794, %reduce_max3A_132 : i32
    %ge3A_796 = arith.cmpi sge, %add3A_731, %sub3A_795 : i32
    %convert_element_type3A_797 = arith.extui %ge3A_796 : i1 to i32
    %add3A_798 = arith.addi %add3A_788, %convert_element_type3A_797 : i32
    %add3A_799 = arith.constant 63 : i32
    %add3A_800 = arith.addi %add3A_731, %add3A_799 : i32
    %ge3A_801 = arith.cmpi sge, %add3A_800, %sub3A_795 : i32
    %convert_element_type3A_802 = arith.extui %ge3A_801 : i1 to i32
    %add3A_803 = arith.addi %add3A_793, %convert_element_type3A_802 : i32
    %sub3A_804 = arith.constant 16384 : i32
    %sub3A_805 = arith.subi %sub3A_804, %reduce_max3A_146 : i32
    %ge3A_806 = arith.cmpi sge, %add3A_731, %sub3A_805 : i32
    %convert_element_type3A_807 = arith.extui %ge3A_806 : i1 to i32
    %add3A_808 = arith.addi %add3A_798, %convert_element_type3A_807 : i32
    %add3A_809 = arith.constant 63 : i32
    %add3A_810 = arith.addi %add3A_731, %add3A_809 : i32
    %ge3A_811 = arith.cmpi sge, %add3A_810, %sub3A_805 : i32
    %convert_element_type3A_812 = arith.extui %ge3A_811 : i1 to i32
    %add3A_813 = arith.addi %add3A_803, %convert_element_type3A_812 : i32
    %add3A_814 = arith.constant 1 : i32
    %add3A_815 = arith.addi %add3A_808, %add3A_814 : i32
    %eq3A_816 = arith.constant 1 : i32
    %eq3A_817 = arith.cmpi eq, %add3A_815, %eq3A_816 : i32
    %jit3A_818 = arith.constant 0 : i32
    %select_n3A_819 = arith.select %eq3A_817, %reduce_max3A_48, %jit3A_818 : i32
    %eq3A_820 = arith.constant 2 : i32
    %eq3A_821 = arith.cmpi eq, %add3A_815, %eq3A_820 : i32
    %select_n3A_822 = arith.select %eq3A_821, %reduce_max3A_62, %select_n3A_819 : i32
    %eq3A_823 = arith.constant 3 : i32
    %eq3A_824 = arith.cmpi eq, %add3A_815, %eq3A_823 : i32
    %select_n3A_825 = arith.select %eq3A_824, %reduce_max3A_76, %select_n3A_822 : i32
    %eq3A_826 = arith.constant 4 : i32
    %eq3A_827 = arith.cmpi eq, %add3A_815, %eq3A_826 : i32
    %select_n3A_828 = arith.select %eq3A_827, %reduce_max3A_90, %select_n3A_825 : i32
    %eq3A_829 = arith.constant 5 : i32
    %eq3A_830 = arith.cmpi eq, %add3A_815, %eq3A_829 : i32
    %select_n3A_831 = arith.select %eq3A_830, %reduce_max3A_104, %select_n3A_828 : i32
    %eq3A_832 = arith.constant 6 : i32
    %eq3A_833 = arith.cmpi eq, %add3A_815, %eq3A_832 : i32
    %select_n3A_834 = arith.select %eq3A_833, %reduce_max3A_118, %select_n3A_831 : i32
    %eq3A_835 = arith.constant 7 : i32
    %eq3A_836 = arith.cmpi eq, %add3A_815, %eq3A_835 : i32
    %select_n3A_837 = arith.select %eq3A_836, %reduce_max3A_132, %select_n3A_834 : i32
    %eq3A_838 = arith.constant 8 : i32
    %eq3A_839 = arith.cmpi eq, %add3A_815, %eq3A_838 : i32
    %select_n3A_840 = arith.select %eq3A_839, %reduce_max3A_146, %select_n3A_837 : i32
    %eq3A_841 = arith.constant 9 : i32
    %eq3A_842 = arith.cmpi eq, %add3A_815, %eq3A_841 : i32
    %select_n3A_843 = arith.select %eq3A_842, %reduce_max3A_146, %select_n3A_840 : i32
    %add3A_844 = arith.addi %add3A_731, %select_n3A_843 : i32
    %eq3A_845 = arith.cmpi eq, %add3A_808, %add3A_813 : i32
    %jit3A_846 = arith.constant 8 : i32
    %eq3A_847 = arith.constant 0 : i32
    %eq3A_848 = arith.cmpi eq, %jit3A_846, %eq3A_847 : i32
    %jit3A_849 = arith.constant 1 : i32
    %select_n3A_850 = arith.select %eq3A_848, %jit3A_849, %jit3A_846 : i32
    %rem3A_851 = arith.remsi %add3A_844, %select_n3A_850 : i32
    %ne3A_852 = arith.constant 0 : i32
    %ne3A_853 = arith.cmpi ne, %rem3A_851, %ne3A_852 : i32
    %lt3A_854 = arith.constant 0 : i32
    %lt3A_855 = arith.cmpi slt, %rem3A_851, %lt3A_854 : i32
    %lt3A_856 = arith.constant 0 : i32
    %lt3A_857 = arith.cmpi slt, %select_n3A_850, %lt3A_856 : i32
    %ne3A_858 = arith.xori %lt3A_855, %lt3A_857 : i1
    %and3A_859 = arith.andi %ne3A_858, %ne3A_853 : i1
    %add3A_860 = arith.addi %rem3A_851, %select_n3A_850 : i32
    %select_n3A_861 = arith.select %and3A_859, %add3A_860, %rem3A_851 : i32
    %eq3A_862 = arith.constant 0 : i32
    %eq3A_863 = arith.cmpi eq, %select_n3A_861, %eq3A_862 : i32
    %and3A_864 = arith.andi %eq3A_845, %eq3A_863 : i1
    %convert_element_type3A_865 = arith.extui %and3A_864 : i1 to i32
    %cond3A_866 = arith.constant 0 : i32
    %cond3A_867 = arith.cmpi ne, %convert_element_type3A_865, %cond3A_866 : i32
    scf.if %cond3A_867 {
      %multiple_of3A_1406 = tpu.assume_multiple %add3A_844, 8 : i32
      %dma_start3A_1407 = arith.constant 0 : i32
      %dma_start3A_1408 = tpu.memref_slice %arg4[%multiple_of3A_1406, %dma_start3A_1407] : memref<16384x512xf32, #tpu.memory_space<hbm>> -> memref<64x512xf32, #tpu.memory_space<hbm>>
      %dma_start3A_1409 = arith.constant 0 : i32
      %dma_start3A_1410 = tpu.memref_slice %arg4[%multiple_of3A_1406, %dma_start3A_1409] : memref<16384x512xf32, #tpu.memory_space<hbm>> -> memref<64x512xf32, #tpu.memory_space<hbm>>
      tpu.enqueue_dma source(%arg9 : memref<64x512xf32, #tpu.memory_space<vmem>>) target(%dma_start3A_1410 : memref<64x512xf32, #tpu.memory_space<hbm>>) target_semaphore(%arg15 : memref<!tpu.dma_semaphore, #tpu.memory_space<semaphore_mem>>)
    } else {
    }
    %not3A_868 = arith.constant true
    %not3A_869 = arith.xori %and3A_864, %not3A_868 : i1
    %convert_element_type3A_870 = arith.extui %not3A_869 : i1 to i32
    %cond3A_871 = arith.constant 0 : i32
    %cond3A_872 = arith.cmpi ne, %convert_element_type3A_870, %cond3A_871 : i32
    scf.if %cond3A_872 {
      %add3A_1406 = arith.constant 0 : i32
      %add3A_1407 = arith.addi %add3A_731, %add3A_1406 : i32
      %add3A_1408 = vector.broadcast %add3A_1407 : i32 to vector<16xi32>
      %add3A_1409 = arith.addi %add3A_1408, %iota3A : vector<16xi32>
      %broadcast_in_dim3A_1410 = arith.constant 0 : i32
      %broadcast_in_dim3A_1411 = vector.broadcast %broadcast_in_dim3A_1410 : i32 to vector<16xi32>
      %sub3A_1412 = arith.constant 2048 : i32
      %sub3A_1413 = vector.broadcast %sub3A_1412 : i32 to vector<16xi32>
      %sub3A_1414 = arith.subi %sub3A_1413, %gather3A : vector<16xi32>
      %ge3A_1415 = arith.cmpi sge, %add3A_1409, %sub3A_1414 : vector<16xi32>
      %convert_element_type3A_1416 = arith.extui %ge3A_1415 : vector<16xi1> to vector<16xi32>
      %add3A_1417 = arith.addi %broadcast_in_dim3A_1411, %convert_element_type3A_1416 : vector<16xi32>
      %sub3A_1418 = arith.constant 4096 : i32
      %sub3A_1419 = vector.broadcast %sub3A_1418 : i32 to vector<16xi32>
      %sub3A_1420 = arith.subi %sub3A_1419, %gather3A_151 : vector<16xi32>
      %ge3A_1421 = arith.cmpi sge, %add3A_1409, %sub3A_1420 : vector<16xi32>
      %convert_element_type3A_1422 = arith.extui %ge3A_1421 : vector<16xi1> to vector<16xi32>
      %add3A_1423 = arith.addi %add3A_1417, %convert_element_type3A_1422 : vector<16xi32>
      %sub3A_1424 = arith.constant 6144 : i32
      %sub3A_1425 = vector.broadcast %sub3A_1424 : i32 to vector<16xi32>
      %sub3A_1426 = arith.subi %sub3A_1425, %gather3A_154 : vector<16xi32>
      %ge3A_1427 = arith.cmpi sge, %add3A_1409, %sub3A_1426 : vector<16xi32>
      %convert_element_type3A_1428 = arith.extui %ge3A_1427 : vector<16xi1> to vector<16xi32>
      %add3A_1429 = arith.addi %add3A_1423, %convert_element_type3A_1428 : vector<16xi32>
      %sub3A_1430 = arith.constant 8192 : i32
      %sub3A_1431 = vector.broadcast %sub3A_1430 : i32 to vector<16xi32>
      %sub3A_1432 = arith.subi %sub3A_1431, %gather3A_157 : vector<16xi32>
      %ge3A_1433 = arith.cmpi sge, %add3A_1409, %sub3A_1432 : vector<16xi32>
      %convert_element_type3A_1434 = arith.extui %ge3A_1433 : vector<16xi1> to vector<16xi32>
      %add3A_1435 = arith.addi %add3A_1429, %convert_element_type3A_1434 : vector<16xi32>
      %sub3A_1436 = arith.constant 10240 : i32
      %sub3A_1437 = vector.broadcast %sub3A_1436 : i32 to vector<16xi32>
      %sub3A_1438 = arith.subi %sub3A_1437, %gather3A_160 : vector<16xi32>
      %ge3A_1439 = arith.cmpi sge, %add3A_1409, %sub3A_1438 : vector<16xi32>
      %convert_element_type3A_1440 = arith.extui %ge3A_1439 : vector<16xi1> to vector<16xi32>
      %add3A_1441 = arith.addi %add3A_1435, %convert_element_type3A_1440 : vector<16xi32>
      %sub3A_1442 = arith.constant 12288 : i32
      %sub3A_1443 = vector.broadcast %sub3A_1442 : i32 to vector<16xi32>
      %sub3A_1444 = arith.subi %sub3A_1443, %gather3A_163 : vector<16xi32>
      %ge3A_1445 = arith.cmpi sge, %add3A_1409, %sub3A_1444 : vector<16xi32>
      %convert_element_type3A_1446 = arith.extui %ge3A_1445 : vector<16xi1> to vector<16xi32>
      %add3A_1447 = arith.addi %add3A_1441, %convert_element_type3A_1446 : vector<16xi32>
      %sub3A_1448 = arith.constant 14336 : i32
      %sub3A_1449 = vector.broadcast %sub3A_1448 : i32 to vector<16xi32>
      %sub3A_1450 = arith.subi %sub3A_1449, %gather3A_166 : vector<16xi32>
      %ge3A_1451 = arith.cmpi sge, %add3A_1409, %sub3A_1450 : vector<16xi32>
      %convert_element_type3A_1452 = arith.extui %ge3A_1451 : vector<16xi1> to vector<16xi32>
      %add3A_1453 = arith.addi %add3A_1447, %convert_element_type3A_1452 : vector<16xi32>
      %sub3A_1454 = arith.constant 16384 : i32
      %sub3A_1455 = vector.broadcast %sub3A_1454 : i32 to vector<16xi32>
      %sub3A_1456 = arith.subi %sub3A_1455, %gather3A_169 : vector<16xi32>
      %ge3A_1457 = arith.cmpi sge, %add3A_1409, %sub3A_1456 : vector<16xi32>
      %convert_element_type3A_1458 = arith.extui %ge3A_1457 : vector<16xi1> to vector<16xi32>
      %add3A_1459 = arith.addi %add3A_1453, %convert_element_type3A_1458 : vector<16xi32>
      %add3A_1460 = arith.constant 1 : i32
      %add3A_1461 = vector.broadcast %add3A_1460 : i32 to vector<16xi32>
      %add3A_1462 = arith.addi %add3A_1459, %add3A_1461 : vector<16xi32>
      %gather3A_1463 = tpu.vector_load_idx %arg5[%add3A_1462] : memref<16xi32, #tpu.memory_space<vmem>>[vector<16xi32>], vector<16xi32>,
      %add3A_1464 = arith.addi %gather3A_1463, %add3A_1409 : vector<16xi32>
      %swap3A = arith.constant 2 : i32
      %swap3A_1465 = arith.index_cast %swap3A : i32 to index
      %swap3A_1466 = arith.constant 0 : index
      %swap3A_1467 = tpu.vector_load %arg7[%swap3A_1465, %swap3A_1466] {strides = array<i32>} : memref<4x64xi32, #tpu.memory_space<vmem>>, vector<16xi32>,
      tpu.vector_store %arg7[%swap3A_1465, %swap3A_1466], %add3A_1464 {strides = array<i32>} : memref<4x64xi32, #tpu.memory_space<vmem>>, vector<16xi32>,
      %add3A_1468 = arith.constant 16 : i32
      %add3A_1469 = arith.addi %add3A_731, %add3A_1468 : i32
      %add3A_1470 = vector.broadcast %add3A_1469 : i32 to vector<16xi32>
      %add3A_1471 = arith.addi %add3A_1470, %iota3A : vector<16xi32>
      %broadcast_in_dim3A_1472 = arith.constant 0 : i32
      %broadcast_in_dim3A_1473 = vector.broadcast %broadcast_in_dim3A_1472 : i32 to vector<16xi32>
      %sub3A_1474 = arith.constant 2048 : i32
      %sub3A_1475 = vector.broadcast %sub3A_1474 : i32 to vector<16xi32>
      %sub3A_1476 = arith.subi %sub3A_1475, %gather3A : vector<16xi32>
      %ge3A_1477 = arith.cmpi sge, %add3A_1471, %sub3A_1476 : vector<16xi32>
      %convert_element_type3A_1478 = arith.extui %ge3A_1477 : vector<16xi1> to vector<16xi32>
      %add3A_1479 = arith.addi %broadcast_in_dim3A_1473, %convert_element_type3A_1478 : vector<16xi32>
      %sub3A_1480 = arith.constant 4096 : i32
      %sub3A_1481 = vector.broadcast %sub3A_1480 : i32 to vector<16xi32>
      %sub3A_1482 = arith.subi %sub3A_1481, %gather3A_151 : vector<16xi32>
      %ge3A_1483 = arith.cmpi sge, %add3A_1471, %sub3A_1482 : vector<16xi32>
      %convert_element_type3A_1484 = arith.extui %ge3A_1483 : vector<16xi1> to vector<16xi32>
      %add3A_1485 = arith.addi %add3A_1479, %convert_element_type3A_1484 : vector<16xi32>
      %sub3A_1486 = arith.constant 6144 : i32
      %sub3A_1487 = vector.broadcast %sub3A_1486 : i32 to vector<16xi32>
      %sub3A_1488 = arith.subi %sub3A_1487, %gather3A_154 : vector<16xi32>
      %ge3A_1489 = arith.cmpi sge, %add3A_1471, %sub3A_1488 : vector<16xi32>
      %convert_element_type3A_1490 = arith.extui %ge3A_1489 : vector<16xi1> to vector<16xi32>
      %add3A_1491 = arith.addi %add3A_1485, %convert_element_type3A_1490 : vector<16xi32>
      %sub3A_1492 = arith.constant 8192 : i32
      %sub3A_1493 = vector.broadcast %sub3A_1492 : i32 to vector<16xi32>
      %sub3A_1494 = arith.subi %sub3A_1493, %gather3A_157 : vector<16xi32>
      %ge3A_1495 = arith.cmpi sge, %add3A_1471, %sub3A_1494 : vector<16xi32>
      %convert_element_type3A_1496 = arith.extui %ge3A_1495 : vector<16xi1> to vector<16xi32>
      %add3A_1497 = arith.addi %add3A_1491, %convert_element_type3A_1496 : vector<16xi32>
      %sub3A_1498 = arith.constant 10240 : i32
      %sub3A_1499 = vector.broadcast %sub3A_1498 : i32 to vector<16xi32>
      %sub3A_1500 = arith.subi %sub3A_1499, %gather3A_160 : vector<16xi32>
      %ge3A_1501 = arith.cmpi sge, %add3A_1471, %sub3A_1500 : vector<16xi32>
      %convert_element_type3A_1502 = arith.extui %ge3A_1501 : vector<16xi1> to vector<16xi32>
      %add3A_1503 = arith.addi %add3A_1497, %convert_element_type3A_1502 : vector<16xi32>
      %sub3A_1504 = arith.constant 12288 : i32
      %sub3A_1505 = vector.broadcast %sub3A_1504 : i32 to vector<16xi32>
      %sub3A_1506 = arith.subi %sub3A_1505, %gather3A_163 : vector<16xi32>
      %ge3A_1507 = arith.cmpi sge, %add3A_1471, %sub3A_1506 : vector<16xi32>
      %convert_element_type3A_1508 = arith.extui %ge3A_1507 : vector<16xi1> to vector<16xi32>
      %add3A_1509 = arith.addi %add3A_1503, %convert_element_type3A_1508 : vector<16xi32>
      %sub3A_1510 = arith.constant 14336 : i32
      %sub3A_1511 = vector.broadcast %sub3A_1510 : i32 to vector<16xi32>
      %sub3A_1512 = arith.subi %sub3A_1511, %gather3A_166 : vector<16xi32>
      %ge3A_1513 = arith.cmpi sge, %add3A_1471, %sub3A_1512 : vector<16xi32>
      %convert_element_type3A_1514 = arith.extui %ge3A_1513 : vector<16xi1> to vector<16xi32>
      %add3A_1515 = arith.addi %add3A_1509, %convert_element_type3A_1514 : vector<16xi32>
      %sub3A_1516 = arith.constant 16384 : i32
      %sub3A_1517 = vector.broadcast %sub3A_1516 : i32 to vector<16xi32>
      %sub3A_1518 = arith.subi %sub3A_1517, %gather3A_169 : vector<16xi32>
      %ge3A_1519 = arith.cmpi sge, %add3A_1471, %sub3A_1518 : vector<16xi32>
      %convert_element_type3A_1520 = arith.extui %ge3A_1519 : vector<16xi1> to vector<16xi32>
      %add3A_1521 = arith.addi %add3A_1515, %convert_element_type3A_1520 : vector<16xi32>
      %add3A_1522 = arith.constant 1 : i32
      %add3A_1523 = vector.broadcast %add3A_1522 : i32 to vector<16xi32>
      %add3A_1524 = arith.addi %add3A_1521, %add3A_1523 : vector<16xi32>
      %gather3A_1525 = tpu.vector_load_idx %arg5[%add3A_1524] : memref<16xi32, #tpu.memory_space<vmem>>[vector<16xi32>], vector<16xi32>,
      %add3A_1526 = arith.addi %gather3A_1525, %add3A_1471 : vector<16xi32>
      %swap3A_1527 = arith.constant 2 : i32
      %swap3A_1528 = arith.index_cast %swap3A_1527 : i32 to index
      %swap3A_1529 = arith.constant 16 : index
      %swap3A_1530 = tpu.vector_load %arg7[%swap3A_1528, %swap3A_1529] {strides = array<i32>} : memref<4x64xi32, #tpu.memory_space<vmem>>, vector<16xi32>,
      tpu.vector_store %arg7[%swap3A_1528, %swap3A_1529], %add3A_1526 {strides = array<i32>} : memref<4x64xi32, #tpu.memory_space<vmem>>, vector<16xi32>,
      %add3A_1531 = arith.constant 32 : i32
      %add3A_1532 = arith.addi %add3A_731, %add3A_1531 : i32
      %add3A_1533 = vector.broadcast %add3A_1532 : i32 to vector<16xi32>
      %add3A_1534 = arith.addi %add3A_1533, %iota3A : vector<16xi32>
      %broadcast_in_dim3A_1535 = arith.constant 0 : i32
      %broadcast_in_dim3A_1536 = vector.broadcast %broadcast_in_dim3A_1535 : i32 to vector<16xi32>
      %sub3A_1537 = arith.constant 2048 : i32
      %sub3A_1538 = vector.broadcast %sub3A_1537 : i32 to vector<16xi32>
      %sub3A_1539 = arith.subi %sub3A_1538, %gather3A : vector<16xi32>
      %ge3A_1540 = arith.cmpi sge, %add3A_1534, %sub3A_1539 : vector<16xi32>
      %convert_element_type3A_1541 = arith.extui %ge3A_1540 : vector<16xi1> to vector<16xi32>
      %add3A_1542 = arith.addi %broadcast_in_dim3A_1536, %convert_element_type3A_1541 : vector<16xi32>
      %sub3A_1543 = arith.constant 4096 : i32
      %sub3A_1544 = vector.broadcast %sub3A_1543 : i32 to vector<16xi32>
      %sub3A_1545 = arith.subi %sub3A_1544, %gather3A_151 : vector<16xi32>
      %ge3A_1546 = arith.cmpi sge, %add3A_1534, %sub3A_1545 : vector<16xi32>
      %convert_element_type3A_1547 = arith.extui %ge3A_1546 : vector<16xi1> to vector<16xi32>
      %add3A_1548 = arith.addi %add3A_1542, %convert_element_type3A_1547 : vector<16xi32>
      %sub3A_1549 = arith.constant 6144 : i32
      %sub3A_1550 = vector.broadcast %sub3A_1549 : i32 to vector<16xi32>
      %sub3A_1551 = arith.subi %sub3A_1550, %gather3A_154 : vector<16xi32>
      %ge3A_1552 = arith.cmpi sge, %add3A_1534, %sub3A_1551 : vector<16xi32>
      %convert_element_type3A_1553 = arith.extui %ge3A_1552 : vector<16xi1> to vector<16xi32>
      %add3A_1554 = arith.addi %add3A_1548, %convert_element_type3A_1553 : vector<16xi32>
      %sub3A_1555 = arith.constant 8192 : i32
      %sub3A_1556 = vector.broadcast %sub3A_1555 : i32 to vector<16xi32>
      %sub3A_1557 = arith.subi %sub3A_1556, %gather3A_157 : vector<16xi32>
      %ge3A_1558 = arith.cmpi sge, %add3A_1534, %sub3A_1557 : vector<16xi32>
      %convert_element_type3A_1559 = arith.extui %ge3A_1558 : vector<16xi1> to vector<16xi32>
      %add3A_1560 = arith.addi %add3A_1554, %convert_element_type3A_1559 : vector<16xi32>
      %sub3A_1561 = arith.constant 10240 : i32
      %sub3A_1562 = vector.broadcast %sub3A_1561 : i32 to vector<16xi32>
      %sub3A_1563 = arith.subi %sub3A_1562, %gather3A_160 : vector<16xi32>
      %ge3A_1564 = arith.cmpi sge, %add3A_1534, %sub3A_1563 : vector<16xi32>
      %convert_element_type3A_1565 = arith.extui %ge3A_1564 : vector<16xi1> to vector<16xi32>
      %add3A_1566 = arith.addi %add3A_1560, %convert_element_type3A_1565 : vector<16xi32>
      %sub3A_1567 = arith.constant 12288 : i32
      %sub3A_1568 = vector.broadcast %sub3A_1567 : i32 to vector<16xi32>
      %sub3A_1569 = arith.subi %sub3A_1568, %gather3A_163 : vector<16xi32>
      %ge3A_1570 = arith.cmpi sge, %add3A_1534, %sub3A_1569 : vector<16xi32>
      %convert_element_type3A_1571 = arith.extui %ge3A_1570 : vector<16xi1> to vector<16xi32>
      %add3A_1572 = arith.addi %add3A_1566, %convert_element_type3A_1571 : vector<16xi32>
      %sub3A_1573 = arith.constant 14336 : i32
      %sub3A_1574 = vector.broadcast %sub3A_1573 : i32 to vector<16xi32>
      %sub3A_1575 = arith.subi %sub3A_1574, %gather3A_166 : vector<16xi32>
      %ge3A_1576 = arith.cmpi sge, %add3A_1534, %sub3A_1575 : vector<16xi32>
      %convert_element_type3A_1577 = arith.extui %ge3A_1576 : vector<16xi1> to vector<16xi32>
      %add3A_1578 = arith.addi %add3A_1572, %convert_element_type3A_1577 : vector<16xi32>
      %sub3A_1579 = arith.constant 16384 : i32
      %sub3A_1580 = vector.broadcast %sub3A_1579 : i32 to vector<16xi32>
      %sub3A_1581 = arith.subi %sub3A_1580, %gather3A_169 : vector<16xi32>
      %ge3A_1582 = arith.cmpi sge, %add3A_1534, %sub3A_1581 : vector<16xi32>
      %convert_element_type3A_1583 = arith.extui %ge3A_1582 : vector<16xi1> to vector<16xi32>
      %add3A_1584 = arith.addi %add3A_1578, %convert_element_type3A_1583 : vector<16xi32>
      %add3A_1585 = arith.constant 1 : i32
      %add3A_1586 = vector.broadcast %add3A_1585 : i32 to vector<16xi32>
      %add3A_1587 = arith.addi %add3A_1584, %add3A_1586 : vector<16xi32>
      %gather3A_1588 = tpu.vector_load_idx %arg5[%add3A_1587] : memref<16xi32, #tpu.memory_space<vmem>>[vector<16xi32>], vector<16xi32>,
      %add3A_1589 = arith.addi %gather3A_1588, %add3A_1534 : vector<16xi32>
      %swap3A_1590 = arith.constant 2 : i32
      %swap3A_1591 = arith.index_cast %swap3A_1590 : i32 to index
      %swap3A_1592 = arith.constant 32 : index
      %swap3A_1593 = tpu.vector_load %arg7[%swap3A_1591, %swap3A_1592] {strides = array<i32>} : memref<4x64xi32, #tpu.memory_space<vmem>>, vector<16xi32>,
      tpu.vector_store %arg7[%swap3A_1591, %swap3A_1592], %add3A_1589 {strides = array<i32>} : memref<4x64xi32, #tpu.memory_space<vmem>>, vector<16xi32>,
      %add3A_1594 = arith.constant 48 : i32
      %add3A_1595 = arith.addi %add3A_731, %add3A_1594 : i32
      %add3A_1596 = vector.broadcast %add3A_1595 : i32 to vector<16xi32>
      %add3A_1597 = arith.addi %add3A_1596, %iota3A : vector<16xi32>
      %broadcast_in_dim3A_1598 = arith.constant 0 : i32
      %broadcast_in_dim3A_1599 = vector.broadcast %broadcast_in_dim3A_1598 : i32 to vector<16xi32>
      %sub3A_1600 = arith.constant 2048 : i32
      %sub3A_1601 = vector.broadcast %sub3A_1600 : i32 to vector<16xi32>
      %sub3A_1602 = arith.subi %sub3A_1601, %gather3A : vector<16xi32>
      %ge3A_1603 = arith.cmpi sge, %add3A_1597, %sub3A_1602 : vector<16xi32>
      %convert_element_type3A_1604 = arith.extui %ge3A_1603 : vector<16xi1> to vector<16xi32>
      %add3A_1605 = arith.addi %broadcast_in_dim3A_1599, %convert_element_type3A_1604 : vector<16xi32>
      %sub3A_1606 = arith.constant 4096 : i32
      %sub3A_1607 = vector.broadcast %sub3A_1606 : i32 to vector<16xi32>
      %sub3A_1608 = arith.subi %sub3A_1607, %gather3A_151 : vector<16xi32>
      %ge3A_1609 = arith.cmpi sge, %add3A_1597, %sub3A_1608 : vector<16xi32>
      %convert_element_type3A_1610 = arith.extui %ge3A_1609 : vector<16xi1> to vector<16xi32>
      %add3A_1611 = arith.addi %add3A_1605, %convert_element_type3A_1610 : vector<16xi32>
      %sub3A_1612 = arith.constant 6144 : i32
      %sub3A_1613 = vector.broadcast %sub3A_1612 : i32 to vector<16xi32>
      %sub3A_1614 = arith.subi %sub3A_1613, %gather3A_154 : vector<16xi32>
      %ge3A_1615 = arith.cmpi sge, %add3A_1597, %sub3A_1614 : vector<16xi32>
      %convert_element_type3A_1616 = arith.extui %ge3A_1615 : vector<16xi1> to vector<16xi32>
      %add3A_1617 = arith.addi %add3A_1611, %convert_element_type3A_1616 : vector<16xi32>
      %sub3A_1618 = arith.constant 8192 : i32
      %sub3A_1619 = vector.broadcast %sub3A_1618 : i32 to vector<16xi32>
      %sub3A_1620 = arith.subi %sub3A_1619, %gather3A_157 : vector<16xi32>
      %ge3A_1621 = arith.cmpi sge, %add3A_1597, %sub3A_1620 : vector<16xi32>
      %convert_element_type3A_1622 = arith.extui %ge3A_1621 : vector<16xi1> to vector<16xi32>
      %add3A_1623 = arith.addi %add3A_1617, %convert_element_type3A_1622 : vector<16xi32>
      %sub3A_1624 = arith.constant 10240 : i32
      %sub3A_1625 = vector.broadcast %sub3A_1624 : i32 to vector<16xi32>
      %sub3A_1626 = arith.subi %sub3A_1625, %gather3A_160 : vector<16xi32>
      %ge3A_1627 = arith.cmpi sge, %add3A_1597, %sub3A_1626 : vector<16xi32>
      %convert_element_type3A_1628 = arith.extui %ge3A_1627 : vector<16xi1> to vector<16xi32>
      %add3A_1629 = arith.addi %add3A_1623, %convert_element_type3A_1628 : vector<16xi32>
      %sub3A_1630 = arith.constant 12288 : i32
      %sub3A_1631 = vector.broadcast %sub3A_1630 : i32 to vector<16xi32>
      %sub3A_1632 = arith.subi %sub3A_1631, %gather3A_163 : vector<16xi32>
      %ge3A_1633 = arith.cmpi sge, %add3A_1597, %sub3A_1632 : vector<16xi32>
      %convert_element_type3A_1634 = arith.extui %ge3A_1633 : vector<16xi1> to vector<16xi32>
      %add3A_1635 = arith.addi %add3A_1629, %convert_element_type3A_1634 : vector<16xi32>
      %sub3A_1636 = arith.constant 14336 : i32
      %sub3A_1637 = vector.broadcast %sub3A_1636 : i32 to vector<16xi32>
      %sub3A_1638 = arith.subi %sub3A_1637, %gather3A_166 : vector<16xi32>
      %ge3A_1639 = arith.cmpi sge, %add3A_1597, %sub3A_1638 : vector<16xi32>
      %convert_element_type3A_1640 = arith.extui %ge3A_1639 : vector<16xi1> to vector<16xi32>
      %add3A_1641 = arith.addi %add3A_1635, %convert_element_type3A_1640 : vector<16xi32>
      %sub3A_1642 = arith.constant 16384 : i32
      %sub3A_1643 = vector.broadcast %sub3A_1642 : i32 to vector<16xi32>
      %sub3A_1644 = arith.subi %sub3A_1643, %gather3A_169 : vector<16xi32>
      %ge3A_1645 = arith.cmpi sge, %add3A_1597, %sub3A_1644 : vector<16xi32>
      %convert_element_type3A_1646 = arith.extui %ge3A_1645 : vector<16xi1> to vector<16xi32>
      %add3A_1647 = arith.addi %add3A_1641, %convert_element_type3A_1646 : vector<16xi32>
      %add3A_1648 = arith.constant 1 : i32
      %add3A_1649 = vector.broadcast %add3A_1648 : i32 to vector<16xi32>
      %add3A_1650 = arith.addi %add3A_1647, %add3A_1649 : vector<16xi32>
      %gather3A_1651 = tpu.vector_load_idx %arg5[%add3A_1650] : memref<16xi32, #tpu.memory_space<vmem>>[vector<16xi32>], vector<16xi32>,
      %add3A_1652 = arith.addi %gather3A_1651, %add3A_1597 : vector<16xi32>
      %swap3A_1653 = arith.constant 2 : i32
      %swap3A_1654 = arith.index_cast %swap3A_1653 : i32 to index
      %swap3A_1655 = arith.constant 48 : index
      %swap3A_1656 = tpu.vector_load %arg7[%swap3A_1654, %swap3A_1655] {strides = array<i32>} : memref<4x64xi32, #tpu.memory_space<vmem>>, vector<16xi32>,
      tpu.vector_store %arg7[%swap3A_1654, %swap3A_1655], %add3A_1652 {strides = array<i32>} : memref<4x64xi32, #tpu.memory_space<vmem>>, vector<16xi32>,
      %dma_start3A_1657 = arith.constant 2 : i32
      %dma_start3A_1658 = arith.constant 0 : i32
      %dma_start3A_1659 = tpu.memref_slice %arg7[%dma_start3A_1657, %dma_start3A_1658] : memref<4x64xi32, #tpu.memory_space<vmem>> -> memref<1x64xi32, #tpu.memory_space<vmem>>
      %dma_start3A_1660 = tpu.memref_squeeze %dma_start3A_1659 : memref<1x64xi32, #tpu.memory_space<vmem>> -> memref<64xi32, #tpu.memory_space<vmem>>
      %dma_start3A_1661 = arith.constant 0 : i32
      %dma_start3A_1662 = arith.constant 0 : i32
      %dma_start3A_1663 = tpu.memref_slice %arg4[%dma_start3A_1661, %dma_start3A_1662] : memref<16384x512xf32, #tpu.memory_space<hbm>> -> memref<16384x512xf32, #tpu.memory_space<hbm>>
      tpu.enqueue_indirect_dma source(%arg9 : memref<64x512xf32, #tpu.memory_space<vmem>>) target(%dma_start3A_1663 : memref<16384x512xf32, #tpu.memory_space<hbm>>) offsets(%dma_start3A_1660 : memref<64xi32, #tpu.memory_space<vmem>>) semaphore(%arg15 : memref<!tpu.dma_semaphore, #tpu.memory_space<semaphore_mem>>)
    } else {
    }
    %add3A_873 = arith.constant 192 : i32
    %add3A_874 = arith.addi %multiple_of3A, %add3A_873 : i32
    %sub3A_875 = arith.constant 2048 : i32
    %sub3A_876 = arith.subi %sub3A_875, %reduce_max3A_48 : i32
    %ge3A_877 = arith.cmpi sge, %add3A_874, %sub3A_876 : i32
    %convert_element_type3A_878 = arith.extui %ge3A_877 : i1 to i32
    %add3A_879 = arith.constant 0 : i32
    %add3A_880 = arith.addi %add3A_879, %convert_element_type3A_878 : i32
    %add3A_881 = arith.constant 63 : i32
    %add3A_882 = arith.addi %add3A_874, %add3A_881 : i32
    %ge3A_883 = arith.cmpi sge, %add3A_882, %sub3A_876 : i32
    %convert_element_type3A_884 = arith.extui %ge3A_883 : i1 to i32
    %add3A_885 = arith.constant 0 : i32
    %add3A_886 = arith.addi %add3A_885, %convert_element_type3A_884 : i32
    %sub3A_887 = arith.constant 4096 : i32
    %sub3A_888 = arith.subi %sub3A_887, %reduce_max3A_62 : i32
    %ge3A_889 = arith.cmpi sge, %add3A_874, %sub3A_888 : i32
    %convert_element_type3A_890 = arith.extui %ge3A_889 : i1 to i32
    %add3A_891 = arith.addi %add3A_880, %convert_element_type3A_890 : i32
    %add3A_892 = arith.constant 63 : i32
    %add3A_893 = arith.addi %add3A_874, %add3A_892 : i32
    %ge3A_894 = arith.cmpi sge, %add3A_893, %sub3A_888 : i32
    %convert_element_type3A_895 = arith.extui %ge3A_894 : i1 to i32
    %add3A_896 = arith.addi %add3A_886, %convert_element_type3A_895 : i32
    %sub3A_897 = arith.constant 6144 : i32
    %sub3A_898 = arith.subi %sub3A_897, %reduce_max3A_76 : i32
    %ge3A_899 = arith.cmpi sge, %add3A_874, %sub3A_898 : i32
    %convert_element_type3A_900 = arith.extui %ge3A_899 : i1 to i32
    %add3A_901 = arith.addi %add3A_891, %convert_element_type3A_900 : i32
    %add3A_902 = arith.constant 63 : i32
    %add3A_903 = arith.addi %add3A_874, %add3A_902 : i32
    %ge3A_904 = arith.cmpi sge, %add3A_903, %sub3A_898 : i32
    %convert_element_type3A_905 = arith.extui %ge3A_904 : i1 to i32
    %add3A_906 = arith.addi %add3A_896, %convert_element_type3A_905 : i32
    %sub3A_907 = arith.constant 8192 : i32
    %sub3A_908 = arith.subi %sub3A_907, %reduce_max3A_90 : i32
    %ge3A_909 = arith.cmpi sge, %add3A_874, %sub3A_908 : i32
    %convert_element_type3A_910 = arith.extui %ge3A_909 : i1 to i32
    %add3A_911 = arith.addi %add3A_901, %convert_element_type3A_910 : i32
    %add3A_912 = arith.constant 63 : i32
    %add3A_913 = arith.addi %add3A_874, %add3A_912 : i32
    %ge3A_914 = arith.cmpi sge, %add3A_913, %sub3A_908 : i32
    %convert_element_type3A_915 = arith.extui %ge3A_914 : i1 to i32
    %add3A_916 = arith.addi %add3A_906, %convert_element_type3A_915 : i32
    %sub3A_917 = arith.constant 10240 : i32
    %sub3A_918 = arith.subi %sub3A_917, %reduce_max3A_104 : i32
    %ge3A_919 = arith.cmpi sge, %add3A_874, %sub3A_918 : i32
    %convert_element_type3A_920 = arith.extui %ge3A_919 : i1 to i32
    %add3A_921 = arith.addi %add3A_911, %convert_element_type3A_920 : i32
    %add3A_922 = arith.constant 63 : i32
    %add3A_923 = arith.addi %add3A_874, %add3A_922 : i32
    %ge3A_924 = arith.cmpi sge, %add3A_923, %sub3A_918 : i32
    %convert_element_type3A_925 = arith.extui %ge3A_924 : i1 to i32
    %add3A_926 = arith.addi %add3A_916, %convert_element_type3A_925 : i32
    %sub3A_927 = arith.constant 12288 : i32
    %sub3A_928 = arith.subi %sub3A_927, %reduce_max3A_118 : i32
    %ge3A_929 = arith.cmpi sge, %add3A_874, %sub3A_928 : i32
    %convert_element_type3A_930 = arith.extui %ge3A_929 : i1 to i32
    %add3A_931 = arith.addi %add3A_921, %convert_element_type3A_930 : i32
    %add3A_932 = arith.constant 63 : i32
    %add3A_933 = arith.addi %add3A_874, %add3A_932 : i32
    %ge3A_934 = arith.cmpi sge, %add3A_933, %sub3A_928 : i32
    %convert_element_type3A_935 = arith.extui %ge3A_934 : i1 to i32
    %add3A_936 = arith.addi %add3A_926, %convert_element_type3A_935 : i32
    %sub3A_937 = arith.constant 14336 : i32
    %sub3A_938 = arith.subi %sub3A_937, %reduce_max3A_132 : i32
    %ge3A_939 = arith.cmpi sge, %add3A_874, %sub3A_938 : i32
    %convert_element_type3A_940 = arith.extui %ge3A_939 : i1 to i32
    %add3A_941 = arith.addi %add3A_931, %convert_element_type3A_940 : i32
    %add3A_942 = arith.constant 63 : i32
    %add3A_943 = arith.addi %add3A_874, %add3A_942 : i32
    %ge3A_944 = arith.cmpi sge, %add3A_943, %sub3A_938 : i32
    %convert_element_type3A_945 = arith.extui %ge3A_944 : i1 to i32
    %add3A_946 = arith.addi %add3A_936, %convert_element_type3A_945 : i32
    %sub3A_947 = arith.constant 16384 : i32
    %sub3A_948 = arith.subi %sub3A_947, %reduce_max3A_146 : i32
    %ge3A_949 = arith.cmpi sge, %add3A_874, %sub3A_948 : i32
    %convert_element_type3A_950 = arith.extui %ge3A_949 : i1 to i32
    %add3A_951 = arith.addi %add3A_941, %convert_element_type3A_950 : i32
    %add3A_952 = arith.constant 63 : i32
    %add3A_953 = arith.addi %add3A_874, %add3A_952 : i32
    %ge3A_954 = arith.cmpi sge, %add3A_953, %sub3A_948 : i32
    %convert_element_type3A_955 = arith.extui %ge3A_954 : i1 to i32
    %add3A_956 = arith.addi %add3A_946, %convert_element_type3A_955 : i32
    %add3A_957 = arith.constant 1 : i32
    %add3A_958 = arith.addi %add3A_951, %add3A_957 : i32
    %eq3A_959 = arith.constant 1 : i32
    %eq3A_960 = arith.cmpi eq, %add3A_958, %eq3A_959 : i32
    %jit3A_961 = arith.constant 0 : i32
    %select_n3A_962 = arith.select %eq3A_960, %reduce_max3A_48, %jit3A_961 : i32
    %eq3A_963 = arith.constant 2 : i32
    %eq3A_964 = arith.cmpi eq, %add3A_958, %eq3A_963 : i32
    %select_n3A_965 = arith.select %eq3A_964, %reduce_max3A_62, %select_n3A_962 : i32
    %eq3A_966 = arith.constant 3 : i32
    %eq3A_967 = arith.cmpi eq, %add3A_958, %eq3A_966 : i32
    %select_n3A_968 = arith.select %eq3A_967, %reduce_max3A_76, %select_n3A_965 : i32
    %eq3A_969 = arith.constant 4 : i32
    %eq3A_970 = arith.cmpi eq, %add3A_958, %eq3A_969 : i32
    %select_n3A_971 = arith.select %eq3A_970, %reduce_max3A_90, %select_n3A_968 : i32
    %eq3A_972 = arith.constant 5 : i32
    %eq3A_973 = arith.cmpi eq, %add3A_958, %eq3A_972 : i32
    %select_n3A_974 = arith.select %eq3A_973, %reduce_max3A_104, %select_n3A_971 : i32
    %eq3A_975 = arith.constant 6 : i32
    %eq3A_976 = arith.cmpi eq, %add3A_958, %eq3A_975 : i32
    %select_n3A_977 = arith.select %eq3A_976, %reduce_max3A_118, %select_n3A_974 : i32
    %eq3A_978 = arith.constant 7 : i32
    %eq3A_979 = arith.cmpi eq, %add3A_958, %eq3A_978 : i32
    %select_n3A_980 = arith.select %eq3A_979, %reduce_max3A_132, %select_n3A_977 : i32
    %eq3A_981 = arith.constant 8 : i32
    %eq3A_982 = arith.cmpi eq, %add3A_958, %eq3A_981 : i32
    %select_n3A_983 = arith.select %eq3A_982, %reduce_max3A_146, %select_n3A_980 : i32
    %eq3A_984 = arith.constant 9 : i32
    %eq3A_985 = arith.cmpi eq, %add3A_958, %eq3A_984 : i32
    %select_n3A_986 = arith.select %eq3A_985, %reduce_max3A_146, %select_n3A_983 : i32
    %add3A_987 = arith.addi %add3A_874, %select_n3A_986 : i32
    %eq3A_988 = arith.cmpi eq, %add3A_951, %add3A_956 : i32
    %jit3A_989 = arith.constant 8 : i32
    %eq3A_990 = arith.constant 0 : i32
    %eq3A_991 = arith.cmpi eq, %jit3A_989, %eq3A_990 : i32
    %jit3A_992 = arith.constant 1 : i32
    %select_n3A_993 = arith.select %eq3A_991, %jit3A_992, %jit3A_989 : i32
    %rem3A_994 = arith.remsi %add3A_987, %select_n3A_993 : i32
    %ne3A_995 = arith.constant 0 : i32
    %ne3A_996 = arith.cmpi ne, %rem3A_994, %ne3A_995 : i32
    %lt3A_997 = arith.constant 0 : i32
    %lt3A_998 = arith.cmpi slt, %rem3A_994, %lt3A_997 : i32
    %lt3A_999 = arith.constant 0 : i32
    %lt3A_1000 = arith.cmpi slt, %select_n3A_993, %lt3A_999 : i32
    %ne3A_1001 = arith.xori %lt3A_998, %lt3A_1000 : i1
    %and3A_1002 = arith.andi %ne3A_1001, %ne3A_996 : i1
    %add3A_1003 = arith.addi %rem3A_994, %select_n3A_993 : i32
    %select_n3A_1004 = arith.select %and3A_1002, %add3A_1003, %rem3A_994 : i32
    %eq3A_1005 = arith.constant 0 : i32
    %eq3A_1006 = arith.cmpi eq, %select_n3A_1004, %eq3A_1005 : i32
    %and3A_1007 = arith.andi %eq3A_988, %eq3A_1006 : i1
    %convert_element_type3A_1008 = arith.extui %and3A_1007 : i1 to i32
    %cond3A_1009 = arith.constant 0 : i32
    %cond3A_1010 = arith.cmpi ne, %convert_element_type3A_1008, %cond3A_1009 : i32
    scf.if %cond3A_1010 {
      %multiple_of3A_1406 = tpu.assume_multiple %add3A_987, 8 : i32
      %dma_start3A_1407 = arith.constant 0 : i32
      %dma_start3A_1408 = tpu.memref_slice %arg4[%multiple_of3A_1406, %dma_start3A_1407] : memref<16384x512xf32, #tpu.memory_space<hbm>> -> memref<64x512xf32, #tpu.memory_space<hbm>>
      %dma_start3A_1409 = arith.constant 0 : i32
      %dma_start3A_1410 = tpu.memref_slice %arg4[%multiple_of3A_1406, %dma_start3A_1409] : memref<16384x512xf32, #tpu.memory_space<hbm>> -> memref<64x512xf32, #tpu.memory_space<hbm>>
      tpu.enqueue_dma source(%arg9 : memref<64x512xf32, #tpu.memory_space<vmem>>) target(%dma_start3A_1410 : memref<64x512xf32, #tpu.memory_space<hbm>>) target_semaphore(%arg15 : memref<!tpu.dma_semaphore, #tpu.memory_space<semaphore_mem>>)
    } else {
    }
    %not3A_1011 = arith.constant true
    %not3A_1012 = arith.xori %and3A_1007, %not3A_1011 : i1
    %convert_element_type3A_1013 = arith.extui %not3A_1012 : i1 to i32
    %cond3A_1014 = arith.constant 0 : i32
    %cond3A_1015 = arith.cmpi ne, %convert_element_type3A_1013, %cond3A_1014 : i32
    scf.if %cond3A_1015 {
      %add3A_1406 = arith.constant 0 : i32
      %add3A_1407 = arith.addi %add3A_874, %add3A_1406 : i32
      %add3A_1408 = vector.broadcast %add3A_1407 : i32 to vector<16xi32>
      %add3A_1409 = arith.addi %add3A_1408, %iota3A : vector<16xi32>
      %broadcast_in_dim3A_1410 = arith.constant 0 : i32
      %broadcast_in_dim3A_1411 = vector.broadcast %broadcast_in_dim3A_1410 : i32 to vector<16xi32>
      %sub3A_1412 = arith.constant 2048 : i32
      %sub3A_1413 = vector.broadcast %sub3A_1412 : i32 to vector<16xi32>
      %sub3A_1414 = arith.subi %sub3A_1413, %gather3A : vector<16xi32>
      %ge3A_1415 = arith.cmpi sge, %add3A_1409, %sub3A_1414 : vector<16xi32>
      %convert_element_type3A_1416 = arith.extui %ge3A_1415 : vector<16xi1> to vector<16xi32>
      %add3A_1417 = arith.addi %broadcast_in_dim3A_1411, %convert_element_type3A_1416 : vector<16xi32>
      %sub3A_1418 = arith.constant 4096 : i32
      %sub3A_1419 = vector.broadcast %sub3A_1418 : i32 to vector<16xi32>
      %sub3A_1420 = arith.subi %sub3A_1419, %gather3A_151 : vector<16xi32>
      %ge3A_1421 = arith.cmpi sge, %add3A_1409, %sub3A_1420 : vector<16xi32>
      %convert_element_type3A_1422 = arith.extui %ge3A_1421 : vector<16xi1> to vector<16xi32>
      %add3A_1423 = arith.addi %add3A_1417, %convert_element_type3A_1422 : vector<16xi32>
      %sub3A_1424 = arith.constant 6144 : i32
      %sub3A_1425 = vector.broadcast %sub3A_1424 : i32 to vector<16xi32>
      %sub3A_1426 = arith.subi %sub3A_1425, %gather3A_154 : vector<16xi32>
      %ge3A_1427 = arith.cmpi sge, %add3A_1409, %sub3A_1426 : vector<16xi32>
      %convert_element_type3A_1428 = arith.extui %ge3A_1427 : vector<16xi1> to vector<16xi32>
      %add3A_1429 = arith.addi %add3A_1423, %convert_element_type3A_1428 : vector<16xi32>
      %sub3A_1430 = arith.constant 8192 : i32
      %sub3A_1431 = vector.broadcast %sub3A_1430 : i32 to vector<16xi32>
      %sub3A_1432 = arith.subi %sub3A_1431, %gather3A_157 : vector<16xi32>
      %ge3A_1433 = arith.cmpi sge, %add3A_1409, %sub3A_1432 : vector<16xi32>
      %convert_element_type3A_1434 = arith.extui %ge3A_1433 : vector<16xi1> to vector<16xi32>
      %add3A_1435 = arith.addi %add3A_1429, %convert_element_type3A_1434 : vector<16xi32>
      %sub3A_1436 = arith.constant 10240 : i32
      %sub3A_1437 = vector.broadcast %sub3A_1436 : i32 to vector<16xi32>
      %sub3A_1438 = arith.subi %sub3A_1437, %gather3A_160 : vector<16xi32>
      %ge3A_1439 = arith.cmpi sge, %add3A_1409, %sub3A_1438 : vector<16xi32>
      %convert_element_type3A_1440 = arith.extui %ge3A_1439 : vector<16xi1> to vector<16xi32>
      %add3A_1441 = arith.addi %add3A_1435, %convert_element_type3A_1440 : vector<16xi32>
      %sub3A_1442 = arith.constant 12288 : i32
      %sub3A_1443 = vector.broadcast %sub3A_1442 : i32 to vector<16xi32>
      %sub3A_1444 = arith.subi %sub3A_1443, %gather3A_163 : vector<16xi32>
      %ge3A_1445 = arith.cmpi sge, %add3A_1409, %sub3A_1444 : vector<16xi32>
      %convert_element_type3A_1446 = arith.extui %ge3A_1445 : vector<16xi1> to vector<16xi32>
      %add3A_1447 = arith.addi %add3A_1441, %convert_element_type3A_1446 : vector<16xi32>
      %sub3A_1448 = arith.constant 14336 : i32
      %sub3A_1449 = vector.broadcast %sub3A_1448 : i32 to vector<16xi32>
      %sub3A_1450 = arith.subi %sub3A_1449, %gather3A_166 : vector<16xi32>
      %ge3A_1451 = arith.cmpi sge, %add3A_1409, %sub3A_1450 : vector<16xi32>
      %convert_element_type3A_1452 = arith.extui %ge3A_1451 : vector<16xi1> to vector<16xi32>
      %add3A_1453 = arith.addi %add3A_1447, %convert_element_type3A_1452 : vector<16xi32>
      %sub3A_1454 = arith.constant 16384 : i32
      %sub3A_1455 = vector.broadcast %sub3A_1454 : i32 to vector<16xi32>
      %sub3A_1456 = arith.subi %sub3A_1455, %gather3A_169 : vector<16xi32>
      %ge3A_1457 = arith.cmpi sge, %add3A_1409, %sub3A_1456 : vector<16xi32>
      %convert_element_type3A_1458 = arith.extui %ge3A_1457 : vector<16xi1> to vector<16xi32>
      %add3A_1459 = arith.addi %add3A_1453, %convert_element_type3A_1458 : vector<16xi32>
      %add3A_1460 = arith.constant 1 : i32
      %add3A_1461 = vector.broadcast %add3A_1460 : i32 to vector<16xi32>
      %add3A_1462 = arith.addi %add3A_1459, %add3A_1461 : vector<16xi32>
      %gather3A_1463 = tpu.vector_load_idx %arg5[%add3A_1462] : memref<16xi32, #tpu.memory_space<vmem>>[vector<16xi32>], vector<16xi32>,
      %add3A_1464 = arith.addi %gather3A_1463, %add3A_1409 : vector<16xi32>
      %swap3A = arith.constant 3 : i32
      %swap3A_1465 = arith.index_cast %swap3A : i32 to index
      %swap3A_1466 = arith.constant 0 : index
      %swap3A_1467 = tpu.vector_load %arg7[%swap3A_1465, %swap3A_1466] {strides = array<i32>} : memref<4x64xi32, #tpu.memory_space<vmem>>, vector<16xi32>,
      tpu.vector_store %arg7[%swap3A_1465, %swap3A_1466], %add3A_1464 {strides = array<i32>} : memref<4x64xi32, #tpu.memory_space<vmem>>, vector<16xi32>,
      %add3A_1468 = arith.constant 16 : i32
      %add3A_1469 = arith.addi %add3A_874, %add3A_1468 : i32
      %add3A_1470 = vector.broadcast %add3A_1469 : i32 to vector<16xi32>
      %add3A_1471 = arith.addi %add3A_1470, %iota3A : vector<16xi32>
      %broadcast_in_dim3A_1472 = arith.constant 0 : i32
      %broadcast_in_dim3A_1473 = vector.broadcast %broadcast_in_dim3A_1472 : i32 to vector<16xi32>
      %sub3A_1474 = arith.constant 2048 : i32
      %sub3A_1475 = vector.broadcast %sub3A_1474 : i32 to vector<16xi32>
      %sub3A_1476 = arith.subi %sub3A_1475, %gather3A : vector<16xi32>
      %ge3A_1477 = arith.cmpi sge, %add3A_1471, %sub3A_1476 : vector<16xi32>
      %convert_element_type3A_1478 = arith.extui %ge3A_1477 : vector<16xi1> to vector<16xi32>
      %add3A_1479 = arith.addi %broadcast_in_dim3A_1473, %convert_element_type3A_1478 : vector<16xi32>
      %sub3A_1480 = arith.constant 4096 : i32
      %sub3A_1481 = vector.broadcast %sub3A_1480 : i32 to vector<16xi32>
      %sub3A_1482 = arith.subi %sub3A_1481, %gather3A_151 : vector<16xi32>
      %ge3A_1483 = arith.cmpi sge, %add3A_1471, %sub3A_1482 : vector<16xi32>
      %convert_element_type3A_1484 = arith.extui %ge3A_1483 : vector<16xi1> to vector<16xi32>
      %add3A_1485 = arith.addi %add3A_1479, %convert_element_type3A_1484 : vector<16xi32>
      %sub3A_1486 = arith.constant 6144 : i32
      %sub3A_1487 = vector.broadcast %sub3A_1486 : i32 to vector<16xi32>
      %sub3A_1488 = arith.subi %sub3A_1487, %gather3A_154 : vector<16xi32>
      %ge3A_1489 = arith.cmpi sge, %add3A_1471, %sub3A_1488 : vector<16xi32>
      %convert_element_type3A_1490 = arith.extui %ge3A_1489 : vector<16xi1> to vector<16xi32>
      %add3A_1491 = arith.addi %add3A_1485, %convert_element_type3A_1490 : vector<16xi32>
      %sub3A_1492 = arith.constant 8192 : i32
      %sub3A_1493 = vector.broadcast %sub3A_1492 : i32 to vector<16xi32>
      %sub3A_1494 = arith.subi %sub3A_1493, %gather3A_157 : vector<16xi32>
      %ge3A_1495 = arith.cmpi sge, %add3A_1471, %sub3A_1494 : vector<16xi32>
      %convert_element_type3A_1496 = arith.extui %ge3A_1495 : vector<16xi1> to vector<16xi32>
      %add3A_1497 = arith.addi %add3A_1491, %convert_element_type3A_1496 : vector<16xi32>
      %sub3A_1498 = arith.constant 10240 : i32
      %sub3A_1499 = vector.broadcast %sub3A_1498 : i32 to vector<16xi32>
      %sub3A_1500 = arith.subi %sub3A_1499, %gather3A_160 : vector<16xi32>
      %ge3A_1501 = arith.cmpi sge, %add3A_1471, %sub3A_1500 : vector<16xi32>
      %convert_element_type3A_1502 = arith.extui %ge3A_1501 : vector<16xi1> to vector<16xi32>
      %add3A_1503 = arith.addi %add3A_1497, %convert_element_type3A_1502 : vector<16xi32>
      %sub3A_1504 = arith.constant 12288 : i32
      %sub3A_1505 = vector.broadcast %sub3A_1504 : i32 to vector<16xi32>
      %sub3A_1506 = arith.subi %sub3A_1505, %gather3A_163 : vector<16xi32>
      %ge3A_1507 = arith.cmpi sge, %add3A_1471, %sub3A_1506 : vector<16xi32>
      %convert_element_type3A_1508 = arith.extui %ge3A_1507 : vector<16xi1> to vector<16xi32>
      %add3A_1509 = arith.addi %add3A_1503, %convert_element_type3A_1508 : vector<16xi32>
      %sub3A_1510 = arith.constant 14336 : i32
      %sub3A_1511 = vector.broadcast %sub3A_1510 : i32 to vector<16xi32>
      %sub3A_1512 = arith.subi %sub3A_1511, %gather3A_166 : vector<16xi32>
      %ge3A_1513 = arith.cmpi sge, %add3A_1471, %sub3A_1512 : vector<16xi32>
      %convert_element_type3A_1514 = arith.extui %ge3A_1513 : vector<16xi1> to vector<16xi32>
      %add3A_1515 = arith.addi %add3A_1509, %convert_element_type3A_1514 : vector<16xi32>
      %sub3A_1516 = arith.constant 16384 : i32
      %sub3A_1517 = vector.broadcast %sub3A_1516 : i32 to vector<16xi32>
      %sub3A_1518 = arith.subi %sub3A_1517, %gather3A_169 : vector<16xi32>
      %ge3A_1519 = arith.cmpi sge, %add3A_1471, %sub3A_1518 : vector<16xi32>
      %convert_element_type3A_1520 = arith.extui %ge3A_1519 : vector<16xi1> to vector<16xi32>
      %add3A_1521 = arith.addi %add3A_1515, %convert_element_type3A_1520 : vector<16xi32>
      %add3A_1522 = arith.constant 1 : i32
      %add3A_1523 = vector.broadcast %add3A_1522 : i32 to vector<16xi32>
      %add3A_1524 = arith.addi %add3A_1521, %add3A_1523 : vector<16xi32>
      %gather3A_1525 = tpu.vector_load_idx %arg5[%add3A_1524] : memref<16xi32, #tpu.memory_space<vmem>>[vector<16xi32>], vector<16xi32>,
      %add3A_1526 = arith.addi %gather3A_1525, %add3A_1471 : vector<16xi32>
      %swap3A_1527 = arith.constant 3 : i32
      %swap3A_1528 = arith.index_cast %swap3A_1527 : i32 to index
      %swap3A_1529 = arith.constant 16 : index
      %swap3A_1530 = tpu.vector_load %arg7[%swap3A_1528, %swap3A_1529] {strides = array<i32>} : memref<4x64xi32, #tpu.memory_space<vmem>>, vector<16xi32>,
      tpu.vector_store %arg7[%swap3A_1528, %swap3A_1529], %add3A_1526 {strides = array<i32>} : memref<4x64xi32, #tpu.memory_space<vmem>>, vector<16xi32>,
      %add3A_1531 = arith.constant 32 : i32
      %add3A_1532 = arith.addi %add3A_874, %add3A_1531 : i32
      %add3A_1533 = vector.broadcast %add3A_1532 : i32 to vector<16xi32>
      %add3A_1534 = arith.addi %add3A_1533, %iota3A : vector<16xi32>
      %broadcast_in_dim3A_1535 = arith.constant 0 : i32
      %broadcast_in_dim3A_1536 = vector.broadcast %broadcast_in_dim3A_1535 : i32 to vector<16xi32>
      %sub3A_1537 = arith.constant 2048 : i32
      %sub3A_1538 = vector.broadcast %sub3A_1537 : i32 to vector<16xi32>
      %sub3A_1539 = arith.subi %sub3A_1538, %gather3A : vector<16xi32>
      %ge3A_1540 = arith.cmpi sge, %add3A_1534, %sub3A_1539 : vector<16xi32>
      %convert_element_type3A_1541 = arith.extui %ge3A_1540 : vector<16xi1> to vector<16xi32>
      %add3A_1542 = arith.addi %broadcast_in_dim3A_1536, %convert_element_type3A_1541 : vector<16xi32>
      %sub3A_1543 = arith.constant 4096 : i32
      %sub3A_1544 = vector.broadcast %sub3A_1543 : i32 to vector<16xi32>
      %sub3A_1545 = arith.subi %sub3A_1544, %gather3A_151 : vector<16xi32>
      %ge3A_1546 = arith.cmpi sge, %add3A_1534, %sub3A_1545 : vector<16xi32>
      %convert_element_type3A_1547 = arith.extui %ge3A_1546 : vector<16xi1> to vector<16xi32>
      %add3A_1548 = arith.addi %add3A_1542, %convert_element_type3A_1547 : vector<16xi32>
      %sub3A_1549 = arith.constant 6144 : i32
      %sub3A_1550 = vector.broadcast %sub3A_1549 : i32 to vector<16xi32>
      %sub3A_1551 = arith.subi %sub3A_1550, %gather3A_154 : vector<16xi32>
      %ge3A_1552 = arith.cmpi sge, %add3A_1534, %sub3A_1551 : vector<16xi32>
      %convert_element_type3A_1553 = arith.extui %ge3A_1552 : vector<16xi1> to vector<16xi32>
      %add3A_1554 = arith.addi %add3A_1548, %convert_element_type3A_1553 : vector<16xi32>
      %sub3A_1555 = arith.constant 8192 : i32
      %sub3A_1556 = vector.broadcast %sub3A_1555 : i32 to vector<16xi32>
      %sub3A_1557 = arith.subi %sub3A_1556, %gather3A_157 : vector<16xi32>
      %ge3A_1558 = arith.cmpi sge, %add3A_1534, %sub3A_1557 : vector<16xi32>
      %convert_element_type3A_1559 = arith.extui %ge3A_1558 : vector<16xi1> to vector<16xi32>
      %add3A_1560 = arith.addi %add3A_1554, %convert_element_type3A_1559 : vector<16xi32>
      %sub3A_1561 = arith.constant 10240 : i32
      %sub3A_1562 = vector.broadcast %sub3A_1561 : i32 to vector<16xi32>
      %sub3A_1563 = arith.subi %sub3A_1562, %gather3A_160 : vector<16xi32>
      %ge3A_1564 = arith.cmpi sge, %add3A_1534, %sub3A_1563 : vector<16xi32>
      %convert_element_type3A_1565 = arith.extui %ge3A_1564 : vector<16xi1> to vector<16xi32>
      %add3A_1566 = arith.addi %add3A_1560, %convert_element_type3A_1565 : vector<16xi32>
      %sub3A_1567 = arith.constant 12288 : i32
      %sub3A_1568 = vector.broadcast %sub3A_1567 : i32 to vector<16xi32>
      %sub3A_1569 = arith.subi %sub3A_1568, %gather3A_163 : vector<16xi32>
      %ge3A_1570 = arith.cmpi sge, %add3A_1534, %sub3A_1569 : vector<16xi32>
      %convert_element_type3A_1571 = arith.extui %ge3A_1570 : vector<16xi1> to vector<16xi32>
      %add3A_1572 = arith.addi %add3A_1566, %convert_element_type3A_1571 : vector<16xi32>
      %sub3A_1573 = arith.constant 14336 : i32
      %sub3A_1574 = vector.broadcast %sub3A_1573 : i32 to vector<16xi32>
      %sub3A_1575 = arith.subi %sub3A_1574, %gather3A_166 : vector<16xi32>
      %ge3A_1576 = arith.cmpi sge, %add3A_1534, %sub3A_1575 : vector<16xi32>
      %convert_element_type3A_1577 = arith.extui %ge3A_1576 : vector<16xi1> to vector<16xi32>
      %add3A_1578 = arith.addi %add3A_1572, %convert_element_type3A_1577 : vector<16xi32>
      %sub3A_1579 = arith.constant 16384 : i32
      %sub3A_1580 = vector.broadcast %sub3A_1579 : i32 to vector<16xi32>
      %sub3A_1581 = arith.subi %sub3A_1580, %gather3A_169 : vector<16xi32>
      %ge3A_1582 = arith.cmpi sge, %add3A_1534, %sub3A_1581 : vector<16xi32>
      %convert_element_type3A_1583 = arith.extui %ge3A_1582 : vector<16xi1> to vector<16xi32>
      %add3A_1584 = arith.addi %add3A_1578, %convert_element_type3A_1583 : vector<16xi32>
      %add3A_1585 = arith.constant 1 : i32
      %add3A_1586 = vector.broadcast %add3A_1585 : i32 to vector<16xi32>
      %add3A_1587 = arith.addi %add3A_1584, %add3A_1586 : vector<16xi32>
      %gather3A_1588 = tpu.vector_load_idx %arg5[%add3A_1587] : memref<16xi32, #tpu.memory_space<vmem>>[vector<16xi32>], vector<16xi32>,
      %add3A_1589 = arith.addi %gather3A_1588, %add3A_1534 : vector<16xi32>
      %swap3A_1590 = arith.constant 3 : i32
      %swap3A_1591 = arith.index_cast %swap3A_1590 : i32 to index
      %swap3A_1592 = arith.constant 32 : index
      %swap3A_1593 = tpu.vector_load %arg7[%swap3A_1591, %swap3A_1592] {strides = array<i32>} : memref<4x64xi32, #tpu.memory_space<vmem>>, vector<16xi32>,
      tpu.vector_store %arg7[%swap3A_1591, %swap3A_1592], %add3A_1589 {strides = array<i32>} : memref<4x64xi32, #tpu.memory_space<vmem>>, vector<16xi32>,
      %add3A_1594 = arith.constant 48 : i32
      %add3A_1595 = arith.addi %add3A_874, %add3A_1594 : i32
      %add3A_1596 = vector.broadcast %add3A_1595 : i32 to vector<16xi32>
      %add3A_1597 = arith.addi %add3A_1596, %iota3A : vector<16xi32>
      %broadcast_in_dim3A_1598 = arith.constant 0 : i32
      %broadcast_in_dim3A_1599 = vector.broadcast %broadcast_in_dim3A_1598 : i32 to vector<16xi32>
      %sub3A_1600 = arith.constant 2048 : i32
      %sub3A_1601 = vector.broadcast %sub3A_1600 : i32 to vector<16xi32>
      %sub3A_1602 = arith.subi %sub3A_1601, %gather3A : vector<16xi32>
      %ge3A_1603 = arith.cmpi sge, %add3A_1597, %sub3A_1602 : vector<16xi32>
      %convert_element_type3A_1604 = arith.extui %ge3A_1603 : vector<16xi1> to vector<16xi32>
      %add3A_1605 = arith.addi %broadcast_in_dim3A_1599, %convert_element_type3A_1604 : vector<16xi32>
      %sub3A_1606 = arith.constant 4096 : i32
      %sub3A_1607 = vector.broadcast %sub3A_1606 : i32 to vector<16xi32>
      %sub3A_1608 = arith.subi %sub3A_1607, %gather3A_151 : vector<16xi32>
      %ge3A_1609 = arith.cmpi sge, %add3A_1597, %sub3A_1608 : vector<16xi32>
      %convert_element_type3A_1610 = arith.extui %ge3A_1609 : vector<16xi1> to vector<16xi32>
      %add3A_1611 = arith.addi %add3A_1605, %convert_element_type3A_1610 : vector<16xi32>
      %sub3A_1612 = arith.constant 6144 : i32
      %sub3A_1613 = vector.broadcast %sub3A_1612 : i32 to vector<16xi32>
      %sub3A_1614 = arith.subi %sub3A_1613, %gather3A_154 : vector<16xi32>
      %ge3A_1615 = arith.cmpi sge, %add3A_1597, %sub3A_1614 : vector<16xi32>
      %convert_element_type3A_1616 = arith.extui %ge3A_1615 : vector<16xi1> to vector<16xi32>
      %add3A_1617 = arith.addi %add3A_1611, %convert_element_type3A_1616 : vector<16xi32>
      %sub3A_1618 = arith.constant 8192 : i32
      %sub3A_1619 = vector.broadcast %sub3A_1618 : i32 to vector<16xi32>
      %sub3A_1620 = arith.subi %sub3A_1619, %gather3A_157 : vector<16xi32>
      %ge3A_1621 = arith.cmpi sge, %add3A_1597, %sub3A_1620 : vector<16xi32>
      %convert_element_type3A_1622 = arith.extui %ge3A_1621 : vector<16xi1> to vector<16xi32>
      %add3A_1623 = arith.addi %add3A_1617, %convert_element_type3A_1622 : vector<16xi32>
      %sub3A_1624 = arith.constant 10240 : i32
      %sub3A_1625 = vector.broadcast %sub3A_1624 : i32 to vector<16xi32>
      %sub3A_1626 = arith.subi %sub3A_1625, %gather3A_160 : vector<16xi32>
      %ge3A_1627 = arith.cmpi sge, %add3A_1597, %sub3A_1626 : vector<16xi32>
      %convert_element_type3A_1628 = arith.extui %ge3A_1627 : vector<16xi1> to vector<16xi32>
      %add3A_1629 = arith.addi %add3A_1623, %convert_element_type3A_1628 : vector<16xi32>
      %sub3A_1630 = arith.constant 12288 : i32
      %sub3A_1631 = vector.broadcast %sub3A_1630 : i32 to vector<16xi32>
      %sub3A_1632 = arith.subi %sub3A_1631, %gather3A_163 : vector<16xi32>
      %ge3A_1633 = arith.cmpi sge, %add3A_1597, %sub3A_1632 : vector<16xi32>
      %convert_element_type3A_1634 = arith.extui %ge3A_1633 : vector<16xi1> to vector<16xi32>
      %add3A_1635 = arith.addi %add3A_1629, %convert_element_type3A_1634 : vector<16xi32>
      %sub3A_1636 = arith.constant 14336 : i32
      %sub3A_1637 = vector.broadcast %sub3A_1636 : i32 to vector<16xi32>
      %sub3A_1638 = arith.subi %sub3A_1637, %gather3A_166 : vector<16xi32>
      %ge3A_1639 = arith.cmpi sge, %add3A_1597, %sub3A_1638 : vector<16xi32>
      %convert_element_type3A_1640 = arith.extui %ge3A_1639 : vector<16xi1> to vector<16xi32>
      %add3A_1641 = arith.addi %add3A_1635, %convert_element_type3A_1640 : vector<16xi32>
      %sub3A_1642 = arith.constant 16384 : i32
      %sub3A_1643 = vector.broadcast %sub3A_1642 : i32 to vector<16xi32>
      %sub3A_1644 = arith.subi %sub3A_1643, %gather3A_169 : vector<16xi32>
      %ge3A_1645 = arith.cmpi sge, %add3A_1597, %sub3A_1644 : vector<16xi32>
      %convert_element_type3A_1646 = arith.extui %ge3A_1645 : vector<16xi1> to vector<16xi32>
      %add3A_1647 = arith.addi %add3A_1641, %convert_element_type3A_1646 : vector<16xi32>
      %add3A_1648 = arith.constant 1 : i32
      %add3A_1649 = vector.broadcast %add3A_1648 : i32 to vector<16xi32>
      %add3A_1650 = arith.addi %add3A_1647, %add3A_1649 : vector<16xi32>
      %gather3A_1651 = tpu.vector_load_idx %arg5[%add3A_1650] : memref<16xi32, #tpu.memory_space<vmem>>[vector<16xi32>], vector<16xi32>,
      %add3A_1652 = arith.addi %gather3A_1651, %add3A_1597 : vector<16xi32>
      %swap3A_1653 = arith.constant 3 : i32
      %swap3A_1654 = arith.index_cast %swap3A_1653 : i32 to index
      %swap3A_1655 = arith.constant 48 : index
      %swap3A_1656 = tpu.vector_load %arg7[%swap3A_1654, %swap3A_1655] {strides = array<i32>} : memref<4x64xi32, #tpu.memory_space<vmem>>, vector<16xi32>,
      tpu.vector_store %arg7[%swap3A_1654, %swap3A_1655], %add3A_1652 {strides = array<i32>} : memref<4x64xi32, #tpu.memory_space<vmem>>, vector<16xi32>,
      %dma_start3A_1657 = arith.constant 3 : i32
      %dma_start3A_1658 = arith.constant 0 : i32
      %dma_start3A_1659 = tpu.memref_slice %arg7[%dma_start3A_1657, %dma_start3A_1658] : memref<4x64xi32, #tpu.memory_space<vmem>> -> memref<1x64xi32, #tpu.memory_space<vmem>>
      %dma_start3A_1660 = tpu.memref_squeeze %dma_start3A_1659 : memref<1x64xi32, #tpu.memory_space<vmem>> -> memref<64xi32, #tpu.memory_space<vmem>>
      %dma_start3A_1661 = arith.constant 0 : i32
      %dma_start3A_1662 = arith.constant 0 : i32
      %dma_start3A_1663 = tpu.memref_slice %arg4[%dma_start3A_1661, %dma_start3A_1662] : memref<16384x512xf32, #tpu.memory_space<hbm>> -> memref<16384x512xf32, #tpu.memory_space<hbm>>
      tpu.enqueue_indirect_dma source(%arg9 : memref<64x512xf32, #tpu.memory_space<vmem>>) target(%dma_start3A_1663 : memref<16384x512xf32, #tpu.memory_space<hbm>>) offsets(%dma_start3A_1660 : memref<64xi32, #tpu.memory_space<vmem>>) semaphore(%arg15 : memref<!tpu.dma_semaphore, #tpu.memory_space<semaphore_mem>>)
    } else {
    }
    %dma_wait3A_1016 = arith.constant 0 : i32
    %dma_wait3A_1017 = arith.constant 0 : i32
    %dma_wait3A_1018 = arith.constant 0 : i32
    %dma_wait3A_1019 = tpu.memref_slice %arg8[%dma_wait3A_1016, %dma_wait3A_1017, %dma_wait3A_1018] : memref<2x64x512xf32, #tpu.memory_space<vmem>> -> memref<1x64x512xf32, #tpu.memory_space<vmem>>
    %dma_wait3A_1020 = tpu.memref_squeeze %dma_wait3A_1019 : memref<1x64x512xf32, #tpu.memory_space<vmem>> -> memref<64x512xf32, #tpu.memory_space<vmem>>
    %dma_wait3A_1021 = arith.constant 0 : i32
    %dma_wait3A_1022 = arith.constant 0 : i32
    %dma_wait3A_1023 = tpu.memref_slice %arg4[%dma_wait3A_1021, %dma_wait3A_1022] : memref<16384x512xf32, #tpu.memory_space<hbm>> -> memref<64x512xf32, #tpu.memory_space<hbm>>
    %dma_wait3A_1024 = arith.constant 0 : i32
    %dma_wait3A_1025 = arith.constant 0 : i32
    %dma_wait3A_1026 = tpu.memref_slice %arg4[%dma_wait3A_1024, %dma_wait3A_1025] : memref<16384x512xf32, #tpu.memory_space<hbm>> -> memref<64x512xf32, #tpu.memory_space<hbm>>
    %dma_wait3A_1027 = arith.constant 0 : i32
    %dma_wait3A_1028 = arith.constant 0 : i32
    %dma_wait3A_1029 = tpu.memref_slice %arg8[%dma_wait3A_1016, %dma_wait3A_1027, %dma_wait3A_1028] : memref<2x64x512xf32, #tpu.memory_space<vmem>> -> memref<1x64x512xf32, #tpu.memory_space<vmem>>
    %dma_wait3A_1030 = tpu.memref_squeeze %dma_wait3A_1029 : memref<1x64x512xf32, #tpu.memory_space<vmem>> -> memref<64x512xf32, #tpu.memory_space<vmem>>
    tpu.wait_dma2 semaphore(%arg13 : memref<!tpu.dma_semaphore, #tpu.memory_space<semaphore_mem>>) src(%dma_wait3A_1030 : memref<64x512xf32, #tpu.memory_space<vmem>>) dst(%dma_wait3A_1026 : memref<64x512xf32, #tpu.memory_space<hbm>>)
    %add3A_1031 = arith.constant 128 : i32
    %add3A_1032 = arith.addi %multiple_of3A, %add3A_1031 : i32
    %dma_start3A_1033 = arith.constant 0 : i32
    %dma_start3A_1034 = arith.constant 0 : i32
    %dma_start3A_1035 = arith.constant 0 : i32
    %dma_start3A_1036 = tpu.memref_slice %arg8[%dma_start3A_1033, %dma_start3A_1034, %dma_start3A_1035] : memref<2x64x512xf32, #tpu.memory_space<vmem>> -> memref<1x64x512xf32, #tpu.memory_space<vmem>>
    %dma_start3A_1037 = tpu.memref_squeeze %dma_start3A_1036 : memref<1x64x512xf32, #tpu.memory_space<vmem>> -> memref<64x512xf32, #tpu.memory_space<vmem>>
    %dma_start3A_1038 = arith.constant 0 : i32
    %dma_start3A_1039 = tpu.memref_slice %arg2[%add3A_1032, %dma_start3A_1038] : memref<8192x512xf32, #tpu.memory_space<hbm>> -> memref<64x512xf32, #tpu.memory_space<hbm>>
    %dma_start3A_1040 = arith.constant 0 : i32
    %dma_start3A_1041 = arith.constant 0 : i32
    %dma_start3A_1042 = tpu.memref_slice %arg8[%dma_start3A_1033, %dma_start3A_1040, %dma_start3A_1041] : memref<2x64x512xf32, #tpu.memory_space<vmem>> -> memref<1x64x512xf32, #tpu.memory_space<vmem>>
    %dma_start3A_1043 = tpu.memref_squeeze %dma_start3A_1042 : memref<1x64x512xf32, #tpu.memory_space<vmem>> -> memref<64x512xf32, #tpu.memory_space<vmem>>
    %dma_start3A_1044 = arith.constant 0 : i32
    %dma_start3A_1045 = tpu.memref_slice %arg2[%add3A_1032, %dma_start3A_1044] : memref<8192x512xf32, #tpu.memory_space<hbm>> -> memref<64x512xf32, #tpu.memory_space<hbm>>
    tpu.enqueue_dma source(%dma_start3A_1045 : memref<64x512xf32, #tpu.memory_space<hbm>>) target(%dma_start3A_1043 : memref<64x512xf32, #tpu.memory_space<vmem>>) target_semaphore(%arg11 : memref<!tpu.dma_semaphore, #tpu.memory_space<semaphore_mem>>)
    %dma_wait3A_1046 = arith.constant 1 : i32
    %dma_wait3A_1047 = arith.constant 0 : i32
    %dma_wait3A_1048 = arith.constant 0 : i32
    %dma_wait3A_1049 = tpu.memref_slice %arg8[%dma_wait3A_1046, %dma_wait3A_1047, %dma_wait3A_1048] : memref<2x64x512xf32, #tpu.memory_space<vmem>> -> memref<1x64x512xf32, #tpu.memory_space<vmem>>
    %dma_wait3A_1050 = tpu.memref_squeeze %dma_wait3A_1049 : memref<1x64x512xf32, #tpu.memory_space<vmem>> -> memref<64x512xf32, #tpu.memory_space<vmem>>
    %dma_wait3A_1051 = arith.constant 0 : i32
    %dma_wait3A_1052 = arith.constant 0 : i32
    %dma_wait3A_1053 = tpu.memref_slice %arg4[%dma_wait3A_1051, %dma_wait3A_1052] : memref<16384x512xf32, #tpu.memory_space<hbm>> -> memref<64x512xf32, #tpu.memory_space<hbm>>
    %dma_wait3A_1054 = arith.constant 0 : i32
    %dma_wait3A_1055 = arith.constant 0 : i32
    %dma_wait3A_1056 = tpu.memref_slice %arg4[%dma_wait3A_1054, %dma_wait3A_1055] : memref<16384x512xf32, #tpu.memory_space<hbm>> -> memref<64x512xf32, #tpu.memory_space<hbm>>
    %dma_wait3A_1057 = arith.constant 0 : i32
    %dma_wait3A_1058 = arith.constant 0 : i32
    %dma_wait3A_1059 = tpu.memref_slice %arg8[%dma_wait3A_1046, %dma_wait3A_1057, %dma_wait3A_1058] : memref<2x64x512xf32, #tpu.memory_space<vmem>> -> memref<1x64x512xf32, #tpu.memory_space<vmem>>
    %dma_wait3A_1060 = tpu.memref_squeeze %dma_wait3A_1059 : memref<1x64x512xf32, #tpu.memory_space<vmem>> -> memref<64x512xf32, #tpu.memory_space<vmem>>
    tpu.wait_dma2 semaphore(%arg14 : memref<!tpu.dma_semaphore, #tpu.memory_space<semaphore_mem>>) src(%dma_wait3A_1060 : memref<64x512xf32, #tpu.memory_space<vmem>>) dst(%dma_wait3A_1056 : memref<64x512xf32, #tpu.memory_space<hbm>>)
    %add3A_1061 = arith.constant 192 : i32
    %add3A_1062 = arith.addi %multiple_of3A, %add3A_1061 : i32
    %dma_start3A_1063 = arith.constant 1 : i32
    %dma_start3A_1064 = arith.constant 0 : i32
    %dma_start3A_1065 = arith.constant 0 : i32
    %dma_start3A_1066 = tpu.memref_slice %arg8[%dma_start3A_1063, %dma_start3A_1064, %dma_start3A_1065] : memref<2x64x512xf32, #tpu.memory_space<vmem>> -> memref<1x64x512xf32, #tpu.memory_space<vmem>>
    %dma_start3A_1067 = tpu.memref_squeeze %dma_start3A_1066 : memref<1x64x512xf32, #tpu.memory_space<vmem>> -> memref<64x512xf32, #tpu.memory_space<vmem>>
    %dma_start3A_1068 = arith.constant 0 : i32
    %dma_start3A_1069 = tpu.memref_slice %arg2[%add3A_1062, %dma_start3A_1068] : memref<8192x512xf32, #tpu.memory_space<hbm>> -> memref<64x512xf32, #tpu.memory_space<hbm>>
    %dma_start3A_1070 = arith.constant 0 : i32
    %dma_start3A_1071 = arith.constant 0 : i32
    %dma_start3A_1072 = tpu.memref_slice %arg8[%dma_start3A_1063, %dma_start3A_1070, %dma_start3A_1071] : memref<2x64x512xf32, #tpu.memory_space<vmem>> -> memref<1x64x512xf32, #tpu.memory_space<vmem>>
    %dma_start3A_1073 = tpu.memref_squeeze %dma_start3A_1072 : memref<1x64x512xf32, #tpu.memory_space<vmem>> -> memref<64x512xf32, #tpu.memory_space<vmem>>
    %dma_start3A_1074 = arith.constant 0 : i32
    %dma_start3A_1075 = tpu.memref_slice %arg2[%add3A_1062, %dma_start3A_1074] : memref<8192x512xf32, #tpu.memory_space<hbm>> -> memref<64x512xf32, #tpu.memory_space<hbm>>
    tpu.enqueue_dma source(%dma_start3A_1075 : memref<64x512xf32, #tpu.memory_space<hbm>>) target(%dma_start3A_1073 : memref<64x512xf32, #tpu.memory_space<vmem>>) target_semaphore(%arg12 : memref<!tpu.dma_semaphore, #tpu.memory_space<semaphore_mem>>)
    %dma_wait3A_1076 = arith.constant 0 : i32
    %dma_wait3A_1077 = arith.constant 0 : i32
    %dma_wait3A_1078 = arith.constant 0 : i32
    %dma_wait3A_1079 = tpu.memref_slice %arg8[%dma_wait3A_1076, %dma_wait3A_1077, %dma_wait3A_1078] : memref<2x64x512xf32, #tpu.memory_space<vmem>> -> memref<1x64x512xf32, #tpu.memory_space<vmem>>
    %dma_wait3A_1080 = tpu.memref_squeeze %dma_wait3A_1079 : memref<1x64x512xf32, #tpu.memory_space<vmem>> -> memref<64x512xf32, #tpu.memory_space<vmem>>
    %dma_wait3A_1081 = arith.constant 0 : i32
    %dma_wait3A_1082 = tpu.memref_slice %arg2[%add3A_1032, %dma_wait3A_1081] : memref<8192x512xf32, #tpu.memory_space<hbm>> -> memref<64x512xf32, #tpu.memory_space<hbm>>
    %dma_wait3A_1083 = arith.constant 0 : i32
    %dma_wait3A_1084 = arith.constant 0 : i32
    %dma_wait3A_1085 = tpu.memref_slice %arg8[%dma_wait3A_1076, %dma_wait3A_1083, %dma_wait3A_1084] : memref<2x64x512xf32, #tpu.memory_space<vmem>> -> memref<1x64x512xf32, #tpu.memory_space<vmem>>
    %dma_wait3A_1086 = tpu.memref_squeeze %dma_wait3A_1085 : memref<1x64x512xf32, #tpu.memory_space<vmem>> -> memref<64x512xf32, #tpu.memory_space<vmem>>
    %dma_wait3A_1087 = arith.constant 0 : i32
    %dma_wait3A_1088 = tpu.memref_slice %arg2[%add3A_1032, %dma_wait3A_1087] : memref<8192x512xf32, #tpu.memory_space<hbm>> -> memref<64x512xf32, #tpu.memory_space<hbm>>
    tpu.wait_dma2 semaphore(%arg11 : memref<!tpu.dma_semaphore, #tpu.memory_space<semaphore_mem>>) src(%dma_wait3A_1088 : memref<64x512xf32, #tpu.memory_space<hbm>>) dst(%dma_wait3A_1086 : memref<64x512xf32, #tpu.memory_space<vmem>>)
    %add3A_1089 = arith.constant 128 : i32
    %add3A_1090 = arith.addi %multiple_of3A, %add3A_1089 : i32
    %ge3A_1091 = arith.cmpi sge, %add3A_1090, %reduce_max3A_48 : i32
    %convert_element_type3A_1092 = arith.extui %ge3A_1091 : i1 to i32
    %add3A_1093 = arith.constant 0 : i32
    %add3A_1094 = arith.addi %add3A_1093, %convert_element_type3A_1092 : i32
    %add3A_1095 = arith.constant 63 : i32
    %add3A_1096 = arith.addi %add3A_1090, %add3A_1095 : i32
    %ge3A_1097 = arith.cmpi sge, %add3A_1096, %reduce_max3A_48 : i32
    %convert_element_type3A_1098 = arith.extui %ge3A_1097 : i1 to i32
    %add3A_1099 = arith.constant 0 : i32
    %add3A_1100 = arith.addi %add3A_1099, %convert_element_type3A_1098 : i32
    %ge3A_1101 = arith.cmpi sge, %add3A_1090, %reduce_max3A_62 : i32
    %convert_element_type3A_1102 = arith.extui %ge3A_1101 : i1 to i32
    %add3A_1103 = arith.addi %add3A_1094, %convert_element_type3A_1102 : i32
    %add3A_1104 = arith.constant 63 : i32
    %add3A_1105 = arith.addi %add3A_1090, %add3A_1104 : i32
    %ge3A_1106 = arith.cmpi sge, %add3A_1105, %reduce_max3A_62 : i32
    %convert_element_type3A_1107 = arith.extui %ge3A_1106 : i1 to i32
    %add3A_1108 = arith.addi %add3A_1100, %convert_element_type3A_1107 : i32
    %ge3A_1109 = arith.cmpi sge, %add3A_1090, %reduce_max3A_76 : i32
    %convert_element_type3A_1110 = arith.extui %ge3A_1109 : i1 to i32
    %add3A_1111 = arith.addi %add3A_1103, %convert_element_type3A_1110 : i32
    %add3A_1112 = arith.constant 63 : i32
    %add3A_1113 = arith.addi %add3A_1090, %add3A_1112 : i32
    %ge3A_1114 = arith.cmpi sge, %add3A_1113, %reduce_max3A_76 : i32
    %convert_element_type3A_1115 = arith.extui %ge3A_1114 : i1 to i32
    %add3A_1116 = arith.addi %add3A_1108, %convert_element_type3A_1115 : i32
    %ge3A_1117 = arith.cmpi sge, %add3A_1090, %reduce_max3A_90 : i32
    %convert_element_type3A_1118 = arith.extui %ge3A_1117 : i1 to i32
    %add3A_1119 = arith.addi %add3A_1111, %convert_element_type3A_1118 : i32
    %add3A_1120 = arith.constant 63 : i32
    %add3A_1121 = arith.addi %add3A_1090, %add3A_1120 : i32
    %ge3A_1122 = arith.cmpi sge, %add3A_1121, %reduce_max3A_90 : i32
    %convert_element_type3A_1123 = arith.extui %ge3A_1122 : i1 to i32
    %add3A_1124 = arith.addi %add3A_1116, %convert_element_type3A_1123 : i32
    %ge3A_1125 = arith.cmpi sge, %add3A_1090, %reduce_max3A_104 : i32
    %convert_element_type3A_1126 = arith.extui %ge3A_1125 : i1 to i32
    %add3A_1127 = arith.addi %add3A_1119, %convert_element_type3A_1126 : i32
    %add3A_1128 = arith.constant 63 : i32
    %add3A_1129 = arith.addi %add3A_1090, %add3A_1128 : i32
    %ge3A_1130 = arith.cmpi sge, %add3A_1129, %reduce_max3A_104 : i32
    %convert_element_type3A_1131 = arith.extui %ge3A_1130 : i1 to i32
    %add3A_1132 = arith.addi %add3A_1124, %convert_element_type3A_1131 : i32
    %ge3A_1133 = arith.cmpi sge, %add3A_1090, %reduce_max3A_118 : i32
    %convert_element_type3A_1134 = arith.extui %ge3A_1133 : i1 to i32
    %add3A_1135 = arith.addi %add3A_1127, %convert_element_type3A_1134 : i32
    %add3A_1136 = arith.constant 63 : i32
    %add3A_1137 = arith.addi %add3A_1090, %add3A_1136 : i32
    %ge3A_1138 = arith.cmpi sge, %add3A_1137, %reduce_max3A_118 : i32
    %convert_element_type3A_1139 = arith.extui %ge3A_1138 : i1 to i32
    %add3A_1140 = arith.addi %add3A_1132, %convert_element_type3A_1139 : i32
    %ge3A_1141 = arith.cmpi sge, %add3A_1090, %reduce_max3A_132 : i32
    %convert_element_type3A_1142 = arith.extui %ge3A_1141 : i1 to i32
    %add3A_1143 = arith.addi %add3A_1135, %convert_element_type3A_1142 : i32
    %add3A_1144 = arith.constant 63 : i32
    %add3A_1145 = arith.addi %add3A_1090, %add3A_1144 : i32
    %ge3A_1146 = arith.cmpi sge, %add3A_1145, %reduce_max3A_132 : i32
    %convert_element_type3A_1147 = arith.extui %ge3A_1146 : i1 to i32
    %add3A_1148 = arith.addi %add3A_1140, %convert_element_type3A_1147 : i32
    %ge3A_1149 = arith.cmpi sge, %add3A_1090, %reduce_max3A_146 : i32
    %convert_element_type3A_1150 = arith.extui %ge3A_1149 : i1 to i32
    %add3A_1151 = arith.addi %add3A_1143, %convert_element_type3A_1150 : i32
    %add3A_1152 = arith.constant 63 : i32
    %add3A_1153 = arith.addi %add3A_1090, %add3A_1152 : i32
    %ge3A_1154 = arith.cmpi sge, %add3A_1153, %reduce_max3A_146 : i32
    %convert_element_type3A_1155 = arith.extui %ge3A_1154 : i1 to i32
    %add3A_1156 = arith.addi %add3A_1148, %convert_element_type3A_1155 : i32
    %mul3A_1157 = arith.constant 2048 : i32
    %mul3A_1158 = arith.muli %add3A_1151, %mul3A_1157 : i32
    %add3A_1159 = arith.addi %mul3A_1158, %add3A_1090 : i32
    %eq3A_1160 = arith.constant 1 : i32
    %eq3A_1161 = arith.cmpi eq, %add3A_1151, %eq3A_1160 : i32
    %jit3A_1162 = arith.constant 0 : i32
    %select_n3A_1163 = arith.select %eq3A_1161, %reduce_max3A_48, %jit3A_1162 : i32
    %eq3A_1164 = arith.constant 2 : i32
    %eq3A_1165 = arith.cmpi eq, %add3A_1151, %eq3A_1164 : i32
    %select_n3A_1166 = arith.select %eq3A_1165, %reduce_max3A_62, %select_n3A_1163 : i32
    %eq3A_1167 = arith.constant 3 : i32
    %eq3A_1168 = arith.cmpi eq, %add3A_1151, %eq3A_1167 : i32
    %select_n3A_1169 = arith.select %eq3A_1168, %reduce_max3A_76, %select_n3A_1166 : i32
    %eq3A_1170 = arith.constant 4 : i32
    %eq3A_1171 = arith.cmpi eq, %add3A_1151, %eq3A_1170 : i32
    %select_n3A_1172 = arith.select %eq3A_1171, %reduce_max3A_90, %select_n3A_1169 : i32
    %eq3A_1173 = arith.constant 5 : i32
    %eq3A_1174 = arith.cmpi eq, %add3A_1151, %eq3A_1173 : i32
    %select_n3A_1175 = arith.select %eq3A_1174, %reduce_max3A_104, %select_n3A_1172 : i32
    %eq3A_1176 = arith.constant 6 : i32
    %eq3A_1177 = arith.cmpi eq, %add3A_1151, %eq3A_1176 : i32
    %select_n3A_1178 = arith.select %eq3A_1177, %reduce_max3A_118, %select_n3A_1175 : i32
    %eq3A_1179 = arith.constant 7 : i32
    %eq3A_1180 = arith.cmpi eq, %add3A_1151, %eq3A_1179 : i32
    %select_n3A_1181 = arith.select %eq3A_1180, %reduce_max3A_132, %select_n3A_1178 : i32
    %eq3A_1182 = arith.constant 8 : i32
    %eq3A_1183 = arith.cmpi eq, %add3A_1151, %eq3A_1182 : i32
    %select_n3A_1184 = arith.select %eq3A_1183, %reduce_max3A_146, %select_n3A_1181 : i32
    %sub3A_1185 = arith.subi %add3A_1159, %select_n3A_1184 : i32
    %eq3A_1186 = arith.cmpi eq, %add3A_1151, %add3A_1156 : i32
    %jit3A_1187 = arith.constant 8 : i32
    %eq3A_1188 = arith.constant 0 : i32
    %eq3A_1189 = arith.cmpi eq, %jit3A_1187, %eq3A_1188 : i32
    %jit3A_1190 = arith.constant 1 : i32
    %select_n3A_1191 = arith.select %eq3A_1189, %jit3A_1190, %jit3A_1187 : i32
    %rem3A_1192 = arith.remsi %sub3A_1185, %select_n3A_1191 : i32
    %ne3A_1193 = arith.constant 0 : i32
    %ne3A_1194 = arith.cmpi ne, %rem3A_1192, %ne3A_1193 : i32
    %lt3A_1195 = arith.constant 0 : i32
    %lt3A_1196 = arith.cmpi slt, %rem3A_1192, %lt3A_1195 : i32
    %lt3A_1197 = arith.constant 0 : i32
    %lt3A_1198 = arith.cmpi slt, %select_n3A_1191, %lt3A_1197 : i32
    %ne3A_1199 = arith.xori %lt3A_1196, %lt3A_1198 : i1
    %and3A_1200 = arith.andi %ne3A_1199, %ne3A_1194 : i1
    %add3A_1201 = arith.addi %rem3A_1192, %select_n3A_1191 : i32
    %select_n3A_1202 = arith.select %and3A_1200, %add3A_1201, %rem3A_1192 : i32
    %eq3A_1203 = arith.constant 0 : i32
    %eq3A_1204 = arith.cmpi eq, %select_n3A_1202, %eq3A_1203 : i32
    %and3A_1205 = arith.andi %eq3A_1186, %eq3A_1204 : i1
    %convert_element_type3A_1206 = arith.extui %and3A_1205 : i1 to i32
    %cond3A_1207 = arith.constant 0 : i32
    %cond3A_1208 = arith.cmpi ne, %convert_element_type3A_1206, %cond3A_1207 : i32
    scf.if %cond3A_1208 {
      %multiple_of3A_1406 = tpu.assume_multiple %sub3A_1185, 8 : i32
      %dma_start3A_1407 = arith.constant 0 : i32
      %dma_start3A_1408 = arith.constant 0 : i32
      %dma_start3A_1409 = arith.constant 0 : i32
      %dma_start3A_1410 = tpu.memref_slice %arg8[%dma_start3A_1407, %dma_start3A_1408, %dma_start3A_1409] : memref<2x64x512xf32, #tpu.memory_space<vmem>> -> memref<1x64x512xf32, #tpu.memory_space<vmem>>
      %dma_start3A_1411 = tpu.memref_squeeze %dma_start3A_1410 : memref<1x64x512xf32, #tpu.memory_space<vmem>> -> memref<64x512xf32, #tpu.memory_space<vmem>>
      %dma_start3A_1412 = arith.constant 0 : i32
      %dma_start3A_1413 = tpu.memref_slice %arg4[%multiple_of3A_1406, %dma_start3A_1412] : memref<16384x512xf32, #tpu.memory_space<hbm>> -> memref<64x512xf32, #tpu.memory_space<hbm>>
      %dma_start3A_1414 = arith.constant 0 : i32
      %dma_start3A_1415 = tpu.memref_slice %arg4[%multiple_of3A_1406, %dma_start3A_1414] : memref<16384x512xf32, #tpu.memory_space<hbm>> -> memref<64x512xf32, #tpu.memory_space<hbm>>
      %dma_start3A_1416 = arith.constant 0 : i32
      %dma_start3A_1417 = arith.constant 0 : i32
      %dma_start3A_1418 = tpu.memref_slice %arg8[%dma_start3A_1407, %dma_start3A_1416, %dma_start3A_1417] : memref<2x64x512xf32, #tpu.memory_space<vmem>> -> memref<1x64x512xf32, #tpu.memory_space<vmem>>
      %dma_start3A_1419 = tpu.memref_squeeze %dma_start3A_1418 : memref<1x64x512xf32, #tpu.memory_space<vmem>> -> memref<64x512xf32, #tpu.memory_space<vmem>>
      tpu.enqueue_dma source(%dma_start3A_1419 : memref<64x512xf32, #tpu.memory_space<vmem>>) target(%dma_start3A_1415 : memref<64x512xf32, #tpu.memory_space<hbm>>) target_semaphore(%arg13 : memref<!tpu.dma_semaphore, #tpu.memory_space<semaphore_mem>>)
    } else {
    }
    %not3A_1209 = arith.constant true
    %not3A_1210 = arith.xori %and3A_1205, %not3A_1209 : i1
    %convert_element_type3A_1211 = arith.extui %not3A_1210 : i1 to i32
    %cond3A_1212 = arith.constant 0 : i32
    %cond3A_1213 = arith.cmpi ne, %convert_element_type3A_1211, %cond3A_1212 : i32
    scf.if %cond3A_1213 {
      %add3A_1406 = arith.constant 0 : i32
      %add3A_1407 = arith.addi %add3A_1090, %add3A_1406 : i32
      %add3A_1408 = vector.broadcast %add3A_1407 : i32 to vector<16xi32>
      %add3A_1409 = arith.addi %add3A_1408, %iota3A : vector<16xi32>
      %broadcast_in_dim3A_1410 = arith.constant 0 : i32
      %broadcast_in_dim3A_1411 = vector.broadcast %broadcast_in_dim3A_1410 : i32 to vector<16xi32>
      %ge3A_1412 = arith.cmpi sge, %add3A_1409, %gather3A : vector<16xi32>
      %convert_element_type3A_1413 = arith.extui %ge3A_1412 : vector<16xi1> to vector<16xi32>
      %add3A_1414 = arith.addi %broadcast_in_dim3A_1411, %convert_element_type3A_1413 : vector<16xi32>
      %ge3A_1415 = arith.cmpi sge, %add3A_1409, %gather3A_151 : vector<16xi32>
      %convert_element_type3A_1416 = arith.extui %ge3A_1415 : vector<16xi1> to vector<16xi32>
      %add3A_1417 = arith.addi %add3A_1414, %convert_element_type3A_1416 : vector<16xi32>
      %ge3A_1418 = arith.cmpi sge, %add3A_1409, %gather3A_154 : vector<16xi32>
      %convert_element_type3A_1419 = arith.extui %ge3A_1418 : vector<16xi1> to vector<16xi32>
      %add3A_1420 = arith.addi %add3A_1417, %convert_element_type3A_1419 : vector<16xi32>
      %ge3A_1421 = arith.cmpi sge, %add3A_1409, %gather3A_157 : vector<16xi32>
      %convert_element_type3A_1422 = arith.extui %ge3A_1421 : vector<16xi1> to vector<16xi32>
      %add3A_1423 = arith.addi %add3A_1420, %convert_element_type3A_1422 : vector<16xi32>
      %ge3A_1424 = arith.cmpi sge, %add3A_1409, %gather3A_160 : vector<16xi32>
      %convert_element_type3A_1425 = arith.extui %ge3A_1424 : vector<16xi1> to vector<16xi32>
      %add3A_1426 = arith.addi %add3A_1423, %convert_element_type3A_1425 : vector<16xi32>
      %ge3A_1427 = arith.cmpi sge, %add3A_1409, %gather3A_163 : vector<16xi32>
      %convert_element_type3A_1428 = arith.extui %ge3A_1427 : vector<16xi1> to vector<16xi32>
      %add3A_1429 = arith.addi %add3A_1426, %convert_element_type3A_1428 : vector<16xi32>
      %ge3A_1430 = arith.cmpi sge, %add3A_1409, %gather3A_166 : vector<16xi32>
      %convert_element_type3A_1431 = arith.extui %ge3A_1430 : vector<16xi1> to vector<16xi32>
      %add3A_1432 = arith.addi %add3A_1429, %convert_element_type3A_1431 : vector<16xi32>
      %ge3A_1433 = arith.cmpi sge, %add3A_1409, %gather3A_169 : vector<16xi32>
      %convert_element_type3A_1434 = arith.extui %ge3A_1433 : vector<16xi1> to vector<16xi32>
      %add3A_1435 = arith.addi %add3A_1432, %convert_element_type3A_1434 : vector<16xi32>
      %mul3A_1436 = arith.constant 2048 : i32
      %mul3A_1437 = vector.broadcast %mul3A_1436 : i32 to vector<16xi32>
      %mul3A_1438 = arith.muli %add3A_1435, %mul3A_1437 : vector<16xi32>
      %add3A_1439 = arith.addi %mul3A_1438, %add3A_1409 : vector<16xi32>
      %gather3A_1440 = tpu.vector_load_idx %arg5[%add3A_1435] : memref<16xi32, #tpu.memory_space<vmem>>[vector<16xi32>], vector<16xi32>,
      %sub3A_1441 = arith.subi %add3A_1439, %gather3A_1440 : vector<16xi32>
      %swap3A = arith.constant 2 : i32
      %swap3A_1442 = arith.index_cast %swap3A : i32 to index
      %swap3A_1443 = arith.constant 0 : index
      %swap3A_1444 = tpu.vector_load %arg6[%swap3A_1442, %swap3A_1443] {strides = array<i32>} : memref<4x64xi32, #tpu.memory_space<vmem>>, vector<16xi32>,
      tpu.vector_store %arg6[%swap3A_1442, %swap3A_1443], %sub3A_1441 {strides = array<i32>} : memref<4x64xi32, #tpu.memory_space<vmem>>, vector<16xi32>,
      %add3A_1445 = arith.constant 16 : i32
      %add3A_1446 = arith.addi %add3A_1090, %add3A_1445 : i32
      %add3A_1447 = vector.broadcast %add3A_1446 : i32 to vector<16xi32>
      %add3A_1448 = arith.addi %add3A_1447, %iota3A : vector<16xi32>
      %broadcast_in_dim3A_1449 = arith.constant 0 : i32
      %broadcast_in_dim3A_1450 = vector.broadcast %broadcast_in_dim3A_1449 : i32 to vector<16xi32>
      %ge3A_1451 = arith.cmpi sge, %add3A_1448, %gather3A : vector<16xi32>
      %convert_element_type3A_1452 = arith.extui %ge3A_1451 : vector<16xi1> to vector<16xi32>
      %add3A_1453 = arith.addi %broadcast_in_dim3A_1450, %convert_element_type3A_1452 : vector<16xi32>
      %ge3A_1454 = arith.cmpi sge, %add3A_1448, %gather3A_151 : vector<16xi32>
      %convert_element_type3A_1455 = arith.extui %ge3A_1454 : vector<16xi1> to vector<16xi32>
      %add3A_1456 = arith.addi %add3A_1453, %convert_element_type3A_1455 : vector<16xi32>
      %ge3A_1457 = arith.cmpi sge, %add3A_1448, %gather3A_154 : vector<16xi32>
      %convert_element_type3A_1458 = arith.extui %ge3A_1457 : vector<16xi1> to vector<16xi32>
      %add3A_1459 = arith.addi %add3A_1456, %convert_element_type3A_1458 : vector<16xi32>
      %ge3A_1460 = arith.cmpi sge, %add3A_1448, %gather3A_157 : vector<16xi32>
      %convert_element_type3A_1461 = arith.extui %ge3A_1460 : vector<16xi1> to vector<16xi32>
      %add3A_1462 = arith.addi %add3A_1459, %convert_element_type3A_1461 : vector<16xi32>
      %ge3A_1463 = arith.cmpi sge, %add3A_1448, %gather3A_160 : vector<16xi32>
      %convert_element_type3A_1464 = arith.extui %ge3A_1463 : vector<16xi1> to vector<16xi32>
      %add3A_1465 = arith.addi %add3A_1462, %convert_element_type3A_1464 : vector<16xi32>
      %ge3A_1466 = arith.cmpi sge, %add3A_1448, %gather3A_163 : vector<16xi32>
      %convert_element_type3A_1467 = arith.extui %ge3A_1466 : vector<16xi1> to vector<16xi32>
      %add3A_1468 = arith.addi %add3A_1465, %convert_element_type3A_1467 : vector<16xi32>
      %ge3A_1469 = arith.cmpi sge, %add3A_1448, %gather3A_166 : vector<16xi32>
      %convert_element_type3A_1470 = arith.extui %ge3A_1469 : vector<16xi1> to vector<16xi32>
      %add3A_1471 = arith.addi %add3A_1468, %convert_element_type3A_1470 : vector<16xi32>
      %ge3A_1472 = arith.cmpi sge, %add3A_1448, %gather3A_169 : vector<16xi32>
      %convert_element_type3A_1473 = arith.extui %ge3A_1472 : vector<16xi1> to vector<16xi32>
      %add3A_1474 = arith.addi %add3A_1471, %convert_element_type3A_1473 : vector<16xi32>
      %mul3A_1475 = arith.constant 2048 : i32
      %mul3A_1476 = vector.broadcast %mul3A_1475 : i32 to vector<16xi32>
      %mul3A_1477 = arith.muli %add3A_1474, %mul3A_1476 : vector<16xi32>
      %add3A_1478 = arith.addi %mul3A_1477, %add3A_1448 : vector<16xi32>
      %gather3A_1479 = tpu.vector_load_idx %arg5[%add3A_1474] : memref<16xi32, #tpu.memory_space<vmem>>[vector<16xi32>], vector<16xi32>,
      %sub3A_1480 = arith.subi %add3A_1478, %gather3A_1479 : vector<16xi32>
      %swap3A_1481 = arith.constant 2 : i32
      %swap3A_1482 = arith.index_cast %swap3A_1481 : i32 to index
      %swap3A_1483 = arith.constant 16 : index
      %swap3A_1484 = tpu.vector_load %arg6[%swap3A_1482, %swap3A_1483] {strides = array<i32>} : memref<4x64xi32, #tpu.memory_space<vmem>>, vector<16xi32>,
      tpu.vector_store %arg6[%swap3A_1482, %swap3A_1483], %sub3A_1480 {strides = array<i32>} : memref<4x64xi32, #tpu.memory_space<vmem>>, vector<16xi32>,
      %add3A_1485 = arith.constant 32 : i32
      %add3A_1486 = arith.addi %add3A_1090, %add3A_1485 : i32
      %add3A_1487 = vector.broadcast %add3A_1486 : i32 to vector<16xi32>
      %add3A_1488 = arith.addi %add3A_1487, %iota3A : vector<16xi32>
      %broadcast_in_dim3A_1489 = arith.constant 0 : i32
      %broadcast_in_dim3A_1490 = vector.broadcast %broadcast_in_dim3A_1489 : i32 to vector<16xi32>
      %ge3A_1491 = arith.cmpi sge, %add3A_1488, %gather3A : vector<16xi32>
      %convert_element_type3A_1492 = arith.extui %ge3A_1491 : vector<16xi1> to vector<16xi32>
      %add3A_1493 = arith.addi %broadcast_in_dim3A_1490, %convert_element_type3A_1492 : vector<16xi32>
      %ge3A_1494 = arith.cmpi sge, %add3A_1488, %gather3A_151 : vector<16xi32>
      %convert_element_type3A_1495 = arith.extui %ge3A_1494 : vector<16xi1> to vector<16xi32>
      %add3A_1496 = arith.addi %add3A_1493, %convert_element_type3A_1495 : vector<16xi32>
      %ge3A_1497 = arith.cmpi sge, %add3A_1488, %gather3A_154 : vector<16xi32>
      %convert_element_type3A_1498 = arith.extui %ge3A_1497 : vector<16xi1> to vector<16xi32>
      %add3A_1499 = arith.addi %add3A_1496, %convert_element_type3A_1498 : vector<16xi32>
      %ge3A_1500 = arith.cmpi sge, %add3A_1488, %gather3A_157 : vector<16xi32>
      %convert_element_type3A_1501 = arith.extui %ge3A_1500 : vector<16xi1> to vector<16xi32>
      %add3A_1502 = arith.addi %add3A_1499, %convert_element_type3A_1501 : vector<16xi32>
      %ge3A_1503 = arith.cmpi sge, %add3A_1488, %gather3A_160 : vector<16xi32>
      %convert_element_type3A_1504 = arith.extui %ge3A_1503 : vector<16xi1> to vector<16xi32>
      %add3A_1505 = arith.addi %add3A_1502, %convert_element_type3A_1504 : vector<16xi32>
      %ge3A_1506 = arith.cmpi sge, %add3A_1488, %gather3A_163 : vector<16xi32>
      %convert_element_type3A_1507 = arith.extui %ge3A_1506 : vector<16xi1> to vector<16xi32>
      %add3A_1508 = arith.addi %add3A_1505, %convert_element_type3A_1507 : vector<16xi32>
      %ge3A_1509 = arith.cmpi sge, %add3A_1488, %gather3A_166 : vector<16xi32>
      %convert_element_type3A_1510 = arith.extui %ge3A_1509 : vector<16xi1> to vector<16xi32>
      %add3A_1511 = arith.addi %add3A_1508, %convert_element_type3A_1510 : vector<16xi32>
      %ge3A_1512 = arith.cmpi sge, %add3A_1488, %gather3A_169 : vector<16xi32>
      %convert_element_type3A_1513 = arith.extui %ge3A_1512 : vector<16xi1> to vector<16xi32>
      %add3A_1514 = arith.addi %add3A_1511, %convert_element_type3A_1513 : vector<16xi32>
      %mul3A_1515 = arith.constant 2048 : i32
      %mul3A_1516 = vector.broadcast %mul3A_1515 : i32 to vector<16xi32>
      %mul3A_1517 = arith.muli %add3A_1514, %mul3A_1516 : vector<16xi32>
      %add3A_1518 = arith.addi %mul3A_1517, %add3A_1488 : vector<16xi32>
      %gather3A_1519 = tpu.vector_load_idx %arg5[%add3A_1514] : memref<16xi32, #tpu.memory_space<vmem>>[vector<16xi32>], vector<16xi32>,
      %sub3A_1520 = arith.subi %add3A_1518, %gather3A_1519 : vector<16xi32>
      %swap3A_1521 = arith.constant 2 : i32
      %swap3A_1522 = arith.index_cast %swap3A_1521 : i32 to index
      %swap3A_1523 = arith.constant 32 : index
      %swap3A_1524 = tpu.vector_load %arg6[%swap3A_1522, %swap3A_1523] {strides = array<i32>} : memref<4x64xi32, #tpu.memory_space<vmem>>, vector<16xi32>,
      tpu.vector_store %arg6[%swap3A_1522, %swap3A_1523], %sub3A_1520 {strides = array<i32>} : memref<4x64xi32, #tpu.memory_space<vmem>>, vector<16xi32>,
      %add3A_1525 = arith.constant 48 : i32
      %add3A_1526 = arith.addi %add3A_1090, %add3A_1525 : i32
      %add3A_1527 = vector.broadcast %add3A_1526 : i32 to vector<16xi32>
      %add3A_1528 = arith.addi %add3A_1527, %iota3A : vector<16xi32>
      %broadcast_in_dim3A_1529 = arith.constant 0 : i32
      %broadcast_in_dim3A_1530 = vector.broadcast %broadcast_in_dim3A_1529 : i32 to vector<16xi32>
      %ge3A_1531 = arith.cmpi sge, %add3A_1528, %gather3A : vector<16xi32>
      %convert_element_type3A_1532 = arith.extui %ge3A_1531 : vector<16xi1> to vector<16xi32>
      %add3A_1533 = arith.addi %broadcast_in_dim3A_1530, %convert_element_type3A_1532 : vector<16xi32>
      %ge3A_1534 = arith.cmpi sge, %add3A_1528, %gather3A_151 : vector<16xi32>
      %convert_element_type3A_1535 = arith.extui %ge3A_1534 : vector<16xi1> to vector<16xi32>
      %add3A_1536 = arith.addi %add3A_1533, %convert_element_type3A_1535 : vector<16xi32>
      %ge3A_1537 = arith.cmpi sge, %add3A_1528, %gather3A_154 : vector<16xi32>
      %convert_element_type3A_1538 = arith.extui %ge3A_1537 : vector<16xi1> to vector<16xi32>
      %add3A_1539 = arith.addi %add3A_1536, %convert_element_type3A_1538 : vector<16xi32>
      %ge3A_1540 = arith.cmpi sge, %add3A_1528, %gather3A_157 : vector<16xi32>
      %convert_element_type3A_1541 = arith.extui %ge3A_1540 : vector<16xi1> to vector<16xi32>
      %add3A_1542 = arith.addi %add3A_1539, %convert_element_type3A_1541 : vector<16xi32>
      %ge3A_1543 = arith.cmpi sge, %add3A_1528, %gather3A_160 : vector<16xi32>
      %convert_element_type3A_1544 = arith.extui %ge3A_1543 : vector<16xi1> to vector<16xi32>
      %add3A_1545 = arith.addi %add3A_1542, %convert_element_type3A_1544 : vector<16xi32>
      %ge3A_1546 = arith.cmpi sge, %add3A_1528, %gather3A_163 : vector<16xi32>
      %convert_element_type3A_1547 = arith.extui %ge3A_1546 : vector<16xi1> to vector<16xi32>
      %add3A_1548 = arith.addi %add3A_1545, %convert_element_type3A_1547 : vector<16xi32>
      %ge3A_1549 = arith.cmpi sge, %add3A_1528, %gather3A_166 : vector<16xi32>
      %convert_element_type3A_1550 = arith.extui %ge3A_1549 : vector<16xi1> to vector<16xi32>
      %add3A_1551 = arith.addi %add3A_1548, %convert_element_type3A_1550 : vector<16xi32>
      %ge3A_1552 = arith.cmpi sge, %add3A_1528, %gather3A_169 : vector<16xi32>
      %convert_element_type3A_1553 = arith.extui %ge3A_1552 : vector<16xi1> to vector<16xi32>
      %add3A_1554 = arith.addi %add3A_1551, %convert_element_type3A_1553 : vector<16xi32>
      %mul3A_1555 = arith.constant 2048 : i32
      %mul3A_1556 = vector.broadcast %mul3A_1555 : i32 to vector<16xi32>
      %mul3A_1557 = arith.muli %add3A_1554, %mul3A_1556 : vector<16xi32>
      %add3A_1558 = arith.addi %mul3A_1557, %add3A_1528 : vector<16xi32>
      %gather3A_1559 = tpu.vector_load_idx %arg5[%add3A_1554] : memref<16xi32, #tpu.memory_space<vmem>>[vector<16xi32>], vector<16xi32>,
      %sub3A_1560 = arith.subi %add3A_1558, %gather3A_1559 : vector<16xi32>
      %swap3A_1561 = arith.constant 2 : i32
      %swap3A_1562 = arith.index_cast %swap3A_1561 : i32 to index
      %swap3A_1563 = arith.constant 48 : index
      %swap3A_1564 = tpu.vector_load %arg6[%swap3A_1562, %swap3A_1563] {strides = array<i32>} : memref<4x64xi32, #tpu.memory_space<vmem>>, vector<16xi32>,
      tpu.vector_store %arg6[%swap3A_1562, %swap3A_1563], %sub3A_1560 {strides = array<i32>} : memref<4x64xi32, #tpu.memory_space<vmem>>, vector<16xi32>,
      %dma_start3A_1565 = arith.constant 0 : i32
      %dma_start3A_1566 = arith.constant 2 : i32
      %dma_start3A_1567 = arith.constant 0 : i32
      %dma_start3A_1568 = arith.constant 0 : i32
      %dma_start3A_1569 = tpu.memref_slice %arg8[%dma_start3A_1565, %dma_start3A_1567, %dma_start3A_1568] : memref<2x64x512xf32, #tpu.memory_space<vmem>> -> memref<1x64x512xf32, #tpu.memory_space<vmem>>
      %dma_start3A_1570 = tpu.memref_squeeze %dma_start3A_1569 : memref<1x64x512xf32, #tpu.memory_space<vmem>> -> memref<64x512xf32, #tpu.memory_space<vmem>>
      %dma_start3A_1571 = arith.constant 0 : i32
      %dma_start3A_1572 = tpu.memref_slice %arg6[%dma_start3A_1566, %dma_start3A_1571] : memref<4x64xi32, #tpu.memory_space<vmem>> -> memref<1x64xi32, #tpu.memory_space<vmem>>
      %dma_start3A_1573 = tpu.memref_squeeze %dma_start3A_1572 : memref<1x64xi32, #tpu.memory_space<vmem>> -> memref<64xi32, #tpu.memory_space<vmem>>
      %dma_start3A_1574 = arith.constant 0 : i32
      %dma_start3A_1575 = arith.constant 0 : i32
      %dma_start3A_1576 = tpu.memref_slice %arg4[%dma_start3A_1574, %dma_start3A_1575] : memref<16384x512xf32, #tpu.memory_space<hbm>> -> memref<16384x512xf32, #tpu.memory_space<hbm>>
      tpu.enqueue_indirect_dma source(%dma_start3A_1570 : memref<64x512xf32, #tpu.memory_space<vmem>>) target(%dma_start3A_1576 : memref<16384x512xf32, #tpu.memory_space<hbm>>) offsets(%dma_start3A_1573 : memref<64xi32, #tpu.memory_space<vmem>>) semaphore(%arg13 : memref<!tpu.dma_semaphore, #tpu.memory_space<semaphore_mem>>)
    } else {
    }
    %dma_wait3A_1214 = arith.constant 1 : i32
    %dma_wait3A_1215 = arith.constant 0 : i32
    %dma_wait3A_1216 = arith.constant 0 : i32
    %dma_wait3A_1217 = tpu.memref_slice %arg8[%dma_wait3A_1214, %dma_wait3A_1215, %dma_wait3A_1216] : memref<2x64x512xf32, #tpu.memory_space<vmem>> -> memref<1x64x512xf32, #tpu.memory_space<vmem>>
    %dma_wait3A_1218 = tpu.memref_squeeze %dma_wait3A_1217 : memref<1x64x512xf32, #tpu.memory_space<vmem>> -> memref<64x512xf32, #tpu.memory_space<vmem>>
    %dma_wait3A_1219 = arith.constant 0 : i32
    %dma_wait3A_1220 = tpu.memref_slice %arg2[%add3A_1062, %dma_wait3A_1219] : memref<8192x512xf32, #tpu.memory_space<hbm>> -> memref<64x512xf32, #tpu.memory_space<hbm>>
    %dma_wait3A_1221 = arith.constant 0 : i32
    %dma_wait3A_1222 = arith.constant 0 : i32
    %dma_wait3A_1223 = tpu.memref_slice %arg8[%dma_wait3A_1214, %dma_wait3A_1221, %dma_wait3A_1222] : memref<2x64x512xf32, #tpu.memory_space<vmem>> -> memref<1x64x512xf32, #tpu.memory_space<vmem>>
    %dma_wait3A_1224 = tpu.memref_squeeze %dma_wait3A_1223 : memref<1x64x512xf32, #tpu.memory_space<vmem>> -> memref<64x512xf32, #tpu.memory_space<vmem>>
    %dma_wait3A_1225 = arith.constant 0 : i32
    %dma_wait3A_1226 = tpu.memref_slice %arg2[%add3A_1062, %dma_wait3A_1225] : memref<8192x512xf32, #tpu.memory_space<hbm>> -> memref<64x512xf32, #tpu.memory_space<hbm>>
    tpu.wait_dma2 semaphore(%arg12 : memref<!tpu.dma_semaphore, #tpu.memory_space<semaphore_mem>>) src(%dma_wait3A_1226 : memref<64x512xf32, #tpu.memory_space<hbm>>) dst(%dma_wait3A_1224 : memref<64x512xf32, #tpu.memory_space<vmem>>)
    %add3A_1227 = arith.constant 192 : i32
    %add3A_1228 = arith.addi %multiple_of3A, %add3A_1227 : i32
    %ge3A_1229 = arith.cmpi sge, %add3A_1228, %reduce_max3A_48 : i32
    %convert_element_type3A_1230 = arith.extui %ge3A_1229 : i1 to i32
    %add3A_1231 = arith.constant 0 : i32
    %add3A_1232 = arith.addi %add3A_1231, %convert_element_type3A_1230 : i32
    %add3A_1233 = arith.constant 63 : i32
    %add3A_1234 = arith.addi %add3A_1228, %add3A_1233 : i32
    %ge3A_1235 = arith.cmpi sge, %add3A_1234, %reduce_max3A_48 : i32
    %convert_element_type3A_1236 = arith.extui %ge3A_1235 : i1 to i32
    %add3A_1237 = arith.constant 0 : i32
    %add3A_1238 = arith.addi %add3A_1237, %convert_element_type3A_1236 : i32
    %ge3A_1239 = arith.cmpi sge, %add3A_1228, %reduce_max3A_62 : i32
    %convert_element_type3A_1240 = arith.extui %ge3A_1239 : i1 to i32
    %add3A_1241 = arith.addi %add3A_1232, %convert_element_type3A_1240 : i32
    %add3A_1242 = arith.constant 63 : i32
    %add3A_1243 = arith.addi %add3A_1228, %add3A_1242 : i32
    %ge3A_1244 = arith.cmpi sge, %add3A_1243, %reduce_max3A_62 : i32
    %convert_element_type3A_1245 = arith.extui %ge3A_1244 : i1 to i32
    %add3A_1246 = arith.addi %add3A_1238, %convert_element_type3A_1245 : i32
    %ge3A_1247 = arith.cmpi sge, %add3A_1228, %reduce_max3A_76 : i32
    %convert_element_type3A_1248 = arith.extui %ge3A_1247 : i1 to i32
    %add3A_1249 = arith.addi %add3A_1241, %convert_element_type3A_1248 : i32
    %add3A_1250 = arith.constant 63 : i32
    %add3A_1251 = arith.addi %add3A_1228, %add3A_1250 : i32
    %ge3A_1252 = arith.cmpi sge, %add3A_1251, %reduce_max3A_76 : i32
    %convert_element_type3A_1253 = arith.extui %ge3A_1252 : i1 to i32
    %add3A_1254 = arith.addi %add3A_1246, %convert_element_type3A_1253 : i32
    %ge3A_1255 = arith.cmpi sge, %add3A_1228, %reduce_max3A_90 : i32
    %convert_element_type3A_1256 = arith.extui %ge3A_1255 : i1 to i32
    %add3A_1257 = arith.addi %add3A_1249, %convert_element_type3A_1256 : i32
    %add3A_1258 = arith.constant 63 : i32
    %add3A_1259 = arith.addi %add3A_1228, %add3A_1258 : i32
    %ge3A_1260 = arith.cmpi sge, %add3A_1259, %reduce_max3A_90 : i32
    %convert_element_type3A_1261 = arith.extui %ge3A_1260 : i1 to i32
    %add3A_1262 = arith.addi %add3A_1254, %convert_element_type3A_1261 : i32
    %ge3A_1263 = arith.cmpi sge, %add3A_1228, %reduce_max3A_104 : i32
    %convert_element_type3A_1264 = arith.extui %ge3A_1263 : i1 to i32
    %add3A_1265 = arith.addi %add3A_1257, %convert_element_type3A_1264 : i32
    %add3A_1266 = arith.constant 63 : i32
    %add3A_1267 = arith.addi %add3A_1228, %add3A_1266 : i32
    %ge3A_1268 = arith.cmpi sge, %add3A_1267, %reduce_max3A_104 : i32
    %convert_element_type3A_1269 = arith.extui %ge3A_1268 : i1 to i32
    %add3A_1270 = arith.addi %add3A_1262, %convert_element_type3A_1269 : i32
    %ge3A_1271 = arith.cmpi sge, %add3A_1228, %reduce_max3A_118 : i32
    %convert_element_type3A_1272 = arith.extui %ge3A_1271 : i1 to i32
    %add3A_1273 = arith.addi %add3A_1265, %convert_element_type3A_1272 : i32
    %add3A_1274 = arith.constant 63 : i32
    %add3A_1275 = arith.addi %add3A_1228, %add3A_1274 : i32
    %ge3A_1276 = arith.cmpi sge, %add3A_1275, %reduce_max3A_118 : i32
    %convert_element_type3A_1277 = arith.extui %ge3A_1276 : i1 to i32
    %add3A_1278 = arith.addi %add3A_1270, %convert_element_type3A_1277 : i32
    %ge3A_1279 = arith.cmpi sge, %add3A_1228, %reduce_max3A_132 : i32
    %convert_element_type3A_1280 = arith.extui %ge3A_1279 : i1 to i32
    %add3A_1281 = arith.addi %add3A_1273, %convert_element_type3A_1280 : i32
    %add3A_1282 = arith.constant 63 : i32
    %add3A_1283 = arith.addi %add3A_1228, %add3A_1282 : i32
    %ge3A_1284 = arith.cmpi sge, %add3A_1283, %reduce_max3A_132 : i32
    %convert_element_type3A_1285 = arith.extui %ge3A_1284 : i1 to i32
    %add3A_1286 = arith.addi %add3A_1278, %convert_element_type3A_1285 : i32
    %ge3A_1287 = arith.cmpi sge, %add3A_1228, %reduce_max3A_146 : i32
    %convert_element_type3A_1288 = arith.extui %ge3A_1287 : i1 to i32
    %add3A_1289 = arith.addi %add3A_1281, %convert_element_type3A_1288 : i32
    %add3A_1290 = arith.constant 63 : i32
    %add3A_1291 = arith.addi %add3A_1228, %add3A_1290 : i32
    %ge3A_1292 = arith.cmpi sge, %add3A_1291, %reduce_max3A_146 : i32
    %convert_element_type3A_1293 = arith.extui %ge3A_1292 : i1 to i32
    %add3A_1294 = arith.addi %add3A_1286, %convert_element_type3A_1293 : i32
    %mul3A_1295 = arith.constant 2048 : i32
    %mul3A_1296 = arith.muli %add3A_1289, %mul3A_1295 : i32
    %add3A_1297 = arith.addi %mul3A_1296, %add3A_1228 : i32
    %eq3A_1298 = arith.constant 1 : i32
    %eq3A_1299 = arith.cmpi eq, %add3A_1289, %eq3A_1298 : i32
    %jit3A_1300 = arith.constant 0 : i32
    %select_n3A_1301 = arith.select %eq3A_1299, %reduce_max3A_48, %jit3A_1300 : i32
    %eq3A_1302 = arith.constant 2 : i32
    %eq3A_1303 = arith.cmpi eq, %add3A_1289, %eq3A_1302 : i32
    %select_n3A_1304 = arith.select %eq3A_1303, %reduce_max3A_62, %select_n3A_1301 : i32
    %eq3A_1305 = arith.constant 3 : i32
    %eq3A_1306 = arith.cmpi eq, %add3A_1289, %eq3A_1305 : i32
    %select_n3A_1307 = arith.select %eq3A_1306, %reduce_max3A_76, %select_n3A_1304 : i32
    %eq3A_1308 = arith.constant 4 : i32
    %eq3A_1309 = arith.cmpi eq, %add3A_1289, %eq3A_1308 : i32
    %select_n3A_1310 = arith.select %eq3A_1309, %reduce_max3A_90, %select_n3A_1307 : i32
    %eq3A_1311 = arith.constant 5 : i32
    %eq3A_1312 = arith.cmpi eq, %add3A_1289, %eq3A_1311 : i32
    %select_n3A_1313 = arith.select %eq3A_1312, %reduce_max3A_104, %select_n3A_1310 : i32
    %eq3A_1314 = arith.constant 6 : i32
    %eq3A_1315 = arith.cmpi eq, %add3A_1289, %eq3A_1314 : i32
    %select_n3A_1316 = arith.select %eq3A_1315, %reduce_max3A_118, %select_n3A_1313 : i32
    %eq3A_1317 = arith.constant 7 : i32
    %eq3A_1318 = arith.cmpi eq, %add3A_1289, %eq3A_1317 : i32
    %select_n3A_1319 = arith.select %eq3A_1318, %reduce_max3A_132, %select_n3A_1316 : i32
    %eq3A_1320 = arith.constant 8 : i32
    %eq3A_1321 = arith.cmpi eq, %add3A_1289, %eq3A_1320 : i32
    %select_n3A_1322 = arith.select %eq3A_1321, %reduce_max3A_146, %select_n3A_1319 : i32
    %sub3A_1323 = arith.subi %add3A_1297, %select_n3A_1322 : i32
    %eq3A_1324 = arith.cmpi eq, %add3A_1289, %add3A_1294 : i32
    %jit3A_1325 = arith.constant 8 : i32
    %eq3A_1326 = arith.constant 0 : i32
    %eq3A_1327 = arith.cmpi eq, %jit3A_1325, %eq3A_1326 : i32
    %jit3A_1328 = arith.constant 1 : i32
    %select_n3A_1329 = arith.select %eq3A_1327, %jit3A_1328, %jit3A_1325 : i32
    %rem3A_1330 = arith.remsi %sub3A_1323, %select_n3A_1329 : i32
    %ne3A_1331 = arith.constant 0 : i32
    %ne3A_1332 = arith.cmpi ne, %rem3A_1330, %ne3A_1331 : i32
    %lt3A_1333 = arith.constant 0 : i32
    %lt3A_1334 = arith.cmpi slt, %rem3A_1330, %lt3A_1333 : i32
    %lt3A_1335 = arith.constant 0 : i32
    %lt3A_1336 = arith.cmpi slt, %select_n3A_1329, %lt3A_1335 : i32
    %ne3A_1337 = arith.xori %lt3A_1334, %lt3A_1336 : i1
    %and3A_1338 = arith.andi %ne3A_1337, %ne3A_1332 : i1
    %add3A_1339 = arith.addi %rem3A_1330, %select_n3A_1329 : i32
    %select_n3A_1340 = arith.select %and3A_1338, %add3A_1339, %rem3A_1330 : i32
    %eq3A_1341 = arith.constant 0 : i32
    %eq3A_1342 = arith.cmpi eq, %select_n3A_1340, %eq3A_1341 : i32
    %and3A_1343 = arith.andi %eq3A_1324, %eq3A_1342 : i1
    %convert_element_type3A_1344 = arith.extui %and3A_1343 : i1 to i32
    %cond3A_1345 = arith.constant 0 : i32
    %cond3A_1346 = arith.cmpi ne, %convert_element_type3A_1344, %cond3A_1345 : i32
    scf.if %cond3A_1346 {
      %multiple_of3A_1406 = tpu.assume_multiple %sub3A_1323, 8 : i32
      %dma_start3A_1407 = arith.constant 1 : i32
      %dma_start3A_1408 = arith.constant 0 : i32
      %dma_start3A_1409 = arith.constant 0 : i32
      %dma_start3A_1410 = tpu.memref_slice %arg8[%dma_start3A_1407, %dma_start3A_1408, %dma_start3A_1409] : memref<2x64x512xf32, #tpu.memory_space<vmem>> -> memref<1x64x512xf32, #tpu.memory_space<vmem>>
      %dma_start3A_1411 = tpu.memref_squeeze %dma_start3A_1410 : memref<1x64x512xf32, #tpu.memory_space<vmem>> -> memref<64x512xf32, #tpu.memory_space<vmem>>
      %dma_start3A_1412 = arith.constant 0 : i32
      %dma_start3A_1413 = tpu.memref_slice %arg4[%multiple_of3A_1406, %dma_start3A_1412] : memref<16384x512xf32, #tpu.memory_space<hbm>> -> memref<64x512xf32, #tpu.memory_space<hbm>>
      %dma_start3A_1414 = arith.constant 0 : i32
      %dma_start3A_1415 = tpu.memref_slice %arg4[%multiple_of3A_1406, %dma_start3A_1414] : memref<16384x512xf32, #tpu.memory_space<hbm>> -> memref<64x512xf32, #tpu.memory_space<hbm>>
      %dma_start3A_1416 = arith.constant 0 : i32
      %dma_start3A_1417 = arith.constant 0 : i32
      %dma_start3A_1418 = tpu.memref_slice %arg8[%dma_start3A_1407, %dma_start3A_1416, %dma_start3A_1417] : memref<2x64x512xf32, #tpu.memory_space<vmem>> -> memref<1x64x512xf32, #tpu.memory_space<vmem>>
      %dma_start3A_1419 = tpu.memref_squeeze %dma_start3A_1418 : memref<1x64x512xf32, #tpu.memory_space<vmem>> -> memref<64x512xf32, #tpu.memory_space<vmem>>
      tpu.enqueue_dma source(%dma_start3A_1419 : memref<64x512xf32, #tpu.memory_space<vmem>>) target(%dma_start3A_1415 : memref<64x512xf32, #tpu.memory_space<hbm>>) target_semaphore(%arg14 : memref<!tpu.dma_semaphore, #tpu.memory_space<semaphore_mem>>)
    } else {
    }
    %not3A_1347 = arith.constant true
    %not3A_1348 = arith.xori %and3A_1343, %not3A_1347 : i1
    %convert_element_type3A_1349 = arith.extui %not3A_1348 : i1 to i32
    %cond3A_1350 = arith.constant 0 : i32
    %cond3A_1351 = arith.cmpi ne, %convert_element_type3A_1349, %cond3A_1350 : i32
    scf.if %cond3A_1351 {
      %add3A_1406 = arith.constant 0 : i32
      %add3A_1407 = arith.addi %add3A_1228, %add3A_1406 : i32
      %add3A_1408 = vector.broadcast %add3A_1407 : i32 to vector<16xi32>
      %add3A_1409 = arith.addi %add3A_1408, %iota3A : vector<16xi32>
      %broadcast_in_dim3A_1410 = arith.constant 0 : i32
      %broadcast_in_dim3A_1411 = vector.broadcast %broadcast_in_dim3A_1410 : i32 to vector<16xi32>
      %ge3A_1412 = arith.cmpi sge, %add3A_1409, %gather3A : vector<16xi32>
      %convert_element_type3A_1413 = arith.extui %ge3A_1412 : vector<16xi1> to vector<16xi32>
      %add3A_1414 = arith.addi %broadcast_in_dim3A_1411, %convert_element_type3A_1413 : vector<16xi32>
      %ge3A_1415 = arith.cmpi sge, %add3A_1409, %gather3A_151 : vector<16xi32>
      %convert_element_type3A_1416 = arith.extui %ge3A_1415 : vector<16xi1> to vector<16xi32>
      %add3A_1417 = arith.addi %add3A_1414, %convert_element_type3A_1416 : vector<16xi32>
      %ge3A_1418 = arith.cmpi sge, %add3A_1409, %gather3A_154 : vector<16xi32>
      %convert_element_type3A_1419 = arith.extui %ge3A_1418 : vector<16xi1> to vector<16xi32>
      %add3A_1420 = arith.addi %add3A_1417, %convert_element_type3A_1419 : vector<16xi32>
      %ge3A_1421 = arith.cmpi sge, %add3A_1409, %gather3A_157 : vector<16xi32>
      %convert_element_type3A_1422 = arith.extui %ge3A_1421 : vector<16xi1> to vector<16xi32>
      %add3A_1423 = arith.addi %add3A_1420, %convert_element_type3A_1422 : vector<16xi32>
      %ge3A_1424 = arith.cmpi sge, %add3A_1409, %gather3A_160 : vector<16xi32>
      %convert_element_type3A_1425 = arith.extui %ge3A_1424 : vector<16xi1> to vector<16xi32>
      %add3A_1426 = arith.addi %add3A_1423, %convert_element_type3A_1425 : vector<16xi32>
      %ge3A_1427 = arith.cmpi sge, %add3A_1409, %gather3A_163 : vector<16xi32>
      %convert_element_type3A_1428 = arith.extui %ge3A_1427 : vector<16xi1> to vector<16xi32>
      %add3A_1429 = arith.addi %add3A_1426, %convert_element_type3A_1428 : vector<16xi32>
      %ge3A_1430 = arith.cmpi sge, %add3A_1409, %gather3A_166 : vector<16xi32>
      %convert_element_type3A_1431 = arith.extui %ge3A_1430 : vector<16xi1> to vector<16xi32>
      %add3A_1432 = arith.addi %add3A_1429, %convert_element_type3A_1431 : vector<16xi32>
      %ge3A_1433 = arith.cmpi sge, %add3A_1409, %gather3A_169 : vector<16xi32>
      %convert_element_type3A_1434 = arith.extui %ge3A_1433 : vector<16xi1> to vector<16xi32>
      %add3A_1435 = arith.addi %add3A_1432, %convert_element_type3A_1434 : vector<16xi32>
      %mul3A_1436 = arith.constant 2048 : i32
      %mul3A_1437 = vector.broadcast %mul3A_1436 : i32 to vector<16xi32>
      %mul3A_1438 = arith.muli %add3A_1435, %mul3A_1437 : vector<16xi32>
      %add3A_1439 = arith.addi %mul3A_1438, %add3A_1409 : vector<16xi32>
      %gather3A_1440 = tpu.vector_load_idx %arg5[%add3A_1435] : memref<16xi32, #tpu.memory_space<vmem>>[vector<16xi32>], vector<16xi32>,
      %sub3A_1441 = arith.subi %add3A_1439, %gather3A_1440 : vector<16xi32>
      %swap3A = arith.constant 3 : i32
      %swap3A_1442 = arith.index_cast %swap3A : i32 to index
      %swap3A_1443 = arith.constant 0 : index
      %swap3A_1444 = tpu.vector_load %arg6[%swap3A_1442, %swap3A_1443] {strides = array<i32>} : memref<4x64xi32, #tpu.memory_space<vmem>>, vector<16xi32>,
      tpu.vector_store %arg6[%swap3A_1442, %swap3A_1443], %sub3A_1441 {strides = array<i32>} : memref<4x64xi32, #tpu.memory_space<vmem>>, vector<16xi32>,
      %add3A_1445 = arith.constant 16 : i32
      %add3A_1446 = arith.addi %add3A_1228, %add3A_1445 : i32
      %add3A_1447 = vector.broadcast %add3A_1446 : i32 to vector<16xi32>
      %add3A_1448 = arith.addi %add3A_1447, %iota3A : vector<16xi32>
      %broadcast_in_dim3A_1449 = arith.constant 0 : i32
      %broadcast_in_dim3A_1450 = vector.broadcast %broadcast_in_dim3A_1449 : i32 to vector<16xi32>
      %ge3A_1451 = arith.cmpi sge, %add3A_1448, %gather3A : vector<16xi32>
      %convert_element_type3A_1452 = arith.extui %ge3A_1451 : vector<16xi1> to vector<16xi32>
      %add3A_1453 = arith.addi %broadcast_in_dim3A_1450, %convert_element_type3A_1452 : vector<16xi32>
      %ge3A_1454 = arith.cmpi sge, %add3A_1448, %gather3A_151 : vector<16xi32>
      %convert_element_type3A_1455 = arith.extui %ge3A_1454 : vector<16xi1> to vector<16xi32>
      %add3A_1456 = arith.addi %add3A_1453, %convert_element_type3A_1455 : vector<16xi32>
      %ge3A_1457 = arith.cmpi sge, %add3A_1448, %gather3A_154 : vector<16xi32>
      %convert_element_type3A_1458 = arith.extui %ge3A_1457 : vector<16xi1> to vector<16xi32>
      %add3A_1459 = arith.addi %add3A_1456, %convert_element_type3A_1458 : vector<16xi32>
      %ge3A_1460 = arith.cmpi sge, %add3A_1448, %gather3A_157 : vector<16xi32>
      %convert_element_type3A_1461 = arith.extui %ge3A_1460 : vector<16xi1> to vector<16xi32>
      %add3A_1462 = arith.addi %add3A_1459, %convert_element_type3A_1461 : vector<16xi32>
      %ge3A_1463 = arith.cmpi sge, %add3A_1448, %gather3A_160 : vector<16xi32>
      %convert_element_type3A_1464 = arith.extui %ge3A_1463 : vector<16xi1> to vector<16xi32>
      %add3A_1465 = arith.addi %add3A_1462, %convert_element_type3A_1464 : vector<16xi32>
      %ge3A_1466 = arith.cmpi sge, %add3A_1448, %gather3A_163 : vector<16xi32>
      %convert_element_type3A_1467 = arith.extui %ge3A_1466 : vector<16xi1> to vector<16xi32>
      %add3A_1468 = arith.addi %add3A_1465, %convert_element_type3A_1467 : vector<16xi32>
      %ge3A_1469 = arith.cmpi sge, %add3A_1448, %gather3A_166 : vector<16xi32>
      %convert_element_type3A_1470 = arith.extui %ge3A_1469 : vector<16xi1> to vector<16xi32>
      %add3A_1471 = arith.addi %add3A_1468, %convert_element_type3A_1470 : vector<16xi32>
      %ge3A_1472 = arith.cmpi sge, %add3A_1448, %gather3A_169 : vector<16xi32>
      %convert_element_type3A_1473 = arith.extui %ge3A_1472 : vector<16xi1> to vector<16xi32>
      %add3A_1474 = arith.addi %add3A_1471, %convert_element_type3A_1473 : vector<16xi32>
      %mul3A_1475 = arith.constant 2048 : i32
      %mul3A_1476 = vector.broadcast %mul3A_1475 : i32 to vector<16xi32>
      %mul3A_1477 = arith.muli %add3A_1474, %mul3A_1476 : vector<16xi32>
      %add3A_1478 = arith.addi %mul3A_1477, %add3A_1448 : vector<16xi32>
      %gather3A_1479 = tpu.vector_load_idx %arg5[%add3A_1474] : memref<16xi32, #tpu.memory_space<vmem>>[vector<16xi32>], vector<16xi32>,
      %sub3A_1480 = arith.subi %add3A_1478, %gather3A_1479 : vector<16xi32>
      %swap3A_1481 = arith.constant 3 : i32
      %swap3A_1482 = arith.index_cast %swap3A_1481 : i32 to index
      %swap3A_1483 = arith.constant 16 : index
      %swap3A_1484 = tpu.vector_load %arg6[%swap3A_1482, %swap3A_1483] {strides = array<i32>} : memref<4x64xi32, #tpu.memory_space<vmem>>, vector<16xi32>,
      tpu.vector_store %arg6[%swap3A_1482, %swap3A_1483], %sub3A_1480 {strides = array<i32>} : memref<4x64xi32, #tpu.memory_space<vmem>>, vector<16xi32>,
      %add3A_1485 = arith.constant 32 : i32
      %add3A_1486 = arith.addi %add3A_1228, %add3A_1485 : i32
      %add3A_1487 = vector.broadcast %add3A_1486 : i32 to vector<16xi32>
      %add3A_1488 = arith.addi %add3A_1487, %iota3A : vector<16xi32>
      %broadcast_in_dim3A_1489 = arith.constant 0 : i32
      %broadcast_in_dim3A_1490 = vector.broadcast %broadcast_in_dim3A_1489 : i32 to vector<16xi32>
      %ge3A_1491 = arith.cmpi sge, %add3A_1488, %gather3A : vector<16xi32>
      %convert_element_type3A_1492 = arith.extui %ge3A_1491 : vector<16xi1> to vector<16xi32>
      %add3A_1493 = arith.addi %broadcast_in_dim3A_1490, %convert_element_type3A_1492 : vector<16xi32>
      %ge3A_1494 = arith.cmpi sge, %add3A_1488, %gather3A_151 : vector<16xi32>
      %convert_element_type3A_1495 = arith.extui %ge3A_1494 : vector<16xi1> to vector<16xi32>
      %add3A_1496 = arith.addi %add3A_1493, %convert_element_type3A_1495 : vector<16xi32>
      %ge3A_1497 = arith.cmpi sge, %add3A_1488, %gather3A_154 : vector<16xi32>
      %convert_element_type3A_1498 = arith.extui %ge3A_1497 : vector<16xi1> to vector<16xi32>
      %add3A_1499 = arith.addi %add3A_1496, %convert_element_type3A_1498 : vector<16xi32>
      %ge3A_1500 = arith.cmpi sge, %add3A_1488, %gather3A_157 : vector<16xi32>
      %convert_element_type3A_1501 = arith.extui %ge3A_1500 : vector<16xi1> to vector<16xi32>
      %add3A_1502 = arith.addi %add3A_1499, %convert_element_type3A_1501 : vector<16xi32>
      %ge3A_1503 = arith.cmpi sge, %add3A_1488, %gather3A_160 : vector<16xi32>
      %convert_element_type3A_1504 = arith.extui %ge3A_1503 : vector<16xi1> to vector<16xi32>
      %add3A_1505 = arith.addi %add3A_1502, %convert_element_type3A_1504 : vector<16xi32>
      %ge3A_1506 = arith.cmpi sge, %add3A_1488, %gather3A_163 : vector<16xi32>
      %convert_element_type3A_1507 = arith.extui %ge3A_1506 : vector<16xi1> to vector<16xi32>
      %add3A_1508 = arith.addi %add3A_1505, %convert_element_type3A_1507 : vector<16xi32>
      %ge3A_1509 = arith.cmpi sge, %add3A_1488, %gather3A_166 : vector<16xi32>
      %convert_element_type3A_1510 = arith.extui %ge3A_1509 : vector<16xi1> to vector<16xi32>
      %add3A_1511 = arith.addi %add3A_1508, %convert_element_type3A_1510 : vector<16xi32>
      %ge3A_1512 = arith.cmpi sge, %add3A_1488, %gather3A_169 : vector<16xi32>
      %convert_element_type3A_1513 = arith.extui %ge3A_1512 : vector<16xi1> to vector<16xi32>
      %add3A_1514 = arith.addi %add3A_1511, %convert_element_type3A_1513 : vector<16xi32>
      %mul3A_1515 = arith.constant 2048 : i32
      %mul3A_1516 = vector.broadcast %mul3A_1515 : i32 to vector<16xi32>
      %mul3A_1517 = arith.muli %add3A_1514, %mul3A_1516 : vector<16xi32>
      %add3A_1518 = arith.addi %mul3A_1517, %add3A_1488 : vector<16xi32>
      %gather3A_1519 = tpu.vector_load_idx %arg5[%add3A_1514] : memref<16xi32, #tpu.memory_space<vmem>>[vector<16xi32>], vector<16xi32>,
      %sub3A_1520 = arith.subi %add3A_1518, %gather3A_1519 : vector<16xi32>
      %swap3A_1521 = arith.constant 3 : i32
      %swap3A_1522 = arith.index_cast %swap3A_1521 : i32 to index
      %swap3A_1523 = arith.constant 32 : index
      %swap3A_1524 = tpu.vector_load %arg6[%swap3A_1522, %swap3A_1523] {strides = array<i32>} : memref<4x64xi32, #tpu.memory_space<vmem>>, vector<16xi32>,
      tpu.vector_store %arg6[%swap3A_1522, %swap3A_1523], %sub3A_1520 {strides = array<i32>} : memref<4x64xi32, #tpu.memory_space<vmem>>, vector<16xi32>,
      %add3A_1525 = arith.constant 48 : i32
      %add3A_1526 = arith.addi %add3A_1228, %add3A_1525 : i32
      %add3A_1527 = vector.broadcast %add3A_1526 : i32 to vector<16xi32>
      %add3A_1528 = arith.addi %add3A_1527, %iota3A : vector<16xi32>
      %broadcast_in_dim3A_1529 = arith.constant 0 : i32
      %broadcast_in_dim3A_1530 = vector.broadcast %broadcast_in_dim3A_1529 : i32 to vector<16xi32>
      %ge3A_1531 = arith.cmpi sge, %add3A_1528, %gather3A : vector<16xi32>
      %convert_element_type3A_1532 = arith.extui %ge3A_1531 : vector<16xi1> to vector<16xi32>
      %add3A_1533 = arith.addi %broadcast_in_dim3A_1530, %convert_element_type3A_1532 : vector<16xi32>
      %ge3A_1534 = arith.cmpi sge, %add3A_1528, %gather3A_151 : vector<16xi32>
      %convert_element_type3A_1535 = arith.extui %ge3A_1534 : vector<16xi1> to vector<16xi32>
      %add3A_1536 = arith.addi %add3A_1533, %convert_element_type3A_1535 : vector<16xi32>
      %ge3A_1537 = arith.cmpi sge, %add3A_1528, %gather3A_154 : vector<16xi32>
      %convert_element_type3A_1538 = arith.extui %ge3A_1537 : vector<16xi1> to vector<16xi32>
      %add3A_1539 = arith.addi %add3A_1536, %convert_element_type3A_1538 : vector<16xi32>
      %ge3A_1540 = arith.cmpi sge, %add3A_1528, %gather3A_157 : vector<16xi32>
      %convert_element_type3A_1541 = arith.extui %ge3A_1540 : vector<16xi1> to vector<16xi32>
      %add3A_1542 = arith.addi %add3A_1539, %convert_element_type3A_1541 : vector<16xi32>
      %ge3A_1543 = arith.cmpi sge, %add3A_1528, %gather3A_160 : vector<16xi32>
      %convert_element_type3A_1544 = arith.extui %ge3A_1543 : vector<16xi1> to vector<16xi32>
      %add3A_1545 = arith.addi %add3A_1542, %convert_element_type3A_1544 : vector<16xi32>
      %ge3A_1546 = arith.cmpi sge, %add3A_1528, %gather3A_163 : vector<16xi32>
      %convert_element_type3A_1547 = arith.extui %ge3A_1546 : vector<16xi1> to vector<16xi32>
      %add3A_1548 = arith.addi %add3A_1545, %convert_element_type3A_1547 : vector<16xi32>
      %ge3A_1549 = arith.cmpi sge, %add3A_1528, %gather3A_166 : vector<16xi32>
      %convert_element_type3A_1550 = arith.extui %ge3A_1549 : vector<16xi1> to vector<16xi32>
      %add3A_1551 = arith.addi %add3A_1548, %convert_element_type3A_1550 : vector<16xi32>
      %ge3A_1552 = arith.cmpi sge, %add3A_1528, %gather3A_169 : vector<16xi32>
      %convert_element_type3A_1553 = arith.extui %ge3A_1552 : vector<16xi1> to vector<16xi32>
      %add3A_1554 = arith.addi %add3A_1551, %convert_element_type3A_1553 : vector<16xi32>
      %mul3A_1555 = arith.constant 2048 : i32
      %mul3A_1556 = vector.broadcast %mul3A_1555 : i32 to vector<16xi32>
      %mul3A_1557 = arith.muli %add3A_1554, %mul3A_1556 : vector<16xi32>
      %add3A_1558 = arith.addi %mul3A_1557, %add3A_1528 : vector<16xi32>
      %gather3A_1559 = tpu.vector_load_idx %arg5[%add3A_1554] : memref<16xi32, #tpu.memory_space<vmem>>[vector<16xi32>], vector<16xi32>,
      %sub3A_1560 = arith.subi %add3A_1558, %gather3A_1559 : vector<16xi32>
      %swap3A_1561 = arith.constant 3 : i32
      %swap3A_1562 = arith.index_cast %swap3A_1561 : i32 to index
      %swap3A_1563 = arith.constant 48 : index
      %swap3A_1564 = tpu.vector_load %arg6[%swap3A_1562, %swap3A_1563] {strides = array<i32>} : memref<4x64xi32, #tpu.memory_space<vmem>>, vector<16xi32>,
      tpu.vector_store %arg6[%swap3A_1562, %swap3A_1563], %sub3A_1560 {strides = array<i32>} : memref<4x64xi32, #tpu.memory_space<vmem>>, vector<16xi32>,
      %dma_start3A_1565 = arith.constant 1 : i32
      %dma_start3A_1566 = arith.constant 3 : i32
      %dma_start3A_1567 = arith.constant 0 : i32
      %dma_start3A_1568 = arith.constant 0 : i32
      %dma_start3A_1569 = tpu.memref_slice %arg8[%dma_start3A_1565, %dma_start3A_1567, %dma_start3A_1568] : memref<2x64x512xf32, #tpu.memory_space<vmem>> -> memref<1x64x512xf32, #tpu.memory_space<vmem>>
      %dma_start3A_1570 = tpu.memref_squeeze %dma_start3A_1569 : memref<1x64x512xf32, #tpu.memory_space<vmem>> -> memref<64x512xf32, #tpu.memory_space<vmem>>
      %dma_start3A_1571 = arith.constant 0 : i32
      %dma_start3A_1572 = tpu.memref_slice %arg6[%dma_start3A_1566, %dma_start3A_1571] : memref<4x64xi32, #tpu.memory_space<vmem>> -> memref<1x64xi32, #tpu.memory_space<vmem>>
      %dma_start3A_1573 = tpu.memref_squeeze %dma_start3A_1572 : memref<1x64xi32, #tpu.memory_space<vmem>> -> memref<64xi32, #tpu.memory_space<vmem>>
      %dma_start3A_1574 = arith.constant 0 : i32
      %dma_start3A_1575 = arith.constant 0 : i32
      %dma_start3A_1576 = tpu.memref_slice %arg4[%dma_start3A_1574, %dma_start3A_1575] : memref<16384x512xf32, #tpu.memory_space<hbm>> -> memref<16384x512xf32, #tpu.memory_space<hbm>>
      tpu.enqueue_indirect_dma source(%dma_start3A_1570 : memref<64x512xf32, #tpu.memory_space<vmem>>) target(%dma_start3A_1576 : memref<16384x512xf32, #tpu.memory_space<hbm>>) offsets(%dma_start3A_1573 : memref<64xi32, #tpu.memory_space<vmem>>) semaphore(%arg14 : memref<!tpu.dma_semaphore, #tpu.memory_space<semaphore_mem>>)
    } else {
    }
    %dma_wait3A_1352 = arith.constant 0 : i32
    %dma_wait3A_1353 = arith.constant 0 : i32
    %dma_wait3A_1354 = arith.constant 0 : i32
    %dma_wait3A_1355 = tpu.memref_slice %arg8[%dma_wait3A_1352, %dma_wait3A_1353, %dma_wait3A_1354] : memref<2x64x512xf32, #tpu.memory_space<vmem>> -> memref<1x64x512xf32, #tpu.memory_space<vmem>>
    %dma_wait3A_1356 = tpu.memref_squeeze %dma_wait3A_1355 : memref<1x64x512xf32, #tpu.memory_space<vmem>> -> memref<64x512xf32, #tpu.memory_space<vmem>>
    %dma_wait3A_1357 = arith.constant 0 : i32
    %dma_wait3A_1358 = arith.constant 0 : i32
    %dma_wait3A_1359 = tpu.memref_slice %arg4[%dma_wait3A_1357, %dma_wait3A_1358] : memref<16384x512xf32, #tpu.memory_space<hbm>> -> memref<64x512xf32, #tpu.memory_space<hbm>>
    %dma_wait3A_1360 = arith.constant 0 : i32
    %dma_wait3A_1361 = arith.constant 0 : i32
    %dma_wait3A_1362 = tpu.memref_slice %arg4[%dma_wait3A_1360, %dma_wait3A_1361] : memref<16384x512xf32, #tpu.memory_space<hbm>> -> memref<64x512xf32, #tpu.memory_space<hbm>>
    %dma_wait3A_1363 = arith.constant 0 : i32
    %dma_wait3A_1364 = arith.constant 0 : i32
    %dma_wait3A_1365 = tpu.memref_slice %arg8[%dma_wait3A_1352, %dma_wait3A_1363, %dma_wait3A_1364] : memref<2x64x512xf32, #tpu.memory_space<vmem>> -> memref<1x64x512xf32, #tpu.memory_space<vmem>>
    %dma_wait3A_1366 = tpu.memref_squeeze %dma_wait3A_1365 : memref<1x64x512xf32, #tpu.memory_space<vmem>> -> memref<64x512xf32, #tpu.memory_space<vmem>>
    tpu.wait_dma2 semaphore(%arg13 : memref<!tpu.dma_semaphore, #tpu.memory_space<semaphore_mem>>) src(%dma_wait3A_1366 : memref<64x512xf32, #tpu.memory_space<vmem>>) dst(%dma_wait3A_1362 : memref<64x512xf32, #tpu.memory_space<hbm>>)
    %dma_wait3A_1367 = arith.constant 1 : i32
    %dma_wait3A_1368 = arith.constant 0 : i32
    %dma_wait3A_1369 = arith.constant 0 : i32
    %dma_wait3A_1370 = tpu.memref_slice %arg8[%dma_wait3A_1367, %dma_wait3A_1368, %dma_wait3A_1369] : memref<2x64x512xf32, #tpu.memory_space<vmem>> -> memref<1x64x512xf32, #tpu.memory_space<vmem>>
    %dma_wait3A_1371 = tpu.memref_squeeze %dma_wait3A_1370 : memref<1x64x512xf32, #tpu.memory_space<vmem>> -> memref<64x512xf32, #tpu.memory_space<vmem>>
    %dma_wait3A_1372 = arith.constant 0 : i32
    %dma_wait3A_1373 = arith.constant 0 : i32
    %dma_wait3A_1374 = tpu.memref_slice %arg4[%dma_wait3A_1372, %dma_wait3A_1373] : memref<16384x512xf32, #tpu.memory_space<hbm>> -> memref<64x512xf32, #tpu.memory_space<hbm>>
    %dma_wait3A_1375 = arith.constant 0 : i32
    %dma_wait3A_1376 = arith.constant 0 : i32
    %dma_wait3A_1377 = tpu.memref_slice %arg4[%dma_wait3A_1375, %dma_wait3A_1376] : memref<16384x512xf32, #tpu.memory_space<hbm>> -> memref<64x512xf32, #tpu.memory_space<hbm>>
    %dma_wait3A_1378 = arith.constant 0 : i32
    %dma_wait3A_1379 = arith.constant 0 : i32
    %dma_wait3A_1380 = tpu.memref_slice %arg8[%dma_wait3A_1367, %dma_wait3A_1378, %dma_wait3A_1379] : memref<2x64x512xf32, #tpu.memory_space<vmem>> -> memref<1x64x512xf32, #tpu.memory_space<vmem>>
    %dma_wait3A_1381 = tpu.memref_squeeze %dma_wait3A_1380 : memref<1x64x512xf32, #tpu.memory_space<vmem>> -> memref<64x512xf32, #tpu.memory_space<vmem>>
    tpu.wait_dma2 semaphore(%arg14 : memref<!tpu.dma_semaphore, #tpu.memory_space<semaphore_mem>>) src(%dma_wait3A_1381 : memref<64x512xf32, #tpu.memory_space<vmem>>) dst(%dma_wait3A_1377 : memref<64x512xf32, #tpu.memory_space<hbm>>)
    %dma_wait3A_1382 = arith.constant 0 : i32
    %dma_wait3A_1383 = arith.constant 0 : i32
    %dma_wait3A_1384 = tpu.memref_slice %arg4[%dma_wait3A_1382, %dma_wait3A_1383] : memref<16384x512xf32, #tpu.memory_space<hbm>> -> memref<64x512xf32, #tpu.memory_space<hbm>>
    %dma_wait3A_1385 = arith.constant 0 : i32
    %dma_wait3A_1386 = arith.constant 0 : i32
    %dma_wait3A_1387 = tpu.memref_slice %arg4[%dma_wait3A_1385, %dma_wait3A_1386] : memref<16384x512xf32, #tpu.memory_space<hbm>> -> memref<64x512xf32, #tpu.memory_space<hbm>>
    tpu.wait_dma2 semaphore(%arg15 : memref<!tpu.dma_semaphore, #tpu.memory_space<semaphore_mem>>) src(%arg9 : memref<64x512xf32, #tpu.memory_space<vmem>>) dst(%dma_wait3A_1387 : memref<64x512xf32, #tpu.memory_space<hbm>>)
    %dma_wait3A_1388 = arith.constant 0 : i32
    %dma_wait3A_1389 = arith.constant 0 : i32
    %dma_wait3A_1390 = tpu.memref_slice %arg4[%dma_wait3A_1388, %dma_wait3A_1389] : memref<16384x512xf32, #tpu.memory_space<hbm>> -> memref<64x512xf32, #tpu.memory_space<hbm>>
    %dma_wait3A_1391 = arith.constant 0 : i32
    %dma_wait3A_1392 = arith.constant 0 : i32
    %dma_wait3A_1393 = tpu.memref_slice %arg4[%dma_wait3A_1391, %dma_wait3A_1392] : memref<16384x512xf32, #tpu.memory_space<hbm>> -> memref<64x512xf32, #tpu.memory_space<hbm>>
    tpu.wait_dma2 semaphore(%arg15 : memref<!tpu.dma_semaphore, #tpu.memory_space<semaphore_mem>>) src(%arg9 : memref<64x512xf32, #tpu.memory_space<vmem>>) dst(%dma_wait3A_1393 : memref<64x512xf32, #tpu.memory_space<hbm>>)
    %dma_wait3A_1394 = arith.constant 0 : i32
    %dma_wait3A_1395 = arith.constant 0 : i32
    %dma_wait3A_1396 = tpu.memref_slice %arg4[%dma_wait3A_1394, %dma_wait3A_1395] : memref<16384x512xf32, #tpu.memory_space<hbm>> -> memref<64x512xf32, #tpu.memory_space<hbm>>
    %dma_wait3A_1397 = arith.constant 0 : i32
    %dma_wait3A_1398 = arith.constant 0 : i32
    %dma_wait3A_1399 = tpu.memref_slice %arg4[%dma_wait3A_1397, %dma_wait3A_1398] : memref<16384x512xf32, #tpu.memory_space<hbm>> -> memref<64x512xf32, #tpu.memory_space<hbm>>
    tpu.wait_dma2 semaphore(%arg15 : memref<!tpu.dma_semaphore, #tpu.memory_space<semaphore_mem>>) src(%arg9 : memref<64x512xf32, #tpu.memory_space<vmem>>) dst(%dma_wait3A_1399 : memref<64x512xf32, #tpu.memory_space<hbm>>)
    %dma_wait3A_1400 = arith.constant 0 : i32
    %dma_wait3A_1401 = arith.constant 0 : i32
    %dma_wait3A_1402 = tpu.memref_slice %arg4[%dma_wait3A_1400, %dma_wait3A_1401] : memref<16384x512xf32, #tpu.memory_space<hbm>> -> memref<64x512xf32, #tpu.memory_space<hbm>>
    %dma_wait3A_1403 = arith.constant 0 : i32
    %dma_wait3A_1404 = arith.constant 0 : i32
    %dma_wait3A_1405 = tpu.memref_slice %arg4[%dma_wait3A_1403, %dma_wait3A_1404] : memref<16384x512xf32, #tpu.memory_space<hbm>> -> memref<64x512xf32, #tpu.memory_space<hbm>>
    tpu.wait_dma2 semaphore(%arg15 : memref<!tpu.dma_semaphore, #tpu.memory_space<semaphore_mem>>) src(%arg9 : memref<64x512xf32, #tpu.memory_space<vmem>>) dst(%dma_wait3A_1405 : memref<64x512xf32, #tpu.memory_space<hbm>>)
    return
  }
}

</mosaic_0001>

<sc_bundles>
// kernel: kernel.3.cloned.1.call-start
scs
__scs_entry_jumppad:
0x0: {  	(pc) =	sbr.rel $0x88, $3  }
0x1: {  	(tag) =	ssettag $0x0;
	lr =	simm.s32 $0x1  }
0x2: {  	[smem:$0x3F9F] =	sst lr;
	_ =	strace $0xD0000000  }
0x3: {  	_ = 	snop  }
0x4: {  	_ = 	snop  }
0x5: {  	_ = 	snop  }
0x6: {  	_ = 	snop  }
0x7: {  	_ = 	snop  }
__scs_overlays_trampoline_lowered:
0x8: {  	[smem:$0x3FAE] =	sst s0  }
0x9: {  	[smem:$0x3FAF] =	sst s1  }
0xa: {  	[smem:$0x3FB0] =	sst s2  }
0xb: {  	[smem:$0x3FB1] =	sst s3  }
0xc: {  	[smem:$0x3FB2] =	sst s4  }
0xd: {  	[smem:$0x3FB3] =	sst s5  }
0xe: {  	[smem:$0x3FB4] =	sst s6  }
0xf: {  	[smem:$0x3FB5] =	sst s7  }
0x10: {  	[smem:$0x3FB6] =	sst s8  }
0x11: {  	[smem:$0x3FB7] =	sst s9;
	s0 =	simm.s32 @!p0 $0x0  }
0x12: {  	s1 =	sld [smem:$0x3F9D];
	s0 =	simm.s32 @p0 $0x1  }
0x13: {  	[smem:$0x3FB8] =	sst s0;
	s0 =	simm.s32 @!p1 $0x0  }
0x14: {  	s2 =	sld [smem:$0x3F9C];
	s0 =	simm.s32 @p1 $0x1  }
0x15: {  	[smem:$0x3FB9] =	sst s0;
	s0 =	simm.s32 @!p2 $0x0  }
0x16: {  	s3 =	sld [smem:$0x3FDB];
	s0 =	simm.s32 @p2 $0x1  }
0x17: {  	s4 =	simm.s32 $0x1BF5;
	[smem:$0x3FBB] =	sst s0  }
0x18: {  	s0 =	sld [smem:$0x3F9E];
	_ =	swait.ge [sflag:s4], $0x0  }
0x19: {  	s7 =	sld [smem:$0x3F9F]  }
0x1a: {  	s8 =	sadd.s32 $0xFFFFE003, lr  }
0x1b: {  	s9 =	sadd.s32 $0xFFFFFEF7, lr;
	s5 =	simm.s32 $0xFFFFFFFF;
	p2 =	slt.u32 s8, $0xFFFFF086  }
0x1c: {  	p1 =	slt.u32 s9, $0xF7A;
	s5 =	simm.s32 @!p2 $0x0  }
0x1d: {  	s5 =	simm.s32 @p1 $0x1;
	p0 =	seq.s32 s7, s2  }
0x1e: {  	s7 =	smul.u32 @!p0 $0xF7A, s2;
	p2 =	seq.s32 @!p0 s5, $0x0  }
0x1f: {  	s9 =	smul.u32 $0xF7A, s1;
	s8 =	simm.s32 @!p0 $0x1BF5;
	p2 =	por !p2, p0  }
0x20: {  	[sflag:s8] =	ssyncset.s32 @!p0 $0xFFFFF086;
	s6 =	sadd.s32 @!p0 s3, s7;
	s7 =	simm.s32 @!p0 $0x108  }
0x21: {  	s3 =	sadd.s32 s3, s9;
	s6 =	sadd.s32 @!p0 $0x88, s6;
	s7 =	simm.s32 @p2 $0x1082  }
0x22: {  	[simem:s7], [sflag:s8] =	dma.local @!p0 [hbm:s6], $0xF7A  }
0x23: {  	s9 =	sor.u32 $0xD0000000, s2;
	s6 =	simm.s32 $0x108;
	_ =	swait.ge @!p0 [sflag:s8], $0x0  }
0x24: {  	s3 =	sadd.s32 $0x88, s3;
	s6 =	simm.s32 @!p1 $0x1082;
	[sflag:s4] =	ssyncset.s32 $0xFFFFF086  }
0x25: {  	[simem:s6], [sflag:s4] =	dma.local [hbm:s3], $0xF7A  }
0x26: {  	[smem:$0x3F9F] =	sst s1;
	(tag) =	ssettag s2;
	_ =	strace s9  }
0x27: {  	s1 =	sld [smem:$0x3FAF]  }
0x28: {  	s2 =	sld [smem:$0x3FB0]  }
0x29: {  	s4 =	sld [smem:$0x3FB2]  }
0x2a: {  	p0 =	seq.s32 s5, $0x0;
	s5 =	sld [smem:$0x3FB3]  }
0x2b: {  	s6 =	sld [smem:$0x3FB4]  }
0x2c: {  	s7 =	sld [smem:$0x3FB5]  }
0x2d: {  	s3 =	simm.s32 $0x108;
	s8 =	sld [smem:$0x3FB6]  }
0x2e: {  	s3 =	simm.s32 @!p0 $0x1082;
	s9 =	sld [smem:$0x3FB7]  }
0x2f: {  	lr =	sadd.s32 s0, s3;
	s0 =	sld [smem:$0x3FAE]  }
0x30: {  	s3 =	sld [smem:$0x3FB1]  }
0x31: {  	[smem:$0x3FBA] =	sst s10  }
0x32: {  	s10 =	sld [smem:$0x3FB8];
	_ =	sdelay $0x3  }
0x33: {  	p0 =	seq.s32 s10, $0x1;
	s10 =	sld [smem:$0x3FBA];
	_ =	sdelay $0x3  }
0x34: {  	[smem:$0x3FBA] =	sst s10  }
0x35: {  	s10 =	sld [smem:$0x3FB9];
	_ =	sdelay $0x3  }
0x36: {  	p1 =	seq.s32 s10, $0x1;
	s10 =	sld [smem:$0x3FBA];
	_ =	sdelay $0x3  }
0x37: {  	[smem:$0x3FBA] =	sst s10  }
0x38: {  	s10 =	sld [smem:$0x3FBB]  }
0x39: {  	_ = 	snop;
	(pc) =	sbr.ind lr, $3  }
0x3a: {  	_ = 	snop  }
0x3b: {  	_ = 	snop  }
0x3c: {  	p2 =	seq.s32 s10, $0x1;
	s10 =	sld [smem:$0x3FBA]  }
0x3d: {  	_ =	shalt  }
0x3e: {  	_ =	shalt  }
0x3f: {  	_ =	shalt  }
0x40: {  	_ =	shalt  }
0x41: {  	_ =	shalt  }
0x42: {  	_ =	shalt  }
0x43: {  	_ =	shalt  }
0x44: {  	_ =	shalt  }
0x45: {  	_ =	shalt  }
0x46: {  	_ =	shalt  }
0x47: {  	_ =	shalt  }
0x48: {  	_ =	shalt  }
0x49: {  	_ =	shalt  }
0x4a: {  	_ =	shalt  }
0x4b: {  	_ =	shalt  }
0x4c: {  	_ =	shalt  }
0x4d: {  	_ =	shalt  }
0x4e: {  	_ =	shalt  }
0x4f: {  	_ =	shalt  }
0x50: {  	_ =	shalt  }
0x51: {  	_ =	shalt  }
0x52: {  	_ =	shalt  }
0x53: {  	_ =	shalt  }
0x54: {  	_ =	shalt  }
0x55: {  	_ =	shalt  }
0x56: {  	_ =	shalt  }
0x57: {  	_ =	shalt  }
0x58: {  	_ =	shalt  }
0x59: {  	_ =	shalt  }
0x5a: {  	_ =	shalt  }
0x5b: {  	_ =	shalt  }
0x5c: {  	_ =	shalt  }
0x5d: {  	_ =	shalt  }
0x5e: {  	_ =	shalt  }
0x5f: {  	_ =	shalt  }
0x60: {  	_ =	shalt  }
0x61: {  	_ =	shalt  }
0x62: {  	_ =	shalt  }
0x63: {  	_ =	shalt  }
0x64: {  	_ =	shalt  }
0x65: {  	_ =	shalt  }
0x66: {  	_ =	shalt  }
0x67: {  	_ =	shalt  }
0x68: {  	_ =	shalt  }
0x69: {  	_ =	shalt  }
0x6a: {  	_ =	shalt  }
0x6b: {  	_ =	shalt  }
0x6c: {  	_ =	shalt  }
0x6d: {  	_ =	shalt  }
0x6e: {  	_ =	shalt  }
0x6f: {  	_ =	shalt  }
0x70: {  	_ =	shalt  }
0x71: {  	_ =	shalt  }
0x72: {  	_ =	shalt  }
0x73: {  	_ =	shalt  }
0x74: {  	_ =	shalt  }
0x75: {  	_ =	shalt  }
0x76: {  	_ =	shalt  }
0x77: {  	_ =	shalt  }
0x78: {  	_ =	shalt  }
0x79: {  	_ =	shalt  }
0x7a: {  	_ =	shalt  }
0x7b: {  	_ =	shalt  }
0x7c: {  	_ =	shalt  }
0x7d: {  	_ =	shalt  }
0x7e: {  	_ =	shalt  }
0x7f: {  	_ =	shalt  }
0x80: {  	_ =	shalt  }
0x81: {  	_ =	shalt  }
0x82: {  	_ =	shalt  }
0x83: {  	_ =	shalt  }
0x84: {  	_ =	shalt  }
0x85: {  	_ =	shalt  }
0x86: {  	_ =	shalt  }
0x87: {  	_ =	shalt  }
.Lfunc_end0:
.L_simem_size_0:
called_computation_lowered:
.L_overlay_start_0:
0x88: {  	s2 =	sld [smem:$0x3FD9]  }
0x89: {  	s3 =	sld [smem:$0x3FFE];
	_ =	sdelay $0x1  }
0x8a: {  	s1 =	srdreg.scid  }
0x8b: {  	s0 =	sand.u32 $0x1, s1  }
0x8c: {  	s18 =	sshll.u32 s0, $0xA;
	s2 =	sadd.s32 s3, s2  }
0x8d: {  	s2 =	sadd.s32 s2, s18  }
0x8e: {  	[smem:$0x3FC6] =	sst s2  }
0x8f: {  	_ = 	snop  }
0x90: {  	s2 =	sld [smem:$0x3FC9]  }
0x91: {  	s19 =	sld [smem:$0x3FC8]  }
0x92: {  	s4 =	sld [smem:$0x3FD0];
	(tm) =	ssettm $0x1  }
0x93: {  	s5 =	sld [smem:$0x3FFB];
	_ =	sdelay $0x3  }
0x94: {  	_ =	strace s5  }
0x95: {  	s5 =	sld [smem:$0x3FFC];
	_ =	sdelay $0x3  }
0x96: {  	_ =	strace s5  }
0x97: {  	s5 =	sld [smem:$0x3FFD];
	_ =	sdelay $0x3  }
0x98: {  	_ =	strace s5  }
0x99: {  	_ =	strace $0x8FFFFFFF  }
0x9a: {  	s20 =	sld [smem:$0x3FDB];
	_ =	sdelay $0x1  }
0x9b: {  	s6 =	simm.s32 $_scs_section_size  }
0x9c: {  	s7 =	simm.s32 $_size__tile_overlayer_lowered;
	s8 =	simm.s32 $_tile_overlayer_lowered  }
0x9d: {  	s23 =	simm.s32 $0x1BFF;
	s22 =	sshll.u32 s8, $0x1;
	s5 =	sadd.s32 s6, s20  }
0x9e: {  	s9 =	simm.s32 $0x0;
	s21 =	sshll.u32 s7, $0x1;
	s7 =	sadd.s32 s22, s5  }
0x9f: {  	[timem:s9], [sflag:s23] =	dma.local [hbm:s7], s21  }
0xa0: {  	_ =	swait.ge [sflag:s23], s21  }
0xa1: {  	s6 =	ssub.s32 $0x0, s21;
	[sflag:s23] =	ssyncset.done $0x0  }
0xa2: {  	[sflag:s23] =	ssyncadd.s32 s6;
	_ =	sdelay $0x1  }
0xa3: {  	s24 =	simm.s32 $0x1B8B  }
0xa4: {  	_ =	swait.ge [sflag:s24], $0x1  }
0xa5: {  	[sflag:s24] =	ssyncset.done $0x0  }
0xa6: {  	s25 =	simm.s32 $0x1B8E;
	[sflag:s24] =	ssyncadd.s32 $0xFFFFFFFF  }
0xa7: {  	s26 =	simm.s32 $execute0_lowered;
	[smem:$0x3FD2] =	sst s25  }
0xa8: {  	s6 =	sshll.u32 s26, $0x1;
	_ =	strace $0x80000046;
	[dreg:$0x1] =	wrdreg $0xFFFFFFFF  }
0xa9: {  	s28 =	simm.s32 $_size_execute0_lowered;
	s5 =	sadd.s32 s5, s6;
	[dreg:$0x0] =	wrdreg $0x0  }
0xaa: {  	s6 =	sshll.u32 s28, $0x1;
	[dreg:$0x2] =	wrdreg s5  }
0xab: {  	[dreg:$0x3] =	wrdreg s6  }
0xac: {  	[dreg:$0x4] =	wrdreg $0xC0  }
0xad: {  	_ =	task [dreg:s9], $0x5FFFF  }
0xae: {  	[dreg:$0x1] =	wrdreg $0xFFFFFFFF  }
0xaf: {  	[dreg:$0x0] =	wrdreg $0x60  }
0xb0: {  	[dreg:$0x2] =	wrdreg s2  }
0xb1: {  	[dreg:$0x3] =	wrdreg s19  }
0xb2: {  	[dreg:$0x4] =	wrdreg s4  }
0xb3: {  	[dreg:$0x5] =	wrdreg $0x9  }
0xb4: {  	_ =	task.clear_ibuf [dreg:s9], $0x6FFFF;
	_ =	strace $0x90000046  }
0xb5: {  	s29 =	simm.s32 $0x9;
	_ =	strace $0x80000048  }
0xb6: {  	_ =	swait.ge [sflag:s29], $0x1  }
0xb7: {  	[sflag:s29] =	ssyncadd.s32 $0xFFFFFFFF  }
0xb8: {  	_ =	strace $0x90000048  }
0xb9: {  	_ =	sfence  }
0xba: {  	s30 =	sld [smem:$0x0];
	_ =	sdelay $0x2  }
0xbb: {  	s31 =	sshll.u32 s1, $0xD;
	s1 =	sshrl.u32 s1, $0x2  }
0xbc: {  	s3 =	sand.u32 $0x4000, s31;
	s1 =	sadd.s32 s1, s30  }
0xbd: {  	s0 =	sor.u32 s3, s0;
	s1 =	sshll.u32 s1, $0x11  }
0xbe: {  	s0 =	sor.u32 s1, s0  }
0xbf: {  	s0 =	sadd.s32 $0x8F2B, s0  }
0xc0: {  	[sflag:s0] =	ssyncadd.remote.s32 $0x1  }
0xc1: {  	_ =	sfence.sel $0xFFFF  }
0xc2: {  	[dreg:$0x0] =	wrdreg $0xFFFFFFFF;
	(pc) =	sbr.abs _section_cstart, $3  }
0xc3: {  	[dreg:$0x1] =	wrdreg $0xFFFFFFFF  }
0xc4: {  	_ =	task.clear_ibuf [dreg:s9], $0x2FFFF;
	_ =	strace $0x9FFFFFFF  }
0xc5: {  	(tm) =	ssettm $0x7FFFFFFF  }
tec
execute0_lowered:
.L_overlay_start_1:
0x0: {  	(tag) =	ssettag $0x1  }
0x1: {  	s0 =	rddreg [dreg:$0x0]  }
0x2: {  	s28 =	rddreg [dreg:$0x2]  }
0x3: {  	s1 =	srdreg.scid;
	s2 =	stileid.u32;
	s4 =	simm.s32 $0x0  }
0x4: {  	s23 =	simm.s32 $0x480;
	s25 =	simm.s32 $0x8480;
	s29 =	simm.s32 $0x3  }
0x5: {  	s1 =	sand.u32 $0x1, s1;
	s2 =	sshll.u32 s2, $0x9;
	[smem:$0x7FF] =	sst s4  }
0x6: {  	s10 =	sadd.s32 $0x100, s28;
	s5 =	sshll.u32 s1, $0x8;
	s1 =	ssub.s32 $0x2, s1  }
0x7: {  	v27 =	vlaneseq.u32;
	_ =	strace $0x80000047;
	s5 =	sor.u32 s5, s2;
	s31 =	sshrl.u32 s1, $0x1  }
0x8: {  	vm0 =	vcmask $0x308;
	vm1 =	vcmask $0x70C;
	vm2 =	vcmask $0xB10;
	s6 =	sor.u32 $0x40, s5;
	s1 =	ssub.s32 s1, s31;
	s3 =	sshll.u32 s5, $0x6  }
0x9: {  	vm3 =	vcmask $0xF14;
	vm4 =	vcmask $0x1318;
	vm5 =	vcmask $0x171C;
	s8 =	sor.u32 $0x3F, s5;
	s9 =	sor.u32 $0x10, s5;
	s24 =	sor.u32 $0x20, s5  }
0xa: {  	vm6 =	vcmask $0x1B20;
	vm7 =	vcmask $0x1F24;
	v16 =	vimm.s32 $0x1;
	s11 =	sor.u32 $0x7F, s5;
	s15 =	sor.u32 $0x50, s5;
	s16 =	sor.u32 $0x60, s5  }
0xb: {  	v17 =	vimm.s32 $0x2;
	v18 =	vimm.s32 $0x3;
	v19 =	vimm.s32 $0x4;
	s17 =	sor.u32 $0x70, s5;
	s12 =	sor.u32 $0x80, s5;
	s13 =	sor.u32 $0xBF, s5  }
0xc: {  	v20 =	vimm.s32 $0x5;
	v21 =	vimm.s32 $0x6;
	v22 =	vimm.s32 $0x7;
	s14 =	sor.u32 $0xC0, s5;
	s19 =	sor.u32 $0x90, s5;
	s30 =	sor.u32 $0xA0, s5  }
0xd: {  	v23 =	vimm.s32 $0x8;
	v24 =	vimm.s32 $0x0;
	vm8 =	vmmov $0xffff;
	s31 =	sor.u32 $0xB0, s5;
	s20 =	sor.u32 $0xD0, s5;
	s21 =	sor.u32 $0xE0, s5  }
0xe: {  	v28 =	vimm.f32 $0.0e+00;
	v25 =	vand.u32 $0x7, v27;
	v26 =	vshrl.u32 v27, $0x3;
	s22 =	sor.u32 $0xF0, s5;
	s7 =	sshll.u32 s6, $0x6;
	[dreg:$0x6] =	wrdreg s8  }
0xf: {  	v26 =	vmul.u32 $0x8, v26;
	v12 =	vor.u32 s5, v27;
	s2 =	sadd.s32 s0, s3;
	s8 =	sor.u32 $0x30, s5;
	v0 =	vor.u32 s9, v27;
	[dreg:$0x7] =	wrdreg s11  }
.Ltmp0:
0x10: {  	s1 =	smax.u32 s1, $0x1;
	v1 =	vor.u32 s24, v27;
	v3 =	vor.u32 s15, v27;
	v4 =	vor.u32 s16, v27;
	[dreg:$0x4] =	wrdreg s2;
	(pc) =	sbr.rel .LBB2_1-.Ltmp0, $4  }
0x11: {  	s18 =	sshll.u32 s12, $0x6;
	v5 =	vor.u32 s17, v27;
	v6 =	vor.u32 s19, v27;
	v7 =	vor.u32 s30, v27;
	s7 =	sadd.s32 s0, s7;
	[dreg:$0xa] =	wrdreg s1  }
0x12: {  	s26 =	sshll.u32 s14, $0x6;
	v8 =	vor.u32 s31, v27;
	v9 =	vor.u32 s20, v27;
	v10 =	vor.u32 s21, v27;
	s3 =	sadd.s32 s0, s18;
	[dreg:$0x5] =	wrdreg s7  }
0x13: {  	v11 =	vor.u32 s22, v27;
	v13 =	vor.u32 s6, v27;
	v14 =	vor.u32 s12, v27;
	s0 =	sadd.s32 s0, s26;
	s18 =	sor.u32 $0xFF, s5;
	[dreg:$0x8] =	wrdreg s3  }
0x14: {  	v15 =	vor.u32 s14, v27;
	s26 =	simm.s32 $0x2;
	v2 =	vor.u32 s8, v27;
	v27 =	vor.u32 $0x8, v27;
	s2 =	simm.s32 $0x0;
	[dreg:$0x9] =	wrdreg s0  }
.LBB2_26:
0x15: {  	vm9 =	vge.s32 v15, v29  }
0x16: {  	vm10 =	vge.s32 v15, v31;
	v37 =	vsel vm9, $0x1, v24;
	vm9 =	vge.s32 v15, v30  }
0x17: {  	v39 =	vsel vm10, $0x1, v24;
	v38 =	vsel vm9, $0x1, v24;
	vm9 =	vge.s32 v15, v32  }
0x18: {  	v37 =	vadd.s32 v37, v38;
	v63 =	vsel vm9, $0x1, v24;
	vm9 =	vge.s32 v15, v33  }
0x19: {  	v37 =	vadd.s32 v39, v37;
	v42 =	vsel vm9, $0x1, v24;
	vm9 =	vge.s32 v15, v35  }
0x1a: {  	v37 =	vadd.s32 v63, v37;
	v43 =	vsel vm9, $0x1, v24;
	vm9 =	vge.s32 v15, v36  }
0x1b: {  	v37 =	vadd.s32 v42, v37;
	v44 =	vsel vm9, $0x1, v24;
	vm9 =	vge.s32 v15, v34  }
0x1c: {  	v37 =	vadd.s32 v43, v37;
	v45 =	vsel vm9, $0x1, v24;
	vm9 =	vge.s32 v9, v29  }
0x1d: {  	v37 =	vadd.s32 v44, v37;
	v46 =	vsel vm9, $0x1, v24;
	vm9 =	vge.s32 v9, v30  }
0x1e: {  	v37 =	vadd.s32 v45, v37;
	v47 =	vsel vm9, $0x1, v24;
	vm9 =	vge.s32 v9, v31  }
0x1f: {  	v38 =	vadd.s32 v46, v47;
	v48 =	vsel vm9, $0x1, v24;
	vm9 =	vge.s32 v9, v32  }
0x20: {  	v38 =	vadd.s32 v48, v38;
	v49 =	vsel vm9, $0x1, v24;
	vm9 =	vge.s32 v9, v33  }
0x21: {  	v38 =	vadd.s32 v49, v38;
	v50 =	vsel vm9, $0x1, v24;
	vm9 =	vge.s32 v9, v35  }
0x22: {  	v38 =	vadd.s32 v50, v38;
	v51 =	vsel vm9, $0x1, v24;
	vm9 =	vge.s32 v9, v36  }
0x23: {  	v40 =	vld.idx.msk [tilespmem:v37+s4+$0x0], $0xffff;
	v38 =	vadd.s32 v51, v38;
	v52 =	vsel vm9, $0x1, v24;
	vm9 =	vge.s32 v9, v34  }
0x24: {  	v38 =	vadd.s32 v52, v38;
	v53 =	vsel vm9, $0x1, v24  }
0x25: {  	v38 =	vadd.s32 v53, v38  }
0x26: {  	v37 =	vshll.u32 v37, $0xB  }
0x27: {  	v37 =	vadd.s32 v15, v37  }
0x28: {  	v37 =	vsub.s32 v37, v40  }
0x29: {  	vm9 =	vge.s32 v10, v29;
	[tilespmem:$0x200] =	vst v37  }
0x2a: {  	v54 =	vsel vm9, $0x1, v24;
	vm9 =	vge.s32 v10, v30;
	v39 =	vld.idx.msk [tilespmem:v38+s4+$0x0], $0xffff  }
0x2b: {  	v41 =	vsel vm9, $0x1, v24;
	vm9 =	vge.s32 v10, v31  }
0x2c: {  	v55 =	vsel vm9, $0x1, v24;
	vm9 =	vge.s32 v10, v32  }
0x2d: {  	v56 =	vsel vm9, $0x1, v24;
	vm9 =	vge.s32 v10, v33;
	v38 =	vshll.u32 v38, $0xB  }
0x2e: {  	v40 =	vadd.s32 v54, v41;
	v57 =	vsel vm9, $0x1, v24;
	v38 =	vadd.s32 v9, v38  }
0x2f: {  	vm9 =	vge.s32 v10, v35;
	v38 =	vsub.s32 v38, v39;
	v39 =	vadd.s32 v55, v40  }
0x30: {  	v58 =	vsel vm9, $0x1, v24;
	vm9 =	vge.s32 v10, v36;
	v39 =	vadd.s32 v56, v39  }
0x31: {  	v59 =	vsel vm9, $0x1, v24;
	vm9 =	vge.s32 v10, v34;
	v39 =	vadd.s32 v57, v39  }
0x32: {  	v60 =	vsel vm9, $0x1, v24;
	vm9 =	vge.s32 v11, v29;
	v39 =	vadd.s32 v58, v39  }
0x33: {  	v61 =	vsel vm9, $0x1, v24;
	vm9 =	vge.s32 v11, v30;
	v29 =	vadd.s32 v59, v39  }
0x34: {  	v30 =	vsel vm9, $0x1, v24;
	vm9 =	vge.s32 v11, v31;
	v29 =	vadd.s32 v60, v29  }
0x35: {  	v30 =	vadd.s32 v61, v30;
	v31 =	vsel vm9, $0x1, v24;
	vm9 =	vge.s32 v11, v32  }
0x36: {  	v30 =	vadd.s32 v31, v30;
	v31 =	vsel vm9, $0x1, v24;
	vm9 =	vge.s32 v11, v33  }
0x37: {  	v30 =	vadd.s32 v31, v30;
	v31 =	vsel vm9, $0x1, v24;
	vm9 =	vge.s32 v11, v35  }
0x38: {  	[tilespmem:$0x210] =	vst v38;
	v30 =	vadd.s32 v31, v30;
	v31 =	vsel vm9, $0x1, v24;
	vm9 =	vge.s32 v11, v36  }
0x39: {  	v30 =	vadd.s32 v31, v30;
	v31 =	vsel vm9, $0x1, v24;
	vm9 =	vge.s32 v11, v34;
	v62 =	vld.idx.msk [tilespmem:v29+s4+$0x0], $0xffff  }
0x3a: {  	v30 =	vadd.s32 v31, v30;
	v31 =	vsel vm9, $0x1, v24  }
0x3b: {  	v30 =	vadd.s32 v31, v30  }
0x3c: {  	v29 =	vshll.u32 v29, $0xB  }
0x3d: {  	v31 =	vshll.u32 v37, $0x2;
	v29 =	vadd.s32 v10, v29  }
0x3e: {  	v63 =	vand.u32 $0x7, v37;
	v31 =	vand.u32 $0xFFFFFFE0, v31;
	v29 =	vsub.s32 v29, v62  }
0x3f: {  	[tilespmem:$0x220] =	vst v29;
	v29 =	vor.u32 v63, v31  }
0x40: {  	v31 =	vld.idx.msk [tilespmem:v30+s4+$0x0], $0xffff;
	v32 =	vperm.xlane v29, v25;
	_ =	sdelay $0x1  }
0x41: {  	v32 =	vadd.s32 v26, v32  }
0x42: {  	v30 =	vshll.u32 v30, $0xB  }
0x43: {  	v29 =	vperm.xlane v29, v27;
	v30 =	vadd.s32 v11, v30  }
0x44: {  	v30 =	vsub.s32 v30, v31  }
0x45: {  	v29 =	vadd.s32 v26, v29;
	[tilespmem:$0x230] =	vst v30  }
0x46: {  	[hbm4b:s28+s4] =	stream.indirect_vreg.scatter [tilespmem:s25], [sflag:$0x5], $0x80, v32, vm8, $0xb8;
	[tilespmem:$0x18480] =	vst v63  }
0x47: {  	s0 =	simm.s32 $0x8C80  }
0x48: {  	[hbm4b:s10+s4] =	stream.indirect_vreg.scatter [tilespmem:s0], [sflag:$0x5], $0x80, v32, vm8, $0xb8;
	[tilespmem:$0x18480] =	vst v63  }
0x49: {  	s1 =	simm.s32 $0x9480  }
0x4a: {  	[hbm4b:s28+s4] =	stream.indirect_vreg.scatter [tilespmem:s1], [sflag:$0x5], $0x80, v29, vm8, $0xb8;
	[tilespmem:$0x18480] =	vst v63  }
0x4b: {  	s2 =	simm.s32 $0x9C80  }
0x4c: {  	[hbm4b:s10+s4] =	stream.indirect_vreg.scatter [tilespmem:s2], [sflag:$0x5], $0x80, v29, vm8, $0xb8;
	[tilespmem:$0x18480] =	vst v63  }
0x4d: {  	v29 =	vld [tilespmem:$0x210];
	_ =	sdelay $0x4  }
0x4e: {  	v30 =	vshll.u32 v29, $0x2  }
0x4f: {  	v29 =	vand.u32 $0x7, v29;
	v30 =	vand.u32 $0xFFFFFFE0, v30  }
0x50: {  	v29 =	vor.u32 v29, v30  }
0x51: {  	v30 =	vperm.xlane v29, v25;
	_ =	sdelay $0x1  }
0x52: {  	v30 =	vadd.s32 v26, v30;
	_ =	sdelay $0x1  }
0x53: {  	v29 =	vperm.xlane v29, v27;
	_ =	sdelay $0x1  }
0x54: {  	s3 =	simm.s32 $0xA480;
	v29 =	vadd.s32 v26, v29  }
0x55: {  	[hbm4b:s28+s4] =	stream.indirect_vreg.scatter [tilespmem:s3], [sflag:$0x5], $0x80, v30, vm8, $0xb8;
	[tilespmem:$0x18480] =	vst v63  }
0x56: {  	s7 =	simm.s32 $0xAC80  }
0x57: {  	[hbm4b:s10+s4] =	stream.indirect_vreg.scatter [tilespmem:s7], [sflag:$0x5], $0x80, v30, vm8, $0xb8;
	[tilespmem:$0x18480] =	vst v63  }
0x58: {  	s8 =	simm.s32 $0xB480  }
0x59: {  	[hbm4b:s28+s4] =	stream.indirect_vreg.scatter [tilespmem:s8], [sflag:$0x5], $0x80, v29, vm8, $0xb8;
	[tilespmem:$0x18480] =	vst v63  }
0x5a: {  	s9 =	simm.s32 $0xBC80  }
0x5b: {  	[hbm4b:s10+s4] =	stream.indirect_vreg.scatter [tilespmem:s9], [sflag:$0x5], $0x80, v29, vm8, $0xb8;
	[tilespmem:$0x18480] =	vst v63  }
0x5c: {  	v29 =	vld [tilespmem:$0x220];
	_ =	sdelay $0x4  }
0x5d: {  	v30 =	vshll.u32 v29, $0x2  }
0x5e: {  	v29 =	vand.u32 $0x7, v29;
	v30 =	vand.u32 $0xFFFFFFE0, v30  }
0x5f: {  	v29 =	vor.u32 v29, v30  }
0x60: {  	v30 =	vperm.xlane v29, v25;
	_ =	sdelay $0x1  }
0x61: {  	v30 =	vadd.s32 v26, v30;
	_ =	sdelay $0x1  }
0x62: {  	v29 =	vperm.xlane v29, v27;
	_ =	sdelay $0x1  }
0x63: {  	s15 =	simm.s32 $0xC480;
	v29 =	vadd.s32 v26, v29  }
0x64: {  	[hbm4b:s28+s4] =	stream.indirect_vreg.scatter [tilespmem:s15], [sflag:$0x5], $0x80, v30, vm8, $0xb8;
	[tilespmem:$0x18480] =	vst v63  }
0x65: {  	s16 =	simm.s32 $0xCC80  }
0x66: {  	[hbm4b:s10+s4] =	stream.indirect_vreg.scatter [tilespmem:s16], [sflag:$0x5], $0x80, v30, vm8, $0xb8;
	[tilespmem:$0x18480] =	vst v63  }
0x67: {  	s17 =	simm.s32 $0xD480  }
0x68: {  	[hbm4b:s28+s4] =	stream.indirect_vreg.scatter [tilespmem:s17], [sflag:$0x5], $0x80, v29, vm8, $0xb8;
	[tilespmem:$0x18480] =	vst v63  }
0x69: {  	s21 =	simm.s32 $0xDC80  }
0x6a: {  	[hbm4b:s10+s4] =	stream.indirect_vreg.scatter [tilespmem:s21], [sflag:$0x5], $0x80, v29, vm8, $0xb8;
	[tilespmem:$0x18480] =	vst v63  }
0x6b: {  	v29 =	vld [tilespmem:$0x230];
	_ =	sdelay $0x4  }
0x6c: {  	v30 =	vshll.u32 v29, $0x2  }
0x6d: {  	v29 =	vand.u32 $0x7, v29;
	v30 =	vand.u32 $0xFFFFFFE0, v30  }
0x6e: {  	v29 =	vor.u32 v29, v30  }
0x6f: {  	v30 =	vperm.xlane v29, v25;
	_ =	sdelay $0x1  }
0x70: {  	v30 =	vadd.s32 v26, v30;
	_ =	sdelay $0x1  }
0x71: {  	v29 =	vperm.xlane v29, v27;
	_ =	sdelay $0x1  }
0x72: {  	s22 =	simm.s32 $0xE480;
	v29 =	vadd.s32 v26, v29  }
0x73: {  	[hbm4b:s28+s4] =	stream.indirect_vreg.scatter [tilespmem:s22], [sflag:$0x5], $0x80, v30, vm8, $0xb8;
	[tilespmem:$0x18480] =	vst v63  }
0x74: {  	s24 =	simm.s32 $0xEC80  }
0x75: {  	[hbm4b:s10+s4] =	stream.indirect_vreg.scatter [tilespmem:s24], [sflag:$0x5], $0x80, v30, vm8, $0xb8;
	[tilespmem:$0x18480] =	vst v63  }
0x76: {  	s30 =	simm.s32 $0xF480  }
0x77: {  	[hbm4b:s28+s4] =	stream.indirect_vreg.scatter [tilespmem:s30], [sflag:$0x5], $0x80, v29, vm8, $0xb8;
	[tilespmem:$0x18480] =	vst v63  }
0x78: {  	s31 =	simm.s32 $0xFC80;
	s2 =	rddreg [dreg:$0xb]  }
0x79: {  	[hbm4b:s10+s4] =	stream.indirect_vreg.scatter [tilespmem:s31], [sflag:$0x5], $0x80, v29, vm8, $0xb8;
	[tilespmem:$0x18480] =	vst v63  }
.LBB2_27:
0x7a: {  	_ =	swait.ge [sflag:s19], $0x8000  }
0x7b: {  	[sflag:s19] =	ssyncset.done $0x0  }
0x7c: {  	[sflag:s19] =	ssyncadd.s32 $0xFFFF8000  }
0x7d: {  	_ =	swait.ge [sflag:s20], $0x8000  }
0x7e: {  	[sflag:s20] =	ssyncset.done $0x0  }
0x7f: {  	s1 =	simm.s32 $0x6;
	[sflag:s20] =	ssyncadd.s32 $0xFFFF8000  }
0x80: {  	_ =	swait.ge [sflag:s1], $0x8000  }
0x81: {  	[sflag:s1] =	ssyncset.done $0x0  }
0x82: {  	[sflag:s1] =	ssyncadd.s32 $0xFFFF8000  }
0x83: {  	_ =	swait.ge [sflag:s1], $0x8000  }
0x84: {  	[sflag:s1] =	ssyncset.done $0x0  }
0x85: {  	[sflag:s1] =	ssyncadd.s32 $0xFFFF8000  }
0x86: {  	_ =	swait.ge [sflag:s1], $0x8000  }
0x87: {  	[sflag:s1] =	ssyncset.done $0x0  }
0x88: {  	[sflag:s1] =	ssyncadd.s32 $0xFFFF8000  }
0x89: {  	_ =	swait.ge [sflag:s1], $0x8000  }
0x8a: {  	s2 =	sadd.s32 $0x1, s2;
	s0 =	rddreg [dreg:$0xa]  }
0x8b: {  	p0 =	sne.s32 s2, s0  }
.Ltmp1:
0x8c: {  	_ = 	snop;
	(pc) =	sbr.rel @!p0 .LBB2_28-.Ltmp1, $3  }
0x8d: {  	_ =	sdelay $0x1  }
0x8e: {  	[sflag:s1] =	ssyncset.done $0x0  }
0x8f: {  	[sflag:s1] =	ssyncadd.s32 $0xFFFF8000  }
.LBB2_1:
0x90: {  	[dreg:$0xb] =	wrdreg s2  }
0x91: {  	s0 =	rddreg [dreg:$0x1]  }
0x92: {  	[tilespmem:s4], [sflag:$0x1] =	stream.linear.gather [hbm4b:s0+s4], $0x9, $0x38;
	[tilespmem:$0x18480] =	vst v63  }
0x93: {  	s22 =	rddreg [dreg:$0x4]  }
0x94: {  	[tilespmem:s23], [sflag:$0x2] =	stream.linear.gather [hbm4b:s22+s4], $0x8000, $0x38;
	[tilespmem:$0x18480] =	vst v63  }
0x95: {  	s24 =	rddreg [dreg:$0x5];
	s1 =	simm.s32 $0x1  }
0x96: {  	[tilespmem:s25], [sflag:$0x3] =	stream.linear.gather [hbm4b:s24+s4], $0x8000, $0x38;
	[tilespmem:$0x18480] =	vst v63  }
0x97: {  	_ =	swait.ge [sflag:s1], $0x9  }
0x98: {  	[sflag:s1] =	ssyncset.done $0x0  }
0x99: {  	[sflag:s1] =	ssyncadd.s32 $0xFFFFFFF7  }
0x9a: {  	v29 =	vld [tilespmem:$0x0];
	_ =	sdelay $0x4  }
0x9b: {  	v30 =	vsel vm0, $0x0, v29  }
0x9c: {  	v31 =	vsel vm1, $0x0, v29;
	v30 =	vxor.u32 $0x80000000, v30  }
0x9d: {  	(xrf0) =	vmax.scan.msk.u32 $0xffff, v30;
	v30 =	vxor.u32 $0x80000000, v31;
	v31 =	vsel vm2, $0x0, v29  }
0x9e: {  	(xrf0) =	vmax.scan.msk.u32 $0xffff, v30;
	v30 =	vxor.u32 $0x80000000, v31;
	v31 =	vsel vm3, $0x0, v29  }
0x9f: {  	(xrf0) =	vmax.scan.msk.u32 $0xffff, v30;
	v30 =	vxor.u32 $0x80000000, v31;
	v31 =	vsel vm4, $0x0, v29  }
0xa0: {  	(xrf0) =	vmax.scan.msk.u32 $0xffff, v30;
	v30 =	vxor.u32 $0x80000000, v31;
	v31 =	vsel vm5, $0x0, v29  }
0xa1: {  	(xrf0) =	vmax.scan.msk.u32 $0xffff, v30;
	v30 =	vxor.u32 $0x80000000, v31;
	v31 =	vsel vm6, $0x0, v29  }
0xa2: {  	(xrf0) =	vmax.scan.msk.u32 $0xffff, v30;
	v30 =	vxor.u32 $0x80000000, v31  }
0xa3: {  	v29 =	vsel vm7, $0x0, v29  }
0xa4: {  	v29 =	vxor.u32 $0x80000000, v29;
	v31, _, _ =	vpop (xrf0);
	(xrf0) =	vmax.scan.msk.u32 $0xffff, v30  }
0xa5: {  	v30, _, _ =	vpop (xrf0);
	(v2sf) =	vpush v31, $0xF  }
0xa6: {  	(xrf0) =	vmax.scan.msk.u32 $0xffff, v29;
	(v2sf) =	vpush v30, $0xF;
	v30, _, _ =	vpop (xrf0)  }
0xa7: {  	v29, _, _ =	vpop (xrf0);
	(v2sf) =	vpush v30, $0xF  }
0xa8: {  	v30, _, _ =	vpop (xrf0);
	(v2sf) =	vpush v29, $0xF  }
0xa9: {  	v29, _, _ =	vpop (xrf0);
	(v2sf) =	vpush v30, $0xF  }
0xaa: {  	v30, _, _ =	vpop (xrf0);
	(v2sf) =	vpush v29, $0xF  }
0xab: {  	(v2sf) =	vpush v30, $0xF  }
0xac: {  	v29, _, _ =	vpop (xrf0)  }
0xad: {  	(v2sf) =	vpush v29, $0xF;
	_ =	sdelay $0x6  }
0xae: {  	s2 =	spop (v2sf)  }
0xaf: {  	s21 =	simm.s32 $0x1;
	s9 =	rddreg [dreg:$0x6];
	s1 =	spop (v2sf)  }
0xb0: {  	s24 =	sxor.u32 $0x80000000, s2;
	s7 =	spop (v2sf);
	s15 =	sxor.u32 $0x80000000, s1  }
0xb1: {  	p0 =	sge.s32 s5, s24;
	s16 =	spop (v2sf);
	s8 =	sxor.u32 $0x80000000, s7  }
0xb2: {  	s17 =	spop (v2sf);
	s7 =	sxor.u32 $0x80000000, s16;
	s16 =	simm.s32 $0x1  }
0xb3: {  	s19 =	spop (v2sf);
	s1 =	sxor.u32 $0x80000000, s17;
	s16 =	simm.s32 @!p0 $0x0  }
0xb4: {  	p0 =	sge.s32 s9, s24;
	s17 =	simm.s32 $0x1;
	s20 =	spop (v2sf)  }
0xb5: {  	s0 =	sxor.u32 $0x80000000, s19;
	s17 =	simm.s32 @!p0 $0x0;
	p0 =	sge.s32 s5, s15  }
0xb6: {  	s19 =	simm.s32 $0x1;
	s31 =	sxor.u32 $0x80000000, s20;
	s3 =	spop (v2sf)  }
0xb7: {  	s19 =	simm.s32 @!p0 $0x0;
	p0 =	sge.s32 s9, s15;
	s20 =	simm.s32 $0x1  }
0xb8: {  	p1 =	sge.s32 s5, s1;
	s30 =	sxor.u32 $0x80000000, s3;
	s20 =	simm.s32 @!p0 $0x0  }
0xb9: {  	p0 =	sge.s32 s5, s8;
	s16 =	sadd.s32 s19, s16;
	s19 =	simm.s32 $0x1  }
0xba: {  	s17 =	sadd.s32 s20, s17;
	s21 =	simm.s32 @!p0 $0x0;
	p0 =	sge.s32 s9, s8  }
0xbb: {  	s20 =	simm.s32 $0x1;
	s16 =	sadd.s32 s21, s16;
	s19 =	simm.s32 @!p0 $0x0  }
0xbc: {  	p0 =	sge.s32 s5, s7;
	s21 =	simm.s32 $0x1;
	s17 =	sadd.s32 s19, s17  }
0xbd: {  	s20 =	simm.s32 @!p0 $0x0;
	p0 =	sge.s32 s9, s7;
	s19 =	simm.s32 $0x1  }
0xbe: {  	s21 =	simm.s32 @!p1 $0x0;
	p1 =	sge.s32 s9, s1;
	s16 =	sadd.s32 s20, s16  }
0xbf: {  	s19 =	simm.s32 @!p0 $0x0;
	p0 =	sge.s32 s5, s0;
	s20 =	simm.s32 $0x1  }
0xc0: {  	s16 =	sadd.s32 s21, s16;
	s21 =	simm.s32 $0x1;
	s20 =	simm.s32 @!p0 $0x0  }
0xc1: {  	s17 =	sadd.s32 s19, s17;
	p0 =	sge.s32 s9, s0;
	s19 =	simm.s32 $0x1  }
0xc2: {  	s21 =	simm.s32 @!p1 $0x0;
	s16 =	sadd.s32 s20, s16;
	p1 =	sge.s32 s5, s31  }
0xc3: {  	s20 =	simm.s32 $0x1;
	s19 =	simm.s32 @!p1 $0x0;
	p1 =	sge.s32 s5, s30  }
0xc4: {  	s16 =	sadd.s32 s19, s16;
	s19 =	simm.s32 $0x1;
	s20 =	simm.s32 @!p1 $0x0  }
0xc5: {  	s17 =	sadd.s32 s21, s17;
	s19 =	simm.s32 @!p0 $0x0;
	s20 =	sadd.s32 s20, s16  }
0xc6: {  	s21 =	sadd.s32 s19, s17;
	p0 =	seq.s32 s20, $0x1;
	s17 =	smov.u32 s24  }
0xc7: {  	p1 =	sge.s32 s9, s31;
	s17 =	simm.s32 @!p0 $0x0;
	p0 =	seq.s32 s20, $0x2  }
0xc8: {  	s19 =	simm.s32 $0x1;
	s17 =	smov.u32 @p0 s15;
	p0 =	seq.s32 s20, $0x3  }
0xc9: {  	s22 =	sshll.u32 s20, $0xB;
	s17 =	smov.u32 @p0 s8;
	p0 =	seq.s32 s20, $0x4  }
0xca: {  	s19 =	simm.s32 @!p1 $0x0;
	s17 =	smov.u32 @p0 s7;
	p0 =	seq.s32 s20, $0x5  }
0xcb: {  	p1 =	sge.s32 s9, s30;
	s17 =	smov.u32 @p0 s1;
	p0 =	seq.s32 s20, $0x6  }
0xcc: {  	s16 =	sadd.s32 s19, s21;
	s17 =	smov.u32 @p0 s0;
	p0 =	seq.s32 s20, $0x7  }
0xcd: {  	s19 =	simm.s32 $0x1;
	s17 =	smov.u32 @p0 s31;
	p0 =	seq.s32 s20, $0x8  }
0xce: {  	v32 =	vld.idx.msk [tilespmem:v19+s4+$0x0], $0xffff;
	s21 =	sadd.s32 s5, s22;
	s19 =	simm.s32 @!p1 $0x0;
	s17 =	smov.u32 @p0 s30  }
0xcf: {  	v33 =	vld.idx.msk [tilespmem:v20+s4+$0x0], $0xffff;
	s19 =	sadd.s32 s19, s16;
	s16 =	ssub.s32 s21, s17  }
0xd0: {  	v35 =	vld.idx.msk [tilespmem:v21+s4+$0x0], $0xffff;
	p0 =	sne.s32 s20, s19;
	s17 =	sand.u32 $0x7, s16  }
0xd1: {  	v36 =	vld.idx.msk [tilespmem:v22+s4+$0x0], $0xffff;
	p1 =	sne.s32 @!p0 s17, $0x0  }
0xd2: {  	v31 =	vld.idx.msk [tilespmem:v18+s4+$0x0], $0xffff;
	p0 =	por p0, p1  }
.Ltmp2:
0xd3: {  	v29 =	vld.idx.msk [tilespmem:v16+s4+$0x0], $0xffff;
	(pc) =	sbr.rel @p0 .LBB2_3-.Ltmp2, $4  }
0xd4: {  	v30 =	vld.idx.msk [tilespmem:v17+s4+$0x0], $0xffff  }
0xd5: {  	v34 =	vld.idx.msk [tilespmem:v23+s4+$0x0], $0xffff;
	_ =	swait.ge [sflag:s26], $0x8000  }
0xd6: {  	[sflag:s26] =	ssyncset.done $0x0  }
0xd7: {  	[sflag:s26] =	ssyncadd.s32 $0xFFFF8000  }
.Ltmp3:
0xd8: {  	(pc) =	sbr.rel .LBB2_4-.Ltmp3, $4  }
0xd9: {  	_ = 	snop  }
0xda: {  	s16 =	sshll.u32 s16, $0x6  }
0xdb: {  	s16 =	sadd.s32 s28, s16  }
0xdc: {  	[hbm4b:s16+s4] =	stream.linear.scatter [tilespmem:s23], [sflag:$0x4], $0x8000, $0x38;
	[tilespmem:$0x18480] =	vst v63  }
.LBB2_3:
0xdd: {  	vm9 =	vge.s32 v12, v29  }
0xde: {  	vm10 =	vge.s32 v12, v31;
	v37 =	vsel vm9, $0x1, v24;
	vm9 =	vge.s32 v12, v30  }
0xdf: {  	v39 =	vsel vm10, $0x1, v24;
	v38 =	vsel vm9, $0x1, v24;
	vm9 =	vge.s32 v12, v32  }
0xe0: {  	v37 =	vadd.s32 v37, v38;
	v50 =	vsel vm9, $0x1, v24;
	vm9 =	vge.s32 v12, v33  }
0xe1: {  	v37 =	vadd.s32 v39, v37;
	v51 =	vsel vm9, $0x1, v24;
	vm9 =	vge.s32 v12, v35  }
0xe2: {  	v37 =	vadd.s32 v50, v37;
	v52 =	vsel vm9, $0x1, v24;
	vm9 =	vge.s32 v12, v36  }
0xe3: {  	v37 =	vadd.s32 v51, v37;
	v53 =	vsel vm9, $0x1, v24;
	vm9 =	vge.s32 v12, v34  }
0xe4: {  	v37 =	vadd.s32 v52, v37;
	v54 =	vsel vm9, $0x1, v24;
	vm9 =	vge.s32 v0, v29  }
0xe5: {  	v37 =	vadd.s32 v53, v37;
	v55 =	vsel vm9, $0x1, v24;
	vm9 =	vge.s32 v0, v30  }
0xe6: {  	v37 =	vadd.s32 v54, v37;
	v56 =	vsel vm9, $0x1, v24;
	vm9 =	vge.s32 v0, v31  }
0xe7: {  	v38 =	vadd.s32 v55, v56;
	v57 =	vsel vm9, $0x1, v24;
	vm9 =	vge.s32 v0, v32  }
0xe8: {  	v38 =	vadd.s32 v57, v38;
	v58 =	vsel vm9, $0x1, v24;
	vm9 =	vge.s32 v0, v33  }
0xe9: {  	v38 =	vadd.s32 v58, v38;
	v59 =	vsel vm9, $0x1, v24;
	vm9 =	vge.s32 v0, v35  }
0xea: {  	v38 =	vadd.s32 v59, v38;
	v60 =	vsel vm9, $0x1, v24;
	vm9 =	vge.s32 v0, v36  }
0xeb: {  	v40 =	vld.idx.msk [tilespmem:v37+s4+$0x0], $0xffff;
	v38 =	vadd.s32 v60, v38;
	v61 =	vsel vm9, $0x1, v24;
	vm9 =	vge.s32 v0, v34  }
0xec: {  	v38 =	vadd.s32 v61, v38;
	v62 =	vsel vm9, $0x1, v24  }
0xed: {  	v38 =	vadd.s32 v62, v38  }
0xee: {  	v37 =	vshll.u32 v37, $0xB  }
0xef: {  	v37 =	vadd.s32 v12, v37  }
0xf0: {  	v37 =	vsub.s32 v37, v40  }
0xf1: {  	vm9 =	vge.s32 v1, v29;
	[tilespmem:$0x80] =	vst v37  }
0xf2: {  	v63 =	vsel vm9, $0x1, v24;
	vm9 =	vge.s32 v1, v30;
	v39 =	vld.idx.msk [tilespmem:v38+s4+$0x0], $0xffff  }
0xf3: {  	v41 =	vsel vm9, $0x1, v24;
	vm9 =	vge.s32 v1, v31  }
0xf4: {  	v44 =	vsel vm9, $0x1, v24;
	vm9 =	vge.s32 v1, v32  }
0xf5: {  	v45 =	vsel vm9, $0x1, v24;
	vm9 =	vge.s32 v1, v33;
	v38 =	vshll.u32 v38, $0xB  }
0xf6: {  	v40 =	vadd.s32 v63, v41;
	v46 =	vsel vm9, $0x1, v24;
	v38 =	vadd.s32 v0, v38  }
0xf7: {  	vm9 =	vge.s32 v1, v35;
	v38 =	vsub.s32 v38, v39;
	v39 =	vadd.s32 v44, v40  }
0xf8: {  	v47 =	vsel vm9, $0x1, v24;
	vm9 =	vge.s32 v1, v36;
	v39 =	vadd.s32 v45, v39  }
0xf9: {  	v48 =	vsel vm9, $0x1, v24;
	vm9 =	vge.s32 v1, v34;
	v39 =	vadd.s32 v46, v39  }
0xfa: {  	v49 =	vsel vm9, $0x1, v24;
	vm9 =	vge.s32 v2, v29;
	v39 =	vadd.s32 v47, v39  }
0xfb: {  	v50 =	vsel vm9, $0x1, v24;
	vm9 =	vge.s32 v2, v30;
	v39 =	vadd.s32 v48, v39  }
0xfc: {  	v51 =	vsel vm9, $0x1, v24;
	vm9 =	vge.s32 v2, v31;
	v39 =	vadd.s32 v49, v39  }
0xfd: {  	v40 =	vadd.s32 v50, v51;
	v52 =	vsel vm9, $0x1, v24;
	vm9 =	vge.s32 v2, v32  }
0xfe: {  	v40 =	vadd.s32 v52, v40;
	v53 =	vsel vm9, $0x1, v24;
	vm9 =	vge.s32 v2, v33  }
0xff: {  	v40 =	vadd.s32 v53, v40;
	v54 =	vsel vm9, $0x1, v24;
	vm9 =	vge.s32 v2, v35  }
0x100: {  	[tilespmem:$0x90] =	vst v38;
	v55 =	vadd.s32 v54, v40;
	v56 =	vsel vm9, $0x1, v24;
	vm9 =	vge.s32 v2, v36  }
0x101: {  	v38 =	vadd.s32 v56, v55;
	v58 =	vsel vm9, $0x1, v24;
	vm9 =	vge.s32 v2, v34;
	v57 =	vld.idx.msk [tilespmem:v39+s4+$0x0], $0xffff  }
0x102: {  	v38 =	vadd.s32 v58, v38;
	v59 =	vsel vm9, $0x1, v24  }
0x103: {  	v38 =	vadd.s32 v59, v38  }
0x104: {  	v39 =	vshll.u32 v39, $0xB  }
0x105: {  	v60 =	vshll.u32 v37, $0x2;
	v39 =	vadd.s32 v1, v39  }
0x106: {  	v37 =	vand.u32 $0x7, v37;
	v40 =	vand.u32 $0xFFFFFFE0, v60;
	v39 =	vsub.s32 v39, v57  }
0x107: {  	v37 =	vor.u32 v37, v40;
	[tilespmem:$0xA0] =	vst v39  }
0x108: {  	v40 =	vperm.xlane v37, v25;
	v39 =	vld.idx.msk [tilespmem:v38+s4+$0x0], $0xffff;
	_ =	sdelay $0x1  }
0x109: {  	v40 =	vadd.s32 v26, v40  }
0x10a: {  	v38 =	vshll.u32 v38, $0xB  }
0x10b: {  	v37 =	vperm.xlane v37, v27;
	v38 =	vadd.s32 v2, v38  }
0x10c: {  	v38 =	vsub.s32 v38, v39  }
0x10d: {  	v37 =	vadd.s32 v26, v37;
	[tilespmem:$0xB0] =	vst v38  }
0x10e: {  	[hbm4b:s28+s4] =	stream.indirect_vreg.scatter [tilespmem:s23], [sflag:$0x4], $0x80, v40, vm8, $0xb8;
	[tilespmem:$0x18480] =	vst v63  }
0x10f: {  	s2 =	simm.s32 $0xC80  }
0x110: {  	[hbm4b:s10+s4] =	stream.indirect_vreg.scatter [tilespmem:s2], [sflag:$0x4], $0x80, v40, vm8, $0xb8;
	[tilespmem:$0x18480] =	vst v63  }
0x111: {  	s21 =	simm.s32 $0x1480  }
0x112: {  	[hbm4b:s28+s4] =	stream.indirect_vreg.scatter [tilespmem:s21], [sflag:$0x4], $0x80, v37, vm8, $0xb8;
	[tilespmem:$0x18480] =	vst v63  }
0x113: {  	s22 =	simm.s32 $0x1C80  }
0x114: {  	[hbm4b:s10+s4] =	stream.indirect_vreg.scatter [tilespmem:s22], [sflag:$0x4], $0x80, v37, vm8, $0xb8;
	[tilespmem:$0x18480] =	vst v63  }
0x115: {  	v37 =	vld [tilespmem:$0x90];
	_ =	sdelay $0x4  }
0x116: {  	v61 =	vshll.u32 v37, $0x2  }
0x117: {  	v37 =	vand.u32 $0x7, v37;
	v38 =	vand.u32 $0xFFFFFFE0, v61  }
0x118: {  	v37 =	vor.u32 v37, v38  }
0x119: {  	v38 =	vperm.xlane v37, v25;
	_ =	sdelay $0x1  }
0x11a: {  	v38 =	vadd.s32 v26, v38;
	_ =	sdelay $0x1  }
0x11b: {  	v37 =	vperm.xlane v37, v27;
	_ =	sdelay $0x1  }
0x11c: {  	s23 =	simm.s32 $0x2480;
	v37 =	vadd.s32 v26, v37  }
0x11d: {  	[hbm4b:s28+s4] =	stream.indirect_vreg.scatter [tilespmem:s23], [sflag:$0x4], $0x80, v38, vm8, $0xb8;
	[tilespmem:$0x18480] =	vst v63  }
0x11e: {  	s26 =	simm.s32 $0x2C80  }
0x11f: {  	[hbm4b:s10+s4] =	stream.indirect_vreg.scatter [tilespmem:s26], [sflag:$0x4], $0x80, v38, vm8, $0xb8;
	[tilespmem:$0x18480] =	vst v63  }
0x120: {  	s3 =	simm.s32 $0x3480  }
0x121: {  	[hbm4b:s28+s4] =	stream.indirect_vreg.scatter [tilespmem:s3], [sflag:$0x4], $0x80, v37, vm8, $0xb8;
	[tilespmem:$0x18480] =	vst v63  }
0x122: {  	s9 =	simm.s32 $0x3C80  }
0x123: {  	[hbm4b:s10+s4] =	stream.indirect_vreg.scatter [tilespmem:s9], [sflag:$0x4], $0x80, v37, vm8, $0xb8;
	[tilespmem:$0x18480] =	vst v63  }
0x124: {  	v37 =	vld [tilespmem:$0xA0];
	_ =	sdelay $0x4  }
0x125: {  	v62 =	vshll.u32 v37, $0x2  }
0x126: {  	v37 =	vand.u32 $0x7, v37;
	v38 =	vand.u32 $0xFFFFFFE0, v62  }
0x127: {  	v37 =	vor.u32 v37, v38  }
0x128: {  	v38 =	vperm.xlane v37, v25;
	_ =	sdelay $0x1  }
0x129: {  	v38 =	vadd.s32 v26, v38;
	_ =	sdelay $0x1  }
0x12a: {  	v37 =	vperm.xlane v37, v27;
	_ =	sdelay $0x1  }
0x12b: {  	s16 =	simm.s32 $0x4480;
	v37 =	vadd.s32 v26, v37  }
0x12c: {  	[hbm4b:s28+s4] =	stream.indirect_vreg.scatter [tilespmem:s16], [sflag:$0x4], $0x80, v38, vm8, $0xb8;
	[tilespmem:$0x18480] =	vst v63  }
0x12d: {  	s17 =	simm.s32 $0x4C80  }
0x12e: {  	[hbm4b:s10+s4] =	stream.indirect_vreg.scatter [tilespmem:s17], [sflag:$0x4], $0x80, v38, vm8, $0xb8;
	[tilespmem:$0x18480] =	vst v63  }
0x12f: {  	s19 =	simm.s32 $0x5480  }
0x130: {  	[hbm4b:s28+s4] =	stream.indirect_vreg.scatter [tilespmem:s19], [sflag:$0x4], $0x80, v37, vm8, $0xb8;
	[tilespmem:$0x18480] =	vst v63  }
0x131: {  	s20 =	simm.s32 $0x5C80  }
0x132: {  	[hbm4b:s10+s4] =	stream.indirect_vreg.scatter [tilespmem:s20], [sflag:$0x4], $0x80, v37, vm8, $0xb8;
	[tilespmem:$0x18480] =	vst v63  }
0x133: {  	v37 =	vld [tilespmem:$0xB0];
	_ =	sdelay $0x4  }
0x134: {  	v63 =	vshll.u32 v37, $0x2  }
0x135: {  	v37 =	vand.u32 $0x7, v37;
	v38 =	vand.u32 $0xFFFFFFE0, v63  }
0x136: {  	v37 =	vor.u32 v37, v38  }
0x137: {  	v38 =	vperm.xlane v37, v25;
	_ =	sdelay $0x1  }
0x138: {  	v38 =	vadd.s32 v26, v38;
	_ =	sdelay $0x1  }
0x139: {  	v37 =	vperm.xlane v37, v27;
	_ =	sdelay $0x1  }
0x13a: {  	s21 =	simm.s32 $0x6480;
	v37 =	vadd.s32 v26, v37  }
0x13b: {  	[hbm4b:s28+s4] =	stream.indirect_vreg.scatter [tilespmem:s21], [sflag:$0x4], $0x80, v38, vm8, $0xb8;
	[tilespmem:$0x18480] =	vst v63  }
0x13c: {  	s22 =	simm.s32 $0x6C80  }
0x13d: {  	[hbm4b:s10+s4] =	stream.indirect_vreg.scatter [tilespmem:s22], [sflag:$0x4], $0x80, v38, vm8, $0xb8;
	[tilespmem:$0x18480] =	vst v63  }
0x13e: {  	s23 =	simm.s32 $0x7480  }
0x13f: {  	[hbm4b:s28+s4] =	stream.indirect_vreg.scatter [tilespmem:s23], [sflag:$0x4], $0x80, v37, vm8, $0xb8;
	[tilespmem:$0x18480] =	vst v63  }
0x140: {  	s26 =	simm.s32 $0x7C80  }
0x141: {  	[hbm4b:s10+s4] =	stream.indirect_vreg.scatter [tilespmem:s26], [sflag:$0x4], $0x80, v37, vm8, $0xb8;
	[tilespmem:$0x18480] =	vst v63  }
.LBB2_4:
0x142: {  	p0 =	sge.s32 s6, s24;
	s16 =	simm.s32 $0x1  }
0x143: {  	s17 =	simm.s32 $0x1;
	s16 =	simm.s32 @!p0 $0x0;
	p0 =	sge.s32 s11, s24  }
0x144: {  	s19 =	simm.s32 $0x1;
	s17 =	simm.s32 @!p0 $0x0;
	p0 =	sge.s32 s6, s15  }
0x145: {  	s20 =	simm.s32 $0x1;
	s19 =	simm.s32 @!p0 $0x0;
	p0 =	sge.s32 s11, s15  }
0x146: {  	s21 =	simm.s32 $0x1;
	p1 =	sge.s32 s6, s1;
	s20 =	simm.s32 @!p0 $0x0  }
0x147: {  	p0 =	sge.s32 s6, s8;
	s16 =	sadd.s32 s19, s16;
	s19 =	simm.s32 $0x1  }
0x148: {  	s17 =	sadd.s32 s20, s17;
	s21 =	simm.s32 @!p0 $0x0;
	p0 =	sge.s32 s11, s8  }
0x149: {  	s20 =	simm.s32 $0x1;
	s16 =	sadd.s32 s21, s16;
	s19 =	simm.s32 @!p0 $0x0  }
0x14a: {  	p0 =	sge.s32 s6, s7;
	s21 =	simm.s32 $0x1;
	s17 =	sadd.s32 s19, s17  }
0x14b: {  	s20 =	simm.s32 @!p0 $0x0;
	p0 =	sge.s32 s11, s7;
	s19 =	simm.s32 $0x1  }
0x14c: {  	s21 =	simm.s32 @!p1 $0x0;
	p1 =	sge.s32 s11, s1;
	s16 =	sadd.s32 s20, s16  }
0x14d: {  	s19 =	simm.s32 @!p0 $0x0;
	p0 =	sge.s32 s6, s0;
	s20 =	simm.s32 $0x1  }
0x14e: {  	s16 =	sadd.s32 s21, s16;
	s21 =	simm.s32 $0x1;
	s20 =	simm.s32 @!p0 $0x0  }
0x14f: {  	s17 =	sadd.s32 s19, s17;
	p0 =	sge.s32 s11, s0;
	s19 =	simm.s32 $0x1  }
0x150: {  	s21 =	simm.s32 @!p1 $0x0;
	s16 =	sadd.s32 s20, s16;
	p1 =	sge.s32 s6, s31  }
0x151: {  	s20 =	simm.s32 $0x1;
	s19 =	simm.s32 @!p1 $0x0;
	p1 =	sge.s32 s6, s30  }
0x152: {  	s16 =	sadd.s32 s19, s16;
	s19 =	simm.s32 $0x1;
	s20 =	simm.s32 @!p1 $0x0  }
0x153: {  	s17 =	sadd.s32 s21, s17;
	s19 =	simm.s32 @!p0 $0x0;
	s20 =	sadd.s32 s20, s16  }
0x154: {  	s23 =	sadd.s32 s19, s17;
	p0 =	seq.s32 s20, $0x1;
	s17 =	smov.u32 s24  }
0x155: {  	p1 =	sge.s32 s11, s31;
	s17 =	simm.s32 @!p0 $0x0;
	p0 =	seq.s32 s20, $0x2  }
0x156: {  	s19 =	simm.s32 $0x1;
	s17 =	smov.u32 @p0 s15;
	p0 =	seq.s32 s20, $0x3  }
0x157: {  	s26 =	sshll.u32 s20, $0xB;
	s17 =	smov.u32 @p0 s8;
	p0 =	seq.s32 s20, $0x4  }
0x158: {  	s19 =	simm.s32 @!p1 $0x0;
	s17 =	smov.u32 @p0 s7;
	p0 =	seq.s32 s20, $0x5  }
0x159: {  	p1 =	sge.s32 s11, s30;
	s17 =	smov.u32 @p0 s1;
	p0 =	seq.s32 s20, $0x6  }
0x15a: {  	s16 =	sadd.s32 s19, s23;
	s17 =	smov.u32 @p0 s0;
	p0 =	seq.s32 s20, $0x7  }
0x15b: {  	s19 =	simm.s32 $0x1;
	s17 =	smov.u32 @p0 s31;
	p0 =	seq.s32 s20, $0x8  }
0x15c: {  	s21 =	sadd.s32 s6, s26;
	s19 =	simm.s32 @!p1 $0x0;
	s17 =	smov.u32 @p0 s30  }
0x15d: {  	s19 =	sadd.s32 s19, s16;
	s16 =	ssub.s32 s21, s17  }
0x15e: {  	p0 =	sne.s32 s20, s19;
	s17 =	sand.u32 $0x7, s16  }
0x15f: {  	p1 =	sne.s32 @!p0 s17, $0x0  }
0x160: {  	p0 =	por p0, p1  }
.Ltmp4:
0x161: {  	_ = 	snop;
	(pc) =	sbr.rel @p0 .LBB2_6-.Ltmp4, $4  }
0x162: {  	_ = 	snop  }
0x163: {  	_ =	swait.ge [sflag:s29], $0x8000  }
0x164: {  	[sflag:s29] =	ssyncset.done $0x0  }
0x165: {  	[sflag:s29] =	ssyncadd.s32 $0xFFFF8000  }
.Ltmp5:
0x166: {  	(pc) =	sbr.rel .LBB2_7-.Ltmp5, $4  }
0x167: {  	_ = 	snop  }
0x168: {  	s16 =	sshll.u32 s16, $0x6  }
0x169: {  	s16 =	sadd.s32 s28, s16  }
0x16a: {  	[hbm4b:s16+s4] =	stream.linear.scatter [tilespmem:s25], [sflag:$0x5], $0x8000, $0x38;
	[tilespmem:$0x18480] =	vst v63  }
.LBB2_6:
0x16b: {  	vm9 =	vge.s32 v13, v29  }
0x16c: {  	vm10 =	vge.s32 v13, v31;
	v37 =	vsel vm9, $0x1, v24;
	vm9 =	vge.s32 v13, v30  }
0x16d: {  	v39 =	vsel vm10, $0x1, v24;
	v38 =	vsel vm9, $0x1, v24;
	vm9 =	vge.s32 v13, v32  }
0x16e: {  	v37 =	vadd.s32 v37, v38;
	v50 =	vsel vm9, $0x1, v24;
	vm9 =	vge.s32 v13, v33  }
0x16f: {  	v37 =	vadd.s32 v39, v37;
	v51 =	vsel vm9, $0x1, v24;
	vm9 =	vge.s32 v13, v35  }
0x170: {  	v37 =	vadd.s32 v50, v37;
	v52 =	vsel vm9, $0x1, v24;
	vm9 =	vge.s32 v13, v36  }
0x171: {  	v37 =	vadd.s32 v51, v37;
	v53 =	vsel vm9, $0x1, v24;
	vm9 =	vge.s32 v13, v34  }
0x172: {  	v37 =	vadd.s32 v52, v37;
	v54 =	vsel vm9, $0x1, v24;
	vm9 =	vge.s32 v3, v29  }
0x173: {  	v37 =	vadd.s32 v53, v37;
	v55 =	vsel vm9, $0x1, v24;
	vm9 =	vge.s32 v3, v30  }
0x174: {  	v37 =	vadd.s32 v54, v37;
	v56 =	vsel vm9, $0x1, v24;
	vm9 =	vge.s32 v3, v31  }
0x175: {  	v38 =	vadd.s32 v55, v56;
	v57 =	vsel vm9, $0x1, v24;
	vm9 =	vge.s32 v3, v32  }
0x176: {  	v38 =	vadd.s32 v57, v38;
	v58 =	vsel vm9, $0x1, v24;
	vm9 =	vge.s32 v3, v33  }
0x177: {  	v38 =	vadd.s32 v58, v38;
	v59 =	vsel vm9, $0x1, v24;
	vm9 =	vge.s32 v3, v35  }
0x178: {  	v38 =	vadd.s32 v59, v38;
	v60 =	vsel vm9, $0x1, v24;
	vm9 =	vge.s32 v3, v36  }
0x179: {  	v40 =	vld.idx.msk [tilespmem:v37+s4+$0x0], $0xffff;
	v38 =	vadd.s32 v60, v38;
	v61 =	vsel vm9, $0x1, v24;
	vm9 =	vge.s32 v3, v34  }
0x17a: {  	v38 =	vadd.s32 v61, v38;
	v62 =	vsel vm9, $0x1, v24  }
0x17b: {  	v38 =	vadd.s32 v62, v38  }
0x17c: {  	v37 =	vshll.u32 v37, $0xB  }
0x17d: {  	v37 =	vadd.s32 v13, v37  }
0x17e: {  	v37 =	vsub.s32 v37, v40  }
0x17f: {  	vm9 =	vge.s32 v4, v29;
	[tilespmem:$0x100] =	vst v37  }
0x180: {  	v63 =	vsel vm9, $0x1, v24;
	vm9 =	vge.s32 v4, v30;
	v39 =	vld.idx.msk [tilespmem:v38+s4+$0x0], $0xffff  }
0x181: {  	v41 =	vsel vm9, $0x1, v24;
	vm9 =	vge.s32 v4, v31  }
0x182: {  	v44 =	vsel vm9, $0x1, v24;
	vm9 =	vge.s32 v4, v32  }
0x183: {  	v45 =	vsel vm9, $0x1, v24;
	vm9 =	vge.s32 v4, v33;
	v38 =	vshll.u32 v38, $0xB  }
0x184: {  	v40 =	vadd.s32 v63, v41;
	v46 =	vsel vm9, $0x1, v24;
	v38 =	vadd.s32 v3, v38  }
0x185: {  	vm9 =	vge.s32 v4, v35;
	v38 =	vsub.s32 v38, v39;
	v39 =	vadd.s32 v44, v40  }
0x186: {  	v47 =	vsel vm9, $0x1, v24;
	vm9 =	vge.s32 v4, v36;
	v39 =	vadd.s32 v45, v39  }
0x187: {  	v48 =	vsel vm9, $0x1, v24;
	vm9 =	vge.s32 v4, v34;
	v39 =	vadd.s32 v46, v39  }
0x188: {  	v49 =	vsel vm9, $0x1, v24;
	vm9 =	vge.s32 v5, v29;
	v39 =	vadd.s32 v47, v39  }
0x189: {  	v50 =	vsel vm9, $0x1, v24;
	vm9 =	vge.s32 v5, v30;
	v39 =	vadd.s32 v48, v39  }
0x18a: {  	v51 =	vsel vm9, $0x1, v24;
	vm9 =	vge.s32 v5, v31;
	v39 =	vadd.s32 v49, v39  }
0x18b: {  	v40 =	vadd.s32 v50, v51;
	v52 =	vsel vm9, $0x1, v24;
	vm9 =	vge.s32 v5, v32  }
0x18c: {  	v40 =	vadd.s32 v52, v40;
	v53 =	vsel vm9, $0x1, v24;
	vm9 =	vge.s32 v5, v33  }
0x18d: {  	v40 =	vadd.s32 v53, v40;
	v54 =	vsel vm9, $0x1, v24;
	vm9 =	vge.s32 v5, v35  }
0x18e: {  	[tilespmem:$0x110] =	vst v38;
	v55 =	vadd.s32 v54, v40;
	v56 =	vsel vm9, $0x1, v24;
	vm9 =	vge.s32 v5, v36  }
0x18f: {  	v38 =	vadd.s32 v56, v55;
	v58 =	vsel vm9, $0x1, v24;
	vm9 =	vge.s32 v5, v34;
	v57 =	vld.idx.msk [tilespmem:v39+s4+$0x0], $0xffff  }
0x190: {  	v38 =	vadd.s32 v58, v38;
	v59 =	vsel vm9, $0x1, v24  }
0x191: {  	v38 =	vadd.s32 v59, v38  }
0x192: {  	v39 =	vshll.u32 v39, $0xB  }
0x193: {  	v60 =	vshll.u32 v37, $0x2;
	v39 =	vadd.s32 v4, v39  }
0x194: {  	v37 =	vand.u32 $0x7, v37;
	v40 =	vand.u32 $0xFFFFFFE0, v60;
	v39 =	vsub.s32 v39, v57  }
0x195: {  	v37 =	vor.u32 v37, v40;
	[tilespmem:$0x120] =	vst v39  }
0x196: {  	v40 =	vperm.xlane v37, v25;
	v39 =	vld.idx.msk [tilespmem:v38+s4+$0x0], $0xffff;
	_ =	sdelay $0x1  }
0x197: {  	v40 =	vadd.s32 v26, v40  }
0x198: {  	v38 =	vshll.u32 v38, $0xB  }
0x199: {  	v37 =	vperm.xlane v37, v27;
	v38 =	vadd.s32 v5, v38  }
0x19a: {  	v38 =	vsub.s32 v38, v39  }
0x19b: {  	v37 =	vadd.s32 v26, v37;
	[tilespmem:$0x130] =	vst v38  }
0x19c: {  	[hbm4b:s28+s4] =	stream.indirect_vreg.scatter [tilespmem:s25], [sflag:$0x5], $0x80, v40, vm8, $0xb8;
	[tilespmem:$0x18480] =	vst v63  }
0x19d: {  	s2 =	simm.s32 $0x8C80  }
0x19e: {  	[hbm4b:s10+s4] =	stream.indirect_vreg.scatter [tilespmem:s2], [sflag:$0x5], $0x80, v40, vm8, $0xb8;
	[tilespmem:$0x18480] =	vst v63  }
0x19f: {  	s29 =	simm.s32 $0x9480  }
0x1a0: {  	[hbm4b:s28+s4] =	stream.indirect_vreg.scatter [tilespmem:s29], [sflag:$0x5], $0x80, v37, vm8, $0xb8;
	[tilespmem:$0x18480] =	vst v63  }
0x1a1: {  	s3 =	simm.s32 $0x9C80  }
0x1a2: {  	[hbm4b:s10+s4] =	stream.indirect_vreg.scatter [tilespmem:s3], [sflag:$0x5], $0x80, v37, vm8, $0xb8;
	[tilespmem:$0x18480] =	vst v63  }
0x1a3: {  	v37 =	vld [tilespmem:$0x110];
	_ =	sdelay $0x4  }
0x1a4: {  	v61 =	vshll.u32 v37, $0x2  }
0x1a5: {  	v37 =	vand.u32 $0x7, v37;
	v38 =	vand.u32 $0xFFFFFFE0, v61  }
0x1a6: {  	v37 =	vor.u32 v37, v38  }
0x1a7: {  	v38 =	vperm.xlane v37, v25;
	_ =	sdelay $0x1  }
0x1a8: {  	v38 =	vadd.s32 v26, v38;
	_ =	sdelay $0x1  }
0x1a9: {  	v37 =	vperm.xlane v37, v27;
	_ =	sdelay $0x1  }
0x1aa: {  	s9 =	simm.s32 $0xA480;
	v37 =	vadd.s32 v26, v37  }
0x1ab: {  	[hbm4b:s28+s4] =	stream.indirect_vreg.scatter [tilespmem:s9], [sflag:$0x5], $0x80, v38, vm8, $0xb8;
	[tilespmem:$0x18480] =	vst v63  }
0x1ac: {  	s11 =	simm.s32 $0xAC80  }
0x1ad: {  	[hbm4b:s10+s4] =	stream.indirect_vreg.scatter [tilespmem:s11], [sflag:$0x5], $0x80, v38, vm8, $0xb8;
	[tilespmem:$0x18480] =	vst v63  }
0x1ae: {  	s16 =	simm.s32 $0xB480  }
0x1af: {  	[hbm4b:s28+s4] =	stream.indirect_vreg.scatter [tilespmem:s16], [sflag:$0x5], $0x80, v37, vm8, $0xb8;
	[tilespmem:$0x18480] =	vst v63  }
0x1b0: {  	s17 =	simm.s32 $0xBC80  }
0x1b1: {  	[hbm4b:s10+s4] =	stream.indirect_vreg.scatter [tilespmem:s17], [sflag:$0x5], $0x80, v37, vm8, $0xb8;
	[tilespmem:$0x18480] =	vst v63  }
0x1b2: {  	v37 =	vld [tilespmem:$0x120];
	_ =	sdelay $0x4  }
0x1b3: {  	v62 =	vshll.u32 v37, $0x2  }
0x1b4: {  	v37 =	vand.u32 $0x7, v37;
	v38 =	vand.u32 $0xFFFFFFE0, v62  }
0x1b5: {  	v37 =	vor.u32 v37, v38  }
0x1b6: {  	v38 =	vperm.xlane v37, v25;
	_ =	sdelay $0x1  }
0x1b7: {  	v38 =	vadd.s32 v26, v38;
	_ =	sdelay $0x1  }
0x1b8: {  	v37 =	vperm.xlane v37, v27;
	_ =	sdelay $0x1  }
0x1b9: {  	s19 =	simm.s32 $0xC480;
	v37 =	vadd.s32 v26, v37  }
0x1ba: {  	[hbm4b:s28+s4] =	stream.indirect_vreg.scatter [tilespmem:s19], [sflag:$0x5], $0x80, v38, vm8, $0xb8;
	[tilespmem:$0x18480] =	vst v63  }
0x1bb: {  	s20 =	simm.s32 $0xCC80  }
0x1bc: {  	[hbm4b:s10+s4] =	stream.indirect_vreg.scatter [tilespmem:s20], [sflag:$0x5], $0x80, v38, vm8, $0xb8;
	[tilespmem:$0x18480] =	vst v63  }
0x1bd: {  	s21 =	simm.s32 $0xD480  }
0x1be: {  	[hbm4b:s28+s4] =	stream.indirect_vreg.scatter [tilespmem:s21], [sflag:$0x5], $0x80, v37, vm8, $0xb8;
	[tilespmem:$0x18480] =	vst v63  }
0x1bf: {  	s22 =	simm.s32 $0xDC80  }
0x1c0: {  	[hbm4b:s10+s4] =	stream.indirect_vreg.scatter [tilespmem:s22], [sflag:$0x5], $0x80, v37, vm8, $0xb8;
	[tilespmem:$0x18480] =	vst v63  }
0x1c1: {  	v37 =	vld [tilespmem:$0x130];
	_ =	sdelay $0x4  }
0x1c2: {  	v63 =	vshll.u32 v37, $0x2  }
0x1c3: {  	v37 =	vand.u32 $0x7, v37;
	v38 =	vand.u32 $0xFFFFFFE0, v63  }
0x1c4: {  	v37 =	vor.u32 v37, v38  }
0x1c5: {  	v38 =	vperm.xlane v37, v25;
	_ =	sdelay $0x1  }
0x1c6: {  	v38 =	vadd.s32 v26, v38;
	_ =	sdelay $0x1  }
0x1c7: {  	v37 =	vperm.xlane v37, v27;
	_ =	sdelay $0x1  }
0x1c8: {  	s23 =	simm.s32 $0xE480;
	v37 =	vadd.s32 v26, v37  }
0x1c9: {  	[hbm4b:s28+s4] =	stream.indirect_vreg.scatter [tilespmem:s23], [sflag:$0x5], $0x80, v38, vm8, $0xb8;
	[tilespmem:$0x18480] =	vst v63  }
0x1ca: {  	s25 =	simm.s32 $0xEC80  }
0x1cb: {  	[hbm4b:s10+s4] =	stream.indirect_vreg.scatter [tilespmem:s25], [sflag:$0x5], $0x80, v38, vm8, $0xb8;
	[tilespmem:$0x18480] =	vst v63  }
0x1cc: {  	s26 =	simm.s32 $0xF480  }
0x1cd: {  	[hbm4b:s28+s4] =	stream.indirect_vreg.scatter [tilespmem:s26], [sflag:$0x5], $0x80, v37, vm8, $0xb8;
	[tilespmem:$0x18480] =	vst v63  }
0x1ce: {  	s29 =	simm.s32 $0xFC80  }
0x1cf: {  	[hbm4b:s10+s4] =	stream.indirect_vreg.scatter [tilespmem:s29], [sflag:$0x5], $0x80, v37, vm8, $0xb8;
	[tilespmem:$0x18480] =	vst v63  }
.LBB2_7:
0x1d0: {  	s16 =	simm.s32 $0x0  }
0x1d1: {  	s17 =	sand.u32 $0x7000, s16;
	s16 =	sand.u32 $0x380, s16  }
0x1d2: {  	s16 =	sor.u32 s16, s17  }
0x1d3: {  	s17 =	sadd.s32 $0x10480, s16;
	[tilespmem:s16+$0x10480] =	vst v28  }
0x1d4: {  	[tilespmem:s17+$0x10] =	vst v28  }
0x1d5: {  	[tilespmem:s17+$0x20] =	vst v28  }
0x1d6: {  	[tilespmem:s17+$0x30] =	vst v28  }
0x1d7: {  	[tilespmem:s17+$0x40] =	vst v28  }
0x1d8: {  	[tilespmem:s17+$0x50] =	vst v28  }
0x1d9: {  	[tilespmem:s17+$0x60] =	vst v28  }
0x1da: {  	[tilespmem:s17+$0x70] =	vst v28  }
0x1db: {  	[tilespmem:s17+$0x400] =	vst v28  }
0x1dc: {  	[tilespmem:s17+$0x410] =	vst v28  }
0x1dd: {  	[tilespmem:s17+$0x420] =	vst v28  }
0x1de: {  	[tilespmem:s17+$0x430] =	vst v28  }
0x1df: {  	[tilespmem:s17+$0x440] =	vst v28  }
0x1e0: {  	[tilespmem:s17+$0x450] =	vst v28  }
0x1e1: {  	[tilespmem:s17+$0x460] =	vst v28  }
0x1e2: {  	[tilespmem:s17+$0x470] =	vst v28  }
0x1e3: {  	[tilespmem:s17+$0x800] =	vst v28  }
0x1e4: {  	[tilespmem:s17+$0x810] =	vst v28  }
0x1e5: {  	[tilespmem:s17+$0x820] =	vst v28  }
0x1e6: {  	[tilespmem:s17+$0x830] =	vst v28  }
0x1e7: {  	[tilespmem:s17+$0x840] =	vst v28  }
0x1e8: {  	[tilespmem:s17+$0x850] =	vst v28  }
0x1e9: {  	[tilespmem:s17+$0x860] =	vst v28  }
0x1ea: {  	[tilespmem:s17+$0x870] =	vst v28  }
0x1eb: {  	[tilespmem:s17+$0xC00] =	vst v28  }
0x1ec: {  	[tilespmem:s17+$0xC10] =	vst v28  }
0x1ed: {  	[tilespmem:s17+$0xC20] =	vst v28  }
0x1ee: {  	[tilespmem:s17+$0xC30] =	vst v28  }
0x1ef: {  	[tilespmem:s17+$0xC40] =	vst v28  }
0x1f0: {  	s19 =	simm.s32 $0x200;
	s16 =	simm.s32 $0x80;
	[tilespmem:s17+$0xC50] =	vst v28  }
0x1f1: {  	s20 =	sand.u32 $0x7000, s19;
	s19 =	simm.s32 $0x400;
	s21 =	sand.u32 $0x380, s16;
	[tilespmem:s17+$0xC60] =	vst v28  }
.LBB2_8:
0x1f2: {  	p0 =	sne.s32 s19, $0x7E00;
	s20 =	sor.u32 s21, s20;
	[tilespmem:s17+$0xC70] =	vst v28  }
0x1f3: {  	s17 =	sadd.s32 $0x10480, s20;
	[tilespmem:s20+$0x10480] =	vst v28  }
0x1f4: {  	[tilespmem:s17+$0x10] =	vst v28  }
0x1f5: {  	[tilespmem:s17+$0x20] =	vst v28  }
0x1f6: {  	[tilespmem:s17+$0x30] =	vst v28  }
0x1f7: {  	[tilespmem:s17+$0x40] =	vst v28  }
0x1f8: {  	[tilespmem:s17+$0x50] =	vst v28  }
0x1f9: {  	[tilespmem:s17+$0x60] =	vst v28  }
0x1fa: {  	[tilespmem:s17+$0x70] =	vst v28  }
0x1fb: {  	[tilespmem:s17+$0x400] =	vst v28  }
0x1fc: {  	[tilespmem:s17+$0x410] =	vst v28  }
0x1fd: {  	[tilespmem:s17+$0x420] =	vst v28  }
0x1fe: {  	[tilespmem:s17+$0x430] =	vst v28  }
0x1ff: {  	[tilespmem:s17+$0x440] =	vst v28  }
0x200: {  	[tilespmem:s17+$0x450] =	vst v28  }
0x201: {  	[tilespmem:s17+$0x460] =	vst v28  }
0x202: {  	[tilespmem:s17+$0x470] =	vst v28  }
0x203: {  	[tilespmem:s17+$0x800] =	vst v28  }
0x204: {  	[tilespmem:s17+$0x810] =	vst v28  }
0x205: {  	[tilespmem:s17+$0x820] =	vst v28  }
0x206: {  	[tilespmem:s17+$0x830] =	vst v28  }
0x207: {  	[tilespmem:s17+$0x840] =	vst v28  }
0x208: {  	[tilespmem:s17+$0x850] =	vst v28  }
0x209: {  	[tilespmem:s17+$0x860] =	vst v28  }
0x20a: {  	[tilespmem:s17+$0x870] =	vst v28  }
0x20b: {  	[tilespmem:s17+$0xC00] =	vst v28  }
0x20c: {  	[tilespmem:s17+$0xC10] =	vst v28  }
.Ltmp6:
0x20d: {  	[tilespmem:s17+$0xC20] =	vst v28;
	(pc) =	sbr.rel @p0 .LBB2_8-.Ltmp6, $4  }
0x20e: {  	[tilespmem:s17+$0xC30] =	vst v28  }
0x20f: {  	[tilespmem:s17+$0xC40] =	vst v28  }
0x210: {  	s16 =	sadd.s32 $0x80, s16;
	[tilespmem:s17+$0xC50] =	vst v28  }
0x211: {  	s20 =	sand.u32 $0x7000, s19;
	s21 =	sand.u32 $0x380, s16;
	s19 =	sadd.s32 $0x200, s19;
	[tilespmem:s17+$0xC60] =	vst v28  }
0x212: {  	s16 =	ssub.s32 $0x800, s24;
	s19 =	sor.u32 s21, s20  }
0x213: {  	s20 =	simm.s32 $0x1;
	s11 =	rddreg [dreg:$0x6];
	s21 =	simm.s32 $0x1  }
0x214: {  	[tilespmem:s17+$0xC70] =	vst v28;
	s17 =	ssub.s32 $0x1000, s15;
	s22 =	simm.s32 $0x1;
	s25 =	simm.s32 $0x1  }
0x215: {  	s28 =	simm.s32 $0x1;
	s29 =	ssub.s32 $0x3000, s0;
	p0 =	sge.s32 s5, s16  }
0x216: {  	s23 =	sadd.s32 $0x10480, s19;
	s20 =	simm.s32 @!p0 $0x0;
	p0 =	sge.s32 s11, s16  }
0x217: {  	[tilespmem:s19+$0x10480] =	vst v28;
	s19 =	simm.s32 $0x1;
	s21 =	simm.s32 @!p0 $0x0;
	p0 =	sge.s32 s5, s17  }
0x218: {  	s2 =	simm.s32 $0x1;
	s19 =	simm.s32 @!p0 $0x0;
	p0 =	sge.s32 s11, s17  }
0x219: {  	s20 =	sadd.s32 s19, s20;
	s22 =	simm.s32 @!p0 $0x0;
	s19 =	ssub.s32 $0x1800, s8  }
0x21a: {  	[tilespmem:s23+$0x10] =	vst v28;
	s21 =	sadd.s32 s22, s21;
	p0 =	sge.s32 s5, s19;
	s22 =	simm.s32 $0x1  }
0x21b: {  	s26 =	simm.s32 $0x1;
	[tilespmem:s23+$0x20] =	vst v28;
	s22 =	simm.s32 @!p0 $0x0;
	p0 =	sge.s32 s11, s19  }
0x21c: {  	[tilespmem:s23+$0x30] =	vst v28;
	s22 =	sadd.s32 s22, s20;
	s25 =	simm.s32 @!p0 $0x0;
	s20 =	ssub.s32 $0x2000, s7  }
0x21d: {  	[tilespmem:s23+$0x40] =	vst v28;
	s21 =	sadd.s32 s25, s21;
	p0 =	sge.s32 s5, s20;
	s25 =	simm.s32 $0x1  }
0x21e: {  	s3 =	simm.s32 $0x1;
	[tilespmem:s23+$0x50] =	vst v28;
	s25 =	simm.s32 @!p0 $0x0;
	p0 =	sge.s32 s11, s20  }
0x21f: {  	[tilespmem:s23+$0x60] =	vst v28;
	s25 =	sadd.s32 s25, s22;
	s28 =	simm.s32 @!p0 $0x0;
	s22 =	ssub.s32 $0x2800, s1  }
0x220: {  	[tilespmem:s23+$0x70] =	vst v28;
	s28 =	sadd.s32 s28, s21;
	p0 =	sge.s32 s5, s22;
	s21 =	simm.s32 $0x1  }
0x221: {  	s9 =	simm.s32 $0x1;
	p1 =	sge.s32 s5, s29;
	[tilespmem:s23+$0x400] =	vst v28;
	s21 =	simm.s32 @!p0 $0x0  }
0x222: {  	[tilespmem:s23+$0x410] =	vst v28;
	s26 =	simm.s32 @!p1 $0x0;
	p0 =	sge.s32 s11, s22;
	s21 =	sadd.s32 s21, s25  }
0x223: {  	[tilespmem:s23+$0x420] =	vst v28;
	s2 =	simm.s32 @!p0 $0x0;
	p0 =	sge.s32 s11, s29;
	s25 =	ssub.s32 $0x3800, s31  }
0x224: {  	[tilespmem:s23+$0x430] =	vst v28;
	s26 =	sadd.s32 s26, s21;
	p1 =	sge.s32 s5, s25;
	s21 =	ssub.s32 $0x4000, s30  }
0x225: {  	[tilespmem:s23+$0x440] =	vst v28;
	s2 =	sadd.s32 s2, s28;
	s3 =	simm.s32 @!p1 $0x0;
	p1 =	sge.s32 s5, s21  }
0x226: {  	[tilespmem:s23+$0x450] =	vst v28;
	s28 =	smov.u32 s24;
	s3 =	sadd.s32 s3, s26;
	s9 =	simm.s32 @!p1 $0x0  }
0x227: {  	[tilespmem:s23+$0x460] =	vst v28;
	s26 =	simm.s32 $0x1;
	p1 =	sge.s32 s11, s25;
	s3 =	sadd.s32 s9, s3  }
0x228: {  	[tilespmem:s23+$0x470] =	vst v28;
	s26 =	simm.s32 @!p0 $0x0;
	s9 =	sadd.s32 $0x1, s3;
	p0 =	seq.s32 s3, $0x0  }
0x229: {  	[tilespmem:s23+$0x800] =	vst v28;
	s2 =	sadd.s32 s26, s2;
	s28 =	simm.s32 @!p0 $0x0;
	p0 =	seq.s32 s9, $0x2  }
0x22a: {  	[tilespmem:s23+$0x810] =	vst v28;
	s26 =	simm.s32 $0x1;
	s28 =	smov.u32 @p0 s15;
	p0 =	seq.s32 s9, $0x3  }
0x22b: {  	[tilespmem:s23+$0x820] =	vst v28;
	s26 =	simm.s32 @!p1 $0x0;
	s28 =	smov.u32 @p0 s8;
	p0 =	seq.s32 s9, $0x4  }
0x22c: {  	[tilespmem:s23+$0x830] =	vst v28;
	p1 =	sge.s32 s11, s21;
	s28 =	smov.u32 @p0 s7;
	p0 =	seq.s32 s9, $0x5  }
0x22d: {  	[tilespmem:s23+$0x840] =	vst v28;
	s2 =	sadd.s32 s26, s2;
	s28 =	smov.u32 @p0 s1;
	p0 =	seq.s32 s9, $0x6  }
0x22e: {  	[tilespmem:s23+$0x850] =	vst v28;
	s28 =	smov.u32 @p0 s0;
	p0 =	seq.s32 s9, $0x7;
	s9 =	simm.s32 $0x1  }
0x22f: {  	[tilespmem:s23+$0x860] =	vst v28;
	s9 =	simm.s32 @!p1 $0x0;
	s28 =	smov.u32 @p0 s31;
	p0 =	sgt.u32 s3, $0x6  }
0x230: {  	[tilespmem:s23+$0x870] =	vst v28;
	s2 =	sadd.s32 s9, s2;
	s28 =	smov.u32 @p0 s30  }
0x231: {  	[tilespmem:s23+$0xC00] =	vst v28;
	p0 =	sne.s32 s3, s2;
	s2 =	sand.u32 $0x7, s28  }
0x232: {  	[tilespmem:s23+$0xC10] =	vst v28;
	p1 =	sne.s32 @!p0 s2, $0x0  }
0x233: {  	[tilespmem:s23+$0xC20] =	vst v28;
	p0 =	por p0, p1  }
.Ltmp7:
0x234: {  	[tilespmem:s23+$0xC30] =	vst v28;
	(pc) =	sbr.rel @p0 .LBB2_11-.Ltmp7, $4  }
0x235: {  	[tilespmem:s23+$0xC40] =	vst v28  }
0x236: {  	[tilespmem:s23+$0xC50] =	vst v28  }
0x237: {  	[tilespmem:s23+$0xC60] =	vst v28  }
0x238: {  	[tilespmem:s23+$0xC70] =	vst v28  }
.Ltmp8:
0x239: {  	(pc) =	sbr.rel .LBB2_12-.Ltmp8, $4  }
0x23a: {  	s2 =	sadd.s32 s5, s28  }
0x23b: {  	s28 =	rddreg [dreg:$0x2];
	s2 =	sshll.u32 s2, $0x6  }
0x23c: {  	s3 =	simm.s32 $0x10480;
	s11 =	rddreg [dreg:$0x7];
	s2 =	sadd.s32 s28, s2  }
0x23d: {  	[hbm4b:s2+s4] =	stream.linear.scatter [tilespmem:s3], [sflag:$0x6], $0x8000, $0x38;
	[tilespmem:$0x18480] =	vst v63  }
.LBB2_11:
0x23e: {  	v37 =	vsub.s32 $0x1000, v30  }
0x23f: {  	v38 =	vsub.s32 $0x800, v29;
	v39 =	vsub.s32 $0x1800, v31;
	v41 =	vsub.s32 $0x2000, v32  }
0x240: {  	v44 =	vsub.s32 $0x2800, v33;
	v46 =	vsub.s32 $0x3000, v35;
	vm9 =	vge.s32 v12, v37  }
0x241: {  	v47 =	vsub.s32 $0x3800, v36;
	vm10 =	vlt.s32 v12, v38;
	v40 =	vsel vm9, $0x1, v24  }
0x242: {  	vm9 =	vge.s32 v12, v39;
	v45 =	vsel vm10, $0x1, v17;
	vm10 =	vge.s32 v0, v37  }
0x243: {  	v42 =	vsel vm9, $0x1, v24;
	vm9 =	vge.s32 v12, v41;
	v40 =	vadd.s32 v40, v45  }
0x244: {  	v62 =	vsel vm10, $0x1, v24;
	vm10 =	vge.s32 v0, v39;
	v43 =	vsel vm9, $0x1, v24  }
0x245: {  	vm9 =	vge.s32 v12, v44;
	v40 =	vadd.s32 v42, v40;
	v48 =	vsel vm10, $0x1, v24  }
0x246: {  	vm10 =	vge.s32 v1, v37;
	v58 =	vsel vm9, $0x1, v24;
	vm9 =	vge.s32 v12, v46  }
0x247: {  	v40 =	vadd.s32 v43, v40;
	v43 =	vsub.s32 $0x4000, v34;
	v57 =	vsel vm10, $0x1, v24  }
0x248: {  	vm10 =	vge.s32 v1, v39;
	v59 =	vsel vm9, $0x1, v24;
	vm9 =	vge.s32 v12, v47  }
0x249: {  	v40 =	vadd.s32 v58, v40;
	v49 =	vsel vm10, $0x1, v24;
	vm10 =	vge.s32 v2, v37  }
0x24a: {  	v60 =	vsel vm9, $0x1, v24;
	vm9 =	vge.s32 v12, v43;
	v40 =	vadd.s32 v59, v40  }
0x24b: {  	v61 =	vsel vm9, $0x1, v24;
	v40 =	vadd.s32 v60, v40;
	vm9 =	vlt.s32 v0, v38  }
0x24c: {  	v37 =	vsel vm10, $0x1, v24;
	v40 =	vadd.s32 v61, v40;
	v63 =	vsel vm9, $0x1, v17  }
0x24d: {  	vm10 =	vge.s32 v2, v39;
	vm9 =	vge.s32 v0, v41;
	v42 =	vadd.s32 v62, v63  }
0x24e: {  	v52 =	vsel vm9, $0x1, v24;
	vm9 =	vge.s32 v0, v44;
	v42 =	vadd.s32 v48, v42  }
0x24f: {  	v53 =	vsel vm9, $0x1, v24;
	vm9 =	vge.s32 v0, v46;
	v42 =	vadd.s32 v52, v42  }
0x250: {  	v54 =	vsel vm9, $0x1, v24;
	vm9 =	vge.s32 v0, v47;
	v42 =	vadd.s32 v53, v42  }
0x251: {  	v55 =	vsel vm9, $0x1, v24;
	vm9 =	vge.s32 v0, v43;
	v40 =	vld.idx.msk [tilespmem:v40+s4+$0x0], $0xffff;
	v42 =	vadd.s32 v54, v42  }
0x252: {  	v56 =	vsel vm9, $0x1, v24;
	vm9 =	vlt.s32 v1, v38;
	v42 =	vadd.s32 v55, v42  }
0x253: {  	v58 =	vsel vm9, $0x1, v17;
	vm9 =	vge.s32 v1, v41;
	v42 =	vadd.s32 v56, v42  }
0x254: {  	v45 =	vadd.s32 v57, v58;
	v59 =	vsel vm9, $0x1, v24;
	vm9 =	vge.s32 v1, v44  }
0x255: {  	v39 =	vsel vm10, $0x1, v24;
	v45 =	vadd.s32 v49, v45;
	v60 =	vsel vm9, $0x1, v24  }
0x256: {  	vm9 =	vge.s32 v1, v46;
	v45 =	vadd.s32 v59, v45;
	v40 =	vadd.s32 v12, v40  }
0x257: {  	v61 =	vsel vm9, $0x1, v24;
	vm9 =	vge.s32 v1, v47;
	v45 =	vadd.s32 v60, v45;
	[tilespmem:$0x280] =	vst v40  }
0x258: {  	v62 =	vsel vm9, $0x1, v24;
	vm9 =	vge.s32 v1, v43;
	v45 =	vadd.s32 v61, v45;
	v42 =	vld.idx.msk [tilespmem:v42+s4+$0x0], $0xffff  }
0x259: {  	v63 =	vsel vm9, $0x1, v24;
	vm9 =	vlt.s32 v2, v38;
	v45 =	vadd.s32 v62, v45  }
0x25a: {  	v38 =	vsel vm9, $0x1, v17;
	vm9 =	vge.s32 v2, v41;
	v45 =	vadd.s32 v63, v45  }
0x25b: {  	v37 =	vadd.s32 v37, v38;
	v52 =	vsel vm9, $0x1, v24;
	vm9 =	vge.s32 v2, v44  }
0x25c: {  	v37 =	vadd.s32 v39, v37;
	v53 =	vsel vm9, $0x1, v24  }
0x25d: {  	vm9 =	vge.s32 v2, v46;
	v37 =	vadd.s32 v52, v37;
	v42 =	vadd.s32 v0, v42  }
0x25e: {  	v54 =	vsel vm9, $0x1, v24;
	vm9 =	vge.s32 v2, v47;
	v37 =	vadd.s32 v53, v37;
	[tilespmem:$0x290] =	vst v42  }
0x25f: {  	v56 =	vsel vm9, $0x1, v24;
	vm9 =	vge.s32 v2, v43;
	v37 =	vadd.s32 v54, v37;
	v55 =	vld.idx.msk [tilespmem:v45+s4+$0x0], $0xffff  }
0x260: {  	v57 =	vsel vm9, $0x1, v24;
	v37 =	vadd.s32 v56, v37  }
0x261: {  	v37 =	vadd.s32 v57, v37;
	_ =	sdelay $0x1  }
0x262: {  	v58 =	vshll.u32 v40, $0x2  }
0x263: {  	v40 =	vand.u32 $0x7, v40;
	v38 =	vand.u32 $0xFFFFFFE0, v58;
	v39 =	vadd.s32 v1, v55  }
0x264: {  	v38 =	vor.u32 v40, v38;
	[tilespmem:$0x2A0] =	vst v39  }
0x265: {  	v59 =	vperm.xlane v38, v25;
	v37 =	vld.idx.msk [tilespmem:v37+s4+$0x0], $0xffff;
	_ =	sdelay $0x1  }
0x266: {  	v39 =	vadd.s32 v26, v59;
	_ =	sdelay $0x1  }
0x267: {  	v38 =	vperm.xlane v38, v27  }
0x268: {  	v37 =	vadd.s32 v2, v37  }
0x269: {  	s28 =	rddreg [dreg:$0x2];
	s2 =	simm.s32 $0x10480;
	v60 =	vadd.s32 v26, v38;
	[tilespmem:$0x2B0] =	vst v37  }
0x26a: {  	[hbm4b:s28+s4] =	stream.indirect_vreg.scatter [tilespmem:s2], [sflag:$0x6], $0x80, v39, vm8, $0xb8;
	[tilespmem:$0x18480] =	vst v63  }
0x26b: {  	s3 =	simm.s32 $0x10C80  }
0x26c: {  	[hbm4b:s10+s4] =	stream.indirect_vreg.scatter [tilespmem:s3], [sflag:$0x6], $0x80, v39, vm8, $0xb8;
	[tilespmem:$0x18480] =	vst v63  }
0x26d: {  	s9 =	simm.s32 $0x11480  }
0x26e: {  	[hbm4b:s28+s4] =	stream.indirect_vreg.scatter [tilespmem:s9], [sflag:$0x6], $0x80, v60, vm8, $0xb8;
	[tilespmem:$0x18480] =	vst v63  }
0x26f: {  	s11 =	simm.s32 $0x11C80  }
0x270: {  	[hbm4b:s10+s4] =	stream.indirect_vreg.scatter [tilespmem:s11], [sflag:$0x6], $0x80, v60, vm8, $0xb8;
	[tilespmem:$0x18480] =	vst v63  }
0x271: {  	v37 =	vld [tilespmem:$0x290];
	_ =	sdelay $0x4  }
0x272: {  	v61 =	vshll.u32 v37, $0x2  }
0x273: {  	v37 =	vand.u32 $0x7, v37;
	v38 =	vand.u32 $0xFFFFFFE0, v61  }
0x274: {  	v37 =	vor.u32 v37, v38  }
0x275: {  	v38 =	vperm.xlane v37, v25;
	_ =	sdelay $0x1  }
0x276: {  	v38 =	vadd.s32 v26, v38;
	_ =	sdelay $0x1  }
0x277: {  	v37 =	vperm.xlane v37, v27;
	_ =	sdelay $0x1  }
0x278: {  	s23 =	simm.s32 $0x12480;
	v37 =	vadd.s32 v26, v37  }
0x279: {  	[hbm4b:s28+s4] =	stream.indirect_vreg.scatter [tilespmem:s23], [sflag:$0x6], $0x80, v38, vm8, $0xb8;
	[tilespmem:$0x18480] =	vst v63  }
0x27a: {  	s26 =	simm.s32 $0x12C80  }
0x27b: {  	[hbm4b:s10+s4] =	stream.indirect_vreg.scatter [tilespmem:s26], [sflag:$0x6], $0x80, v38, vm8, $0xb8;
	[tilespmem:$0x18480] =	vst v63  }
0x27c: {  	s3 =	simm.s32 $0x13480  }
0x27d: {  	[hbm4b:s28+s4] =	stream.indirect_vreg.scatter [tilespmem:s3], [sflag:$0x6], $0x80, v37, vm8, $0xb8;
	[tilespmem:$0x18480] =	vst v63  }
0x27e: {  	s9 =	simm.s32 $0x13C80  }
0x27f: {  	[hbm4b:s10+s4] =	stream.indirect_vreg.scatter [tilespmem:s9], [sflag:$0x6], $0x80, v37, vm8, $0xb8;
	[tilespmem:$0x18480] =	vst v63  }
0x280: {  	v37 =	vld [tilespmem:$0x2A0];
	_ =	sdelay $0x4  }
0x281: {  	v62 =	vshll.u32 v37, $0x2  }
0x282: {  	v37 =	vand.u32 $0x7, v37;
	v38 =	vand.u32 $0xFFFFFFE0, v62  }
0x283: {  	v37 =	vor.u32 v37, v38  }
0x284: {  	v38 =	vperm.xlane v37, v25;
	_ =	sdelay $0x1  }
0x285: {  	v38 =	vadd.s32 v26, v38;
	_ =	sdelay $0x1  }
0x286: {  	v37 =	vperm.xlane v37, v27;
	_ =	sdelay $0x1  }
0x287: {  	s11 =	simm.s32 $0x14480;
	v37 =	vadd.s32 v26, v37  }
0x288: {  	[hbm4b:s28+s4] =	stream.indirect_vreg.scatter [tilespmem:s11], [sflag:$0x6], $0x80, v38, vm8, $0xb8;
	[tilespmem:$0x18480] =	vst v63  }
0x289: {  	s23 =	simm.s32 $0x14C80  }
0x28a: {  	[hbm4b:s10+s4] =	stream.indirect_vreg.scatter [tilespmem:s23], [sflag:$0x6], $0x80, v38, vm8, $0xb8;
	[tilespmem:$0x18480] =	vst v63  }
0x28b: {  	s26 =	simm.s32 $0x15480  }
0x28c: {  	[hbm4b:s28+s4] =	stream.indirect_vreg.scatter [tilespmem:s26], [sflag:$0x6], $0x80, v37, vm8, $0xb8;
	[tilespmem:$0x18480] =	vst v63  }
0x28d: {  	s3 =	simm.s32 $0x15C80  }
0x28e: {  	[hbm4b:s10+s4] =	stream.indirect_vreg.scatter [tilespmem:s3], [sflag:$0x6], $0x80, v37, vm8, $0xb8;
	[tilespmem:$0x18480] =	vst v63  }
0x28f: {  	v37 =	vld [tilespmem:$0x2B0];
	_ =	sdelay $0x4  }
0x290: {  	v63 =	vshll.u32 v37, $0x2  }
0x291: {  	v37 =	vand.u32 $0x7, v37;
	v38 =	vand.u32 $0xFFFFFFE0, v63  }
0x292: {  	v37 =	vor.u32 v37, v38  }
0x293: {  	v38 =	vperm.xlane v37, v25;
	_ =	sdelay $0x1  }
0x294: {  	v38 =	vadd.s32 v26, v38;
	_ =	sdelay $0x1  }
0x295: {  	v37 =	vperm.xlane v37, v27;
	_ =	sdelay $0x1  }
0x296: {  	s9 =	simm.s32 $0x16480;
	v37 =	vadd.s32 v26, v37  }
0x297: {  	[hbm4b:s28+s4] =	stream.indirect_vreg.scatter [tilespmem:s9], [sflag:$0x6], $0x80, v38, vm8, $0xb8;
	[tilespmem:$0x18480] =	vst v63  }
0x298: {  	s11 =	simm.s32 $0x16C80  }
0x299: {  	[hbm4b:s10+s4] =	stream.indirect_vreg.scatter [tilespmem:s11], [sflag:$0x6], $0x80, v38, vm8, $0xb8;
	[tilespmem:$0x18480] =	vst v63  }
0x29a: {  	s23 =	simm.s32 $0x17480  }
0x29b: {  	[hbm4b:s28+s4] =	stream.indirect_vreg.scatter [tilespmem:s23], [sflag:$0x6], $0x80, v37, vm8, $0xb8;
	[tilespmem:$0x18480] =	vst v63  }
0x29c: {  	s26 =	simm.s32 $0x17C80;
	s11 =	rddreg [dreg:$0x7]  }
0x29d: {  	[hbm4b:s10+s4] =	stream.indirect_vreg.scatter [tilespmem:s26], [sflag:$0x6], $0x80, v37, vm8, $0xb8;
	[tilespmem:$0x18480] =	vst v63  }
.LBB2_12:
0x29e: {  	p0 =	sge.s32 s6, s16;
	s2 =	simm.s32 $0x1;
	s3 =	simm.s32 $0x1  }
0x29f: {  	s9 =	simm.s32 $0x1;
	s2 =	simm.s32 @!p0 $0x0;
	p0 =	sge.s32 s11, s16  }
0x2a0: {  	s23 =	simm.s32 $0x1;
	s3 =	simm.s32 @!p0 $0x0;
	p0 =	sge.s32 s6, s17  }
0x2a1: {  	s26 =	simm.s32 $0x1;
	s9 =	simm.s32 @!p0 $0x0;
	p0 =	sge.s32 s11, s17  }
0x2a2: {  	p1 =	sge.s32 s6, s22;
	s23 =	simm.s32 @!p0 $0x0;
	p0 =	sge.s32 s6, s19  }
0x2a3: {  	s2 =	sadd.s32 s9, s2;
	s9 =	simm.s32 $0x1;
	s3 =	sadd.s32 s23, s3  }
0x2a4: {  	s26 =	simm.s32 @!p0 $0x0;
	p0 =	sge.s32 s11, s19;
	s23 =	simm.s32 $0x1  }
0x2a5: {  	s2 =	sadd.s32 s26, s2;
	s9 =	simm.s32 @!p0 $0x0;
	p0 =	sge.s32 s6, s20  }
0x2a6: {  	s26 =	simm.s32 $0x1;
	s3 =	sadd.s32 s9, s3;
	s23 =	simm.s32 @!p0 $0x0  }
0x2a7: {  	p0 =	sge.s32 s11, s20;
	s9 =	simm.s32 $0x1;
	s26 =	simm.s32 @!p1 $0x0  }
0x2a8: {  	p1 =	sge.s32 s11, s22;
	s2 =	sadd.s32 s23, s2;
	s9 =	simm.s32 @!p0 $0x0  }
0x2a9: {  	p0 =	sge.s32 s6, s29;
	s23 =	simm.s32 $0x1;
	s2 =	sadd.s32 s26, s2  }
0x2aa: {  	s26 =	simm.s32 $0x1;
	s23 =	simm.s32 @!p0 $0x0;
	s3 =	sadd.s32 s9, s3  }
0x2ab: {  	p0 =	sge.s32 s11, s29;
	s9 =	simm.s32 $0x1;
	s26 =	simm.s32 @!p1 $0x0  }
0x2ac: {  	s2 =	sadd.s32 s23, s2;
	p1 =	sge.s32 s6, s25;
	s23 =	simm.s32 $0x1  }
0x2ad: {  	s9 =	simm.s32 @!p1 $0x0;
	p1 =	sge.s32 s6, s21;
	s3 =	sadd.s32 s26, s3  }
0x2ae: {  	s2 =	sadd.s32 s9, s2;
	s9 =	simm.s32 $0x1;
	s23 =	simm.s32 @!p1 $0x0  }
0x2af: {  	s9 =	simm.s32 @!p0 $0x0;
	s2 =	sadd.s32 s23, s2;
	s23 =	smov.u32 s24  }
0x2b0: {  	s3 =	sadd.s32 s9, s3;
	s9 =	sadd.s32 $0x1, s2;
	p0 =	seq.s32 s2, $0x0  }
0x2b1: {  	s26 =	simm.s32 $0x1;
	s23 =	simm.s32 @!p0 $0x0;
	p0 =	seq.s32 s9, $0x2  }
0x2b2: {  	p1 =	sge.s32 s11, s25;
	s23 =	smov.u32 @p0 s15;
	p0 =	seq.s32 s9, $0x3  }
0x2b3: {  	s26 =	simm.s32 @!p1 $0x0;
	s23 =	smov.u32 @p0 s8;
	p0 =	seq.s32 s9, $0x4  }
0x2b4: {  	p1 =	sge.s32 s11, s21;
	s23 =	smov.u32 @p0 s7;
	p0 =	seq.s32 s9, $0x5  }
0x2b5: {  	s3 =	sadd.s32 s26, s3;
	s23 =	smov.u32 @p0 s1;
	p0 =	seq.s32 s9, $0x6  }
0x2b6: {  	s23 =	smov.u32 @p0 s0;
	p0 =	seq.s32 s9, $0x7;
	s9 =	simm.s32 $0x1  }
0x2b7: {  	s9 =	simm.s32 @!p1 $0x0;
	s23 =	smov.u32 @p0 s31;
	p0 =	sgt.u32 s2, $0x6  }
0x2b8: {  	s3 =	sadd.s32 s9, s3;
	s23 =	smov.u32 @p0 s30  }
0x2b9: {  	p0 =	sne.s32 s2, s3;
	s2 =	sand.u32 $0x7, s23  }
0x2ba: {  	p1 =	sne.s32 @!p0 s2, $0x0  }
0x2bb: {  	p0 =	por p0, p1  }
.Ltmp9:
0x2bc: {  	_ = 	snop;
	(pc) =	sbr.rel @p0 .LBB2_14-.Ltmp9, $1  }
0x2bd: {  	_ =	sdelay $0x3  }
.Ltmp10:
0x2be: {  	(pc) =	sbr.rel .LBB2_15-.Ltmp10, $4  }
0x2bf: {  	s2 =	sadd.s32 s6, s23  }
0x2c0: {  	s2 =	sshll.u32 s2, $0x6  }
0x2c1: {  	s3 =	simm.s32 $0x10480;
	s2 =	sadd.s32 s28, s2  }
0x2c2: {  	[hbm4b:s2+s4] =	stream.linear.scatter [tilespmem:s3], [sflag:$0x6], $0x8000, $0x38;
	[tilespmem:$0x18480] =	vst v63  }
.LBB2_14:
0x2c3: {  	v37 =	vsub.s32 $0x1000, v30  }
0x2c4: {  	v38 =	vsub.s32 $0x800, v29;
	v39 =	vsub.s32 $0x1800, v31;
	v41 =	vsub.s32 $0x2000, v32  }
0x2c5: {  	v44 =	vsub.s32 $0x2800, v33;
	v46 =	vsub.s32 $0x3000, v35;
	vm9 =	vge.s32 v13, v37  }
0x2c6: {  	v47 =	vsub.s32 $0x3800, v36;
	vm10 =	vlt.s32 v13, v38;
	v40 =	vsel vm9, $0x1, v24  }
0x2c7: {  	vm9 =	vge.s32 v13, v39;
	v45 =	vsel vm10, $0x1, v17;
	vm10 =	vge.s32 v3, v37  }
0x2c8: {  	v42 =	vsel vm9, $0x1, v24;
	vm9 =	vge.s32 v13, v41;
	v40 =	vadd.s32 v40, v45  }
0x2c9: {  	v62 =	vsel vm10, $0x1, v24;
	vm10 =	vge.s32 v3, v39;
	v43 =	vsel vm9, $0x1, v24  }
0x2ca: {  	vm9 =	vge.s32 v13, v44;
	v40 =	vadd.s32 v42, v40;
	v48 =	vsel vm10, $0x1, v24  }
0x2cb: {  	vm10 =	vge.s32 v4, v37;
	v58 =	vsel vm9, $0x1, v24;
	vm9 =	vge.s32 v13, v46  }
0x2cc: {  	v40 =	vadd.s32 v43, v40;
	v43 =	vsub.s32 $0x4000, v34;
	v57 =	vsel vm10, $0x1, v24  }
0x2cd: {  	vm10 =	vge.s32 v4, v39;
	v59 =	vsel vm9, $0x1, v24;
	vm9 =	vge.s32 v13, v47  }
0x2ce: {  	v40 =	vadd.s32 v58, v40;
	v49 =	vsel vm10, $0x1, v24;
	vm10 =	vge.s32 v5, v37  }
0x2cf: {  	v60 =	vsel vm9, $0x1, v24;
	vm9 =	vge.s32 v13, v43;
	v40 =	vadd.s32 v59, v40  }
0x2d0: {  	v61 =	vsel vm9, $0x1, v24;
	v40 =	vadd.s32 v60, v40;
	vm9 =	vlt.s32 v3, v38  }
0x2d1: {  	v37 =	vsel vm10, $0x1, v24;
	v40 =	vadd.s32 v61, v40;
	v63 =	vsel vm9, $0x1, v17  }
0x2d2: {  	vm10 =	vge.s32 v5, v39;
	vm9 =	vge.s32 v3, v41;
	v42 =	vadd.s32 v62, v63  }
0x2d3: {  	v52 =	vsel vm9, $0x1, v24;
	vm9 =	vge.s32 v3, v44;
	v42 =	vadd.s32 v48, v42  }
0x2d4: {  	v53 =	vsel vm9, $0x1, v24;
	vm9 =	vge.s32 v3, v46;
	v42 =	vadd.s32 v52, v42  }
0x2d5: {  	v54 =	vsel vm9, $0x1, v24;
	vm9 =	vge.s32 v3, v47;
	v42 =	vadd.s32 v53, v42  }
0x2d6: {  	v55 =	vsel vm9, $0x1, v24;
	vm9 =	vge.s32 v3, v43;
	v40 =	vld.idx.msk [tilespmem:v40+s4+$0x0], $0xffff;
	v42 =	vadd.s32 v54, v42  }
0x2d7: {  	v56 =	vsel vm9, $0x1, v24;
	vm9 =	vlt.s32 v4, v38;
	v42 =	vadd.s32 v55, v42  }
0x2d8: {  	v58 =	vsel vm9, $0x1, v17;
	vm9 =	vge.s32 v4, v41;
	v42 =	vadd.s32 v56, v42  }
0x2d9: {  	v45 =	vadd.s32 v57, v58;
	v59 =	vsel vm9, $0x1, v24;
	vm9 =	vge.s32 v4, v44  }
0x2da: {  	v39 =	vsel vm10, $0x1, v24;
	v45 =	vadd.s32 v49, v45;
	v60 =	vsel vm9, $0x1, v24  }
0x2db: {  	vm9 =	vge.s32 v4, v46;
	v45 =	vadd.s32 v59, v45;
	v40 =	vadd.s32 v13, v40  }
0x2dc: {  	v61 =	vsel vm9, $0x1, v24;
	vm9 =	vge.s32 v4, v47;
	v45 =	vadd.s32 v60, v45;
	[tilespmem:$0x300] =	vst v40  }
0x2dd: {  	v62 =	vsel vm9, $0x1, v24;
	vm9 =	vge.s32 v4, v43;
	v45 =	vadd.s32 v61, v45;
	v42 =	vld.idx.msk [tilespmem:v42+s4+$0x0], $0xffff  }
0x2de: {  	v63 =	vsel vm9, $0x1, v24;
	vm9 =	vlt.s32 v5, v38;
	v45 =	vadd.s32 v62, v45  }
0x2df: {  	v38 =	vsel vm9, $0x1, v17;
	vm9 =	vge.s32 v5, v41;
	v45 =	vadd.s32 v63, v45  }
0x2e0: {  	v37 =	vadd.s32 v37, v38;
	v52 =	vsel vm9, $0x1, v24;
	vm9 =	vge.s32 v5, v44  }
0x2e1: {  	v37 =	vadd.s32 v39, v37;
	v53 =	vsel vm9, $0x1, v24  }
0x2e2: {  	vm9 =	vge.s32 v5, v46;
	v37 =	vadd.s32 v52, v37;
	v42 =	vadd.s32 v3, v42  }
0x2e3: {  	v54 =	vsel vm9, $0x1, v24;
	vm9 =	vge.s32 v5, v47;
	v37 =	vadd.s32 v53, v37;
	[tilespmem:$0x310] =	vst v42  }
0x2e4: {  	v56 =	vsel vm9, $0x1, v24;
	vm9 =	vge.s32 v5, v43;
	v37 =	vadd.s32 v54, v37;
	v55 =	vld.idx.msk [tilespmem:v45+s4+$0x0], $0xffff  }
0x2e5: {  	v57 =	vsel vm9, $0x1, v24;
	v37 =	vadd.s32 v56, v37  }
0x2e6: {  	v37 =	vadd.s32 v57, v37;
	_ =	sdelay $0x1  }
0x2e7: {  	v58 =	vshll.u32 v40, $0x2  }
0x2e8: {  	v40 =	vand.u32 $0x7, v40;
	v38 =	vand.u32 $0xFFFFFFE0, v58;
	v39 =	vadd.s32 v4, v55  }
0x2e9: {  	v38 =	vor.u32 v40, v38;
	[tilespmem:$0x320] =	vst v39  }
0x2ea: {  	v59 =	vperm.xlane v38, v25;
	v37 =	vld.idx.msk [tilespmem:v37+s4+$0x0], $0xffff;
	_ =	sdelay $0x1  }
0x2eb: {  	v39 =	vadd.s32 v26, v59;
	_ =	sdelay $0x1  }
0x2ec: {  	v38 =	vperm.xlane v38, v27  }
0x2ed: {  	v37 =	vadd.s32 v5, v37  }
0x2ee: {  	s2 =	simm.s32 $0x10480;
	v60 =	vadd.s32 v26, v38;
	[tilespmem:$0x330] =	vst v37  }
0x2ef: {  	[hbm4b:s28+s4] =	stream.indirect_vreg.scatter [tilespmem:s2], [sflag:$0x6], $0x80, v39, vm8, $0xb8;
	[tilespmem:$0x18480] =	vst v63  }
0x2f0: {  	s9 =	simm.s32 $0x10C80  }
0x2f1: {  	[hbm4b:s10+s4] =	stream.indirect_vreg.scatter [tilespmem:s9], [sflag:$0x6], $0x80, v39, vm8, $0xb8;
	[tilespmem:$0x18480] =	vst v63  }
0x2f2: {  	s23 =	simm.s32 $0x11480  }
0x2f3: {  	[hbm4b:s28+s4] =	stream.indirect_vreg.scatter [tilespmem:s23], [sflag:$0x6], $0x80, v60, vm8, $0xb8;
	[tilespmem:$0x18480] =	vst v63  }
0x2f4: {  	s26 =	simm.s32 $0x11C80  }
0x2f5: {  	[hbm4b:s10+s4] =	stream.indirect_vreg.scatter [tilespmem:s26], [sflag:$0x6], $0x80, v60, vm8, $0xb8;
	[tilespmem:$0x18480] =	vst v63  }
0x2f6: {  	v37 =	vld [tilespmem:$0x310];
	_ =	sdelay $0x4  }
0x2f7: {  	v61 =	vshll.u32 v37, $0x2  }
0x2f8: {  	v37 =	vand.u32 $0x7, v37;
	v38 =	vand.u32 $0xFFFFFFE0, v61  }
0x2f9: {  	v37 =	vor.u32 v37, v38  }
0x2fa: {  	v38 =	vperm.xlane v37, v25;
	_ =	sdelay $0x1  }
0x2fb: {  	v38 =	vadd.s32 v26, v38;
	_ =	sdelay $0x1  }
0x2fc: {  	v37 =	vperm.xlane v37, v27;
	_ =	sdelay $0x1  }
0x2fd: {  	s3 =	simm.s32 $0x12480;
	v37 =	vadd.s32 v26, v37  }
0x2fe: {  	[hbm4b:s28+s4] =	stream.indirect_vreg.scatter [tilespmem:s3], [sflag:$0x6], $0x80, v38, vm8, $0xb8;
	[tilespmem:$0x18480] =	vst v63  }
0x2ff: {  	s9 =	simm.s32 $0x12C80  }
0x300: {  	[hbm4b:s10+s4] =	stream.indirect_vreg.scatter [tilespmem:s9], [sflag:$0x6], $0x80, v38, vm8, $0xb8;
	[tilespmem:$0x18480] =	vst v63  }
0x301: {  	s23 =	simm.s32 $0x13480  }
0x302: {  	[hbm4b:s28+s4] =	stream.indirect_vreg.scatter [tilespmem:s23], [sflag:$0x6], $0x80, v37, vm8, $0xb8;
	[tilespmem:$0x18480] =	vst v63  }
0x303: {  	s26 =	simm.s32 $0x13C80  }
0x304: {  	[hbm4b:s10+s4] =	stream.indirect_vreg.scatter [tilespmem:s26], [sflag:$0x6], $0x80, v37, vm8, $0xb8;
	[tilespmem:$0x18480] =	vst v63  }
0x305: {  	v37 =	vld [tilespmem:$0x320];
	_ =	sdelay $0x4  }
0x306: {  	v62 =	vshll.u32 v37, $0x2  }
0x307: {  	v37 =	vand.u32 $0x7, v37;
	v38 =	vand.u32 $0xFFFFFFE0, v62  }
0x308: {  	v37 =	vor.u32 v37, v38  }
0x309: {  	v38 =	vperm.xlane v37, v25;
	_ =	sdelay $0x1  }
0x30a: {  	v38 =	vadd.s32 v26, v38;
	_ =	sdelay $0x1  }
0x30b: {  	v37 =	vperm.xlane v37, v27;
	_ =	sdelay $0x1  }
0x30c: {  	s3 =	simm.s32 $0x14480;
	v37 =	vadd.s32 v26, v37  }
0x30d: {  	[hbm4b:s28+s4] =	stream.indirect_vreg.scatter [tilespmem:s3], [sflag:$0x6], $0x80, v38, vm8, $0xb8;
	[tilespmem:$0x18480] =	vst v63  }
0x30e: {  	s9 =	simm.s32 $0x14C80  }
0x30f: {  	[hbm4b:s10+s4] =	stream.indirect_vreg.scatter [tilespmem:s9], [sflag:$0x6], $0x80, v38, vm8, $0xb8;
	[tilespmem:$0x18480] =	vst v63  }
0x310: {  	s23 =	simm.s32 $0x15480  }
0x311: {  	[hbm4b:s28+s4] =	stream.indirect_vreg.scatter [tilespmem:s23], [sflag:$0x6], $0x80, v37, vm8, $0xb8;
	[tilespmem:$0x18480] =	vst v63  }
0x312: {  	s26 =	simm.s32 $0x15C80  }
0x313: {  	[hbm4b:s10+s4] =	stream.indirect_vreg.scatter [tilespmem:s26], [sflag:$0x6], $0x80, v37, vm8, $0xb8;
	[tilespmem:$0x18480] =	vst v63  }
0x314: {  	v37 =	vld [tilespmem:$0x330];
	_ =	sdelay $0x4  }
0x315: {  	v63 =	vshll.u32 v37, $0x2  }
0x316: {  	v37 =	vand.u32 $0x7, v37;
	v38 =	vand.u32 $0xFFFFFFE0, v63  }
0x317: {  	v37 =	vor.u32 v37, v38  }
0x318: {  	v38 =	vperm.xlane v37, v25;
	_ =	sdelay $0x1  }
0x319: {  	v38 =	vadd.s32 v26, v38;
	_ =	sdelay $0x1  }
0x31a: {  	v37 =	vperm.xlane v37, v27;
	_ =	sdelay $0x1  }
0x31b: {  	s3 =	simm.s32 $0x16480;
	v37 =	vadd.s32 v26, v37  }
0x31c: {  	[hbm4b:s28+s4] =	stream.indirect_vreg.scatter [tilespmem:s3], [sflag:$0x6], $0x80, v38, vm8, $0xb8;
	[tilespmem:$0x18480] =	vst v63  }
0x31d: {  	s9 =	simm.s32 $0x16C80  }
0x31e: {  	[hbm4b:s10+s4] =	stream.indirect_vreg.scatter [tilespmem:s9], [sflag:$0x6], $0x80, v38, vm8, $0xb8;
	[tilespmem:$0x18480] =	vst v63  }
0x31f: {  	s23 =	simm.s32 $0x17480  }
0x320: {  	[hbm4b:s28+s4] =	stream.indirect_vreg.scatter [tilespmem:s23], [sflag:$0x6], $0x80, v37, vm8, $0xb8;
	[tilespmem:$0x18480] =	vst v63  }
0x321: {  	s26 =	simm.s32 $0x17C80  }
0x322: {  	[hbm4b:s10+s4] =	stream.indirect_vreg.scatter [tilespmem:s26], [sflag:$0x6], $0x80, v37, vm8, $0xb8;
	[tilespmem:$0x18480] =	vst v63  }
.LBB2_15:
0x323: {  	p0 =	sge.s32 s12, s16;
	s2 =	simm.s32 $0x1;
	s3 =	simm.s32 $0x1  }
0x324: {  	s9 =	simm.s32 $0x1;
	s2 =	simm.s32 @!p0 $0x0;
	p0 =	sge.s32 s13, s16  }
0x325: {  	s23 =	simm.s32 $0x1;
	s3 =	simm.s32 @!p0 $0x0;
	p0 =	sge.s32 s12, s17  }
0x326: {  	s26 =	simm.s32 $0x1;
	s9 =	simm.s32 @!p0 $0x0;
	p0 =	sge.s32 s13, s17  }
0x327: {  	p1 =	sge.s32 s12, s22;
	s23 =	simm.s32 @!p0 $0x0;
	p0 =	sge.s32 s12, s19  }
0x328: {  	s2 =	sadd.s32 s9, s2;
	s9 =	simm.s32 $0x1;
	s3 =	sadd.s32 s23, s3  }
0x329: {  	s26 =	simm.s32 @!p0 $0x0;
	p0 =	sge.s32 s13, s19;
	s23 =	simm.s32 $0x1  }
0x32a: {  	s2 =	sadd.s32 s26, s2;
	s9 =	simm.s32 @!p0 $0x0;
	p0 =	sge.s32 s12, s20  }
0x32b: {  	s26 =	simm.s32 $0x1;
	s3 =	sadd.s32 s9, s3;
	s23 =	simm.s32 @!p0 $0x0  }
0x32c: {  	p0 =	sge.s32 s13, s20;
	s9 =	simm.s32 $0x1;
	s26 =	simm.s32 @!p1 $0x0  }
0x32d: {  	p1 =	sge.s32 s13, s22;
	s2 =	sadd.s32 s23, s2;
	s9 =	simm.s32 @!p0 $0x0  }
0x32e: {  	p0 =	sge.s32 s12, s29;
	s23 =	simm.s32 $0x1;
	s2 =	sadd.s32 s26, s2  }
0x32f: {  	s26 =	simm.s32 $0x1;
	s23 =	simm.s32 @!p0 $0x0;
	s3 =	sadd.s32 s9, s3  }
0x330: {  	p0 =	sge.s32 s13, s29;
	s9 =	simm.s32 $0x1;
	s26 =	simm.s32 @!p1 $0x0  }
0x331: {  	s2 =	sadd.s32 s23, s2;
	p1 =	sge.s32 s12, s25;
	s23 =	simm.s32 $0x1  }
0x332: {  	s9 =	simm.s32 @!p1 $0x0;
	p1 =	sge.s32 s12, s21;
	s3 =	sadd.s32 s26, s3  }
0x333: {  	s2 =	sadd.s32 s9, s2;
	s9 =	simm.s32 $0x1;
	s23 =	simm.s32 @!p1 $0x0  }
0x334: {  	s9 =	simm.s32 @!p0 $0x0;
	s2 =	sadd.s32 s23, s2;
	s23 =	smov.u32 s24  }
0x335: {  	s3 =	sadd.s32 s9, s3;
	s9 =	sadd.s32 $0x1, s2;
	p0 =	seq.s32 s2, $0x0  }
0x336: {  	s26 =	simm.s32 $0x1;
	s23 =	simm.s32 @!p0 $0x0;
	p0 =	seq.s32 s9, $0x2  }
0x337: {  	p1 =	sge.s32 s13, s25;
	s23 =	smov.u32 @p0 s15;
	p0 =	seq.s32 s9, $0x3  }
0x338: {  	s26 =	simm.s32 @!p1 $0x0;
	s23 =	smov.u32 @p0 s8;
	p0 =	seq.s32 s9, $0x4  }
0x339: {  	p1 =	sge.s32 s13, s21;
	s23 =	smov.u32 @p0 s7;
	p0 =	seq.s32 s9, $0x5  }
0x33a: {  	s3 =	sadd.s32 s26, s3;
	s23 =	smov.u32 @p0 s1;
	p0 =	seq.s32 s9, $0x6  }
0x33b: {  	s23 =	smov.u32 @p0 s0;
	p0 =	seq.s32 s9, $0x7;
	s9 =	simm.s32 $0x1  }
0x33c: {  	s9 =	simm.s32 @!p1 $0x0;
	s23 =	smov.u32 @p0 s31;
	p0 =	sgt.u32 s2, $0x6  }
0x33d: {  	s3 =	sadd.s32 s9, s3;
	s23 =	smov.u32 @p0 s30  }
0x33e: {  	p0 =	sne.s32 s2, s3;
	s2 =	sand.u32 $0x7, s23  }
0x33f: {  	p1 =	sne.s32 @!p0 s2, $0x0  }
0x340: {  	p0 =	por p0, p1  }
.Ltmp11:
0x341: {  	_ = 	snop;
	(pc) =	sbr.rel @p0 .LBB2_17-.Ltmp11, $1  }
0x342: {  	_ =	sdelay $0x3  }
.Ltmp12:
0x343: {  	(pc) =	sbr.rel .LBB2_18-.Ltmp12, $4  }
0x344: {  	s2 =	sadd.s32 s12, s23  }
0x345: {  	s3 =	simm.s32 $0x10480;
	s2 =	sshll.u32 s2, $0x6  }
0x346: {  	s23 =	simm.s32 $0x480;
	s26 =	simm.s32 $0x2;
	s2 =	sadd.s32 s28, s2  }
0x347: {  	[hbm4b:s2+s4] =	stream.linear.scatter [tilespmem:s3], [sflag:$0x6], $0x8000, $0x38;
	[tilespmem:$0x18480] =	vst v63  }
.LBB2_17:
0x348: {  	v37 =	vsub.s32 $0x1000, v30  }
0x349: {  	v38 =	vsub.s32 $0x800, v29;
	v39 =	vsub.s32 $0x1800, v31;
	v41 =	vsub.s32 $0x2000, v32  }
0x34a: {  	v44 =	vsub.s32 $0x2800, v33;
	v46 =	vsub.s32 $0x3000, v35;
	vm9 =	vge.s32 v14, v37  }
0x34b: {  	v47 =	vsub.s32 $0x3800, v36;
	vm10 =	vlt.s32 v14, v38;
	v40 =	vsel vm9, $0x1, v24  }
0x34c: {  	vm9 =	vge.s32 v14, v39;
	v45 =	vsel vm10, $0x1, v17;
	vm10 =	vge.s32 v6, v37  }
0x34d: {  	v42 =	vsel vm9, $0x1, v24;
	vm9 =	vge.s32 v14, v41;
	v40 =	vadd.s32 v40, v45  }
0x34e: {  	v62 =	vsel vm10, $0x1, v24;
	vm10 =	vge.s32 v6, v39;
	v43 =	vsel vm9, $0x1, v24  }
0x34f: {  	vm9 =	vge.s32 v14, v44;
	v40 =	vadd.s32 v42, v40;
	v48 =	vsel vm10, $0x1, v24  }
0x350: {  	vm10 =	vge.s32 v7, v37;
	v58 =	vsel vm9, $0x1, v24;
	vm9 =	vge.s32 v14, v46  }
0x351: {  	v40 =	vadd.s32 v43, v40;
	v43 =	vsub.s32 $0x4000, v34;
	v57 =	vsel vm10, $0x1, v24  }
0x352: {  	vm10 =	vge.s32 v7, v39;
	v59 =	vsel vm9, $0x1, v24;
	vm9 =	vge.s32 v14, v47  }
0x353: {  	v40 =	vadd.s32 v58, v40;
	v49 =	vsel vm10, $0x1, v24;
	vm10 =	vge.s32 v8, v37  }
0x354: {  	v60 =	vsel vm9, $0x1, v24;
	vm9 =	vge.s32 v14, v43;
	v40 =	vadd.s32 v59, v40  }
0x355: {  	v61 =	vsel vm9, $0x1, v24;
	v40 =	vadd.s32 v60, v40;
	vm9 =	vlt.s32 v6, v38  }
0x356: {  	v37 =	vsel vm10, $0x1, v24;
	v40 =	vadd.s32 v61, v40;
	v63 =	vsel vm9, $0x1, v17  }
0x357: {  	vm10 =	vge.s32 v8, v39;
	vm9 =	vge.s32 v6, v41;
	v42 =	vadd.s32 v62, v63  }
0x358: {  	v52 =	vsel vm9, $0x1, v24;
	vm9 =	vge.s32 v6, v44;
	v42 =	vadd.s32 v48, v42  }
0x359: {  	v53 =	vsel vm9, $0x1, v24;
	vm9 =	vge.s32 v6, v46;
	v42 =	vadd.s32 v52, v42  }
0x35a: {  	v54 =	vsel vm9, $0x1, v24;
	vm9 =	vge.s32 v6, v47;
	v42 =	vadd.s32 v53, v42  }
0x35b: {  	v55 =	vsel vm9, $0x1, v24;
	vm9 =	vge.s32 v6, v43;
	v40 =	vld.idx.msk [tilespmem:v40+s4+$0x0], $0xffff;
	v42 =	vadd.s32 v54, v42  }
0x35c: {  	v56 =	vsel vm9, $0x1, v24;
	vm9 =	vlt.s32 v7, v38;
	v42 =	vadd.s32 v55, v42  }
0x35d: {  	v58 =	vsel vm9, $0x1, v17;
	vm9 =	vge.s32 v7, v41;
	v42 =	vadd.s32 v56, v42  }
0x35e: {  	v45 =	vadd.s32 v57, v58;
	v59 =	vsel vm9, $0x1, v24;
	vm9 =	vge.s32 v7, v44  }
0x35f: {  	v39 =	vsel vm10, $0x1, v24;
	v45 =	vadd.s32 v49, v45;
	v60 =	vsel vm9, $0x1, v24  }
0x360: {  	vm9 =	vge.s32 v7, v46;
	v45 =	vadd.s32 v59, v45;
	v40 =	vadd.s32 v14, v40  }
0x361: {  	v61 =	vsel vm9, $0x1, v24;
	vm9 =	vge.s32 v7, v47;
	v45 =	vadd.s32 v60, v45;
	[tilespmem:$0x380] =	vst v40  }
0x362: {  	v62 =	vsel vm9, $0x1, v24;
	vm9 =	vge.s32 v7, v43;
	v45 =	vadd.s32 v61, v45;
	v42 =	vld.idx.msk [tilespmem:v42+s4+$0x0], $0xffff  }
0x363: {  	v63 =	vsel vm9, $0x1, v24;
	vm9 =	vlt.s32 v8, v38;
	v45 =	vadd.s32 v62, v45  }
0x364: {  	v38 =	vsel vm9, $0x1, v17;
	vm9 =	vge.s32 v8, v41;
	v45 =	vadd.s32 v63, v45  }
0x365: {  	v37 =	vadd.s32 v37, v38;
	v52 =	vsel vm9, $0x1, v24;
	vm9 =	vge.s32 v8, v44  }
0x366: {  	v37 =	vadd.s32 v39, v37;
	v53 =	vsel vm9, $0x1, v24  }
0x367: {  	vm9 =	vge.s32 v8, v46;
	v37 =	vadd.s32 v52, v37;
	v42 =	vadd.s32 v6, v42  }
0x368: {  	v54 =	vsel vm9, $0x1, v24;
	vm9 =	vge.s32 v8, v47;
	v37 =	vadd.s32 v53, v37;
	[tilespmem:$0x390] =	vst v42  }
0x369: {  	v56 =	vsel vm9, $0x1, v24;
	vm9 =	vge.s32 v8, v43;
	v37 =	vadd.s32 v54, v37;
	v55 =	vld.idx.msk [tilespmem:v45+s4+$0x0], $0xffff  }
0x36a: {  	v57 =	vsel vm9, $0x1, v24;
	v37 =	vadd.s32 v56, v37  }
0x36b: {  	v37 =	vadd.s32 v57, v37;
	_ =	sdelay $0x1  }
0x36c: {  	v58 =	vshll.u32 v40, $0x2  }
0x36d: {  	v40 =	vand.u32 $0x7, v40;
	v38 =	vand.u32 $0xFFFFFFE0, v58;
	v39 =	vadd.s32 v7, v55  }
0x36e: {  	v38 =	vor.u32 v40, v38;
	[tilespmem:$0x3A0] =	vst v39  }
0x36f: {  	v59 =	vperm.xlane v38, v25;
	v37 =	vld.idx.msk [tilespmem:v37+s4+$0x0], $0xffff;
	_ =	sdelay $0x1  }
0x370: {  	v39 =	vadd.s32 v26, v59;
	_ =	sdelay $0x1  }
0x371: {  	v38 =	vperm.xlane v38, v27  }
0x372: {  	v37 =	vadd.s32 v8, v37  }
0x373: {  	s2 =	simm.s32 $0x10480;
	v60 =	vadd.s32 v26, v38;
	[tilespmem:$0x3B0] =	vst v37  }
0x374: {  	[hbm4b:s28+s4] =	stream.indirect_vreg.scatter [tilespmem:s2], [sflag:$0x6], $0x80, v39, vm8, $0xb8;
	[tilespmem:$0x18480] =	vst v63  }
0x375: {  	s9 =	simm.s32 $0x10C80  }
0x376: {  	[hbm4b:s10+s4] =	stream.indirect_vreg.scatter [tilespmem:s9], [sflag:$0x6], $0x80, v39, vm8, $0xb8;
	[tilespmem:$0x18480] =	vst v63  }
0x377: {  	s23 =	simm.s32 $0x11480  }
0x378: {  	[hbm4b:s28+s4] =	stream.indirect_vreg.scatter [tilespmem:s23], [sflag:$0x6], $0x80, v60, vm8, $0xb8;
	[tilespmem:$0x18480] =	vst v63  }
0x379: {  	s26 =	simm.s32 $0x11C80  }
0x37a: {  	[hbm4b:s10+s4] =	stream.indirect_vreg.scatter [tilespmem:s26], [sflag:$0x6], $0x80, v60, vm8, $0xb8;
	[tilespmem:$0x18480] =	vst v63  }
0x37b: {  	v37 =	vld [tilespmem:$0x390];
	_ =	sdelay $0x4  }
0x37c: {  	v61 =	vshll.u32 v37, $0x2  }
0x37d: {  	v37 =	vand.u32 $0x7, v37;
	v38 =	vand.u32 $0xFFFFFFE0, v61  }
0x37e: {  	v37 =	vor.u32 v37, v38  }
0x37f: {  	v38 =	vperm.xlane v37, v25;
	_ =	sdelay $0x1  }
0x380: {  	v38 =	vadd.s32 v26, v38;
	_ =	sdelay $0x1  }
0x381: {  	v37 =	vperm.xlane v37, v27;
	_ =	sdelay $0x1  }
0x382: {  	s3 =	simm.s32 $0x12480;
	v37 =	vadd.s32 v26, v37  }
0x383: {  	[hbm4b:s28+s4] =	stream.indirect_vreg.scatter [tilespmem:s3], [sflag:$0x6], $0x80, v38, vm8, $0xb8;
	[tilespmem:$0x18480] =	vst v63  }
0x384: {  	s9 =	simm.s32 $0x12C80  }
0x385: {  	[hbm4b:s10+s4] =	stream.indirect_vreg.scatter [tilespmem:s9], [sflag:$0x6], $0x80, v38, vm8, $0xb8;
	[tilespmem:$0x18480] =	vst v63  }
0x386: {  	s23 =	simm.s32 $0x13480  }
0x387: {  	[hbm4b:s28+s4] =	stream.indirect_vreg.scatter [tilespmem:s23], [sflag:$0x6], $0x80, v37, vm8, $0xb8;
	[tilespmem:$0x18480] =	vst v63  }
0x388: {  	s26 =	simm.s32 $0x13C80  }
0x389: {  	[hbm4b:s10+s4] =	stream.indirect_vreg.scatter [tilespmem:s26], [sflag:$0x6], $0x80, v37, vm8, $0xb8;
	[tilespmem:$0x18480] =	vst v63  }
0x38a: {  	v37 =	vld [tilespmem:$0x3A0];
	_ =	sdelay $0x4  }
0x38b: {  	v62 =	vshll.u32 v37, $0x2  }
0x38c: {  	v37 =	vand.u32 $0x7, v37;
	v38 =	vand.u32 $0xFFFFFFE0, v62  }
0x38d: {  	v37 =	vor.u32 v37, v38  }
0x38e: {  	v38 =	vperm.xlane v37, v25;
	_ =	sdelay $0x1  }
0x38f: {  	v38 =	vadd.s32 v26, v38;
	_ =	sdelay $0x1  }
0x390: {  	v37 =	vperm.xlane v37, v27;
	_ =	sdelay $0x1  }
0x391: {  	s3 =	simm.s32 $0x14480;
	v37 =	vadd.s32 v26, v37  }
0x392: {  	[hbm4b:s28+s4] =	stream.indirect_vreg.scatter [tilespmem:s3], [sflag:$0x6], $0x80, v38, vm8, $0xb8;
	[tilespmem:$0x18480] =	vst v63  }
0x393: {  	s9 =	simm.s32 $0x14C80  }
0x394: {  	[hbm4b:s10+s4] =	stream.indirect_vreg.scatter [tilespmem:s9], [sflag:$0x6], $0x80, v38, vm8, $0xb8;
	[tilespmem:$0x18480] =	vst v63  }
0x395: {  	s23 =	simm.s32 $0x15480  }
0x396: {  	[hbm4b:s28+s4] =	stream.indirect_vreg.scatter [tilespmem:s23], [sflag:$0x6], $0x80, v37, vm8, $0xb8;
	[tilespmem:$0x18480] =	vst v63  }
0x397: {  	s26 =	simm.s32 $0x15C80  }
0x398: {  	[hbm4b:s10+s4] =	stream.indirect_vreg.scatter [tilespmem:s26], [sflag:$0x6], $0x80, v37, vm8, $0xb8;
	[tilespmem:$0x18480] =	vst v63  }
0x399: {  	v37 =	vld [tilespmem:$0x3B0];
	_ =	sdelay $0x4  }
0x39a: {  	v63 =	vshll.u32 v37, $0x2  }
0x39b: {  	v37 =	vand.u32 $0x7, v37;
	v38 =	vand.u32 $0xFFFFFFE0, v63  }
0x39c: {  	v37 =	vor.u32 v37, v38  }
0x39d: {  	v38 =	vperm.xlane v37, v25;
	_ =	sdelay $0x1  }
0x39e: {  	v38 =	vadd.s32 v26, v38;
	_ =	sdelay $0x1  }
0x39f: {  	v37 =	vperm.xlane v37, v27;
	_ =	sdelay $0x1  }
0x3a0: {  	s3 =	simm.s32 $0x16480;
	v37 =	vadd.s32 v26, v37  }
0x3a1: {  	[hbm4b:s28+s4] =	stream.indirect_vreg.scatter [tilespmem:s3], [sflag:$0x6], $0x80, v38, vm8, $0xb8;
	[tilespmem:$0x18480] =	vst v63  }
0x3a2: {  	s9 =	simm.s32 $0x16C80  }
0x3a3: {  	[hbm4b:s10+s4] =	stream.indirect_vreg.scatter [tilespmem:s9], [sflag:$0x6], $0x80, v38, vm8, $0xb8;
	[tilespmem:$0x18480] =	vst v63  }
0x3a4: {  	s23 =	simm.s32 $0x17480  }
0x3a5: {  	[hbm4b:s28+s4] =	stream.indirect_vreg.scatter [tilespmem:s23], [sflag:$0x6], $0x80, v37, vm8, $0xb8;
	[tilespmem:$0x18480] =	vst v63  }
0x3a6: {  	s26 =	simm.s32 $0x17C80  }
0x3a7: {  	[hbm4b:s10+s4] =	stream.indirect_vreg.scatter [tilespmem:s26], [sflag:$0x6], $0x80, v37, vm8, $0xb8;
	[tilespmem:$0x18480] =	vst v63  }
0x3a8: {  	s23 =	simm.s32 $0x480;
	s26 =	simm.s32 $0x2  }
.LBB2_18:
0x3a9: {  	p0 =	sge.s32 s14, s16;
	s2 =	simm.s32 $0x1;
	s3 =	simm.s32 $0x1  }
0x3aa: {  	s9 =	simm.s32 $0x1;
	s2 =	simm.s32 @!p0 $0x0;
	p0 =	sge.s32 s18, s16  }
0x3ab: {  	p1 =	sge.s32 s14, s22;
	s3 =	simm.s32 @!p0 $0x0;
	p0 =	sge.s32 s14, s17  }
0x3ac: {  	s16 =	simm.s32 $0x1;
	s9 =	simm.s32 @!p0 $0x0;
	p0 =	sge.s32 s18, s17  }
0x3ad: {  	s17 =	simm.s32 $0x1;
	s16 =	simm.s32 @!p0 $0x0;
	p0 =	sge.s32 s14, s19  }
0x3ae: {  	s2 =	sadd.s32 s9, s2;
	s9 =	simm.s32 $0x1;
	s3 =	sadd.s32 s16, s3  }
0x3af: {  	s17 =	simm.s32 @!p0 $0x0;
	p0 =	sge.s32 s18, s19;
	s16 =	simm.s32 $0x1  }
0x3b0: {  	s19 =	simm.s32 $0x1;
	s2 =	sadd.s32 s17, s2;
	s9 =	simm.s32 @!p0 $0x0  }
0x3b1: {  	p0 =	sge.s32 s14, s20;
	s17 =	simm.s32 $0x1;
	s3 =	sadd.s32 s9, s3  }
0x3b2: {  	s16 =	simm.s32 @!p0 $0x0;
	p0 =	sge.s32 s18, s20;
	s9 =	simm.s32 $0x1  }
0x3b3: {  	s17 =	simm.s32 @!p1 $0x0;
	p1 =	sge.s32 s18, s22;
	s2 =	sadd.s32 s16, s2  }
0x3b4: {  	s9 =	simm.s32 @!p0 $0x0;
	p0 =	sge.s32 s14, s29;
	s16 =	simm.s32 $0x1  }
0x3b5: {  	s2 =	sadd.s32 s17, s2;
	s17 =	simm.s32 $0x1;
	s16 =	simm.s32 @!p0 $0x0  }
0x3b6: {  	s3 =	sadd.s32 s9, s3;
	p0 =	sge.s32 s18, s29;
	s9 =	simm.s32 $0x1  }
0x3b7: {  	s17 =	simm.s32 @!p1 $0x0;
	s2 =	sadd.s32 s16, s2;
	p1 =	sge.s32 s14, s25  }
0x3b8: {  	s16 =	simm.s32 $0x1;
	s9 =	simm.s32 @!p1 $0x0;
	p1 =	sge.s32 s14, s21  }
0x3b9: {  	s19 =	simm.s32 @!p0 $0x0;
	s2 =	sadd.s32 s9, s2;
	s16 =	simm.s32 @!p1 $0x0  }
0x3ba: {  	s3 =	sadd.s32 s17, s3;
	s17 =	simm.s32 $0x1;
	s2 =	sadd.s32 s16, s2  }
0x3bb: {  	s16 =	smov.u32 s24;
	s29 =	sadd.s32 $0x1, s2;
	p0 =	seq.s32 s2, $0x0  }
0x3bc: {  	s3 =	sadd.s32 s19, s3;
	s16 =	simm.s32 @!p0 $0x0;
	p0 =	seq.s32 s29, $0x2  }
0x3bd: {  	p1 =	sge.s32 s18, s25;
	s16 =	smov.u32 @p0 s15;
	p0 =	seq.s32 s29, $0x3  }
0x3be: {  	s17 =	simm.s32 @!p1 $0x0;
	s16 =	smov.u32 @p0 s8;
	p0 =	seq.s32 s29, $0x4  }
0x3bf: {  	p1 =	sge.s32 s18, s21;
	s16 =	smov.u32 @p0 s7;
	p0 =	seq.s32 s29, $0x5  }
0x3c0: {  	s3 =	sadd.s32 s17, s3;
	s16 =	smov.u32 @p0 s1;
	p0 =	seq.s32 s29, $0x6  }
0x3c1: {  	s17 =	simm.s32 $0x1;
	s16 =	smov.u32 @p0 s0;
	p0 =	seq.s32 s29, $0x7  }
0x3c2: {  	s17 =	simm.s32 @!p1 $0x0;
	s16 =	smov.u32 @p0 s31;
	p0 =	sgt.u32 s2, $0x6  }
0x3c3: {  	s3 =	sadd.s32 s17, s3;
	s16 =	smov.u32 @p0 s30  }
0x3c4: {  	p0 =	sne.s32 s2, s3;
	s2 =	sand.u32 $0x7, s16  }
0x3c5: {  	p1 =	sne.s32 @!p0 s2, $0x0  }
0x3c6: {  	p0 =	por p0, p1  }
.Ltmp13:
0x3c7: {  	_ = 	snop;
	(pc) =	sbr.rel @p0 .LBB2_20-.Ltmp13, $1  }
0x3c8: {  	_ =	sdelay $0x3  }
.Ltmp14:
0x3c9: {  	(pc) =	sbr.rel .LBB2_21-.Ltmp14, $4  }
0x3ca: {  	s2 =	sadd.s32 s14, s16;
	s3 =	simm.s32 $0x10480  }
0x3cb: {  	s25 =	simm.s32 $0x8480;
	s29 =	simm.s32 $0x3;
	s2 =	sshll.u32 s2, $0x6  }
0x3cc: {  	s19 =	simm.s32 $0x4;
	s20 =	simm.s32 $0x5;
	s2 =	sadd.s32 s28, s2  }
0x3cd: {  	[hbm4b:s2+s4] =	stream.linear.scatter [tilespmem:s3], [sflag:$0x6], $0x8000, $0x38;
	[tilespmem:$0x18480] =	vst v63  }
.LBB2_20:
0x3ce: {  	v37 =	vsub.s32 $0x1000, v30  }
0x3cf: {  	v38 =	vsub.s32 $0x800, v29;
	v39 =	vsub.s32 $0x1800, v31;
	v41 =	vsub.s32 $0x2000, v32  }
0x3d0: {  	v44 =	vsub.s32 $0x2800, v33;
	v46 =	vsub.s32 $0x3000, v35;
	vm9 =	vge.s32 v15, v37  }
0x3d1: {  	v47 =	vsub.s32 $0x3800, v36;
	vm10 =	vlt.s32 v15, v38;
	v40 =	vsel vm9, $0x1, v24  }
0x3d2: {  	vm9 =	vge.s32 v15, v39;
	v45 =	vsel vm10, $0x1, v17;
	vm10 =	vge.s32 v9, v37  }
0x3d3: {  	v42 =	vsel vm9, $0x1, v24;
	vm9 =	vge.s32 v15, v41;
	v40 =	vadd.s32 v40, v45  }
0x3d4: {  	v62 =	vsel vm10, $0x1, v24;
	vm10 =	vge.s32 v9, v39;
	v43 =	vsel vm9, $0x1, v24  }
0x3d5: {  	vm9 =	vge.s32 v15, v44;
	v40 =	vadd.s32 v42, v40;
	v48 =	vsel vm10, $0x1, v24  }
0x3d6: {  	vm10 =	vge.s32 v10, v37;
	v58 =	vsel vm9, $0x1, v24;
	vm9 =	vge.s32 v15, v46  }
0x3d7: {  	v40 =	vadd.s32 v43, v40;
	v43 =	vsub.s32 $0x4000, v34;
	v57 =	vsel vm10, $0x1, v24  }
0x3d8: {  	vm10 =	vge.s32 v10, v39;
	v59 =	vsel vm9, $0x1, v24;
	vm9 =	vge.s32 v15, v47  }
0x3d9: {  	v40 =	vadd.s32 v58, v40;
	v49 =	vsel vm10, $0x1, v24;
	vm10 =	vge.s32 v11, v37  }
0x3da: {  	v60 =	vsel vm9, $0x1, v24;
	vm9 =	vge.s32 v15, v43;
	v40 =	vadd.s32 v59, v40  }
0x3db: {  	v61 =	vsel vm9, $0x1, v24;
	v40 =	vadd.s32 v60, v40;
	vm9 =	vlt.s32 v9, v38  }
0x3dc: {  	v37 =	vsel vm10, $0x1, v24;
	v40 =	vadd.s32 v61, v40;
	v63 =	vsel vm9, $0x1, v17  }
0x3dd: {  	vm10 =	vge.s32 v11, v39;
	vm9 =	vge.s32 v9, v41;
	v42 =	vadd.s32 v62, v63  }
0x3de: {  	v52 =	vsel vm9, $0x1, v24;
	vm9 =	vge.s32 v9, v44;
	v42 =	vadd.s32 v48, v42  }
0x3df: {  	v53 =	vsel vm9, $0x1, v24;
	vm9 =	vge.s32 v9, v46;
	v42 =	vadd.s32 v52, v42  }
0x3e0: {  	v54 =	vsel vm9, $0x1, v24;
	vm9 =	vge.s32 v9, v47;
	v42 =	vadd.s32 v53, v42  }
0x3e1: {  	v55 =	vsel vm9, $0x1, v24;
	vm9 =	vge.s32 v9, v43;
	v40 =	vld.idx.msk [tilespmem:v40+s4+$0x0], $0xffff;
	v42 =	vadd.s32 v54, v42  }
0x3e2: {  	v56 =	vsel vm9, $0x1, v24;
	vm9 =	vlt.s32 v10, v38;
	v42 =	vadd.s32 v55, v42  }
0x3e3: {  	v58 =	vsel vm9, $0x1, v17;
	vm9 =	vge.s32 v10, v41;
	v42 =	vadd.s32 v56, v42  }
0x3e4: {  	v45 =	vadd.s32 v57, v58;
	v59 =	vsel vm9, $0x1, v24;
	vm9 =	vge.s32 v10, v44  }
0x3e5: {  	v39 =	vsel vm10, $0x1, v24;
	v45 =	vadd.s32 v49, v45;
	v60 =	vsel vm9, $0x1, v24  }
0x3e6: {  	vm9 =	vge.s32 v10, v46;
	v45 =	vadd.s32 v59, v45;
	v40 =	vadd.s32 v15, v40  }
0x3e7: {  	v61 =	vsel vm9, $0x1, v24;
	vm9 =	vge.s32 v10, v47;
	v45 =	vadd.s32 v60, v45;
	[tilespmem:$0x400] =	vst v40  }
0x3e8: {  	v62 =	vsel vm9, $0x1, v24;
	vm9 =	vge.s32 v10, v43;
	v45 =	vadd.s32 v61, v45;
	v42 =	vld.idx.msk [tilespmem:v42+s4+$0x0], $0xffff  }
0x3e9: {  	v63 =	vsel vm9, $0x1, v24;
	vm9 =	vlt.s32 v11, v38;
	v45 =	vadd.s32 v62, v45  }
0x3ea: {  	v38 =	vsel vm9, $0x1, v17;
	vm9 =	vge.s32 v11, v41;
	v45 =	vadd.s32 v63, v45  }
0x3eb: {  	v37 =	vadd.s32 v37, v38;
	v52 =	vsel vm9, $0x1, v24;
	vm9 =	vge.s32 v11, v44  }
0x3ec: {  	v37 =	vadd.s32 v39, v37;
	v53 =	vsel vm9, $0x1, v24  }
0x3ed: {  	vm9 =	vge.s32 v11, v46;
	v37 =	vadd.s32 v52, v37;
	v42 =	vadd.s32 v9, v42  }
0x3ee: {  	v54 =	vsel vm9, $0x1, v24;
	vm9 =	vge.s32 v11, v47;
	v37 =	vadd.s32 v53, v37;
	[tilespmem:$0x410] =	vst v42  }
0x3ef: {  	v56 =	vsel vm9, $0x1, v24;
	vm9 =	vge.s32 v11, v43;
	v37 =	vadd.s32 v54, v37;
	v55 =	vld.idx.msk [tilespmem:v45+s4+$0x0], $0xffff  }
0x3f0: {  	v57 =	vsel vm9, $0x1, v24;
	v37 =	vadd.s32 v56, v37  }
0x3f1: {  	v37 =	vadd.s32 v57, v37;
	_ =	sdelay $0x1  }
0x3f2: {  	v58 =	vshll.u32 v40, $0x2  }
0x3f3: {  	v40 =	vand.u32 $0x7, v40;
	v38 =	vand.u32 $0xFFFFFFE0, v58;
	v39 =	vadd.s32 v10, v55  }
0x3f4: {  	v38 =	vor.u32 v40, v38;
	[tilespmem:$0x420] =	vst v39  }
0x3f5: {  	v59 =	vperm.xlane v38, v25;
	v37 =	vld.idx.msk [tilespmem:v37+s4+$0x0], $0xffff;
	_ =	sdelay $0x1  }
0x3f6: {  	v39 =	vadd.s32 v26, v59;
	_ =	sdelay $0x1  }
0x3f7: {  	v38 =	vperm.xlane v38, v27  }
0x3f8: {  	v37 =	vadd.s32 v11, v37  }
0x3f9: {  	s2 =	simm.s32 $0x10480;
	v60 =	vadd.s32 v26, v38;
	[tilespmem:$0x430] =	vst v37  }
0x3fa: {  	[hbm4b:s28+s4] =	stream.indirect_vreg.scatter [tilespmem:s2], [sflag:$0x6], $0x80, v39, vm8, $0xb8;
	[tilespmem:$0x18480] =	vst v63  }
0x3fb: {  	s17 =	simm.s32 $0x10C80  }
0x3fc: {  	[hbm4b:s10+s4] =	stream.indirect_vreg.scatter [tilespmem:s17], [sflag:$0x6], $0x80, v39, vm8, $0xb8;
	[tilespmem:$0x18480] =	vst v63  }
0x3fd: {  	s19 =	simm.s32 $0x11480  }
0x3fe: {  	[hbm4b:s28+s4] =	stream.indirect_vreg.scatter [tilespmem:s19], [sflag:$0x6], $0x80, v60, vm8, $0xb8;
	[tilespmem:$0x18480] =	vst v63  }
0x3ff: {  	s20 =	simm.s32 $0x11C80  }
0x400: {  	[hbm4b:s10+s4] =	stream.indirect_vreg.scatter [tilespmem:s20], [sflag:$0x6], $0x80, v60, vm8, $0xb8;
	[tilespmem:$0x18480] =	vst v63  }
0x401: {  	v37 =	vld [tilespmem:$0x410];
	_ =	sdelay $0x4  }
0x402: {  	v61 =	vshll.u32 v37, $0x2  }
0x403: {  	v37 =	vand.u32 $0x7, v37;
	v38 =	vand.u32 $0xFFFFFFE0, v61  }
0x404: {  	v37 =	vor.u32 v37, v38  }
0x405: {  	v38 =	vperm.xlane v37, v25;
	_ =	sdelay $0x1  }
0x406: {  	v38 =	vadd.s32 v26, v38;
	_ =	sdelay $0x1  }
0x407: {  	v37 =	vperm.xlane v37, v27;
	_ =	sdelay $0x1  }
0x408: {  	s21 =	simm.s32 $0x12480;
	v37 =	vadd.s32 v26, v37  }
0x409: {  	[hbm4b:s28+s4] =	stream.indirect_vreg.scatter [tilespmem:s21], [sflag:$0x6], $0x80, v38, vm8, $0xb8;
	[tilespmem:$0x18480] =	vst v63  }
0x40a: {  	s22 =	simm.s32 $0x12C80  }
0x40b: {  	[hbm4b:s10+s4] =	stream.indirect_vreg.scatter [tilespmem:s22], [sflag:$0x6], $0x80, v38, vm8, $0xb8;
	[tilespmem:$0x18480] =	vst v63  }
0x40c: {  	s25 =	simm.s32 $0x13480  }
0x40d: {  	[hbm4b:s28+s4] =	stream.indirect_vreg.scatter [tilespmem:s25], [sflag:$0x6], $0x80, v37, vm8, $0xb8;
	[tilespmem:$0x18480] =	vst v63  }
0x40e: {  	s3 =	simm.s32 $0x13C80  }
0x40f: {  	[hbm4b:s10+s4] =	stream.indirect_vreg.scatter [tilespmem:s3], [sflag:$0x6], $0x80, v37, vm8, $0xb8;
	[tilespmem:$0x18480] =	vst v63  }
0x410: {  	v37 =	vld [tilespmem:$0x420];
	_ =	sdelay $0x4  }
0x411: {  	v62 =	vshll.u32 v37, $0x2  }
0x412: {  	v37 =	vand.u32 $0x7, v37;
	v38 =	vand.u32 $0xFFFFFFE0, v62  }
0x413: {  	v37 =	vor.u32 v37, v38  }
0x414: {  	v38 =	vperm.xlane v37, v25;
	_ =	sdelay $0x1  }
0x415: {  	v38 =	vadd.s32 v26, v38;
	_ =	sdelay $0x1  }
0x416: {  	v37 =	vperm.xlane v37, v27;
	_ =	sdelay $0x1  }
0x417: {  	s9 =	simm.s32 $0x14480;
	v37 =	vadd.s32 v26, v37  }
0x418: {  	[hbm4b:s28+s4] =	stream.indirect_vreg.scatter [tilespmem:s9], [sflag:$0x6], $0x80, v38, vm8, $0xb8;
	[tilespmem:$0x18480] =	vst v63  }
0x419: {  	s16 =	simm.s32 $0x14C80  }
0x41a: {  	[hbm4b:s10+s4] =	stream.indirect_vreg.scatter [tilespmem:s16], [sflag:$0x6], $0x80, v38, vm8, $0xb8;
	[tilespmem:$0x18480] =	vst v63  }
0x41b: {  	s17 =	simm.s32 $0x15480  }
0x41c: {  	[hbm4b:s28+s4] =	stream.indirect_vreg.scatter [tilespmem:s17], [sflag:$0x6], $0x80, v37, vm8, $0xb8;
	[tilespmem:$0x18480] =	vst v63  }
0x41d: {  	s19 =	simm.s32 $0x15C80  }
0x41e: {  	[hbm4b:s10+s4] =	stream.indirect_vreg.scatter [tilespmem:s19], [sflag:$0x6], $0x80, v37, vm8, $0xb8;
	[tilespmem:$0x18480] =	vst v63  }
0x41f: {  	v37 =	vld [tilespmem:$0x430];
	_ =	sdelay $0x4  }
0x420: {  	v63 =	vshll.u32 v37, $0x2  }
0x421: {  	v37 =	vand.u32 $0x7, v37;
	v38 =	vand.u32 $0xFFFFFFE0, v63  }
0x422: {  	v37 =	vor.u32 v37, v38  }
0x423: {  	v38 =	vperm.xlane v37, v25;
	_ =	sdelay $0x1  }
0x424: {  	v38 =	vadd.s32 v26, v38;
	_ =	sdelay $0x1  }
0x425: {  	v37 =	vperm.xlane v37, v27;
	_ =	sdelay $0x1  }
0x426: {  	s20 =	simm.s32 $0x16480;
	v37 =	vadd.s32 v26, v37  }
0x427: {  	[hbm4b:s28+s4] =	stream.indirect_vreg.scatter [tilespmem:s20], [sflag:$0x6], $0x80, v38, vm8, $0xb8;
	[tilespmem:$0x18480] =	vst v63  }
0x428: {  	s21 =	simm.s32 $0x16C80  }
0x429: {  	[hbm4b:s10+s4] =	stream.indirect_vreg.scatter [tilespmem:s21], [sflag:$0x6], $0x80, v38, vm8, $0xb8;
	[tilespmem:$0x18480] =	vst v63  }
0x42a: {  	s22 =	simm.s32 $0x17480  }
0x42b: {  	[hbm4b:s28+s4] =	stream.indirect_vreg.scatter [tilespmem:s22], [sflag:$0x6], $0x80, v37, vm8, $0xb8;
	[tilespmem:$0x18480] =	vst v63  }
0x42c: {  	s29 =	simm.s32 $0x3;
	s25 =	simm.s32 $0x17C80  }
0x42d: {  	[hbm4b:s10+s4] =	stream.indirect_vreg.scatter [tilespmem:s25], [sflag:$0x6], $0x80, v37, vm8, $0xb8;
	[tilespmem:$0x18480] =	vst v63  }
0x42e: {  	s19 =	simm.s32 $0x4;
	s20 =	simm.s32 $0x5;
	s25 =	simm.s32 $0x8480  }
.LBB2_21:
0x42f: {  	_ =	swait.ge [sflag:s19], $0x8000  }
0x430: {  	[sflag:s19] =	ssyncset.done $0x0  }
0x431: {  	s2 =	rddreg [dreg:$0x8];
	[sflag:s19] =	ssyncadd.s32 $0xFFFF8000  }
0x432: {  	[tilespmem:s23], [sflag:$0x2] =	stream.linear.gather [hbm4b:s2+s4], $0x8000, $0x38;
	[tilespmem:$0x18480] =	vst v63  }
0x433: {  	p0 =	sge.s32 s12, s24;
	s2 =	simm.s32 $0x1  }
0x434: {  	s3 =	simm.s32 $0x1;
	s2 =	simm.s32 @!p0 $0x0;
	p0 =	sge.s32 s13, s24  }
0x435: {  	s9 =	simm.s32 $0x1;
	s3 =	simm.s32 @!p0 $0x0;
	p0 =	sge.s32 s12, s15  }
0x436: {  	s16 =	simm.s32 $0x1;
	s9 =	simm.s32 @!p0 $0x0;
	p0 =	sge.s32 s13, s15  }
0x437: {  	s17 =	simm.s32 $0x1;
	p1 =	sge.s32 s12, s1;
	s16 =	simm.s32 @!p0 $0x0  }
0x438: {  	p0 =	sge.s32 s12, s8;
	s2 =	sadd.s32 s9, s2;
	s9 =	simm.s32 $0x1  }
0x439: {  	s3 =	sadd.s32 s16, s3;
	s17 =	simm.s32 @!p0 $0x0;
	p0 =	sge.s32 s13, s8  }
0x43a: {  	s16 =	simm.s32 $0x1;
	s2 =	sadd.s32 s17, s2;
	s9 =	simm.s32 @!p0 $0x0  }
0x43b: {  	p0 =	sge.s32 s12, s7;
	s17 =	simm.s32 $0x1;
	s3 =	sadd.s32 s9, s3  }
0x43c: {  	s16 =	simm.s32 @!p0 $0x0;
	p0 =	sge.s32 s13, s7;
	s9 =	simm.s32 $0x1  }
0x43d: {  	s17 =	simm.s32 @!p1 $0x0;
	p1 =	sge.s32 s13, s1;
	s2 =	sadd.s32 s16, s2  }
0x43e: {  	s9 =	simm.s32 @!p0 $0x0;
	p0 =	sge.s32 s12, s0;
	s16 =	simm.s32 $0x1  }
0x43f: {  	s2 =	sadd.s32 s17, s2;
	s17 =	simm.s32 $0x1;
	s16 =	simm.s32 @!p0 $0x0  }
0x440: {  	s3 =	sadd.s32 s9, s3;
	p0 =	sge.s32 s13, s0;
	s9 =	simm.s32 $0x1  }
0x441: {  	s17 =	simm.s32 @!p1 $0x0;
	s2 =	sadd.s32 s16, s2;
	p1 =	sge.s32 s12, s31  }
0x442: {  	s16 =	simm.s32 $0x1;
	s9 =	simm.s32 @!p1 $0x0;
	p1 =	sge.s32 s12, s30  }
0x443: {  	s2 =	sadd.s32 s9, s2;
	s9 =	simm.s32 $0x1;
	s16 =	simm.s32 @!p1 $0x0  }
0x444: {  	s3 =	sadd.s32 s17, s3;
	s9 =	simm.s32 @!p0 $0x0;
	s2 =	sadd.s32 s16, s2  }
0x445: {  	s3 =	sadd.s32 s9, s3;
	p0 =	seq.s32 s2, $0x1;
	s9 =	smov.u32 s24  }
0x446: {  	p1 =	sge.s32 s13, s31;
	s9 =	simm.s32 @!p0 $0x0;
	p0 =	seq.s32 s2, $0x2  }
0x447: {  	s16 =	simm.s32 $0x1;
	s9 =	smov.u32 @p0 s15;
	p0 =	seq.s32 s2, $0x3  }
0x448: {  	s16 =	simm.s32 @!p1 $0x0;
	s9 =	smov.u32 @p0 s8;
	p0 =	seq.s32 s2, $0x4  }
0x449: {  	p1 =	sge.s32 s13, s30;
	s9 =	smov.u32 @p0 s7;
	p0 =	seq.s32 s2, $0x5  }
0x44a: {  	s22 =	sshll.u32 s2, $0xB;
	s9 =	smov.u32 @p0 s1;
	p0 =	seq.s32 s2, $0x6  }
0x44b: {  	s3 =	sadd.s32 s16, s3;
	s9 =	smov.u32 @p0 s0;
	p0 =	seq.s32 s2, $0x7  }
0x44c: {  	s16 =	simm.s32 $0x1;
	s9 =	smov.u32 @p0 s31;
	p0 =	seq.s32 s2, $0x8  }
0x44d: {  	s17 =	sadd.s32 s12, s22;
	s16 =	simm.s32 @!p1 $0x0;
	s9 =	smov.u32 @p0 s30  }
0x44e: {  	s3 =	sadd.s32 s16, s3;
	s16 =	ssub.s32 s17, s9  }
0x44f: {  	p0 =	sne.s32 s2, s3;
	s2 =	sand.u32 $0x7, s16  }
0x450: {  	_ =	swait.ge [sflag:s20], $0x8000;
	p1 =	sne.s32 @!p0 s2, $0x0  }
0x451: {  	[sflag:s20] =	ssyncset.done $0x0;
	p0 =	por p0, p1  }
.Ltmp15:
0x452: {  	s21 =	rddreg [dreg:$0x9];
	[sflag:s20] =	ssyncadd.s32 $0xFFFF8000;
	(pc) =	sbr.rel @p0 .LBB2_23-.Ltmp15, $4  }
0x453: {  	[tilespmem:s25], [sflag:$0x3] =	stream.linear.gather [hbm4b:s21+s4], $0x8000, $0x38;
	[tilespmem:$0x18480] =	vst v63  }
0x454: {  	_ =	swait.ge [sflag:s26], $0x8000  }
0x455: {  	[sflag:s26] =	ssyncset.done $0x0  }
0x456: {  	[sflag:s26] =	ssyncadd.s32 $0xFFFF8000  }
.Ltmp16:
0x457: {  	(pc) =	sbr.rel .LBB2_24-.Ltmp16, $4  }
0x458: {  	_ = 	snop  }
0x459: {  	s2 =	sshll.u32 s16, $0x6  }
0x45a: {  	s2 =	sadd.s32 s28, s2  }
0x45b: {  	[hbm4b:s2+s4] =	stream.linear.scatter [tilespmem:s23], [sflag:$0x4], $0x8000, $0x38;
	[tilespmem:$0x18480] =	vst v63  }
.LBB2_23:
0x45c: {  	vm9 =	vge.s32 v14, v29  }
0x45d: {  	vm10 =	vge.s32 v14, v31;
	v37 =	vsel vm9, $0x1, v24;
	vm9 =	vge.s32 v14, v30  }
0x45e: {  	v39 =	vsel vm10, $0x1, v24;
	v38 =	vsel vm9, $0x1, v24;
	vm9 =	vge.s32 v14, v32  }
0x45f: {  	v37 =	vadd.s32 v37, v38;
	v50 =	vsel vm9, $0x1, v24;
	vm9 =	vge.s32 v14, v33  }
0x460: {  	v37 =	vadd.s32 v39, v37;
	v51 =	vsel vm9, $0x1, v24;
	vm9 =	vge.s32 v14, v35  }
0x461: {  	v37 =	vadd.s32 v50, v37;
	v52 =	vsel vm9, $0x1, v24;
	vm9 =	vge.s32 v14, v36  }
0x462: {  	v37 =	vadd.s32 v51, v37;
	v53 =	vsel vm9, $0x1, v24;
	vm9 =	vge.s32 v14, v34  }
0x463: {  	v37 =	vadd.s32 v52, v37;
	v54 =	vsel vm9, $0x1, v24;
	vm9 =	vge.s32 v6, v29  }
0x464: {  	v37 =	vadd.s32 v53, v37;
	v55 =	vsel vm9, $0x1, v24;
	vm9 =	vge.s32 v6, v30  }
0x465: {  	v37 =	vadd.s32 v54, v37;
	v56 =	vsel vm9, $0x1, v24;
	vm9 =	vge.s32 v6, v31  }
0x466: {  	v38 =	vadd.s32 v55, v56;
	v57 =	vsel vm9, $0x1, v24;
	vm9 =	vge.s32 v6, v32  }
0x467: {  	v38 =	vadd.s32 v57, v38;
	v58 =	vsel vm9, $0x1, v24;
	vm9 =	vge.s32 v6, v33  }
0x468: {  	v38 =	vadd.s32 v58, v38;
	v59 =	vsel vm9, $0x1, v24;
	vm9 =	vge.s32 v6, v35  }
0x469: {  	v38 =	vadd.s32 v59, v38;
	v60 =	vsel vm9, $0x1, v24;
	vm9 =	vge.s32 v6, v36  }
0x46a: {  	v40 =	vld.idx.msk [tilespmem:v37+s4+$0x0], $0xffff;
	v38 =	vadd.s32 v60, v38;
	v61 =	vsel vm9, $0x1, v24;
	vm9 =	vge.s32 v6, v34  }
0x46b: {  	v38 =	vadd.s32 v61, v38;
	v62 =	vsel vm9, $0x1, v24  }
0x46c: {  	v38 =	vadd.s32 v62, v38  }
0x46d: {  	v37 =	vshll.u32 v37, $0xB  }
0x46e: {  	v37 =	vadd.s32 v14, v37  }
0x46f: {  	v37 =	vsub.s32 v37, v40  }
0x470: {  	vm9 =	vge.s32 v7, v29;
	[tilespmem:$0x180] =	vst v37  }
0x471: {  	v63 =	vsel vm9, $0x1, v24;
	vm9 =	vge.s32 v7, v30;
	v39 =	vld.idx.msk [tilespmem:v38+s4+$0x0], $0xffff  }
0x472: {  	v41 =	vsel vm9, $0x1, v24;
	vm9 =	vge.s32 v7, v31  }
0x473: {  	v44 =	vsel vm9, $0x1, v24;
	vm9 =	vge.s32 v7, v32  }
0x474: {  	v45 =	vsel vm9, $0x1, v24;
	vm9 =	vge.s32 v7, v33;
	v38 =	vshll.u32 v38, $0xB  }
0x475: {  	v40 =	vadd.s32 v63, v41;
	v46 =	vsel vm9, $0x1, v24;
	v38 =	vadd.s32 v6, v38  }
0x476: {  	vm9 =	vge.s32 v7, v35;
	v38 =	vsub.s32 v38, v39;
	v39 =	vadd.s32 v44, v40  }
0x477: {  	v47 =	vsel vm9, $0x1, v24;
	vm9 =	vge.s32 v7, v36;
	v39 =	vadd.s32 v45, v39  }
0x478: {  	v48 =	vsel vm9, $0x1, v24;
	vm9 =	vge.s32 v7, v34;
	v39 =	vadd.s32 v46, v39  }
0x479: {  	v49 =	vsel vm9, $0x1, v24;
	vm9 =	vge.s32 v8, v29;
	v39 =	vadd.s32 v47, v39  }
0x47a: {  	v50 =	vsel vm9, $0x1, v24;
	vm9 =	vge.s32 v8, v30;
	v39 =	vadd.s32 v48, v39  }
0x47b: {  	v51 =	vsel vm9, $0x1, v24;
	vm9 =	vge.s32 v8, v31;
	v39 =	vadd.s32 v49, v39  }
0x47c: {  	v40 =	vadd.s32 v50, v51;
	v52 =	vsel vm9, $0x1, v24;
	vm9 =	vge.s32 v8, v32  }
0x47d: {  	v40 =	vadd.s32 v52, v40;
	v53 =	vsel vm9, $0x1, v24;
	vm9 =	vge.s32 v8, v33  }
0x47e: {  	v40 =	vadd.s32 v53, v40;
	v54 =	vsel vm9, $0x1, v24;
	vm9 =	vge.s32 v8, v35  }
0x47f: {  	[tilespmem:$0x190] =	vst v38;
	v55 =	vadd.s32 v54, v40;
	v56 =	vsel vm9, $0x1, v24;
	vm9 =	vge.s32 v8, v36  }
0x480: {  	v38 =	vadd.s32 v56, v55;
	v58 =	vsel vm9, $0x1, v24;
	vm9 =	vge.s32 v8, v34;
	v57 =	vld.idx.msk [tilespmem:v39+s4+$0x0], $0xffff  }
0x481: {  	v38 =	vadd.s32 v58, v38;
	v59 =	vsel vm9, $0x1, v24  }
0x482: {  	v38 =	vadd.s32 v59, v38  }
0x483: {  	v39 =	vshll.u32 v39, $0xB  }
0x484: {  	v60 =	vshll.u32 v37, $0x2;
	v39 =	vadd.s32 v7, v39  }
0x485: {  	v37 =	vand.u32 $0x7, v37;
	v40 =	vand.u32 $0xFFFFFFE0, v60;
	v39 =	vsub.s32 v39, v57  }
0x486: {  	v37 =	vor.u32 v37, v40;
	[tilespmem:$0x1A0] =	vst v39  }
0x487: {  	v40 =	vperm.xlane v37, v25;
	v39 =	vld.idx.msk [tilespmem:v38+s4+$0x0], $0xffff;
	_ =	sdelay $0x1  }
0x488: {  	v40 =	vadd.s32 v26, v40  }
0x489: {  	v38 =	vshll.u32 v38, $0xB  }
0x48a: {  	v37 =	vperm.xlane v37, v27;
	v38 =	vadd.s32 v8, v38  }
0x48b: {  	v38 =	vsub.s32 v38, v39  }
0x48c: {  	v37 =	vadd.s32 v26, v37;
	[tilespmem:$0x1B0] =	vst v38  }
0x48d: {  	[hbm4b:s28+s4] =	stream.indirect_vreg.scatter [tilespmem:s23], [sflag:$0x4], $0x80, v40, vm8, $0xb8;
	[tilespmem:$0x18480] =	vst v63  }
0x48e: {  	s2 =	simm.s32 $0xC80  }
0x48f: {  	[hbm4b:s10+s4] =	stream.indirect_vreg.scatter [tilespmem:s2], [sflag:$0x4], $0x80, v40, vm8, $0xb8;
	[tilespmem:$0x18480] =	vst v63  }
0x490: {  	s21 =	simm.s32 $0x1480  }
0x491: {  	[hbm4b:s28+s4] =	stream.indirect_vreg.scatter [tilespmem:s21], [sflag:$0x4], $0x80, v37, vm8, $0xb8;
	[tilespmem:$0x18480] =	vst v63  }
0x492: {  	s22 =	simm.s32 $0x1C80  }
0x493: {  	[hbm4b:s10+s4] =	stream.indirect_vreg.scatter [tilespmem:s22], [sflag:$0x4], $0x80, v37, vm8, $0xb8;
	[tilespmem:$0x18480] =	vst v63  }
0x494: {  	v37 =	vld [tilespmem:$0x190];
	_ =	sdelay $0x4  }
0x495: {  	v61 =	vshll.u32 v37, $0x2  }
0x496: {  	v37 =	vand.u32 $0x7, v37;
	v38 =	vand.u32 $0xFFFFFFE0, v61  }
0x497: {  	v37 =	vor.u32 v37, v38  }
0x498: {  	v38 =	vperm.xlane v37, v25;
	_ =	sdelay $0x1  }
0x499: {  	v38 =	vadd.s32 v26, v38;
	_ =	sdelay $0x1  }
0x49a: {  	v37 =	vperm.xlane v37, v27;
	_ =	sdelay $0x1  }
0x49b: {  	s3 =	simm.s32 $0x2480;
	v37 =	vadd.s32 v26, v37  }
0x49c: {  	[hbm4b:s28+s4] =	stream.indirect_vreg.scatter [tilespmem:s3], [sflag:$0x4], $0x80, v38, vm8, $0xb8;
	[tilespmem:$0x18480] =	vst v63  }
0x49d: {  	s9 =	simm.s32 $0x2C80  }
0x49e: {  	[hbm4b:s10+s4] =	stream.indirect_vreg.scatter [tilespmem:s9], [sflag:$0x4], $0x80, v38, vm8, $0xb8;
	[tilespmem:$0x18480] =	vst v63  }
0x49f: {  	s16 =	simm.s32 $0x3480  }
0x4a0: {  	[hbm4b:s28+s4] =	stream.indirect_vreg.scatter [tilespmem:s16], [sflag:$0x4], $0x80, v37, vm8, $0xb8;
	[tilespmem:$0x18480] =	vst v63  }
0x4a1: {  	s17 =	simm.s32 $0x3C80  }
0x4a2: {  	[hbm4b:s10+s4] =	stream.indirect_vreg.scatter [tilespmem:s17], [sflag:$0x4], $0x80, v37, vm8, $0xb8;
	[tilespmem:$0x18480] =	vst v63  }
0x4a3: {  	v37 =	vld [tilespmem:$0x1A0];
	_ =	sdelay $0x4  }
0x4a4: {  	v62 =	vshll.u32 v37, $0x2  }
0x4a5: {  	v37 =	vand.u32 $0x7, v37;
	v38 =	vand.u32 $0xFFFFFFE0, v62  }
0x4a6: {  	v37 =	vor.u32 v37, v38  }
0x4a7: {  	v38 =	vperm.xlane v37, v25;
	_ =	sdelay $0x1  }
0x4a8: {  	v38 =	vadd.s32 v26, v38;
	_ =	sdelay $0x1  }
0x4a9: {  	v37 =	vperm.xlane v37, v27;
	_ =	sdelay $0x1  }
0x4aa: {  	s21 =	simm.s32 $0x4480;
	v37 =	vadd.s32 v26, v37  }
0x4ab: {  	[hbm4b:s28+s4] =	stream.indirect_vreg.scatter [tilespmem:s21], [sflag:$0x4], $0x80, v38, vm8, $0xb8;
	[tilespmem:$0x18480] =	vst v63  }
0x4ac: {  	s22 =	simm.s32 $0x4C80  }
0x4ad: {  	[hbm4b:s10+s4] =	stream.indirect_vreg.scatter [tilespmem:s22], [sflag:$0x4], $0x80, v38, vm8, $0xb8;
	[tilespmem:$0x18480] =	vst v63  }
0x4ae: {  	s3 =	simm.s32 $0x5480  }
0x4af: {  	[hbm4b:s28+s4] =	stream.indirect_vreg.scatter [tilespmem:s3], [sflag:$0x4], $0x80, v37, vm8, $0xb8;
	[tilespmem:$0x18480] =	vst v63  }
0x4b0: {  	s9 =	simm.s32 $0x5C80  }
0x4b1: {  	[hbm4b:s10+s4] =	stream.indirect_vreg.scatter [tilespmem:s9], [sflag:$0x4], $0x80, v37, vm8, $0xb8;
	[tilespmem:$0x18480] =	vst v63  }
0x4b2: {  	v37 =	vld [tilespmem:$0x1B0];
	_ =	sdelay $0x4  }
0x4b3: {  	v63 =	vshll.u32 v37, $0x2  }
0x4b4: {  	v37 =	vand.u32 $0x7, v37;
	v38 =	vand.u32 $0xFFFFFFE0, v63  }
0x4b5: {  	v37 =	vor.u32 v37, v38  }
0x4b6: {  	v38 =	vperm.xlane v37, v25;
	_ =	sdelay $0x1  }
0x4b7: {  	v38 =	vadd.s32 v26, v38;
	_ =	sdelay $0x1  }
0x4b8: {  	v37 =	vperm.xlane v37, v27;
	_ =	sdelay $0x1  }
0x4b9: {  	s16 =	simm.s32 $0x6480;
	v37 =	vadd.s32 v26, v37  }
0x4ba: {  	[hbm4b:s28+s4] =	stream.indirect_vreg.scatter [tilespmem:s16], [sflag:$0x4], $0x80, v38, vm8, $0xb8;
	[tilespmem:$0x18480] =	vst v63  }
0x4bb: {  	s17 =	simm.s32 $0x6C80  }
0x4bc: {  	[hbm4b:s10+s4] =	stream.indirect_vreg.scatter [tilespmem:s17], [sflag:$0x4], $0x80, v38, vm8, $0xb8;
	[tilespmem:$0x18480] =	vst v63  }
0x4bd: {  	s21 =	simm.s32 $0x7480  }
0x4be: {  	[hbm4b:s28+s4] =	stream.indirect_vreg.scatter [tilespmem:s21], [sflag:$0x4], $0x80, v37, vm8, $0xb8;
	[tilespmem:$0x18480] =	vst v63  }
0x4bf: {  	s22 =	simm.s32 $0x7C80  }
0x4c0: {  	[hbm4b:s10+s4] =	stream.indirect_vreg.scatter [tilespmem:s22], [sflag:$0x4], $0x80, v37, vm8, $0xb8;
	[tilespmem:$0x18480] =	vst v63  }
.LBB2_24:
0x4c1: {  	p0 =	sge.s32 s14, s24  }
0x4c2: {  	s2 =	simm.s32 $0x1;
	s3 =	simm.s32 $0x1;
	s9 =	simm.s32 $0x1  }
0x4c3: {  	s16 =	simm.s32 $0x1;
	s2 =	simm.s32 @!p0 $0x0;
	p0 =	sge.s32 s18, s24  }
0x4c4: {  	s17 =	simm.s32 $0x1;
	s3 =	simm.s32 @!p0 $0x0;
	p0 =	sge.s32 s14, s15  }
0x4c5: {  	p1 =	sge.s32 s14, s1;
	s9 =	simm.s32 @!p0 $0x0;
	p0 =	sge.s32 s18, s15  }
0x4c6: {  	s16 =	simm.s32 @!p0 $0x0;
	p0 =	sge.s32 s14, s8;
	s2 =	sadd.s32 s9, s2  }
0x4c7: {  	s9 =	simm.s32 $0x1;
	s3 =	sadd.s32 s16, s3;
	s17 =	simm.s32 @!p0 $0x0  }
0x4c8: {  	p0 =	sge.s32 s18, s8;
	s16 =	simm.s32 $0x1;
	s2 =	sadd.s32 s17, s2  }
0x4c9: {  	s9 =	simm.s32 @!p0 $0x0;
	p0 =	sge.s32 s14, s7;
	s17 =	simm.s32 $0x1  }
0x4ca: {  	s3 =	sadd.s32 s9, s3;
	s16 =	simm.s32 @!p0 $0x0;
	p0 =	sge.s32 s18, s7  }
0x4cb: {  	s9 =	simm.s32 $0x1;
	s17 =	simm.s32 @!p1 $0x0;
	p1 =	sge.s32 s18, s1  }
0x4cc: {  	s2 =	sadd.s32 s16, s2;
	s9 =	simm.s32 @!p0 $0x0;
	p0 =	sge.s32 s14, s0  }
0x4cd: {  	s16 =	simm.s32 $0x1;
	s2 =	sadd.s32 s17, s2;
	s17 =	simm.s32 $0x1  }
0x4ce: {  	s16 =	simm.s32 @!p0 $0x0;
	s3 =	sadd.s32 s9, s3;
	s9 =	simm.s32 $0x1  }
0x4cf: {  	s17 =	simm.s32 @!p1 $0x0;
	s2 =	sadd.s32 s16, s2;
	p1 =	sge.s32 s14, s31  }
0x4d0: {  	s16 =	simm.s32 $0x1;
	s9 =	simm.s32 @!p1 $0x0;
	p1 =	sge.s32 s14, s30  }
0x4d1: {  	p0 =	sge.s32 s18, s0;
	s2 =	sadd.s32 s9, s2;
	s16 =	simm.s32 @!p1 $0x0  }
0x4d2: {  	s3 =	sadd.s32 s17, s3;
	s9 =	simm.s32 $0x1;
	s2 =	sadd.s32 s16, s2  }
0x4d3: {  	p1 =	sge.s32 s18, s31;
	s9 =	simm.s32 @!p0 $0x0;
	p0 =	seq.s32 s2, $0x1  }
0x4d4: {  	s3 =	sadd.s32 s9, s3;
	s24 =	simm.s32 @!p0 $0x0;
	p0 =	seq.s32 s2, $0x2  }
0x4d5: {  	s9 =	simm.s32 $0x1;
	s24 =	smov.u32 @p0 s15;
	p0 =	seq.s32 s2, $0x3  }
0x4d6: {  	s22 =	sshll.u32 s2, $0xB;
	s24 =	smov.u32 @p0 s8;
	p0 =	seq.s32 s2, $0x4  }
0x4d7: {  	s9 =	simm.s32 @!p1 $0x0;
	s24 =	smov.u32 @p0 s7;
	p0 =	seq.s32 s2, $0x5  }
0x4d8: {  	p1 =	sge.s32 s18, s30;
	s24 =	smov.u32 @p0 s1;
	p0 =	seq.s32 s2, $0x6  }
0x4d9: {  	s3 =	sadd.s32 s9, s3;
	s24 =	smov.u32 @p0 s0;
	p0 =	seq.s32 s2, $0x7  }
0x4da: {  	s1 =	simm.s32 $0x1;
	s24 =	smov.u32 @p0 s31;
	p0 =	seq.s32 s2, $0x8  }
0x4db: {  	s1 =	simm.s32 @!p1 $0x0;
	s0 =	sadd.s32 s14, s22;
	s24 =	smov.u32 @p0 s30  }
0x4dc: {  	s1 =	sadd.s32 s1, s3;
	s0 =	ssub.s32 s0, s24  }
0x4dd: {  	p0 =	sne.s32 s2, s1;
	s1 =	sand.u32 $0x7, s0  }
0x4de: {  	p1 =	sne.s32 @!p0 s1, $0x0  }
0x4df: {  	p0 =	por p0, p1  }
.Ltmp17:
0x4e0: {  	_ = 	snop;
	(pc) =	sbr.rel @p0 .LBB2_26-.Ltmp17, $4  }
0x4e1: {  	_ = 	snop  }
0x4e2: {  	_ =	swait.ge [sflag:s29], $0x8000  }
0x4e3: {  	[sflag:s29] =	ssyncset.done $0x0  }
0x4e4: {  	[sflag:s29] =	ssyncadd.s32 $0xFFFF8000  }
.Ltmp18:
0x4e5: {  	(pc) =	sbr.rel .LBB2_27-.Ltmp18, $4  }
0x4e6: {  	_ = 	snop  }
0x4e7: {  	s0 =	sshll.u32 s0, $0x6  }
0x4e8: {  	s2 =	rddreg [dreg:$0xb];
	s0 =	sadd.s32 s28, s0  }
0x4e9: {  	[hbm4b:s0+s4] =	stream.linear.scatter [tilespmem:s25], [sflag:$0x5], $0x8000, $0x38;
	[tilespmem:$0x18480] =	vst v63  }
.LBB2_28:
0x4ea: {  	_ =	sfence.sel $0x180000  }
0x4eb: {  	[bflag:$0x0] =	sbarrier.arrive $0xFFFF  }
0x4ec: {  	_ =	strace $0x90000047  }
0x4ed: {  	s0 =	stileid.u32;
	[bflag:$0x2] =	sbarrier.arrive $0xFFFF  }
0x4ee: {  	p0 =	sne.s32 s0, $0x0;
	s0 =	rddreg [dreg:$0x3]  }
0x4ef: {  	s0 =	sadd.s32 @!p0 $0x100000, s0  }
0x4f0: {  	[sflag:s0] =	ssyncadd.tile.s32 @!p0 $0x1;
	_ =	shalt  }
.Lfunc_end2:
_tile_overlayer_lowered:
.L_overlay_start_2:
0x4f1: {  	(tag) =	ssettag $0x2  }
0x4f2: {  	s0 =	rddreg [dreg:$0x0];
	s2 =	stileid.u32  }
0x4f3: {  	s1 =	rddreg [dreg:$0x1];
	p0 =	sne.s32 s2, $0x0  }
0x4f4: {  	s3 =	rddreg [dreg:$0x2];
	[bflag:$0x3] =	sbarrier.arrive $0xFFFF;
	s2 =	simm.s32 @!p0 $0x1C07  }
0x4f5: {  	[timem:s3], [sflag:s2] =	dma.local @!p0 [hbm:s0], s1  }
0x4f6: {  	s0 =	simm.s32 @!p0 $0x7  }
0x4f7: {  	_ =	swait.ge @!p0 [sflag:s0], s1  }
0x4f8: {  	s1 =	ssub.s32 @!p0 $0x0, s1;
	[sflag:s0] =	ssyncset.done @!p0 $0x0  }
0x4f9: {  	[sflag:s0] =	ssyncadd.s32 @!p0 s1  }
0x4fa: {  	[bflag:$0x3] =	sbarrier.arrive $0xFFFF  }
0x4fb: {  	_ =	shalt  }

</sc_bundles>
